<compile_context>
chip_gen: v7x
topology: tpu7x:2x2x1
jax: 0.10.2.dev20260603
libtpu: 0.0.44.dev20260713+nightly
codegen_flags: <defaults>
</compile_context>

<pallas_src>
import functools

import jax
import jax.numpy as jnp
from jax import lax
from jax.experimental import pallas as pl
from jax.experimental.pallas import tpu as pltpu
from jax.experimental.pallas import tpu_sc as plsc

_NC = 2
_NS = 16
_CHUNK = 128
_BR = 2048
_G = 64


def _sc_mesh():
    return plsc.VectorSubcoreMesh(core_axis_name="c", subcore_axis_name="s",
                                  num_cores=_NC, num_subcores=_NS)



def _make_deg_kernel(NP, NCH):
    rpt = NP // _NS

    @functools.partial(
        pl.kernel,
        out_type=jax.ShapeDtypeStruct((_NC, NP), jnp.float32),
        mesh=_sc_mesh(),
        compiler_params=pltpu.CompilerParams(use_tc_tiling_on_sc=False, skip_device_barrier=True, disable_bounds_checks=True, disable_semaphore_checks=True),
        scratch_types=[
            pltpu.VMEM((NCH, _CHUNK), jnp.int32),
            pltpu.VMEM((_CHUNK,), jnp.float32),
            pltpu.VMEM((rpt,), jnp.float32),
            pltpu.VMEM_SHARED((NP,), jnp.float32),
            [pltpu.SemaphoreType.DMA] * 4,
        ],
    )
    def deg_kernel(d_hbm, out_hbm, didx, ones, zbuf, acc, dsem):
        c = lax.axis_index("c")
        t = lax.axis_index("s")
        pltpu.sync_copy(d_hbm.at[c, t], didx)
        one16 = jnp.ones((16,), jnp.float32)
        zero16 = jnp.zeros((16,), jnp.float32)
        for i in range(_CHUNK // 16):
            ones[pl.ds(i * 16, 16)] = one16
        for i in range(rpt // 16):
            zbuf[pl.ds(i * 16, 16)] = zero16
        pltpu.sync_copy(zbuf, acc.at[pl.ds(t * rpt, rpt)])
        plsc.subcore_barrier()

        def body(jj, carry):
            for b in range(4):
                j = 4 * jj + b
                pltpu.async_copy(ones, acc.at[didx.at[j]], dsem[b],
                                 add=True)

                @pl.when(j >= 4)
                def _():
                    pltpu.make_async_copy(ones, acc.at[didx.at[j - 4]],
                                          dsem[b]).wait()
            return carry

        lax.fori_loop(0, NCH // 4, body, 0, unroll=False)
        for k in range(4, 0, -1):
            pltpu.make_async_copy(ones, acc.at[didx.at[NCH - k]],
                                  dsem[(NCH - k) % 4]).wait()
        plsc.subcore_barrier()
        pltpu.sync_copy(acc.at[pl.ds(t * rpt, rpt)],
                        out_hbm.at[c, pl.ds(t * rpt, rpt)])

    return deg_kernel


def _make_agg_kernel(NP, NCH, H):
    rpt = NP // _NS

    @functools.partial(
        pl.kernel,
        out_type=jax.ShapeDtypeStruct((_NC, NP, H), jnp.bfloat16),
        mesh=_sc_mesh(),
        compiler_params=pltpu.CompilerParams(use_tc_tiling_on_sc=False, skip_device_barrier=True, disable_bounds_checks=True, disable_semaphore_checks=True),
        scratch_types=[
            pltpu.VMEM((NCH, _CHUNK), jnp.int32),
            pltpu.VMEM((NCH, _CHUNK), jnp.int32),
            pltpu.VMEM((12, _CHUNK, H), jnp.bfloat16),
            pltpu.VMEM_SHARED((NP, H), jnp.bfloat16),
            [pltpu.SemaphoreType.DMA] * 12,
            [pltpu.SemaphoreType.DMA] * 12,
            pltpu.SemaphoreType.DMA,
        ],
    )
    def agg_kernel(hs_hbm, s_hbm, d_hbm, out_hbm, sidx, didx, rows, acc,
                   gsem, ssem, isem):
        c = lax.axis_index("c")
        t = lax.axis_index("s")

        def gather(j, b):
            return pltpu.make_async_copy(hs_hbm.at[sidx.at[j]], rows.at[b],
                                         gsem[b])

        def scatter_start(j, b):
            pltpu.async_copy(rows.at[b], acc.at[didx.at[j]], ssem[b],
                             add=True)

        def scatter_wait(j, b):
            pltpu.make_async_copy(rows.at[b], acc.at[didx.at[j]],
                                  ssem[b]).wait()

        pltpu.sync_copy(s_hbm.at[c, t], sidx)
        init_cp = pltpu.make_async_copy(hs_hbm.at[pl.ds(t * rpt, rpt)],
                                        acc.at[pl.ds(t * rpt, rpt)], isem)
        init_cp.start()
        for b in range(6):
            gather(b, b).start()
        pltpu.sync_copy(d_hbm.at[c, t], didx)
        init_cp.wait()
        plsc.subcore_barrier()

        def body(jj, carry):
            for b in range(12):
                j = 12 * jj + b
                gather(j, b).wait()
                scatter_start(j, b)
                b6 = (b + 6) % 12
                j6 = j + 6

                @pl.when(j6 >= 12)
                def _():
                    scatter_wait(j6 - 12, b6)

                @pl.when(j6 < NCH)
                def _():
                    gather(j6, b6).start()
            return carry

        lax.fori_loop(0, NCH // 12, body, 0, unroll=False)
        for k in range(6, 0, -1):
            scatter_wait(NCH - k, (NCH - k) % 12)
        plsc.subcore_barrier()
        pltpu.sync_copy(acc.at[pl.ds(t * rpt, rpt)],
                        out_hbm.at[c, pl.ds(t * rpt, rpt)])

    return agg_kernel



def _prep_body(x_ref, w_ref, degp_ref, hs_ref, dinv_ref, *, Nreal):
    i = pl.program_id(0)
    deg = (degp_ref[0:1, :] + degp_ref[1:2, :] + 1.0).reshape(_BR, 1)
    dinv = lax.rsqrt(deg)
    h = jnp.dot(x_ref[...], w_ref[...], preferred_element_type=jnp.float32)
    rows = i * _BR + lax.broadcasted_iota(jnp.int32, (_BR, 1), 0)
    valid = rows < Nreal
    hs_ref[...] = jnp.where(valid, dinv * h, 0.0).astype(jnp.bfloat16)
    dinv_ref[...] = jnp.where(valid, dinv, 1.0)


def _mid_body(p_ref, hs_ref, dinv_ref, b_ref, w_ref, out_ref, *, Nreal):
    i = pl.program_id(0)
    psum = (p_ref[0].astype(jnp.float32) + p_ref[1].astype(jnp.float32)
            - hs_ref[...].astype(jnp.float32))
    z = dinv_ref[...] * psum + b_ref[...]
    h = jnp.maximum(z, 0.0)
    hn = jnp.dot(h, w_ref[...], preferred_element_type=jnp.float32)
    rows = i * _BR + lax.broadcasted_iota(jnp.int32, (_BR, 1), 0)
    out_ref[...] = jnp.where(rows < Nreal, dinv_ref[...] * hn,
                             0.0).astype(jnp.bfloat16)


def _final_body(p_ref, hs_ref, dinv_ref, b_ref, batch_ref, wfc_ref, bfc_ref,
                out_ref, pooled_acc, cnt_acc, *, nblocks, G, Nreal):
    i = pl.program_id(0)

    @pl.when(i == 0)
    def _():
        pooled_acc[...] = jnp.zeros_like(pooled_acc)
        cnt_acc[...] = jnp.zeros_like(cnt_acc)

    psum = (p_ref[0].astype(jnp.float32) + p_ref[1].astype(jnp.float32)
            - hs_ref[...].astype(jnp.float32))
    z = dinv_ref[...] * psum + b_ref[...]
    gids = lax.broadcasted_iota(jnp.int32, (G, _BR), 0)
    cols = i * _BR + lax.broadcasted_iota(jnp.int32, (G, _BR), 1)
    mask = ((gids == batch_ref[...]) & (cols < Nreal)
            ).astype(jnp.float32)
    pooled_acc[...] += jnp.dot(mask, z, preferred_element_type=jnp.float32)
    cnt_acc[...] += jnp.sum(mask, axis=1, keepdims=True)

    @pl.when(i == nblocks - 1)
    def _():
        pooled = pooled_acc[...] / jnp.maximum(cnt_acc[...], 1.0)
        out_ref[...] = (jnp.dot(pooled, wfc_ref[...],
                                preferred_element_type=jnp.float32)
                        + bfc_ref[...])



def kernel(x, edge_index, batch, W1, b1, W2, b2, W3, b3, Wfc, bfc):
    N, D = x.shape
    E = edge_index.shape[1]
    H = W1.shape[1]
    C = Wfc.shape[1]
    G = _G

    NP = ((N + 1 + _BR - 1) // _BR) * _BR
    nblocks = NP // _BR
    per_round = _NC * _NS * _CHUNK
    NCH = -(-E // per_round)
    NCH = ((NCH + 11) // 12) * 12
    EP = NCH * per_round
    pad = EP - E
    npad_rows = NP - N

    spread = (jnp.arange(pad, dtype=jnp.int32) % npad_rows) + N
    ei_pad = jnp.concatenate(
        [edge_index, jnp.broadcast_to(spread, (2, pad))], axis=1
    ).reshape(2, _NC, _NS, NCH, _CHUNK)
    s_arr = ei_pad[0]
    d_arr = ei_pad[1]
    batch_2d = batch.reshape(1, N)

    deg_kernel = _make_deg_kernel(NP, NCH)
    agg_kernel = _make_agg_kernel(NP, NCH, H)

    degp = deg_kernel(d_arr)

    hs1, dinv = pl.pallas_call(
        functools.partial(_prep_body, Nreal=N),
        grid=(nblocks,),
        in_specs=[
            pl.BlockSpec((_BR, D), lambda i: (i, 0)),
            pl.BlockSpec((D, H), lambda i: (0, 0)),
            pl.BlockSpec((2, _BR), lambda i: (0, i)),
        ],
        out_specs=[
            pl.BlockSpec((_BR, H), lambda i: (i, 0)),
            pl.BlockSpec((_BR, 1), lambda i: (i, 0)),
        ],
        out_shape=[
            jax.ShapeDtypeStruct((NP, H), jnp.bfloat16),
            jax.ShapeDtypeStruct((NP, 1), jnp.float32),
        ],
    )(x, W1, degp)

    def mid(p, hs, b, W):
        return pl.pallas_call(
            functools.partial(_mid_body, Nreal=N),
            grid=(nblocks,),
            in_specs=[
                pl.BlockSpec((_NC, _BR, H), lambda i: (0, i, 0)),
                pl.BlockSpec((_BR, H), lambda i: (i, 0)),
                pl.BlockSpec((_BR, 1), lambda i: (i, 0)),
                pl.BlockSpec((1, H), lambda i: (0, 0)),
                pl.BlockSpec((H, H), lambda i: (0, 0)),
            ],
            out_specs=pl.BlockSpec((_BR, H), lambda i: (i, 0)),
            out_shape=jax.ShapeDtypeStruct((NP, H), jnp.bfloat16),
        )(p, hs, dinv, b.reshape(1, H), W)

    p1 = agg_kernel(hs1, s_arr, d_arr)
    hs2 = mid(p1, hs1, b1, W2)
    p2 = agg_kernel(hs2, s_arr, d_arr)
    hs3 = mid(p2, hs2, b2, W3)
    p3 = agg_kernel(hs3, s_arr, d_arr)

    out = pl.pallas_call(
        functools.partial(_final_body, nblocks=nblocks, G=G, Nreal=N),
        grid=(nblocks,),
        in_specs=[
            pl.BlockSpec((_NC, _BR, H), lambda i: (0, i, 0)),
            pl.BlockSpec((_BR, H), lambda i: (i, 0)),
            pl.BlockSpec((_BR, 1), lambda i: (i, 0)),
            pl.BlockSpec((1, H), lambda i: (0, 0)),
            pl.BlockSpec((1, _BR), lambda i: (0, i)),
            pl.BlockSpec((H, C), lambda i: (0, 0)),
            pl.BlockSpec((1, C), lambda i: (0, 0)),
        ],
        out_specs=pl.BlockSpec((G, C), lambda i: (0, 0)),
        out_shape=jax.ShapeDtypeStruct((G, C), jnp.float32),
        scratch_shapes=[
            pltpu.VMEM((G, H), jnp.float32),
            pltpu.VMEM((G, 1), jnp.float32),
        ],
    )(p3, hs3, dinv, b3.reshape(1, H), batch_2d, Wfc, bfc.reshape(1, C))

    return out

# --- scband reference (transcript-rebuilt; emitter-appended) ---
"""Pipeline reference for scband-gcnfor-graph-47175920779584 (READ-ONLY COPY).

The authoritative reference and input builder live on the scoring server;
editing this copy changes nothing except your own understanding.
"""

import jax, jax.numpy as jnp
import numpy as np

N, E, D, H, C, G = 10000, 320000, 128, 64, 10, 64


def setup_inputs(seed: int = 0) -> dict:
    key = jax.random.key(seed)
    ks = jax.random.split(key, 12)
    x = jax.random.normal(ks[0], (N, D), dtype=jnp.float32)
    edge_index = jax.random.randint(ks[1], (2, E), 0, N, dtype=jnp.int32)
    batch = jnp.sort(jax.random.randint(ks[2], (N,), 0, G, dtype=jnp.int32))
    W1 = jax.random.normal(ks[3], (D, H), dtype=jnp.float32) * 0.05
    b1 = jnp.zeros((H,), dtype=jnp.float32)
    W2 = jax.random.normal(ks[4], (H, H), dtype=jnp.float32) * 0.05
    b2 = jnp.zeros((H,), dtype=jnp.float32)
    W3 = jax.random.normal(ks[5], (H, H), dtype=jnp.float32) * 0.05
    b3 = jnp.zeros((H,), dtype=jnp.float32)
    Wfc = jax.random.normal(ks[6], (H, C), dtype=jnp.float32) * 0.05
    bfc = jnp.zeros((C,), dtype=jnp.float32)
    return {"x": x, "edge_index": edge_index, "batch": batch,
            "W1": W1, "b1": b1, "W2": W2, "b2": b2, "W3": W3, "b3": b3,
            "Wfc": Wfc, "bfc": bfc}


def gcn_conv(x, src, dst, W, b):
    n = x.shape[0]
    loop = jnp.arange(n, dtype=src.dtype)
    s = jnp.concatenate([src, loop])
    d = jnp.concatenate([dst, loop])
    h = x @ W
    deg = jnp.zeros((n,), dtype=h.dtype).at[d].add(1.0)
    dinv = 1.0 / jnp.sqrt(deg)
    norm = dinv[s] * dinv[d]
    msg = h[s] * norm[:, None]
    out = jnp.zeros((n, h.shape[1]), dtype=h.dtype).at[d].add(msg)
    return out + b


def reference(x, edge_index, batch, W1, b1, W2, b2, W3, b3, Wfc, bfc):
    src = edge_index[0]
    dst = edge_index[1]
    h = jax.nn.relu(gcn_conv(x, src, dst, W1, b1))
    h = jax.nn.relu(gcn_conv(h, src, dst, W2, b2))
    h = gcn_conv(h, src, dst, W3, b3)
    sums = jax.ops.segment_sum(h, batch, num_segments=G)
    counts = jax.ops.segment_sum(jnp.ones((h.shape[0],), dtype=h.dtype), batch, num_segments=G)
    pooled = sums / jnp.maximum(counts, 1.0)[:, None]
    # dropout is identity in eval mode
    return pooled @ Wfc + bfc

if __name__ == "__main__":
    import jax
    _d = setup_inputs()
    print(jax.jit(kernel)(*tuple(_d.values())))

</pallas_src>

<mosaic_0001>
#map = affine_map<(d0, d1) -> (0, 0)>
#map1 = affine_map<(d0, d1) -> (0, 0, 0, 0)>
#map2 = affine_map<(d0, d1) -> (0, 0, 0)>
module attributes {stable_mosaic.version = 14 : i64} {
  func.func @agg_kernel(%arg0: i32, %arg1: i32, %arg2: memref<10240x64xbf16, #tpu.memory_space<hbm>>, %arg3: memref<2x16x84x128xi32, #tpu.memory_space<hbm>>, %arg4: memref<2x16x84x128xi32, #tpu.memory_space<hbm>>, %arg5: memref<2x10240x64xbf16, #tpu.memory_space<hbm>>, %arg6: memref<84x128xi32, #tpu.memory_space<vmem>>, %arg7: memref<84x128xi32, #tpu.memory_space<vmem>>, %arg8: memref<12x128x64xbf16, #tpu.memory_space<vmem>>, %arg9: memref<10240x64xbf16, #tpu.memory_space<vmem_shared>>, %arg10: memref<!tpu.dma_semaphore, #tpu.memory_space<semaphore_mem>>, %arg11: memref<!tpu.dma_semaphore, #tpu.memory_space<semaphore_mem>>, %arg12: memref<!tpu.dma_semaphore, #tpu.memory_space<semaphore_mem>>, %arg13: memref<!tpu.dma_semaphore, #tpu.memory_space<semaphore_mem>>, %arg14: memref<!tpu.dma_semaphore, #tpu.memory_space<semaphore_mem>>, %arg15: memref<!tpu.dma_semaphore, #tpu.memory_space<semaphore_mem>>, %arg16: memref<!tpu.dma_semaphore, #tpu.memory_space<semaphore_mem>>, %arg17: memref<!tpu.dma_semaphore, #tpu.memory_space<semaphore_mem>>, %arg18: memref<!tpu.dma_semaphore, #tpu.memory_space<semaphore_mem>>, %arg19: memref<!tpu.dma_semaphore, #tpu.memory_space<semaphore_mem>>, %arg20: memref<!tpu.dma_semaphore, #tpu.memory_space<semaphore_mem>>, %arg21: memref<!tpu.dma_semaphore, #tpu.memory_space<semaphore_mem>>, %arg22: memref<!tpu.dma_semaphore, #tpu.memory_space<semaphore_mem>>, %arg23: memref<!tpu.dma_semaphore, #tpu.memory_space<semaphore_mem>>, %arg24: memref<!tpu.dma_semaphore, #tpu.memory_space<semaphore_mem>>, %arg25: memref<!tpu.dma_semaphore, #tpu.memory_space<semaphore_mem>>, %arg26: memref<!tpu.dma_semaphore, #tpu.memory_space<semaphore_mem>>, %arg27: memref<!tpu.dma_semaphore, #tpu.memory_space<semaphore_mem>>, %arg28: memref<!tpu.dma_semaphore, #tpu.memory_space<semaphore_mem>>, %arg29: memref<!tpu.dma_semaphore, #tpu.memory_space<semaphore_mem>>, %arg30: memref<!tpu.dma_semaphore, #tpu.memory_space<semaphore_mem>>, %arg31: memref<!tpu.dma_semaphore, #tpu.memory_space<semaphore_mem>>, %arg32: memref<!tpu.dma_semaphore, #tpu.memory_space<semaphore_mem>>, %arg33: memref<!tpu.dma_semaphore, #tpu.memory_space<semaphore_mem>>, %arg34: memref<!tpu.dma_semaphore, #tpu.memory_space<semaphore_mem>>) attributes {dimension_semantics = [#tpu.dimension_semantics<core_parallel>, #tpu.dimension_semantics<subcore_parallel>], iteration_bounds = array<i64: 2, 16>, scalar_prefetch = 0 : i64, scratch_operands = 29 : i64, tpu.core_type = #tpu.core_type<sc_vector_subcore>, window_params = [{transform_indices = #map}, {transform_indices = #map1}, {transform_indices = #map1}, {transform_indices = #map2}]} {
    "tpu.region"() ({
      %run_scoped3A = tpu.sem_alloc : memref<!tpu.dma_semaphore, #tpu.memory_space<semaphore_mem>>
      %dma_start3A_163 = arith.constant 0 : i32
      %dma_start3A_164 = arith.constant 0 : i32
      %dma_start3A_165 = tpu.memref_slice %arg3[%arg0, %arg1, %dma_start3A_163, %dma_start3A_164] : memref<2x16x84x128xi32, #tpu.memory_space<hbm>> -> memref<1x1x84x128xi32, #tpu.memory_space<hbm>>
      %dma_start3A_166 = tpu.memref_squeeze %dma_start3A_165 : memref<1x1x84x128xi32, #tpu.memory_space<hbm>> -> memref<84x128xi32, #tpu.memory_space<hbm>>
      %dma_start3A_167 = arith.constant 0 : i32
      %dma_start3A_168 = arith.constant 0 : i32
      %dma_start3A_169 = tpu.memref_slice %arg3[%arg0, %arg1, %dma_start3A_167, %dma_start3A_168] : memref<2x16x84x128xi32, #tpu.memory_space<hbm>> -> memref<1x1x84x128xi32, #tpu.memory_space<hbm>>
      %dma_start3A_170 = tpu.memref_squeeze %dma_start3A_169 : memref<1x1x84x128xi32, #tpu.memory_space<hbm>> -> memref<84x128xi32, #tpu.memory_space<hbm>>
      tpu.enqueue_dma source(%dma_start3A_170 : memref<84x128xi32, #tpu.memory_space<hbm>>) target(%arg6 : memref<84x128xi32, #tpu.memory_space<vmem>>) target_semaphore(%run_scoped3A : memref<!tpu.dma_semaphore, #tpu.memory_space<semaphore_mem>>)
      %dma_wait3A_171 = arith.constant 0 : i32
      %dma_wait3A_172 = arith.constant 0 : i32
      %dma_wait3A_173 = tpu.memref_slice %arg3[%arg0, %arg1, %dma_wait3A_171, %dma_wait3A_172] : memref<2x16x84x128xi32, #tpu.memory_space<hbm>> -> memref<1x1x84x128xi32, #tpu.memory_space<hbm>>
      %dma_wait3A_174 = tpu.memref_squeeze %dma_wait3A_173 : memref<1x1x84x128xi32, #tpu.memory_space<hbm>> -> memref<84x128xi32, #tpu.memory_space<hbm>>
      %dma_wait3A_175 = arith.constant 0 : i32
      %dma_wait3A_176 = arith.constant 0 : i32
      %dma_wait3A_177 = tpu.memref_slice %arg3[%arg0, %arg1, %dma_wait3A_175, %dma_wait3A_176] : memref<2x16x84x128xi32, #tpu.memory_space<hbm>> -> memref<1x1x84x128xi32, #tpu.memory_space<hbm>>
      %dma_wait3A_178 = tpu.memref_squeeze %dma_wait3A_177 : memref<1x1x84x128xi32, #tpu.memory_space<hbm>> -> memref<84x128xi32, #tpu.memory_space<hbm>>
      tpu.wait_dma2 semaphore(%run_scoped3A : memref<!tpu.dma_semaphore, #tpu.memory_space<semaphore_mem>>) src(%dma_wait3A_178 : memref<84x128xi32, #tpu.memory_space<hbm>>) dst(%arg6 : memref<84x128xi32, #tpu.memory_space<vmem>>)
      tpu.yield
    }) : () -> ()
    %mul3A = arith.constant 640 : i32
    %mul3A_0 = arith.muli %arg1, %mul3A : i32
    %mul3A_1 = arith.constant 640 : i32
    %mul3A_2 = arith.muli %arg1, %mul3A_1 : i32
    %dma_start3A = arith.constant 0 : i32
    %dma_start3A_3 = tpu.memref_slice %arg9[%mul3A_2, %dma_start3A] : memref<10240x64xbf16, #tpu.memory_space<vmem_shared>> -> memref<640x64xbf16, #tpu.memory_space<vmem_shared>>
    %dma_start3A_4 = arith.constant 0 : i32
    %dma_start3A_5 = tpu.memref_slice %arg2[%mul3A_0, %dma_start3A_4] : memref<10240x64xbf16, #tpu.memory_space<hbm>> -> memref<640x64xbf16, #tpu.memory_space<hbm>>
    tpu.enqueue_dma source(%dma_start3A_5 : memref<640x64xbf16, #tpu.memory_space<hbm>>) target(%dma_start3A_3 : memref<640x64xbf16, #tpu.memory_space<vmem_shared>>) target_semaphore(%arg34 : memref<!tpu.dma_semaphore, #tpu.memory_space<semaphore_mem>>)
    %dma_start3A_6 = arith.constant 0 : i32
    %dma_start3A_7 = arith.constant 0 : i32
    %dma_start3A_8 = arith.constant 0 : i32
    %dma_start3A_9 = arith.constant 0 : i32
    %dma_start3A_10 = tpu.memref_slice %arg8[%dma_start3A_7, %dma_start3A_8, %dma_start3A_9] : memref<12x128x64xbf16, #tpu.memory_space<vmem>> -> memref<1x128x64xbf16, #tpu.memory_space<vmem>>
    %dma_start3A_11 = tpu.memref_squeeze %dma_start3A_10 : memref<1x128x64xbf16, #tpu.memory_space<vmem>> -> memref<128x64xbf16, #tpu.memory_space<vmem>>
    %dma_start3A_12 = arith.constant 0 : i32
    %dma_start3A_13 = tpu.memref_slice %arg6[%dma_start3A_6, %dma_start3A_12] : memref<84x128xi32, #tpu.memory_space<vmem>> -> memref<1x128xi32, #tpu.memory_space<vmem>>
    %dma_start3A_14 = tpu.memref_squeeze %dma_start3A_13 : memref<1x128xi32, #tpu.memory_space<vmem>> -> memref<128xi32, #tpu.memory_space<vmem>>
    %dma_start3A_15 = arith.constant 0 : i32
    %dma_start3A_16 = arith.constant 0 : i32
    %dma_start3A_17 = tpu.memref_slice %arg2[%dma_start3A_15, %dma_start3A_16] : memref<10240x64xbf16, #tpu.memory_space<hbm>> -> memref<10240x64xbf16, #tpu.memory_space<hbm>>
    tpu.enqueue_indirect_dma source(%dma_start3A_17 : memref<10240x64xbf16, #tpu.memory_space<hbm>>) target(%dma_start3A_11 : memref<128x64xbf16, #tpu.memory_space<vmem>>) offsets(%dma_start3A_14 : memref<128xi32, #tpu.memory_space<vmem>>) semaphore(%arg10 : memref<!tpu.dma_semaphore, #tpu.memory_space<semaphore_mem>>)
    %dma_start3A_18 = arith.constant 1 : i32
    %dma_start3A_19 = arith.constant 1 : i32
    %dma_start3A_20 = arith.constant 0 : i32
    %dma_start3A_21 = arith.constant 0 : i32
    %dma_start3A_22 = tpu.memref_slice %arg8[%dma_start3A_19, %dma_start3A_20, %dma_start3A_21] : memref<12x128x64xbf16, #tpu.memory_space<vmem>> -> memref<1x128x64xbf16, #tpu.memory_space<vmem>>
    %dma_start3A_23 = tpu.memref_squeeze %dma_start3A_22 : memref<1x128x64xbf16, #tpu.memory_space<vmem>> -> memref<128x64xbf16, #tpu.memory_space<vmem>>
    %dma_start3A_24 = arith.constant 0 : i32
    %dma_start3A_25 = tpu.memref_slice %arg6[%dma_start3A_18, %dma_start3A_24] : memref<84x128xi32, #tpu.memory_space<vmem>> -> memref<1x128xi32, #tpu.memory_space<vmem>>
    %dma_start3A_26 = tpu.memref_squeeze %dma_start3A_25 : memref<1x128xi32, #tpu.memory_space<vmem>> -> memref<128xi32, #tpu.memory_space<vmem>>
    %dma_start3A_27 = arith.constant 0 : i32
    %dma_start3A_28 = arith.constant 0 : i32
    %dma_start3A_29 = tpu.memref_slice %arg2[%dma_start3A_27, %dma_start3A_28] : memref<10240x64xbf16, #tpu.memory_space<hbm>> -> memref<10240x64xbf16, #tpu.memory_space<hbm>>
    tpu.enqueue_indirect_dma source(%dma_start3A_29 : memref<10240x64xbf16, #tpu.memory_space<hbm>>) target(%dma_start3A_23 : memref<128x64xbf16, #tpu.memory_space<vmem>>) offsets(%dma_start3A_26 : memref<128xi32, #tpu.memory_space<vmem>>) semaphore(%arg11 : memref<!tpu.dma_semaphore, #tpu.memory_space<semaphore_mem>>)
    %dma_start3A_30 = arith.constant 2 : i32
    %dma_start3A_31 = arith.constant 2 : i32
    %dma_start3A_32 = arith.constant 0 : i32
    %dma_start3A_33 = arith.constant 0 : i32
    %dma_start3A_34 = tpu.memref_slice %arg8[%dma_start3A_31, %dma_start3A_32, %dma_start3A_33] : memref<12x128x64xbf16, #tpu.memory_space<vmem>> -> memref<1x128x64xbf16, #tpu.memory_space<vmem>>
    %dma_start3A_35 = tpu.memref_squeeze %dma_start3A_34 : memref<1x128x64xbf16, #tpu.memory_space<vmem>> -> memref<128x64xbf16, #tpu.memory_space<vmem>>
    %dma_start3A_36 = arith.constant 0 : i32
    %dma_start3A_37 = tpu.memref_slice %arg6[%dma_start3A_30, %dma_start3A_36] : memref<84x128xi32, #tpu.memory_space<vmem>> -> memref<1x128xi32, #tpu.memory_space<vmem>>
    %dma_start3A_38 = tpu.memref_squeeze %dma_start3A_37 : memref<1x128xi32, #tpu.memory_space<vmem>> -> memref<128xi32, #tpu.memory_space<vmem>>
    %dma_start3A_39 = arith.constant 0 : i32
    %dma_start3A_40 = arith.constant 0 : i32
    %dma_start3A_41 = tpu.memref_slice %arg2[%dma_start3A_39, %dma_start3A_40] : memref<10240x64xbf16, #tpu.memory_space<hbm>> -> memref<10240x64xbf16, #tpu.memory_space<hbm>>
    tpu.enqueue_indirect_dma source(%dma_start3A_41 : memref<10240x64xbf16, #tpu.memory_space<hbm>>) target(%dma_start3A_35 : memref<128x64xbf16, #tpu.memory_space<vmem>>) offsets(%dma_start3A_38 : memref<128xi32, #tpu.memory_space<vmem>>) semaphore(%arg12 : memref<!tpu.dma_semaphore, #tpu.memory_space<semaphore_mem>>)
    %dma_start3A_42 = arith.constant 3 : i32
    %dma_start3A_43 = arith.constant 3 : i32
    %dma_start3A_44 = arith.constant 0 : i32
    %dma_start3A_45 = arith.constant 0 : i32
    %dma_start3A_46 = tpu.memref_slice %arg8[%dma_start3A_43, %dma_start3A_44, %dma_start3A_45] : memref<12x128x64xbf16, #tpu.memory_space<vmem>> -> memref<1x128x64xbf16, #tpu.memory_space<vmem>>
    %dma_start3A_47 = tpu.memref_squeeze %dma_start3A_46 : memref<1x128x64xbf16, #tpu.memory_space<vmem>> -> memref<128x64xbf16, #tpu.memory_space<vmem>>
    %dma_start3A_48 = arith.constant 0 : i32
    %dma_start3A_49 = tpu.memref_slice %arg6[%dma_start3A_42, %dma_start3A_48] : memref<84x128xi32, #tpu.memory_space<vmem>> -> memref<1x128xi32, #tpu.memory_space<vmem>>
    %dma_start3A_50 = tpu.memref_squeeze %dma_start3A_49 : memref<1x128xi32, #tpu.memory_space<vmem>> -> memref<128xi32, #tpu.memory_space<vmem>>
    %dma_start3A_51 = arith.constant 0 : i32
    %dma_start3A_52 = arith.constant 0 : i32
    %dma_start3A_53 = tpu.memref_slice %arg2[%dma_start3A_51, %dma_start3A_52] : memref<10240x64xbf16, #tpu.memory_space<hbm>> -> memref<10240x64xbf16, #tpu.memory_space<hbm>>
    tpu.enqueue_indirect_dma source(%dma_start3A_53 : memref<10240x64xbf16, #tpu.memory_space<hbm>>) target(%dma_start3A_47 : memref<128x64xbf16, #tpu.memory_space<vmem>>) offsets(%dma_start3A_50 : memref<128xi32, #tpu.memory_space<vmem>>) semaphore(%arg13 : memref<!tpu.dma_semaphore, #tpu.memory_space<semaphore_mem>>)
    %dma_start3A_54 = arith.constant 4 : i32
    %dma_start3A_55 = arith.constant 4 : i32
    %dma_start3A_56 = arith.constant 0 : i32
    %dma_start3A_57 = arith.constant 0 : i32
    %dma_start3A_58 = tpu.memref_slice %arg8[%dma_start3A_55, %dma_start3A_56, %dma_start3A_57] : memref<12x128x64xbf16, #tpu.memory_space<vmem>> -> memref<1x128x64xbf16, #tpu.memory_space<vmem>>
    %dma_start3A_59 = tpu.memref_squeeze %dma_start3A_58 : memref<1x128x64xbf16, #tpu.memory_space<vmem>> -> memref<128x64xbf16, #tpu.memory_space<vmem>>
    %dma_start3A_60 = arith.constant 0 : i32
    %dma_start3A_61 = tpu.memref_slice %arg6[%dma_start3A_54, %dma_start3A_60] : memref<84x128xi32, #tpu.memory_space<vmem>> -> memref<1x128xi32, #tpu.memory_space<vmem>>
    %dma_start3A_62 = tpu.memref_squeeze %dma_start3A_61 : memref<1x128xi32, #tpu.memory_space<vmem>> -> memref<128xi32, #tpu.memory_space<vmem>>
    %dma_start3A_63 = arith.constant 0 : i32
    %dma_start3A_64 = arith.constant 0 : i32
    %dma_start3A_65 = tpu.memref_slice %arg2[%dma_start3A_63, %dma_start3A_64] : memref<10240x64xbf16, #tpu.memory_space<hbm>> -> memref<10240x64xbf16, #tpu.memory_space<hbm>>
    tpu.enqueue_indirect_dma source(%dma_start3A_65 : memref<10240x64xbf16, #tpu.memory_space<hbm>>) target(%dma_start3A_59 : memref<128x64xbf16, #tpu.memory_space<vmem>>) offsets(%dma_start3A_62 : memref<128xi32, #tpu.memory_space<vmem>>) semaphore(%arg14 : memref<!tpu.dma_semaphore, #tpu.memory_space<semaphore_mem>>)
    %dma_start3A_66 = arith.constant 5 : i32
    %dma_start3A_67 = arith.constant 5 : i32
    %dma_start3A_68 = arith.constant 0 : i32
    %dma_start3A_69 = arith.constant 0 : i32
    %dma_start3A_70 = tpu.memref_slice %arg8[%dma_start3A_67, %dma_start3A_68, %dma_start3A_69] : memref<12x128x64xbf16, #tpu.memory_space<vmem>> -> memref<1x128x64xbf16, #tpu.memory_space<vmem>>
    %dma_start3A_71 = tpu.memref_squeeze %dma_start3A_70 : memref<1x128x64xbf16, #tpu.memory_space<vmem>> -> memref<128x64xbf16, #tpu.memory_space<vmem>>
    %dma_start3A_72 = arith.constant 0 : i32
    %dma_start3A_73 = tpu.memref_slice %arg6[%dma_start3A_66, %dma_start3A_72] : memref<84x128xi32, #tpu.memory_space<vmem>> -> memref<1x128xi32, #tpu.memory_space<vmem>>
    %dma_start3A_74 = tpu.memref_squeeze %dma_start3A_73 : memref<1x128xi32, #tpu.memory_space<vmem>> -> memref<128xi32, #tpu.memory_space<vmem>>
    %dma_start3A_75 = arith.constant 0 : i32
    %dma_start3A_76 = arith.constant 0 : i32
    %dma_start3A_77 = tpu.memref_slice %arg2[%dma_start3A_75, %dma_start3A_76] : memref<10240x64xbf16, #tpu.memory_space<hbm>> -> memref<10240x64xbf16, #tpu.memory_space<hbm>>
    tpu.enqueue_indirect_dma source(%dma_start3A_77 : memref<10240x64xbf16, #tpu.memory_space<hbm>>) target(%dma_start3A_71 : memref<128x64xbf16, #tpu.memory_space<vmem>>) offsets(%dma_start3A_74 : memref<128xi32, #tpu.memory_space<vmem>>) semaphore(%arg15 : memref<!tpu.dma_semaphore, #tpu.memory_space<semaphore_mem>>)
    "tpu.region"() ({
      %run_scoped3A = tpu.sem_alloc : memref<!tpu.dma_semaphore, #tpu.memory_space<semaphore_mem>>
      %dma_start3A_163 = arith.constant 0 : i32
      %dma_start3A_164 = arith.constant 0 : i32
      %dma_start3A_165 = tpu.memref_slice %arg4[%arg0, %arg1, %dma_start3A_163, %dma_start3A_164] : memref<2x16x84x128xi32, #tpu.memory_space<hbm>> -> memref<1x1x84x128xi32, #tpu.memory_space<hbm>>
      %dma_start3A_166 = tpu.memref_squeeze %dma_start3A_165 : memref<1x1x84x128xi32, #tpu.memory_space<hbm>> -> memref<84x128xi32, #tpu.memory_space<hbm>>
      %dma_start3A_167 = arith.constant 0 : i32
      %dma_start3A_168 = arith.constant 0 : i32
      %dma_start3A_169 = tpu.memref_slice %arg4[%arg0, %arg1, %dma_start3A_167, %dma_start3A_168] : memref<2x16x84x128xi32, #tpu.memory_space<hbm>> -> memref<1x1x84x128xi32, #tpu.memory_space<hbm>>
      %dma_start3A_170 = tpu.memref_squeeze %dma_start3A_169 : memref<1x1x84x128xi32, #tpu.memory_space<hbm>> -> memref<84x128xi32, #tpu.memory_space<hbm>>
      tpu.enqueue_dma source(%dma_start3A_170 : memref<84x128xi32, #tpu.memory_space<hbm>>) target(%arg7 : memref<84x128xi32, #tpu.memory_space<vmem>>) target_semaphore(%run_scoped3A : memref<!tpu.dma_semaphore, #tpu.memory_space<semaphore_mem>>)
      %dma_wait3A_171 = arith.constant 0 : i32
      %dma_wait3A_172 = arith.constant 0 : i32
      %dma_wait3A_173 = tpu.memref_slice %arg4[%arg0, %arg1, %dma_wait3A_171, %dma_wait3A_172] : memref<2x16x84x128xi32, #tpu.memory_space<hbm>> -> memref<1x1x84x128xi32, #tpu.memory_space<hbm>>
      %dma_wait3A_174 = tpu.memref_squeeze %dma_wait3A_173 : memref<1x1x84x128xi32, #tpu.memory_space<hbm>> -> memref<84x128xi32, #tpu.memory_space<hbm>>
      %dma_wait3A_175 = arith.constant 0 : i32
      %dma_wait3A_176 = arith.constant 0 : i32
      %dma_wait3A_177 = tpu.memref_slice %arg4[%arg0, %arg1, %dma_wait3A_175, %dma_wait3A_176] : memref<2x16x84x128xi32, #tpu.memory_space<hbm>> -> memref<1x1x84x128xi32, #tpu.memory_space<hbm>>
      %dma_wait3A_178 = tpu.memref_squeeze %dma_wait3A_177 : memref<1x1x84x128xi32, #tpu.memory_space<hbm>> -> memref<84x128xi32, #tpu.memory_space<hbm>>
      tpu.wait_dma2 semaphore(%run_scoped3A : memref<!tpu.dma_semaphore, #tpu.memory_space<semaphore_mem>>) src(%dma_wait3A_178 : memref<84x128xi32, #tpu.memory_space<hbm>>) dst(%arg7 : memref<84x128xi32, #tpu.memory_space<vmem>>)
      tpu.yield
    }) : () -> ()
    %dma_wait3A = arith.constant 0 : i32
    %dma_wait3A_78 = tpu.memref_slice %arg9[%mul3A_2, %dma_wait3A] : memref<10240x64xbf16, #tpu.memory_space<vmem_shared>> -> memref<640x64xbf16, #tpu.memory_space<vmem_shared>>
    %dma_wait3A_79 = arith.constant 0 : i32
    %dma_wait3A_80 = tpu.memref_slice %arg2[%mul3A_0, %dma_wait3A_79] : memref<10240x64xbf16, #tpu.memory_space<hbm>> -> memref<640x64xbf16, #tpu.memory_space<hbm>>
    tpu.wait_dma2 semaphore(%arg34 : memref<!tpu.dma_semaphore, #tpu.memory_space<semaphore_mem>>) src(%dma_wait3A_80 : memref<640x64xbf16, #tpu.memory_space<hbm>>) dst(%dma_wait3A_78 : memref<640x64xbf16, #tpu.memory_space<vmem_shared>>)
    %barrier3A = arith.constant 0 : index
    tpu.barrier barrier_id(%barrier3A)
    %scan3A = arith.constant 0 : i32
    %scan3A_81 = arith.constant 0 : i32
    %scan3A_82 = arith.constant 7 : i32
    %scan3A_83 = arith.addi %scan3A_81, %scan3A_82 : i32
    %scan3A_84 = arith.constant 1 : i32
    scf.for %scan3A_163 = %scan3A_81 to %scan3A_83 step %scan3A_84  : i32 {
      %mul3A_164 = arith.constant 12 : i32
      %mul3A_165 = arith.muli %mul3A_164, %scan3A_163 : i32
      %add3A = arith.constant 0 : i32
      %add3A_166 = arith.addi %mul3A_165, %add3A : i32
      %dma_wait3A_167 = arith.constant 0 : i32
      %dma_wait3A_168 = arith.constant 0 : i32
      %dma_wait3A_169 = arith.constant 0 : i32
      %dma_wait3A_170 = tpu.memref_slice %arg8[%dma_wait3A_167, %dma_wait3A_168, %dma_wait3A_169] : memref<12x128x64xbf16, #tpu.memory_space<vmem>> -> memref<1x128x64xbf16, #tpu.memory_space<vmem>>
      %dma_wait3A_171 = tpu.memref_squeeze %dma_wait3A_170 : memref<1x128x64xbf16, #tpu.memory_space<vmem>> -> memref<128x64xbf16, #tpu.memory_space<vmem>>
      %dma_wait3A_172 = arith.constant 0 : i32
      %dma_wait3A_173 = tpu.memref_slice %arg6[%add3A_166, %dma_wait3A_172] : memref<84x128xi32, #tpu.memory_space<vmem>> -> memref<1x128xi32, #tpu.memory_space<vmem>>
      %dma_wait3A_174 = tpu.memref_squeeze %dma_wait3A_173 : memref<1x128xi32, #tpu.memory_space<vmem>> -> memref<128xi32, #tpu.memory_space<vmem>>
      %dma_wait3A_175 = arith.constant 0 : i32
      %dma_wait3A_176 = arith.constant 0 : i32
      %dma_wait3A_177 = tpu.memref_slice %arg2[%dma_wait3A_175, %dma_wait3A_176] : memref<10240x64xbf16, #tpu.memory_space<hbm>> -> memref<10240x64xbf16, #tpu.memory_space<hbm>>
      tpu.wait_indirect_dma semaphore(%arg10 : memref<!tpu.dma_semaphore, #tpu.memory_space<semaphore_mem>>) src(%dma_wait3A_177 : memref<10240x64xbf16, #tpu.memory_space<hbm>>) dst(%dma_wait3A_171 : memref<128x64xbf16, #tpu.memory_space<vmem>>)
      %dma_start3A_178 = arith.constant 0 : i32
      %dma_start3A_179 = arith.constant 0 : i32
      %dma_start3A_180 = arith.constant 0 : i32
      %dma_start3A_181 = tpu.memref_slice %arg8[%dma_start3A_178, %dma_start3A_179, %dma_start3A_180] : memref<12x128x64xbf16, #tpu.memory_space<vmem>> -> memref<1x128x64xbf16, #tpu.memory_space<vmem>>
      %dma_start3A_182 = tpu.memref_squeeze %dma_start3A_181 : memref<1x128x64xbf16, #tpu.memory_space<vmem>> -> memref<128x64xbf16, #tpu.memory_space<vmem>>
      %dma_start3A_183 = arith.constant 0 : i32
      %dma_start3A_184 = tpu.memref_slice %arg7[%add3A_166, %dma_start3A_183] : memref<84x128xi32, #tpu.memory_space<vmem>> -> memref<1x128xi32, #tpu.memory_space<vmem>>
      %dma_start3A_185 = tpu.memref_squeeze %dma_start3A_184 : memref<1x128xi32, #tpu.memory_space<vmem>> -> memref<128xi32, #tpu.memory_space<vmem>>
      %dma_start3A_186 = arith.constant 0 : i32
      %dma_start3A_187 = arith.constant 0 : i32
      %dma_start3A_188 = tpu.memref_slice %arg9[%dma_start3A_186, %dma_start3A_187] : memref<10240x64xbf16, #tpu.memory_space<vmem_shared>> -> memref<10240x64xbf16, #tpu.memory_space<vmem_shared>>
      tpu.enqueue_indirect_dma source(%dma_start3A_182 : memref<128x64xbf16, #tpu.memory_space<vmem>>) target(%dma_start3A_188 : memref<10240x64xbf16, #tpu.memory_space<vmem_shared>>) offsets(%dma_start3A_185 : memref<128xi32, #tpu.memory_space<vmem>>) semaphore(%arg22 : memref<!tpu.dma_semaphore, #tpu.memory_space<semaphore_mem>>) {add = true}
      %add3A_189 = arith.constant 6 : i32
      %add3A_190 = arith.addi %add3A_166, %add3A_189 : i32
      %ge3A = arith.constant 12 : i32
      %ge3A_191 = arith.cmpi sge, %add3A_190, %ge3A : i32
      %convert_element_type3A = arith.extui %ge3A_191 : i1 to i32
      %cond3A = arith.constant 0 : i32
      %cond3A_192 = arith.cmpi ne, %convert_element_type3A, %cond3A : i32
      scf.if %cond3A_192 {
        %sub3A = arith.constant 12 : i32
        %sub3A_615 = arith.subi %add3A_190, %sub3A : i32
        %dma_wait3A_616 = arith.constant 6 : i32
        %dma_wait3A_617 = arith.constant 0 : i32
        %dma_wait3A_618 = arith.constant 0 : i32
        %dma_wait3A_619 = tpu.memref_slice %arg8[%dma_wait3A_616, %dma_wait3A_617, %dma_wait3A_618] : memref<12x128x64xbf16, #tpu.memory_space<vmem>> -> memref<1x128x64xbf16, #tpu.memory_space<vmem>>
        %dma_wait3A_620 = tpu.memref_squeeze %dma_wait3A_619 : memref<1x128x64xbf16, #tpu.memory_space<vmem>> -> memref<128x64xbf16, #tpu.memory_space<vmem>>
        %dma_wait3A_621 = arith.constant 0 : i32
        %dma_wait3A_622 = tpu.memref_slice %arg7[%sub3A_615, %dma_wait3A_621] : memref<84x128xi32, #tpu.memory_space<vmem>> -> memref<1x128xi32, #tpu.memory_space<vmem>>
        %dma_wait3A_623 = tpu.memref_squeeze %dma_wait3A_622 : memref<1x128xi32, #tpu.memory_space<vmem>> -> memref<128xi32, #tpu.memory_space<vmem>>
        %dma_wait3A_624 = arith.constant 0 : i32
        %dma_wait3A_625 = arith.constant 0 : i32
        %dma_wait3A_626 = tpu.memref_slice %arg9[%dma_wait3A_624, %dma_wait3A_625] : memref<10240x64xbf16, #tpu.memory_space<vmem_shared>> -> memref<10240x64xbf16, #tpu.memory_space<vmem_shared>>
        tpu.wait_indirect_dma semaphore(%arg28 : memref<!tpu.dma_semaphore, #tpu.memory_space<semaphore_mem>>) src(%dma_wait3A_620 : memref<128x64xbf16, #tpu.memory_space<vmem>>) dst(%dma_wait3A_626 : memref<10240x64xbf16, #tpu.memory_space<vmem_shared>>)
      } else {
      }
      %lt3A = arith.constant 84 : i32
      %lt3A_193 = arith.cmpi slt, %add3A_190, %lt3A : i32
      %convert_element_type3A_194 = arith.extui %lt3A_193 : i1 to i32
      %cond3A_195 = arith.constant 0 : i32
      %cond3A_196 = arith.cmpi ne, %convert_element_type3A_194, %cond3A_195 : i32
      scf.if %cond3A_196 {
        %dma_start3A_615 = arith.constant 6 : i32
        %dma_start3A_616 = arith.constant 0 : i32
        %dma_start3A_617 = arith.constant 0 : i32
        %dma_start3A_618 = tpu.memref_slice %arg8[%dma_start3A_615, %dma_start3A_616, %dma_start3A_617] : memref<12x128x64xbf16, #tpu.memory_space<vmem>> -> memref<1x128x64xbf16, #tpu.memory_space<vmem>>
        %dma_start3A_619 = tpu.memref_squeeze %dma_start3A_618 : memref<1x128x64xbf16, #tpu.memory_space<vmem>> -> memref<128x64xbf16, #tpu.memory_space<vmem>>
        %dma_start3A_620 = arith.constant 0 : i32
        %dma_start3A_621 = tpu.memref_slice %arg6[%add3A_190, %dma_start3A_620] : memref<84x128xi32, #tpu.memory_space<vmem>> -> memref<1x128xi32, #tpu.memory_space<vmem>>
        %dma_start3A_622 = tpu.memref_squeeze %dma_start3A_621 : memref<1x128xi32, #tpu.memory_space<vmem>> -> memref<128xi32, #tpu.memory_space<vmem>>
        %dma_start3A_623 = arith.constant 0 : i32
        %dma_start3A_624 = arith.constant 0 : i32
        %dma_start3A_625 = tpu.memref_slice %arg2[%dma_start3A_623, %dma_start3A_624] : memref<10240x64xbf16, #tpu.memory_space<hbm>> -> memref<10240x64xbf16, #tpu.memory_space<hbm>>
        tpu.enqueue_indirect_dma source(%dma_start3A_625 : memref<10240x64xbf16, #tpu.memory_space<hbm>>) target(%dma_start3A_619 : memref<128x64xbf16, #tpu.memory_space<vmem>>) offsets(%dma_start3A_622 : memref<128xi32, #tpu.memory_space<vmem>>) semaphore(%arg16 : memref<!tpu.dma_semaphore, #tpu.memory_space<semaphore_mem>>)
      } else {
      }
      %mul3A_197 = arith.constant 12 : i32
      %mul3A_198 = arith.muli %mul3A_197, %scan3A_163 : i32
      %add3A_199 = arith.constant 1 : i32
      %add3A_200 = arith.addi %mul3A_198, %add3A_199 : i32
      %dma_wait3A_201 = arith.constant 1 : i32
      %dma_wait3A_202 = arith.constant 0 : i32
      %dma_wait3A_203 = arith.constant 0 : i32
      %dma_wait3A_204 = tpu.memref_slice %arg8[%dma_wait3A_201, %dma_wait3A_202, %dma_wait3A_203] : memref<12x128x64xbf16, #tpu.memory_space<vmem>> -> memref<1x128x64xbf16, #tpu.memory_space<vmem>>
      %dma_wait3A_205 = tpu.memref_squeeze %dma_wait3A_204 : memref<1x128x64xbf16, #tpu.memory_space<vmem>> -> memref<128x64xbf16, #tpu.memory_space<vmem>>
      %dma_wait3A_206 = arith.constant 0 : i32
      %dma_wait3A_207 = tpu.memref_slice %arg6[%add3A_200, %dma_wait3A_206] : memref<84x128xi32, #tpu.memory_space<vmem>> -> memref<1x128xi32, #tpu.memory_space<vmem>>
      %dma_wait3A_208 = tpu.memref_squeeze %dma_wait3A_207 : memref<1x128xi32, #tpu.memory_space<vmem>> -> memref<128xi32, #tpu.memory_space<vmem>>
      %dma_wait3A_209 = arith.constant 0 : i32
      %dma_wait3A_210 = arith.constant 0 : i32
      %dma_wait3A_211 = tpu.memref_slice %arg2[%dma_wait3A_209, %dma_wait3A_210] : memref<10240x64xbf16, #tpu.memory_space<hbm>> -> memref<10240x64xbf16, #tpu.memory_space<hbm>>
      tpu.wait_indirect_dma semaphore(%arg11 : memref<!tpu.dma_semaphore, #tpu.memory_space<semaphore_mem>>) src(%dma_wait3A_211 : memref<10240x64xbf16, #tpu.memory_space<hbm>>) dst(%dma_wait3A_205 : memref<128x64xbf16, #tpu.memory_space<vmem>>)
      %dma_start3A_212 = arith.constant 1 : i32
      %dma_start3A_213 = arith.constant 0 : i32
      %dma_start3A_214 = arith.constant 0 : i32
      %dma_start3A_215 = tpu.memref_slice %arg8[%dma_start3A_212, %dma_start3A_213, %dma_start3A_214] : memref<12x128x64xbf16, #tpu.memory_space<vmem>> -> memref<1x128x64xbf16, #tpu.memory_space<vmem>>
      %dma_start3A_216 = tpu.memref_squeeze %dma_start3A_215 : memref<1x128x64xbf16, #tpu.memory_space<vmem>> -> memref<128x64xbf16, #tpu.memory_space<vmem>>
      %dma_start3A_217 = arith.constant 0 : i32
      %dma_start3A_218 = tpu.memref_slice %arg7[%add3A_200, %dma_start3A_217] : memref<84x128xi32, #tpu.memory_space<vmem>> -> memref<1x128xi32, #tpu.memory_space<vmem>>
      %dma_start3A_219 = tpu.memref_squeeze %dma_start3A_218 : memref<1x128xi32, #tpu.memory_space<vmem>> -> memref<128xi32, #tpu.memory_space<vmem>>
      %dma_start3A_220 = arith.constant 0 : i32
      %dma_start3A_221 = arith.constant 0 : i32
      %dma_start3A_222 = tpu.memref_slice %arg9[%dma_start3A_220, %dma_start3A_221] : memref<10240x64xbf16, #tpu.memory_space<vmem_shared>> -> memref<10240x64xbf16, #tpu.memory_space<vmem_shared>>
      tpu.enqueue_indirect_dma source(%dma_start3A_216 : memref<128x64xbf16, #tpu.memory_space<vmem>>) target(%dma_start3A_222 : memref<10240x64xbf16, #tpu.memory_space<vmem_shared>>) offsets(%dma_start3A_219 : memref<128xi32, #tpu.memory_space<vmem>>) semaphore(%arg23 : memref<!tpu.dma_semaphore, #tpu.memory_space<semaphore_mem>>) {add = true}
      %add3A_223 = arith.constant 6 : i32
      %add3A_224 = arith.addi %add3A_200, %add3A_223 : i32
      %ge3A_225 = arith.constant 12 : i32
      %ge3A_226 = arith.cmpi sge, %add3A_224, %ge3A_225 : i32
      %convert_element_type3A_227 = arith.extui %ge3A_226 : i1 to i32
      %cond3A_228 = arith.constant 0 : i32
      %cond3A_229 = arith.cmpi ne, %convert_element_type3A_227, %cond3A_228 : i32
      scf.if %cond3A_229 {
        %sub3A = arith.constant 12 : i32
        %sub3A_615 = arith.subi %add3A_224, %sub3A : i32
        %dma_wait3A_616 = arith.constant 7 : i32
        %dma_wait3A_617 = arith.constant 0 : i32
        %dma_wait3A_618 = arith.constant 0 : i32
        %dma_wait3A_619 = tpu.memref_slice %arg8[%dma_wait3A_616, %dma_wait3A_617, %dma_wait3A_618] : memref<12x128x64xbf16, #tpu.memory_space<vmem>> -> memref<1x128x64xbf16, #tpu.memory_space<vmem>>
        %dma_wait3A_620 = tpu.memref_squeeze %dma_wait3A_619 : memref<1x128x64xbf16, #tpu.memory_space<vmem>> -> memref<128x64xbf16, #tpu.memory_space<vmem>>
        %dma_wait3A_621 = arith.constant 0 : i32
        %dma_wait3A_622 = tpu.memref_slice %arg7[%sub3A_615, %dma_wait3A_621] : memref<84x128xi32, #tpu.memory_space<vmem>> -> memref<1x128xi32, #tpu.memory_space<vmem>>
        %dma_wait3A_623 = tpu.memref_squeeze %dma_wait3A_622 : memref<1x128xi32, #tpu.memory_space<vmem>> -> memref<128xi32, #tpu.memory_space<vmem>>
        %dma_wait3A_624 = arith.constant 0 : i32
        %dma_wait3A_625 = arith.constant 0 : i32
        %dma_wait3A_626 = tpu.memref_slice %arg9[%dma_wait3A_624, %dma_wait3A_625] : memref<10240x64xbf16, #tpu.memory_space<vmem_shared>> -> memref<10240x64xbf16, #tpu.memory_space<vmem_shared>>
        tpu.wait_indirect_dma semaphore(%arg29 : memref<!tpu.dma_semaphore, #tpu.memory_space<semaphore_mem>>) src(%dma_wait3A_620 : memref<128x64xbf16, #tpu.memory_space<vmem>>) dst(%dma_wait3A_626 : memref<10240x64xbf16, #tpu.memory_space<vmem_shared>>)
      } else {
      }
      %lt3A_230 = arith.constant 84 : i32
      %lt3A_231 = arith.cmpi slt, %add3A_224, %lt3A_230 : i32
      %convert_element_type3A_232 = arith.extui %lt3A_231 : i1 to i32
      %cond3A_233 = arith.constant 0 : i32
      %cond3A_234 = arith.cmpi ne, %convert_element_type3A_232, %cond3A_233 : i32
      scf.if %cond3A_234 {
        %dma_start3A_615 = arith.constant 7 : i32
        %dma_start3A_616 = arith.constant 0 : i32
        %dma_start3A_617 = arith.constant 0 : i32
        %dma_start3A_618 = tpu.memref_slice %arg8[%dma_start3A_615, %dma_start3A_616, %dma_start3A_617] : memref<12x128x64xbf16, #tpu.memory_space<vmem>> -> memref<1x128x64xbf16, #tpu.memory_space<vmem>>
        %dma_start3A_619 = tpu.memref_squeeze %dma_start3A_618 : memref<1x128x64xbf16, #tpu.memory_space<vmem>> -> memref<128x64xbf16, #tpu.memory_space<vmem>>
        %dma_start3A_620 = arith.constant 0 : i32
        %dma_start3A_621 = tpu.memref_slice %arg6[%add3A_224, %dma_start3A_620] : memref<84x128xi32, #tpu.memory_space<vmem>> -> memref<1x128xi32, #tpu.memory_space<vmem>>
        %dma_start3A_622 = tpu.memref_squeeze %dma_start3A_621 : memref<1x128xi32, #tpu.memory_space<vmem>> -> memref<128xi32, #tpu.memory_space<vmem>>
        %dma_start3A_623 = arith.constant 0 : i32
        %dma_start3A_624 = arith.constant 0 : i32
        %dma_start3A_625 = tpu.memref_slice %arg2[%dma_start3A_623, %dma_start3A_624] : memref<10240x64xbf16, #tpu.memory_space<hbm>> -> memref<10240x64xbf16, #tpu.memory_space<hbm>>
        tpu.enqueue_indirect_dma source(%dma_start3A_625 : memref<10240x64xbf16, #tpu.memory_space<hbm>>) target(%dma_start3A_619 : memref<128x64xbf16, #tpu.memory_space<vmem>>) offsets(%dma_start3A_622 : memref<128xi32, #tpu.memory_space<vmem>>) semaphore(%arg17 : memref<!tpu.dma_semaphore, #tpu.memory_space<semaphore_mem>>)
      } else {
      }
      %mul3A_235 = arith.constant 12 : i32
      %mul3A_236 = arith.muli %mul3A_235, %scan3A_163 : i32
      %add3A_237 = arith.constant 2 : i32
      %add3A_238 = arith.addi %mul3A_236, %add3A_237 : i32
      %dma_wait3A_239 = arith.constant 2 : i32
      %dma_wait3A_240 = arith.constant 0 : i32
      %dma_wait3A_241 = arith.constant 0 : i32
      %dma_wait3A_242 = tpu.memref_slice %arg8[%dma_wait3A_239, %dma_wait3A_240, %dma_wait3A_241] : memref<12x128x64xbf16, #tpu.memory_space<vmem>> -> memref<1x128x64xbf16, #tpu.memory_space<vmem>>
      %dma_wait3A_243 = tpu.memref_squeeze %dma_wait3A_242 : memref<1x128x64xbf16, #tpu.memory_space<vmem>> -> memref<128x64xbf16, #tpu.memory_space<vmem>>
      %dma_wait3A_244 = arith.constant 0 : i32
      %dma_wait3A_245 = tpu.memref_slice %arg6[%add3A_238, %dma_wait3A_244] : memref<84x128xi32, #tpu.memory_space<vmem>> -> memref<1x128xi32, #tpu.memory_space<vmem>>
      %dma_wait3A_246 = tpu.memref_squeeze %dma_wait3A_245 : memref<1x128xi32, #tpu.memory_space<vmem>> -> memref<128xi32, #tpu.memory_space<vmem>>
      %dma_wait3A_247 = arith.constant 0 : i32
      %dma_wait3A_248 = arith.constant 0 : i32
      %dma_wait3A_249 = tpu.memref_slice %arg2[%dma_wait3A_247, %dma_wait3A_248] : memref<10240x64xbf16, #tpu.memory_space<hbm>> -> memref<10240x64xbf16, #tpu.memory_space<hbm>>
      tpu.wait_indirect_dma semaphore(%arg12 : memref<!tpu.dma_semaphore, #tpu.memory_space<semaphore_mem>>) src(%dma_wait3A_249 : memref<10240x64xbf16, #tpu.memory_space<hbm>>) dst(%dma_wait3A_243 : memref<128x64xbf16, #tpu.memory_space<vmem>>)
      %dma_start3A_250 = arith.constant 2 : i32
      %dma_start3A_251 = arith.constant 0 : i32
      %dma_start3A_252 = arith.constant 0 : i32
      %dma_start3A_253 = tpu.memref_slice %arg8[%dma_start3A_250, %dma_start3A_251, %dma_start3A_252] : memref<12x128x64xbf16, #tpu.memory_space<vmem>> -> memref<1x128x64xbf16, #tpu.memory_space<vmem>>
      %dma_start3A_254 = tpu.memref_squeeze %dma_start3A_253 : memref<1x128x64xbf16, #tpu.memory_space<vmem>> -> memref<128x64xbf16, #tpu.memory_space<vmem>>
      %dma_start3A_255 = arith.constant 0 : i32
      %dma_start3A_256 = tpu.memref_slice %arg7[%add3A_238, %dma_start3A_255] : memref<84x128xi32, #tpu.memory_space<vmem>> -> memref<1x128xi32, #tpu.memory_space<vmem>>
      %dma_start3A_257 = tpu.memref_squeeze %dma_start3A_256 : memref<1x128xi32, #tpu.memory_space<vmem>> -> memref<128xi32, #tpu.memory_space<vmem>>
      %dma_start3A_258 = arith.constant 0 : i32
      %dma_start3A_259 = arith.constant 0 : i32
      %dma_start3A_260 = tpu.memref_slice %arg9[%dma_start3A_258, %dma_start3A_259] : memref<10240x64xbf16, #tpu.memory_space<vmem_shared>> -> memref<10240x64xbf16, #tpu.memory_space<vmem_shared>>
      tpu.enqueue_indirect_dma source(%dma_start3A_254 : memref<128x64xbf16, #tpu.memory_space<vmem>>) target(%dma_start3A_260 : memref<10240x64xbf16, #tpu.memory_space<vmem_shared>>) offsets(%dma_start3A_257 : memref<128xi32, #tpu.memory_space<vmem>>) semaphore(%arg24 : memref<!tpu.dma_semaphore, #tpu.memory_space<semaphore_mem>>) {add = true}
      %add3A_261 = arith.constant 6 : i32
      %add3A_262 = arith.addi %add3A_238, %add3A_261 : i32
      %ge3A_263 = arith.constant 12 : i32
      %ge3A_264 = arith.cmpi sge, %add3A_262, %ge3A_263 : i32
      %convert_element_type3A_265 = arith.extui %ge3A_264 : i1 to i32
      %cond3A_266 = arith.constant 0 : i32
      %cond3A_267 = arith.cmpi ne, %convert_element_type3A_265, %cond3A_266 : i32
      scf.if %cond3A_267 {
        %sub3A = arith.constant 12 : i32
        %sub3A_615 = arith.subi %add3A_262, %sub3A : i32
        %dma_wait3A_616 = arith.constant 8 : i32
        %dma_wait3A_617 = arith.constant 0 : i32
        %dma_wait3A_618 = arith.constant 0 : i32
        %dma_wait3A_619 = tpu.memref_slice %arg8[%dma_wait3A_616, %dma_wait3A_617, %dma_wait3A_618] : memref<12x128x64xbf16, #tpu.memory_space<vmem>> -> memref<1x128x64xbf16, #tpu.memory_space<vmem>>
        %dma_wait3A_620 = tpu.memref_squeeze %dma_wait3A_619 : memref<1x128x64xbf16, #tpu.memory_space<vmem>> -> memref<128x64xbf16, #tpu.memory_space<vmem>>
        %dma_wait3A_621 = arith.constant 0 : i32
        %dma_wait3A_622 = tpu.memref_slice %arg7[%sub3A_615, %dma_wait3A_621] : memref<84x128xi32, #tpu.memory_space<vmem>> -> memref<1x128xi32, #tpu.memory_space<vmem>>
        %dma_wait3A_623 = tpu.memref_squeeze %dma_wait3A_622 : memref<1x128xi32, #tpu.memory_space<vmem>> -> memref<128xi32, #tpu.memory_space<vmem>>
        %dma_wait3A_624 = arith.constant 0 : i32
        %dma_wait3A_625 = arith.constant 0 : i32
        %dma_wait3A_626 = tpu.memref_slice %arg9[%dma_wait3A_624, %dma_wait3A_625] : memref<10240x64xbf16, #tpu.memory_space<vmem_shared>> -> memref<10240x64xbf16, #tpu.memory_space<vmem_shared>>
        tpu.wait_indirect_dma semaphore(%arg30 : memref<!tpu.dma_semaphore, #tpu.memory_space<semaphore_mem>>) src(%dma_wait3A_620 : memref<128x64xbf16, #tpu.memory_space<vmem>>) dst(%dma_wait3A_626 : memref<10240x64xbf16, #tpu.memory_space<vmem_shared>>)
      } else {
      }
      %lt3A_268 = arith.constant 84 : i32
      %lt3A_269 = arith.cmpi slt, %add3A_262, %lt3A_268 : i32
      %convert_element_type3A_270 = arith.extui %lt3A_269 : i1 to i32
      %cond3A_271 = arith.constant 0 : i32
      %cond3A_272 = arith.cmpi ne, %convert_element_type3A_270, %cond3A_271 : i32
      scf.if %cond3A_272 {
        %dma_start3A_615 = arith.constant 8 : i32
        %dma_start3A_616 = arith.constant 0 : i32
        %dma_start3A_617 = arith.constant 0 : i32
        %dma_start3A_618 = tpu.memref_slice %arg8[%dma_start3A_615, %dma_start3A_616, %dma_start3A_617] : memref<12x128x64xbf16, #tpu.memory_space<vmem>> -> memref<1x128x64xbf16, #tpu.memory_space<vmem>>
        %dma_start3A_619 = tpu.memref_squeeze %dma_start3A_618 : memref<1x128x64xbf16, #tpu.memory_space<vmem>> -> memref<128x64xbf16, #tpu.memory_space<vmem>>
        %dma_start3A_620 = arith.constant 0 : i32
        %dma_start3A_621 = tpu.memref_slice %arg6[%add3A_262, %dma_start3A_620] : memref<84x128xi32, #tpu.memory_space<vmem>> -> memref<1x128xi32, #tpu.memory_space<vmem>>
        %dma_start3A_622 = tpu.memref_squeeze %dma_start3A_621 : memref<1x128xi32, #tpu.memory_space<vmem>> -> memref<128xi32, #tpu.memory_space<vmem>>
        %dma_start3A_623 = arith.constant 0 : i32
        %dma_start3A_624 = arith.constant 0 : i32
        %dma_start3A_625 = tpu.memref_slice %arg2[%dma_start3A_623, %dma_start3A_624] : memref<10240x64xbf16, #tpu.memory_space<hbm>> -> memref<10240x64xbf16, #tpu.memory_space<hbm>>
        tpu.enqueue_indirect_dma source(%dma_start3A_625 : memref<10240x64xbf16, #tpu.memory_space<hbm>>) target(%dma_start3A_619 : memref<128x64xbf16, #tpu.memory_space<vmem>>) offsets(%dma_start3A_622 : memref<128xi32, #tpu.memory_space<vmem>>) semaphore(%arg18 : memref<!tpu.dma_semaphore, #tpu.memory_space<semaphore_mem>>)
      } else {
      }
      %mul3A_273 = arith.constant 12 : i32
      %mul3A_274 = arith.muli %mul3A_273, %scan3A_163 : i32
      %add3A_275 = arith.constant 3 : i32
      %add3A_276 = arith.addi %mul3A_274, %add3A_275 : i32
      %dma_wait3A_277 = arith.constant 3 : i32
      %dma_wait3A_278 = arith.constant 0 : i32
      %dma_wait3A_279 = arith.constant 0 : i32
      %dma_wait3A_280 = tpu.memref_slice %arg8[%dma_wait3A_277, %dma_wait3A_278, %dma_wait3A_279] : memref<12x128x64xbf16, #tpu.memory_space<vmem>> -> memref<1x128x64xbf16, #tpu.memory_space<vmem>>
      %dma_wait3A_281 = tpu.memref_squeeze %dma_wait3A_280 : memref<1x128x64xbf16, #tpu.memory_space<vmem>> -> memref<128x64xbf16, #tpu.memory_space<vmem>>
      %dma_wait3A_282 = arith.constant 0 : i32
      %dma_wait3A_283 = tpu.memref_slice %arg6[%add3A_276, %dma_wait3A_282] : memref<84x128xi32, #tpu.memory_space<vmem>> -> memref<1x128xi32, #tpu.memory_space<vmem>>
      %dma_wait3A_284 = tpu.memref_squeeze %dma_wait3A_283 : memref<1x128xi32, #tpu.memory_space<vmem>> -> memref<128xi32, #tpu.memory_space<vmem>>
      %dma_wait3A_285 = arith.constant 0 : i32
      %dma_wait3A_286 = arith.constant 0 : i32
      %dma_wait3A_287 = tpu.memref_slice %arg2[%dma_wait3A_285, %dma_wait3A_286] : memref<10240x64xbf16, #tpu.memory_space<hbm>> -> memref<10240x64xbf16, #tpu.memory_space<hbm>>
      tpu.wait_indirect_dma semaphore(%arg13 : memref<!tpu.dma_semaphore, #tpu.memory_space<semaphore_mem>>) src(%dma_wait3A_287 : memref<10240x64xbf16, #tpu.memory_space<hbm>>) dst(%dma_wait3A_281 : memref<128x64xbf16, #tpu.memory_space<vmem>>)
      %dma_start3A_288 = arith.constant 3 : i32
      %dma_start3A_289 = arith.constant 0 : i32
      %dma_start3A_290 = arith.constant 0 : i32
      %dma_start3A_291 = tpu.memref_slice %arg8[%dma_start3A_288, %dma_start3A_289, %dma_start3A_290] : memref<12x128x64xbf16, #tpu.memory_space<vmem>> -> memref<1x128x64xbf16, #tpu.memory_space<vmem>>
      %dma_start3A_292 = tpu.memref_squeeze %dma_start3A_291 : memref<1x128x64xbf16, #tpu.memory_space<vmem>> -> memref<128x64xbf16, #tpu.memory_space<vmem>>
      %dma_start3A_293 = arith.constant 0 : i32
      %dma_start3A_294 = tpu.memref_slice %arg7[%add3A_276, %dma_start3A_293] : memref<84x128xi32, #tpu.memory_space<vmem>> -> memref<1x128xi32, #tpu.memory_space<vmem>>
      %dma_start3A_295 = tpu.memref_squeeze %dma_start3A_294 : memref<1x128xi32, #tpu.memory_space<vmem>> -> memref<128xi32, #tpu.memory_space<vmem>>
      %dma_start3A_296 = arith.constant 0 : i32
      %dma_start3A_297 = arith.constant 0 : i32
      %dma_start3A_298 = tpu.memref_slice %arg9[%dma_start3A_296, %dma_start3A_297] : memref<10240x64xbf16, #tpu.memory_space<vmem_shared>> -> memref<10240x64xbf16, #tpu.memory_space<vmem_shared>>
      tpu.enqueue_indirect_dma source(%dma_start3A_292 : memref<128x64xbf16, #tpu.memory_space<vmem>>) target(%dma_start3A_298 : memref<10240x64xbf16, #tpu.memory_space<vmem_shared>>) offsets(%dma_start3A_295 : memref<128xi32, #tpu.memory_space<vmem>>) semaphore(%arg25 : memref<!tpu.dma_semaphore, #tpu.memory_space<semaphore_mem>>) {add = true}
      %add3A_299 = arith.constant 6 : i32
      %add3A_300 = arith.addi %add3A_276, %add3A_299 : i32
      %ge3A_301 = arith.constant 12 : i32
      %ge3A_302 = arith.cmpi sge, %add3A_300, %ge3A_301 : i32
      %convert_element_type3A_303 = arith.extui %ge3A_302 : i1 to i32
      %cond3A_304 = arith.constant 0 : i32
      %cond3A_305 = arith.cmpi ne, %convert_element_type3A_303, %cond3A_304 : i32
      scf.if %cond3A_305 {
        %sub3A = arith.constant 12 : i32
        %sub3A_615 = arith.subi %add3A_300, %sub3A : i32
        %dma_wait3A_616 = arith.constant 9 : i32
        %dma_wait3A_617 = arith.constant 0 : i32
        %dma_wait3A_618 = arith.constant 0 : i32
        %dma_wait3A_619 = tpu.memref_slice %arg8[%dma_wait3A_616, %dma_wait3A_617, %dma_wait3A_618] : memref<12x128x64xbf16, #tpu.memory_space<vmem>> -> memref<1x128x64xbf16, #tpu.memory_space<vmem>>
        %dma_wait3A_620 = tpu.memref_squeeze %dma_wait3A_619 : memref<1x128x64xbf16, #tpu.memory_space<vmem>> -> memref<128x64xbf16, #tpu.memory_space<vmem>>
        %dma_wait3A_621 = arith.constant 0 : i32
        %dma_wait3A_622 = tpu.memref_slice %arg7[%sub3A_615, %dma_wait3A_621] : memref<84x128xi32, #tpu.memory_space<vmem>> -> memref<1x128xi32, #tpu.memory_space<vmem>>
        %dma_wait3A_623 = tpu.memref_squeeze %dma_wait3A_622 : memref<1x128xi32, #tpu.memory_space<vmem>> -> memref<128xi32, #tpu.memory_space<vmem>>
        %dma_wait3A_624 = arith.constant 0 : i32
        %dma_wait3A_625 = arith.constant 0 : i32
        %dma_wait3A_626 = tpu.memref_slice %arg9[%dma_wait3A_624, %dma_wait3A_625] : memref<10240x64xbf16, #tpu.memory_space<vmem_shared>> -> memref<10240x64xbf16, #tpu.memory_space<vmem_shared>>
        tpu.wait_indirect_dma semaphore(%arg31 : memref<!tpu.dma_semaphore, #tpu.memory_space<semaphore_mem>>) src(%dma_wait3A_620 : memref<128x64xbf16, #tpu.memory_space<vmem>>) dst(%dma_wait3A_626 : memref<10240x64xbf16, #tpu.memory_space<vmem_shared>>)
      } else {
      }
      %lt3A_306 = arith.constant 84 : i32
      %lt3A_307 = arith.cmpi slt, %add3A_300, %lt3A_306 : i32
      %convert_element_type3A_308 = arith.extui %lt3A_307 : i1 to i32
      %cond3A_309 = arith.constant 0 : i32
      %cond3A_310 = arith.cmpi ne, %convert_element_type3A_308, %cond3A_309 : i32
      scf.if %cond3A_310 {
        %dma_start3A_615 = arith.constant 9 : i32
        %dma_start3A_616 = arith.constant 0 : i32
        %dma_start3A_617 = arith.constant 0 : i32
        %dma_start3A_618 = tpu.memref_slice %arg8[%dma_start3A_615, %dma_start3A_616, %dma_start3A_617] : memref<12x128x64xbf16, #tpu.memory_space<vmem>> -> memref<1x128x64xbf16, #tpu.memory_space<vmem>>
        %dma_start3A_619 = tpu.memref_squeeze %dma_start3A_618 : memref<1x128x64xbf16, #tpu.memory_space<vmem>> -> memref<128x64xbf16, #tpu.memory_space<vmem>>
        %dma_start3A_620 = arith.constant 0 : i32
        %dma_start3A_621 = tpu.memref_slice %arg6[%add3A_300, %dma_start3A_620] : memref<84x128xi32, #tpu.memory_space<vmem>> -> memref<1x128xi32, #tpu.memory_space<vmem>>
        %dma_start3A_622 = tpu.memref_squeeze %dma_start3A_621 : memref<1x128xi32, #tpu.memory_space<vmem>> -> memref<128xi32, #tpu.memory_space<vmem>>
        %dma_start3A_623 = arith.constant 0 : i32
        %dma_start3A_624 = arith.constant 0 : i32
        %dma_start3A_625 = tpu.memref_slice %arg2[%dma_start3A_623, %dma_start3A_624] : memref<10240x64xbf16, #tpu.memory_space<hbm>> -> memref<10240x64xbf16, #tpu.memory_space<hbm>>
        tpu.enqueue_indirect_dma source(%dma_start3A_625 : memref<10240x64xbf16, #tpu.memory_space<hbm>>) target(%dma_start3A_619 : memref<128x64xbf16, #tpu.memory_space<vmem>>) offsets(%dma_start3A_622 : memref<128xi32, #tpu.memory_space<vmem>>) semaphore(%arg19 : memref<!tpu.dma_semaphore, #tpu.memory_space<semaphore_mem>>)
      } else {
      }
      %mul3A_311 = arith.constant 12 : i32
      %mul3A_312 = arith.muli %mul3A_311, %scan3A_163 : i32
      %add3A_313 = arith.constant 4 : i32
      %add3A_314 = arith.addi %mul3A_312, %add3A_313 : i32
      %dma_wait3A_315 = arith.constant 4 : i32
      %dma_wait3A_316 = arith.constant 0 : i32
      %dma_wait3A_317 = arith.constant 0 : i32
      %dma_wait3A_318 = tpu.memref_slice %arg8[%dma_wait3A_315, %dma_wait3A_316, %dma_wait3A_317] : memref<12x128x64xbf16, #tpu.memory_space<vmem>> -> memref<1x128x64xbf16, #tpu.memory_space<vmem>>
      %dma_wait3A_319 = tpu.memref_squeeze %dma_wait3A_318 : memref<1x128x64xbf16, #tpu.memory_space<vmem>> -> memref<128x64xbf16, #tpu.memory_space<vmem>>
      %dma_wait3A_320 = arith.constant 0 : i32
      %dma_wait3A_321 = tpu.memref_slice %arg6[%add3A_314, %dma_wait3A_320] : memref<84x128xi32, #tpu.memory_space<vmem>> -> memref<1x128xi32, #tpu.memory_space<vmem>>
      %dma_wait3A_322 = tpu.memref_squeeze %dma_wait3A_321 : memref<1x128xi32, #tpu.memory_space<vmem>> -> memref<128xi32, #tpu.memory_space<vmem>>
      %dma_wait3A_323 = arith.constant 0 : i32
      %dma_wait3A_324 = arith.constant 0 : i32
      %dma_wait3A_325 = tpu.memref_slice %arg2[%dma_wait3A_323, %dma_wait3A_324] : memref<10240x64xbf16, #tpu.memory_space<hbm>> -> memref<10240x64xbf16, #tpu.memory_space<hbm>>
      tpu.wait_indirect_dma semaphore(%arg14 : memref<!tpu.dma_semaphore, #tpu.memory_space<semaphore_mem>>) src(%dma_wait3A_325 : memref<10240x64xbf16, #tpu.memory_space<hbm>>) dst(%dma_wait3A_319 : memref<128x64xbf16, #tpu.memory_space<vmem>>)
      %dma_start3A_326 = arith.constant 4 : i32
      %dma_start3A_327 = arith.constant 0 : i32
      %dma_start3A_328 = arith.constant 0 : i32
      %dma_start3A_329 = tpu.memref_slice %arg8[%dma_start3A_326, %dma_start3A_327, %dma_start3A_328] : memref<12x128x64xbf16, #tpu.memory_space<vmem>> -> memref<1x128x64xbf16, #tpu.memory_space<vmem>>
      %dma_start3A_330 = tpu.memref_squeeze %dma_start3A_329 : memref<1x128x64xbf16, #tpu.memory_space<vmem>> -> memref<128x64xbf16, #tpu.memory_space<vmem>>
      %dma_start3A_331 = arith.constant 0 : i32
      %dma_start3A_332 = tpu.memref_slice %arg7[%add3A_314, %dma_start3A_331] : memref<84x128xi32, #tpu.memory_space<vmem>> -> memref<1x128xi32, #tpu.memory_space<vmem>>
      %dma_start3A_333 = tpu.memref_squeeze %dma_start3A_332 : memref<1x128xi32, #tpu.memory_space<vmem>> -> memref<128xi32, #tpu.memory_space<vmem>>
      %dma_start3A_334 = arith.constant 0 : i32
      %dma_start3A_335 = arith.constant 0 : i32
      %dma_start3A_336 = tpu.memref_slice %arg9[%dma_start3A_334, %dma_start3A_335] : memref<10240x64xbf16, #tpu.memory_space<vmem_shared>> -> memref<10240x64xbf16, #tpu.memory_space<vmem_shared>>
      tpu.enqueue_indirect_dma source(%dma_start3A_330 : memref<128x64xbf16, #tpu.memory_space<vmem>>) target(%dma_start3A_336 : memref<10240x64xbf16, #tpu.memory_space<vmem_shared>>) offsets(%dma_start3A_333 : memref<128xi32, #tpu.memory_space<vmem>>) semaphore(%arg26 : memref<!tpu.dma_semaphore, #tpu.memory_space<semaphore_mem>>) {add = true}
      %add3A_337 = arith.constant 6 : i32
      %add3A_338 = arith.addi %add3A_314, %add3A_337 : i32
      %ge3A_339 = arith.constant 12 : i32
      %ge3A_340 = arith.cmpi sge, %add3A_338, %ge3A_339 : i32
      %convert_element_type3A_341 = arith.extui %ge3A_340 : i1 to i32
      %cond3A_342 = arith.constant 0 : i32
      %cond3A_343 = arith.cmpi ne, %convert_element_type3A_341, %cond3A_342 : i32
      scf.if %cond3A_343 {
        %sub3A = arith.constant 12 : i32
        %sub3A_615 = arith.subi %add3A_338, %sub3A : i32
        %dma_wait3A_616 = arith.constant 10 : i32
        %dma_wait3A_617 = arith.constant 0 : i32
        %dma_wait3A_618 = arith.constant 0 : i32
        %dma_wait3A_619 = tpu.memref_slice %arg8[%dma_wait3A_616, %dma_wait3A_617, %dma_wait3A_618] : memref<12x128x64xbf16, #tpu.memory_space<vmem>> -> memref<1x128x64xbf16, #tpu.memory_space<vmem>>
        %dma_wait3A_620 = tpu.memref_squeeze %dma_wait3A_619 : memref<1x128x64xbf16, #tpu.memory_space<vmem>> -> memref<128x64xbf16, #tpu.memory_space<vmem>>
        %dma_wait3A_621 = arith.constant 0 : i32
        %dma_wait3A_622 = tpu.memref_slice %arg7[%sub3A_615, %dma_wait3A_621] : memref<84x128xi32, #tpu.memory_space<vmem>> -> memref<1x128xi32, #tpu.memory_space<vmem>>
        %dma_wait3A_623 = tpu.memref_squeeze %dma_wait3A_622 : memref<1x128xi32, #tpu.memory_space<vmem>> -> memref<128xi32, #tpu.memory_space<vmem>>
        %dma_wait3A_624 = arith.constant 0 : i32
        %dma_wait3A_625 = arith.constant 0 : i32
        %dma_wait3A_626 = tpu.memref_slice %arg9[%dma_wait3A_624, %dma_wait3A_625] : memref<10240x64xbf16, #tpu.memory_space<vmem_shared>> -> memref<10240x64xbf16, #tpu.memory_space<vmem_shared>>
        tpu.wait_indirect_dma semaphore(%arg32 : memref<!tpu.dma_semaphore, #tpu.memory_space<semaphore_mem>>) src(%dma_wait3A_620 : memref<128x64xbf16, #tpu.memory_space<vmem>>) dst(%dma_wait3A_626 : memref<10240x64xbf16, #tpu.memory_space<vmem_shared>>)
      } else {
      }
      %lt3A_344 = arith.constant 84 : i32
      %lt3A_345 = arith.cmpi slt, %add3A_338, %lt3A_344 : i32
      %convert_element_type3A_346 = arith.extui %lt3A_345 : i1 to i32
      %cond3A_347 = arith.constant 0 : i32
      %cond3A_348 = arith.cmpi ne, %convert_element_type3A_346, %cond3A_347 : i32
      scf.if %cond3A_348 {
        %dma_start3A_615 = arith.constant 10 : i32
        %dma_start3A_616 = arith.constant 0 : i32
        %dma_start3A_617 = arith.constant 0 : i32
        %dma_start3A_618 = tpu.memref_slice %arg8[%dma_start3A_615, %dma_start3A_616, %dma_start3A_617] : memref<12x128x64xbf16, #tpu.memory_space<vmem>> -> memref<1x128x64xbf16, #tpu.memory_space<vmem>>
        %dma_start3A_619 = tpu.memref_squeeze %dma_start3A_618 : memref<1x128x64xbf16, #tpu.memory_space<vmem>> -> memref<128x64xbf16, #tpu.memory_space<vmem>>
        %dma_start3A_620 = arith.constant 0 : i32
        %dma_start3A_621 = tpu.memref_slice %arg6[%add3A_338, %dma_start3A_620] : memref<84x128xi32, #tpu.memory_space<vmem>> -> memref<1x128xi32, #tpu.memory_space<vmem>>
        %dma_start3A_622 = tpu.memref_squeeze %dma_start3A_621 : memref<1x128xi32, #tpu.memory_space<vmem>> -> memref<128xi32, #tpu.memory_space<vmem>>
        %dma_start3A_623 = arith.constant 0 : i32
        %dma_start3A_624 = arith.constant 0 : i32
        %dma_start3A_625 = tpu.memref_slice %arg2[%dma_start3A_623, %dma_start3A_624] : memref<10240x64xbf16, #tpu.memory_space<hbm>> -> memref<10240x64xbf16, #tpu.memory_space<hbm>>
        tpu.enqueue_indirect_dma source(%dma_start3A_625 : memref<10240x64xbf16, #tpu.memory_space<hbm>>) target(%dma_start3A_619 : memref<128x64xbf16, #tpu.memory_space<vmem>>) offsets(%dma_start3A_622 : memref<128xi32, #tpu.memory_space<vmem>>) semaphore(%arg20 : memref<!tpu.dma_semaphore, #tpu.memory_space<semaphore_mem>>)
      } else {
      }
      %mul3A_349 = arith.constant 12 : i32
      %mul3A_350 = arith.muli %mul3A_349, %scan3A_163 : i32
      %add3A_351 = arith.constant 5 : i32
      %add3A_352 = arith.addi %mul3A_350, %add3A_351 : i32
      %dma_wait3A_353 = arith.constant 5 : i32
      %dma_wait3A_354 = arith.constant 0 : i32
      %dma_wait3A_355 = arith.constant 0 : i32
      %dma_wait3A_356 = tpu.memref_slice %arg8[%dma_wait3A_353, %dma_wait3A_354, %dma_wait3A_355] : memref<12x128x64xbf16, #tpu.memory_space<vmem>> -> memref<1x128x64xbf16, #tpu.memory_space<vmem>>
      %dma_wait3A_357 = tpu.memref_squeeze %dma_wait3A_356 : memref<1x128x64xbf16, #tpu.memory_space<vmem>> -> memref<128x64xbf16, #tpu.memory_space<vmem>>
      %dma_wait3A_358 = arith.constant 0 : i32
      %dma_wait3A_359 = tpu.memref_slice %arg6[%add3A_352, %dma_wait3A_358] : memref<84x128xi32, #tpu.memory_space<vmem>> -> memref<1x128xi32, #tpu.memory_space<vmem>>
      %dma_wait3A_360 = tpu.memref_squeeze %dma_wait3A_359 : memref<1x128xi32, #tpu.memory_space<vmem>> -> memref<128xi32, #tpu.memory_space<vmem>>
      %dma_wait3A_361 = arith.constant 0 : i32
      %dma_wait3A_362 = arith.constant 0 : i32
      %dma_wait3A_363 = tpu.memref_slice %arg2[%dma_wait3A_361, %dma_wait3A_362] : memref<10240x64xbf16, #tpu.memory_space<hbm>> -> memref<10240x64xbf16, #tpu.memory_space<hbm>>
      tpu.wait_indirect_dma semaphore(%arg15 : memref<!tpu.dma_semaphore, #tpu.memory_space<semaphore_mem>>) src(%dma_wait3A_363 : memref<10240x64xbf16, #tpu.memory_space<hbm>>) dst(%dma_wait3A_357 : memref<128x64xbf16, #tpu.memory_space<vmem>>)
      %dma_start3A_364 = arith.constant 5 : i32
      %dma_start3A_365 = arith.constant 0 : i32
      %dma_start3A_366 = arith.constant 0 : i32
      %dma_start3A_367 = tpu.memref_slice %arg8[%dma_start3A_364, %dma_start3A_365, %dma_start3A_366] : memref<12x128x64xbf16, #tpu.memory_space<vmem>> -> memref<1x128x64xbf16, #tpu.memory_space<vmem>>
      %dma_start3A_368 = tpu.memref_squeeze %dma_start3A_367 : memref<1x128x64xbf16, #tpu.memory_space<vmem>> -> memref<128x64xbf16, #tpu.memory_space<vmem>>
      %dma_start3A_369 = arith.constant 0 : i32
      %dma_start3A_370 = tpu.memref_slice %arg7[%add3A_352, %dma_start3A_369] : memref<84x128xi32, #tpu.memory_space<vmem>> -> memref<1x128xi32, #tpu.memory_space<vmem>>
      %dma_start3A_371 = tpu.memref_squeeze %dma_start3A_370 : memref<1x128xi32, #tpu.memory_space<vmem>> -> memref<128xi32, #tpu.memory_space<vmem>>
      %dma_start3A_372 = arith.constant 0 : i32
      %dma_start3A_373 = arith.constant 0 : i32
      %dma_start3A_374 = tpu.memref_slice %arg9[%dma_start3A_372, %dma_start3A_373] : memref<10240x64xbf16, #tpu.memory_space<vmem_shared>> -> memref<10240x64xbf16, #tpu.memory_space<vmem_shared>>
      tpu.enqueue_indirect_dma source(%dma_start3A_368 : memref<128x64xbf16, #tpu.memory_space<vmem>>) target(%dma_start3A_374 : memref<10240x64xbf16, #tpu.memory_space<vmem_shared>>) offsets(%dma_start3A_371 : memref<128xi32, #tpu.memory_space<vmem>>) semaphore(%arg27 : memref<!tpu.dma_semaphore, #tpu.memory_space<semaphore_mem>>) {add = true}
      %add3A_375 = arith.constant 6 : i32
      %add3A_376 = arith.addi %add3A_352, %add3A_375 : i32
      %ge3A_377 = arith.constant 12 : i32
      %ge3A_378 = arith.cmpi sge, %add3A_376, %ge3A_377 : i32
      %convert_element_type3A_379 = arith.extui %ge3A_378 : i1 to i32
      %cond3A_380 = arith.constant 0 : i32
      %cond3A_381 = arith.cmpi ne, %convert_element_type3A_379, %cond3A_380 : i32
      scf.if %cond3A_381 {
        %sub3A = arith.constant 12 : i32
        %sub3A_615 = arith.subi %add3A_376, %sub3A : i32
        %dma_wait3A_616 = arith.constant 11 : i32
        %dma_wait3A_617 = arith.constant 0 : i32
        %dma_wait3A_618 = arith.constant 0 : i32
        %dma_wait3A_619 = tpu.memref_slice %arg8[%dma_wait3A_616, %dma_wait3A_617, %dma_wait3A_618] : memref<12x128x64xbf16, #tpu.memory_space<vmem>> -> memref<1x128x64xbf16, #tpu.memory_space<vmem>>
        %dma_wait3A_620 = tpu.memref_squeeze %dma_wait3A_619 : memref<1x128x64xbf16, #tpu.memory_space<vmem>> -> memref<128x64xbf16, #tpu.memory_space<vmem>>
        %dma_wait3A_621 = arith.constant 0 : i32
        %dma_wait3A_622 = tpu.memref_slice %arg7[%sub3A_615, %dma_wait3A_621] : memref<84x128xi32, #tpu.memory_space<vmem>> -> memref<1x128xi32, #tpu.memory_space<vmem>>
        %dma_wait3A_623 = tpu.memref_squeeze %dma_wait3A_622 : memref<1x128xi32, #tpu.memory_space<vmem>> -> memref<128xi32, #tpu.memory_space<vmem>>
        %dma_wait3A_624 = arith.constant 0 : i32
        %dma_wait3A_625 = arith.constant 0 : i32
        %dma_wait3A_626 = tpu.memref_slice %arg9[%dma_wait3A_624, %dma_wait3A_625] : memref<10240x64xbf16, #tpu.memory_space<vmem_shared>> -> memref<10240x64xbf16, #tpu.memory_space<vmem_shared>>
        tpu.wait_indirect_dma semaphore(%arg33 : memref<!tpu.dma_semaphore, #tpu.memory_space<semaphore_mem>>) src(%dma_wait3A_620 : memref<128x64xbf16, #tpu.memory_space<vmem>>) dst(%dma_wait3A_626 : memref<10240x64xbf16, #tpu.memory_space<vmem_shared>>)
      } else {
      }
      %lt3A_382 = arith.constant 84 : i32
      %lt3A_383 = arith.cmpi slt, %add3A_376, %lt3A_382 : i32
      %convert_element_type3A_384 = arith.extui %lt3A_383 : i1 to i32
      %cond3A_385 = arith.constant 0 : i32
      %cond3A_386 = arith.cmpi ne, %convert_element_type3A_384, %cond3A_385 : i32
      scf.if %cond3A_386 {
        %dma_start3A_615 = arith.constant 11 : i32
        %dma_start3A_616 = arith.constant 0 : i32
        %dma_start3A_617 = arith.constant 0 : i32
        %dma_start3A_618 = tpu.memref_slice %arg8[%dma_start3A_615, %dma_start3A_616, %dma_start3A_617] : memref<12x128x64xbf16, #tpu.memory_space<vmem>> -> memref<1x128x64xbf16, #tpu.memory_space<vmem>>
        %dma_start3A_619 = tpu.memref_squeeze %dma_start3A_618 : memref<1x128x64xbf16, #tpu.memory_space<vmem>> -> memref<128x64xbf16, #tpu.memory_space<vmem>>
        %dma_start3A_620 = arith.constant 0 : i32
        %dma_start3A_621 = tpu.memref_slice %arg6[%add3A_376, %dma_start3A_620] : memref<84x128xi32, #tpu.memory_space<vmem>> -> memref<1x128xi32, #tpu.memory_space<vmem>>
        %dma_start3A_622 = tpu.memref_squeeze %dma_start3A_621 : memref<1x128xi32, #tpu.memory_space<vmem>> -> memref<128xi32, #tpu.memory_space<vmem>>
        %dma_start3A_623 = arith.constant 0 : i32
        %dma_start3A_624 = arith.constant 0 : i32
        %dma_start3A_625 = tpu.memref_slice %arg2[%dma_start3A_623, %dma_start3A_624] : memref<10240x64xbf16, #tpu.memory_space<hbm>> -> memref<10240x64xbf16, #tpu.memory_space<hbm>>
        tpu.enqueue_indirect_dma source(%dma_start3A_625 : memref<10240x64xbf16, #tpu.memory_space<hbm>>) target(%dma_start3A_619 : memref<128x64xbf16, #tpu.memory_space<vmem>>) offsets(%dma_start3A_622 : memref<128xi32, #tpu.memory_space<vmem>>) semaphore(%arg21 : memref<!tpu.dma_semaphore, #tpu.memory_space<semaphore_mem>>)
      } else {
      }
      %mul3A_387 = arith.constant 12 : i32
      %mul3A_388 = arith.muli %mul3A_387, %scan3A_163 : i32
      %add3A_389 = arith.constant 6 : i32
      %add3A_390 = arith.addi %mul3A_388, %add3A_389 : i32
      %dma_wait3A_391 = arith.constant 6 : i32
      %dma_wait3A_392 = arith.constant 0 : i32
      %dma_wait3A_393 = arith.constant 0 : i32
      %dma_wait3A_394 = tpu.memref_slice %arg8[%dma_wait3A_391, %dma_wait3A_392, %dma_wait3A_393] : memref<12x128x64xbf16, #tpu.memory_space<vmem>> -> memref<1x128x64xbf16, #tpu.memory_space<vmem>>
      %dma_wait3A_395 = tpu.memref_squeeze %dma_wait3A_394 : memref<1x128x64xbf16, #tpu.memory_space<vmem>> -> memref<128x64xbf16, #tpu.memory_space<vmem>>
      %dma_wait3A_396 = arith.constant 0 : i32
      %dma_wait3A_397 = tpu.memref_slice %arg6[%add3A_390, %dma_wait3A_396] : memref<84x128xi32, #tpu.memory_space<vmem>> -> memref<1x128xi32, #tpu.memory_space<vmem>>
      %dma_wait3A_398 = tpu.memref_squeeze %dma_wait3A_397 : memref<1x128xi32, #tpu.memory_space<vmem>> -> memref<128xi32, #tpu.memory_space<vmem>>
      %dma_wait3A_399 = arith.constant 0 : i32
      %dma_wait3A_400 = arith.constant 0 : i32
      %dma_wait3A_401 = tpu.memref_slice %arg2[%dma_wait3A_399, %dma_wait3A_400] : memref<10240x64xbf16, #tpu.memory_space<hbm>> -> memref<10240x64xbf16, #tpu.memory_space<hbm>>
      tpu.wait_indirect_dma semaphore(%arg16 : memref<!tpu.dma_semaphore, #tpu.memory_space<semaphore_mem>>) src(%dma_wait3A_401 : memref<10240x64xbf16, #tpu.memory_space<hbm>>) dst(%dma_wait3A_395 : memref<128x64xbf16, #tpu.memory_space<vmem>>)
      %dma_start3A_402 = arith.constant 6 : i32
      %dma_start3A_403 = arith.constant 0 : i32
      %dma_start3A_404 = arith.constant 0 : i32
      %dma_start3A_405 = tpu.memref_slice %arg8[%dma_start3A_402, %dma_start3A_403, %dma_start3A_404] : memref<12x128x64xbf16, #tpu.memory_space<vmem>> -> memref<1x128x64xbf16, #tpu.memory_space<vmem>>
      %dma_start3A_406 = tpu.memref_squeeze %dma_start3A_405 : memref<1x128x64xbf16, #tpu.memory_space<vmem>> -> memref<128x64xbf16, #tpu.memory_space<vmem>>
      %dma_start3A_407 = arith.constant 0 : i32
      %dma_start3A_408 = tpu.memref_slice %arg7[%add3A_390, %dma_start3A_407] : memref<84x128xi32, #tpu.memory_space<vmem>> -> memref<1x128xi32, #tpu.memory_space<vmem>>
      %dma_start3A_409 = tpu.memref_squeeze %dma_start3A_408 : memref<1x128xi32, #tpu.memory_space<vmem>> -> memref<128xi32, #tpu.memory_space<vmem>>
      %dma_start3A_410 = arith.constant 0 : i32
      %dma_start3A_411 = arith.constant 0 : i32
      %dma_start3A_412 = tpu.memref_slice %arg9[%dma_start3A_410, %dma_start3A_411] : memref<10240x64xbf16, #tpu.memory_space<vmem_shared>> -> memref<10240x64xbf16, #tpu.memory_space<vmem_shared>>
      tpu.enqueue_indirect_dma source(%dma_start3A_406 : memref<128x64xbf16, #tpu.memory_space<vmem>>) target(%dma_start3A_412 : memref<10240x64xbf16, #tpu.memory_space<vmem_shared>>) offsets(%dma_start3A_409 : memref<128xi32, #tpu.memory_space<vmem>>) semaphore(%arg28 : memref<!tpu.dma_semaphore, #tpu.memory_space<semaphore_mem>>) {add = true}
      %add3A_413 = arith.constant 6 : i32
      %add3A_414 = arith.addi %add3A_390, %add3A_413 : i32
      %ge3A_415 = arith.constant 12 : i32
      %ge3A_416 = arith.cmpi sge, %add3A_414, %ge3A_415 : i32
      %convert_element_type3A_417 = arith.extui %ge3A_416 : i1 to i32
      %cond3A_418 = arith.constant 0 : i32
      %cond3A_419 = arith.cmpi ne, %convert_element_type3A_417, %cond3A_418 : i32
      scf.if %cond3A_419 {
        %sub3A = arith.constant 12 : i32
        %sub3A_615 = arith.subi %add3A_414, %sub3A : i32
        %dma_wait3A_616 = arith.constant 0 : i32
        %dma_wait3A_617 = arith.constant 0 : i32
        %dma_wait3A_618 = arith.constant 0 : i32
        %dma_wait3A_619 = tpu.memref_slice %arg8[%dma_wait3A_616, %dma_wait3A_617, %dma_wait3A_618] : memref<12x128x64xbf16, #tpu.memory_space<vmem>> -> memref<1x128x64xbf16, #tpu.memory_space<vmem>>
        %dma_wait3A_620 = tpu.memref_squeeze %dma_wait3A_619 : memref<1x128x64xbf16, #tpu.memory_space<vmem>> -> memref<128x64xbf16, #tpu.memory_space<vmem>>
        %dma_wait3A_621 = arith.constant 0 : i32
        %dma_wait3A_622 = tpu.memref_slice %arg7[%sub3A_615, %dma_wait3A_621] : memref<84x128xi32, #tpu.memory_space<vmem>> -> memref<1x128xi32, #tpu.memory_space<vmem>>
        %dma_wait3A_623 = tpu.memref_squeeze %dma_wait3A_622 : memref<1x128xi32, #tpu.memory_space<vmem>> -> memref<128xi32, #tpu.memory_space<vmem>>
        %dma_wait3A_624 = arith.constant 0 : i32
        %dma_wait3A_625 = arith.constant 0 : i32
        %dma_wait3A_626 = tpu.memref_slice %arg9[%dma_wait3A_624, %dma_wait3A_625] : memref<10240x64xbf16, #tpu.memory_space<vmem_shared>> -> memref<10240x64xbf16, #tpu.memory_space<vmem_shared>>
        tpu.wait_indirect_dma semaphore(%arg22 : memref<!tpu.dma_semaphore, #tpu.memory_space<semaphore_mem>>) src(%dma_wait3A_620 : memref<128x64xbf16, #tpu.memory_space<vmem>>) dst(%dma_wait3A_626 : memref<10240x64xbf16, #tpu.memory_space<vmem_shared>>)
      } else {
      }
      %lt3A_420 = arith.constant 84 : i32
      %lt3A_421 = arith.cmpi slt, %add3A_414, %lt3A_420 : i32
      %convert_element_type3A_422 = arith.extui %lt3A_421 : i1 to i32
      %cond3A_423 = arith.constant 0 : i32
      %cond3A_424 = arith.cmpi ne, %convert_element_type3A_422, %cond3A_423 : i32
      scf.if %cond3A_424 {
        %dma_start3A_615 = arith.constant 0 : i32
        %dma_start3A_616 = arith.constant 0 : i32
        %dma_start3A_617 = arith.constant 0 : i32
        %dma_start3A_618 = tpu.memref_slice %arg8[%dma_start3A_615, %dma_start3A_616, %dma_start3A_617] : memref<12x128x64xbf16, #tpu.memory_space<vmem>> -> memref<1x128x64xbf16, #tpu.memory_space<vmem>>
        %dma_start3A_619 = tpu.memref_squeeze %dma_start3A_618 : memref<1x128x64xbf16, #tpu.memory_space<vmem>> -> memref<128x64xbf16, #tpu.memory_space<vmem>>
        %dma_start3A_620 = arith.constant 0 : i32
        %dma_start3A_621 = tpu.memref_slice %arg6[%add3A_414, %dma_start3A_620] : memref<84x128xi32, #tpu.memory_space<vmem>> -> memref<1x128xi32, #tpu.memory_space<vmem>>
        %dma_start3A_622 = tpu.memref_squeeze %dma_start3A_621 : memref<1x128xi32, #tpu.memory_space<vmem>> -> memref<128xi32, #tpu.memory_space<vmem>>
        %dma_start3A_623 = arith.constant 0 : i32
        %dma_start3A_624 = arith.constant 0 : i32
        %dma_start3A_625 = tpu.memref_slice %arg2[%dma_start3A_623, %dma_start3A_624] : memref<10240x64xbf16, #tpu.memory_space<hbm>> -> memref<10240x64xbf16, #tpu.memory_space<hbm>>
        tpu.enqueue_indirect_dma source(%dma_start3A_625 : memref<10240x64xbf16, #tpu.memory_space<hbm>>) target(%dma_start3A_619 : memref<128x64xbf16, #tpu.memory_space<vmem>>) offsets(%dma_start3A_622 : memref<128xi32, #tpu.memory_space<vmem>>) semaphore(%arg10 : memref<!tpu.dma_semaphore, #tpu.memory_space<semaphore_mem>>)
      } else {
      }
      %mul3A_425 = arith.constant 12 : i32
      %mul3A_426 = arith.muli %mul3A_425, %scan3A_163 : i32
      %add3A_427 = arith.constant 7 : i32
      %add3A_428 = arith.addi %mul3A_426, %add3A_427 : i32
      %dma_wait3A_429 = arith.constant 7 : i32
      %dma_wait3A_430 = arith.constant 0 : i32
      %dma_wait3A_431 = arith.constant 0 : i32
      %dma_wait3A_432 = tpu.memref_slice %arg8[%dma_wait3A_429, %dma_wait3A_430, %dma_wait3A_431] : memref<12x128x64xbf16, #tpu.memory_space<vmem>> -> memref<1x128x64xbf16, #tpu.memory_space<vmem>>
      %dma_wait3A_433 = tpu.memref_squeeze %dma_wait3A_432 : memref<1x128x64xbf16, #tpu.memory_space<vmem>> -> memref<128x64xbf16, #tpu.memory_space<vmem>>
      %dma_wait3A_434 = arith.constant 0 : i32
      %dma_wait3A_435 = tpu.memref_slice %arg6[%add3A_428, %dma_wait3A_434] : memref<84x128xi32, #tpu.memory_space<vmem>> -> memref<1x128xi32, #tpu.memory_space<vmem>>
      %dma_wait3A_436 = tpu.memref_squeeze %dma_wait3A_435 : memref<1x128xi32, #tpu.memory_space<vmem>> -> memref<128xi32, #tpu.memory_space<vmem>>
      %dma_wait3A_437 = arith.constant 0 : i32
      %dma_wait3A_438 = arith.constant 0 : i32
      %dma_wait3A_439 = tpu.memref_slice %arg2[%dma_wait3A_437, %dma_wait3A_438] : memref<10240x64xbf16, #tpu.memory_space<hbm>> -> memref<10240x64xbf16, #tpu.memory_space<hbm>>
      tpu.wait_indirect_dma semaphore(%arg17 : memref<!tpu.dma_semaphore, #tpu.memory_space<semaphore_mem>>) src(%dma_wait3A_439 : memref<10240x64xbf16, #tpu.memory_space<hbm>>) dst(%dma_wait3A_433 : memref<128x64xbf16, #tpu.memory_space<vmem>>)
      %dma_start3A_440 = arith.constant 7 : i32
      %dma_start3A_441 = arith.constant 0 : i32
      %dma_start3A_442 = arith.constant 0 : i32
      %dma_start3A_443 = tpu.memref_slice %arg8[%dma_start3A_440, %dma_start3A_441, %dma_start3A_442] : memref<12x128x64xbf16, #tpu.memory_space<vmem>> -> memref<1x128x64xbf16, #tpu.memory_space<vmem>>
      %dma_start3A_444 = tpu.memref_squeeze %dma_start3A_443 : memref<1x128x64xbf16, #tpu.memory_space<vmem>> -> memref<128x64xbf16, #tpu.memory_space<vmem>>
      %dma_start3A_445 = arith.constant 0 : i32
      %dma_start3A_446 = tpu.memref_slice %arg7[%add3A_428, %dma_start3A_445] : memref<84x128xi32, #tpu.memory_space<vmem>> -> memref<1x128xi32, #tpu.memory_space<vmem>>
      %dma_start3A_447 = tpu.memref_squeeze %dma_start3A_446 : memref<1x128xi32, #tpu.memory_space<vmem>> -> memref<128xi32, #tpu.memory_space<vmem>>
      %dma_start3A_448 = arith.constant 0 : i32
      %dma_start3A_449 = arith.constant 0 : i32
      %dma_start3A_450 = tpu.memref_slice %arg9[%dma_start3A_448, %dma_start3A_449] : memref<10240x64xbf16, #tpu.memory_space<vmem_shared>> -> memref<10240x64xbf16, #tpu.memory_space<vmem_shared>>
      tpu.enqueue_indirect_dma source(%dma_start3A_444 : memref<128x64xbf16, #tpu.memory_space<vmem>>) target(%dma_start3A_450 : memref<10240x64xbf16, #tpu.memory_space<vmem_shared>>) offsets(%dma_start3A_447 : memref<128xi32, #tpu.memory_space<vmem>>) semaphore(%arg29 : memref<!tpu.dma_semaphore, #tpu.memory_space<semaphore_mem>>) {add = true}
      %add3A_451 = arith.constant 6 : i32
      %add3A_452 = arith.addi %add3A_428, %add3A_451 : i32
      %ge3A_453 = arith.constant 12 : i32
      %ge3A_454 = arith.cmpi sge, %add3A_452, %ge3A_453 : i32
      %convert_element_type3A_455 = arith.extui %ge3A_454 : i1 to i32
      %cond3A_456 = arith.constant 0 : i32
      %cond3A_457 = arith.cmpi ne, %convert_element_type3A_455, %cond3A_456 : i32
      scf.if %cond3A_457 {
        %sub3A = arith.constant 12 : i32
        %sub3A_615 = arith.subi %add3A_452, %sub3A : i32
        %dma_wait3A_616 = arith.constant 1 : i32
        %dma_wait3A_617 = arith.constant 0 : i32
        %dma_wait3A_618 = arith.constant 0 : i32
        %dma_wait3A_619 = tpu.memref_slice %arg8[%dma_wait3A_616, %dma_wait3A_617, %dma_wait3A_618] : memref<12x128x64xbf16, #tpu.memory_space<vmem>> -> memref<1x128x64xbf16, #tpu.memory_space<vmem>>
        %dma_wait3A_620 = tpu.memref_squeeze %dma_wait3A_619 : memref<1x128x64xbf16, #tpu.memory_space<vmem>> -> memref<128x64xbf16, #tpu.memory_space<vmem>>
        %dma_wait3A_621 = arith.constant 0 : i32
        %dma_wait3A_622 = tpu.memref_slice %arg7[%sub3A_615, %dma_wait3A_621] : memref<84x128xi32, #tpu.memory_space<vmem>> -> memref<1x128xi32, #tpu.memory_space<vmem>>
        %dma_wait3A_623 = tpu.memref_squeeze %dma_wait3A_622 : memref<1x128xi32, #tpu.memory_space<vmem>> -> memref<128xi32, #tpu.memory_space<vmem>>
        %dma_wait3A_624 = arith.constant 0 : i32
        %dma_wait3A_625 = arith.constant 0 : i32
        %dma_wait3A_626 = tpu.memref_slice %arg9[%dma_wait3A_624, %dma_wait3A_625] : memref<10240x64xbf16, #tpu.memory_space<vmem_shared>> -> memref<10240x64xbf16, #tpu.memory_space<vmem_shared>>
        tpu.wait_indirect_dma semaphore(%arg23 : memref<!tpu.dma_semaphore, #tpu.memory_space<semaphore_mem>>) src(%dma_wait3A_620 : memref<128x64xbf16, #tpu.memory_space<vmem>>) dst(%dma_wait3A_626 : memref<10240x64xbf16, #tpu.memory_space<vmem_shared>>)
      } else {
      }
      %lt3A_458 = arith.constant 84 : i32
      %lt3A_459 = arith.cmpi slt, %add3A_452, %lt3A_458 : i32
      %convert_element_type3A_460 = arith.extui %lt3A_459 : i1 to i32
      %cond3A_461 = arith.constant 0 : i32
      %cond3A_462 = arith.cmpi ne, %convert_element_type3A_460, %cond3A_461 : i32
      scf.if %cond3A_462 {
        %dma_start3A_615 = arith.constant 1 : i32
        %dma_start3A_616 = arith.constant 0 : i32
        %dma_start3A_617 = arith.constant 0 : i32
        %dma_start3A_618 = tpu.memref_slice %arg8[%dma_start3A_615, %dma_start3A_616, %dma_start3A_617] : memref<12x128x64xbf16, #tpu.memory_space<vmem>> -> memref<1x128x64xbf16, #tpu.memory_space<vmem>>
        %dma_start3A_619 = tpu.memref_squeeze %dma_start3A_618 : memref<1x128x64xbf16, #tpu.memory_space<vmem>> -> memref<128x64xbf16, #tpu.memory_space<vmem>>
        %dma_start3A_620 = arith.constant 0 : i32
        %dma_start3A_621 = tpu.memref_slice %arg6[%add3A_452, %dma_start3A_620] : memref<84x128xi32, #tpu.memory_space<vmem>> -> memref<1x128xi32, #tpu.memory_space<vmem>>
        %dma_start3A_622 = tpu.memref_squeeze %dma_start3A_621 : memref<1x128xi32, #tpu.memory_space<vmem>> -> memref<128xi32, #tpu.memory_space<vmem>>
        %dma_start3A_623 = arith.constant 0 : i32
        %dma_start3A_624 = arith.constant 0 : i32
        %dma_start3A_625 = tpu.memref_slice %arg2[%dma_start3A_623, %dma_start3A_624] : memref<10240x64xbf16, #tpu.memory_space<hbm>> -> memref<10240x64xbf16, #tpu.memory_space<hbm>>
        tpu.enqueue_indirect_dma source(%dma_start3A_625 : memref<10240x64xbf16, #tpu.memory_space<hbm>>) target(%dma_start3A_619 : memref<128x64xbf16, #tpu.memory_space<vmem>>) offsets(%dma_start3A_622 : memref<128xi32, #tpu.memory_space<vmem>>) semaphore(%arg11 : memref<!tpu.dma_semaphore, #tpu.memory_space<semaphore_mem>>)
      } else {
      }
      %mul3A_463 = arith.constant 12 : i32
      %mul3A_464 = arith.muli %mul3A_463, %scan3A_163 : i32
      %add3A_465 = arith.constant 8 : i32
      %add3A_466 = arith.addi %mul3A_464, %add3A_465 : i32
      %dma_wait3A_467 = arith.constant 8 : i32
      %dma_wait3A_468 = arith.constant 0 : i32
      %dma_wait3A_469 = arith.constant 0 : i32
      %dma_wait3A_470 = tpu.memref_slice %arg8[%dma_wait3A_467, %dma_wait3A_468, %dma_wait3A_469] : memref<12x128x64xbf16, #tpu.memory_space<vmem>> -> memref<1x128x64xbf16, #tpu.memory_space<vmem>>
      %dma_wait3A_471 = tpu.memref_squeeze %dma_wait3A_470 : memref<1x128x64xbf16, #tpu.memory_space<vmem>> -> memref<128x64xbf16, #tpu.memory_space<vmem>>
      %dma_wait3A_472 = arith.constant 0 : i32
      %dma_wait3A_473 = tpu.memref_slice %arg6[%add3A_466, %dma_wait3A_472] : memref<84x128xi32, #tpu.memory_space<vmem>> -> memref<1x128xi32, #tpu.memory_space<vmem>>
      %dma_wait3A_474 = tpu.memref_squeeze %dma_wait3A_473 : memref<1x128xi32, #tpu.memory_space<vmem>> -> memref<128xi32, #tpu.memory_space<vmem>>
      %dma_wait3A_475 = arith.constant 0 : i32
      %dma_wait3A_476 = arith.constant 0 : i32
      %dma_wait3A_477 = tpu.memref_slice %arg2[%dma_wait3A_475, %dma_wait3A_476] : memref<10240x64xbf16, #tpu.memory_space<hbm>> -> memref<10240x64xbf16, #tpu.memory_space<hbm>>
      tpu.wait_indirect_dma semaphore(%arg18 : memref<!tpu.dma_semaphore, #tpu.memory_space<semaphore_mem>>) src(%dma_wait3A_477 : memref<10240x64xbf16, #tpu.memory_space<hbm>>) dst(%dma_wait3A_471 : memref<128x64xbf16, #tpu.memory_space<vmem>>)
      %dma_start3A_478 = arith.constant 8 : i32
      %dma_start3A_479 = arith.constant 0 : i32
      %dma_start3A_480 = arith.constant 0 : i32
      %dma_start3A_481 = tpu.memref_slice %arg8[%dma_start3A_478, %dma_start3A_479, %dma_start3A_480] : memref<12x128x64xbf16, #tpu.memory_space<vmem>> -> memref<1x128x64xbf16, #tpu.memory_space<vmem>>
      %dma_start3A_482 = tpu.memref_squeeze %dma_start3A_481 : memref<1x128x64xbf16, #tpu.memory_space<vmem>> -> memref<128x64xbf16, #tpu.memory_space<vmem>>
      %dma_start3A_483 = arith.constant 0 : i32
      %dma_start3A_484 = tpu.memref_slice %arg7[%add3A_466, %dma_start3A_483] : memref<84x128xi32, #tpu.memory_space<vmem>> -> memref<1x128xi32, #tpu.memory_space<vmem>>
      %dma_start3A_485 = tpu.memref_squeeze %dma_start3A_484 : memref<1x128xi32, #tpu.memory_space<vmem>> -> memref<128xi32, #tpu.memory_space<vmem>>
      %dma_start3A_486 = arith.constant 0 : i32
      %dma_start3A_487 = arith.constant 0 : i32
      %dma_start3A_488 = tpu.memref_slice %arg9[%dma_start3A_486, %dma_start3A_487] : memref<10240x64xbf16, #tpu.memory_space<vmem_shared>> -> memref<10240x64xbf16, #tpu.memory_space<vmem_shared>>
      tpu.enqueue_indirect_dma source(%dma_start3A_482 : memref<128x64xbf16, #tpu.memory_space<vmem>>) target(%dma_start3A_488 : memref<10240x64xbf16, #tpu.memory_space<vmem_shared>>) offsets(%dma_start3A_485 : memref<128xi32, #tpu.memory_space<vmem>>) semaphore(%arg30 : memref<!tpu.dma_semaphore, #tpu.memory_space<semaphore_mem>>) {add = true}
      %add3A_489 = arith.constant 6 : i32
      %add3A_490 = arith.addi %add3A_466, %add3A_489 : i32
      %ge3A_491 = arith.constant 12 : i32
      %ge3A_492 = arith.cmpi sge, %add3A_490, %ge3A_491 : i32
      %convert_element_type3A_493 = arith.extui %ge3A_492 : i1 to i32
      %cond3A_494 = arith.constant 0 : i32
      %cond3A_495 = arith.cmpi ne, %convert_element_type3A_493, %cond3A_494 : i32
      scf.if %cond3A_495 {
        %sub3A = arith.constant 12 : i32
        %sub3A_615 = arith.subi %add3A_490, %sub3A : i32
        %dma_wait3A_616 = arith.constant 2 : i32
        %dma_wait3A_617 = arith.constant 0 : i32
        %dma_wait3A_618 = arith.constant 0 : i32
        %dma_wait3A_619 = tpu.memref_slice %arg8[%dma_wait3A_616, %dma_wait3A_617, %dma_wait3A_618] : memref<12x128x64xbf16, #tpu.memory_space<vmem>> -> memref<1x128x64xbf16, #tpu.memory_space<vmem>>
        %dma_wait3A_620 = tpu.memref_squeeze %dma_wait3A_619 : memref<1x128x64xbf16, #tpu.memory_space<vmem>> -> memref<128x64xbf16, #tpu.memory_space<vmem>>
        %dma_wait3A_621 = arith.constant 0 : i32
        %dma_wait3A_622 = tpu.memref_slice %arg7[%sub3A_615, %dma_wait3A_621] : memref<84x128xi32, #tpu.memory_space<vmem>> -> memref<1x128xi32, #tpu.memory_space<vmem>>
        %dma_wait3A_623 = tpu.memref_squeeze %dma_wait3A_622 : memref<1x128xi32, #tpu.memory_space<vmem>> -> memref<128xi32, #tpu.memory_space<vmem>>
        %dma_wait3A_624 = arith.constant 0 : i32
        %dma_wait3A_625 = arith.constant 0 : i32
        %dma_wait3A_626 = tpu.memref_slice %arg9[%dma_wait3A_624, %dma_wait3A_625] : memref<10240x64xbf16, #tpu.memory_space<vmem_shared>> -> memref<10240x64xbf16, #tpu.memory_space<vmem_shared>>
        tpu.wait_indirect_dma semaphore(%arg24 : memref<!tpu.dma_semaphore, #tpu.memory_space<semaphore_mem>>) src(%dma_wait3A_620 : memref<128x64xbf16, #tpu.memory_space<vmem>>) dst(%dma_wait3A_626 : memref<10240x64xbf16, #tpu.memory_space<vmem_shared>>)
      } else {
      }
      %lt3A_496 = arith.constant 84 : i32
      %lt3A_497 = arith.cmpi slt, %add3A_490, %lt3A_496 : i32
      %convert_element_type3A_498 = arith.extui %lt3A_497 : i1 to i32
      %cond3A_499 = arith.constant 0 : i32
      %cond3A_500 = arith.cmpi ne, %convert_element_type3A_498, %cond3A_499 : i32
      scf.if %cond3A_500 {
        %dma_start3A_615 = arith.constant 2 : i32
        %dma_start3A_616 = arith.constant 0 : i32
        %dma_start3A_617 = arith.constant 0 : i32
        %dma_start3A_618 = tpu.memref_slice %arg8[%dma_start3A_615, %dma_start3A_616, %dma_start3A_617] : memref<12x128x64xbf16, #tpu.memory_space<vmem>> -> memref<1x128x64xbf16, #tpu.memory_space<vmem>>
        %dma_start3A_619 = tpu.memref_squeeze %dma_start3A_618 : memref<1x128x64xbf16, #tpu.memory_space<vmem>> -> memref<128x64xbf16, #tpu.memory_space<vmem>>
        %dma_start3A_620 = arith.constant 0 : i32
        %dma_start3A_621 = tpu.memref_slice %arg6[%add3A_490, %dma_start3A_620] : memref<84x128xi32, #tpu.memory_space<vmem>> -> memref<1x128xi32, #tpu.memory_space<vmem>>
        %dma_start3A_622 = tpu.memref_squeeze %dma_start3A_621 : memref<1x128xi32, #tpu.memory_space<vmem>> -> memref<128xi32, #tpu.memory_space<vmem>>
        %dma_start3A_623 = arith.constant 0 : i32
        %dma_start3A_624 = arith.constant 0 : i32
        %dma_start3A_625 = tpu.memref_slice %arg2[%dma_start3A_623, %dma_start3A_624] : memref<10240x64xbf16, #tpu.memory_space<hbm>> -> memref<10240x64xbf16, #tpu.memory_space<hbm>>
        tpu.enqueue_indirect_dma source(%dma_start3A_625 : memref<10240x64xbf16, #tpu.memory_space<hbm>>) target(%dma_start3A_619 : memref<128x64xbf16, #tpu.memory_space<vmem>>) offsets(%dma_start3A_622 : memref<128xi32, #tpu.memory_space<vmem>>) semaphore(%arg12 : memref<!tpu.dma_semaphore, #tpu.memory_space<semaphore_mem>>)
      } else {
      }
      %mul3A_501 = arith.constant 12 : i32
      %mul3A_502 = arith.muli %mul3A_501, %scan3A_163 : i32
      %add3A_503 = arith.constant 9 : i32
      %add3A_504 = arith.addi %mul3A_502, %add3A_503 : i32
      %dma_wait3A_505 = arith.constant 9 : i32
      %dma_wait3A_506 = arith.constant 0 : i32
      %dma_wait3A_507 = arith.constant 0 : i32
      %dma_wait3A_508 = tpu.memref_slice %arg8[%dma_wait3A_505, %dma_wait3A_506, %dma_wait3A_507] : memref<12x128x64xbf16, #tpu.memory_space<vmem>> -> memref<1x128x64xbf16, #tpu.memory_space<vmem>>
      %dma_wait3A_509 = tpu.memref_squeeze %dma_wait3A_508 : memref<1x128x64xbf16, #tpu.memory_space<vmem>> -> memref<128x64xbf16, #tpu.memory_space<vmem>>
      %dma_wait3A_510 = arith.constant 0 : i32
      %dma_wait3A_511 = tpu.memref_slice %arg6[%add3A_504, %dma_wait3A_510] : memref<84x128xi32, #tpu.memory_space<vmem>> -> memref<1x128xi32, #tpu.memory_space<vmem>>
      %dma_wait3A_512 = tpu.memref_squeeze %dma_wait3A_511 : memref<1x128xi32, #tpu.memory_space<vmem>> -> memref<128xi32, #tpu.memory_space<vmem>>
      %dma_wait3A_513 = arith.constant 0 : i32
      %dma_wait3A_514 = arith.constant 0 : i32
      %dma_wait3A_515 = tpu.memref_slice %arg2[%dma_wait3A_513, %dma_wait3A_514] : memref<10240x64xbf16, #tpu.memory_space<hbm>> -> memref<10240x64xbf16, #tpu.memory_space<hbm>>
      tpu.wait_indirect_dma semaphore(%arg19 : memref<!tpu.dma_semaphore, #tpu.memory_space<semaphore_mem>>) src(%dma_wait3A_515 : memref<10240x64xbf16, #tpu.memory_space<hbm>>) dst(%dma_wait3A_509 : memref<128x64xbf16, #tpu.memory_space<vmem>>)
      %dma_start3A_516 = arith.constant 9 : i32
      %dma_start3A_517 = arith.constant 0 : i32
      %dma_start3A_518 = arith.constant 0 : i32
      %dma_start3A_519 = tpu.memref_slice %arg8[%dma_start3A_516, %dma_start3A_517, %dma_start3A_518] : memref<12x128x64xbf16, #tpu.memory_space<vmem>> -> memref<1x128x64xbf16, #tpu.memory_space<vmem>>
      %dma_start3A_520 = tpu.memref_squeeze %dma_start3A_519 : memref<1x128x64xbf16, #tpu.memory_space<vmem>> -> memref<128x64xbf16, #tpu.memory_space<vmem>>
      %dma_start3A_521 = arith.constant 0 : i32
      %dma_start3A_522 = tpu.memref_slice %arg7[%add3A_504, %dma_start3A_521] : memref<84x128xi32, #tpu.memory_space<vmem>> -> memref<1x128xi32, #tpu.memory_space<vmem>>
      %dma_start3A_523 = tpu.memref_squeeze %dma_start3A_522 : memref<1x128xi32, #tpu.memory_space<vmem>> -> memref<128xi32, #tpu.memory_space<vmem>>
      %dma_start3A_524 = arith.constant 0 : i32
      %dma_start3A_525 = arith.constant 0 : i32
      %dma_start3A_526 = tpu.memref_slice %arg9[%dma_start3A_524, %dma_start3A_525] : memref<10240x64xbf16, #tpu.memory_space<vmem_shared>> -> memref<10240x64xbf16, #tpu.memory_space<vmem_shared>>
      tpu.enqueue_indirect_dma source(%dma_start3A_520 : memref<128x64xbf16, #tpu.memory_space<vmem>>) target(%dma_start3A_526 : memref<10240x64xbf16, #tpu.memory_space<vmem_shared>>) offsets(%dma_start3A_523 : memref<128xi32, #tpu.memory_space<vmem>>) semaphore(%arg31 : memref<!tpu.dma_semaphore, #tpu.memory_space<semaphore_mem>>) {add = true}
      %add3A_527 = arith.constant 6 : i32
      %add3A_528 = arith.addi %add3A_504, %add3A_527 : i32
      %ge3A_529 = arith.constant 12 : i32
      %ge3A_530 = arith.cmpi sge, %add3A_528, %ge3A_529 : i32
      %convert_element_type3A_531 = arith.extui %ge3A_530 : i1 to i32
      %cond3A_532 = arith.constant 0 : i32
      %cond3A_533 = arith.cmpi ne, %convert_element_type3A_531, %cond3A_532 : i32
      scf.if %cond3A_533 {
        %sub3A = arith.constant 12 : i32
        %sub3A_615 = arith.subi %add3A_528, %sub3A : i32
        %dma_wait3A_616 = arith.constant 3 : i32
        %dma_wait3A_617 = arith.constant 0 : i32
        %dma_wait3A_618 = arith.constant 0 : i32
        %dma_wait3A_619 = tpu.memref_slice %arg8[%dma_wait3A_616, %dma_wait3A_617, %dma_wait3A_618] : memref<12x128x64xbf16, #tpu.memory_space<vmem>> -> memref<1x128x64xbf16, #tpu.memory_space<vmem>>
        %dma_wait3A_620 = tpu.memref_squeeze %dma_wait3A_619 : memref<1x128x64xbf16, #tpu.memory_space<vmem>> -> memref<128x64xbf16, #tpu.memory_space<vmem>>
        %dma_wait3A_621 = arith.constant 0 : i32
        %dma_wait3A_622 = tpu.memref_slice %arg7[%sub3A_615, %dma_wait3A_621] : memref<84x128xi32, #tpu.memory_space<vmem>> -> memref<1x128xi32, #tpu.memory_space<vmem>>
        %dma_wait3A_623 = tpu.memref_squeeze %dma_wait3A_622 : memref<1x128xi32, #tpu.memory_space<vmem>> -> memref<128xi32, #tpu.memory_space<vmem>>
        %dma_wait3A_624 = arith.constant 0 : i32
        %dma_wait3A_625 = arith.constant 0 : i32
        %dma_wait3A_626 = tpu.memref_slice %arg9[%dma_wait3A_624, %dma_wait3A_625] : memref<10240x64xbf16, #tpu.memory_space<vmem_shared>> -> memref<10240x64xbf16, #tpu.memory_space<vmem_shared>>
        tpu.wait_indirect_dma semaphore(%arg25 : memref<!tpu.dma_semaphore, #tpu.memory_space<semaphore_mem>>) src(%dma_wait3A_620 : memref<128x64xbf16, #tpu.memory_space<vmem>>) dst(%dma_wait3A_626 : memref<10240x64xbf16, #tpu.memory_space<vmem_shared>>)
      } else {
      }
      %lt3A_534 = arith.constant 84 : i32
      %lt3A_535 = arith.cmpi slt, %add3A_528, %lt3A_534 : i32
      %convert_element_type3A_536 = arith.extui %lt3A_535 : i1 to i32
      %cond3A_537 = arith.constant 0 : i32
      %cond3A_538 = arith.cmpi ne, %convert_element_type3A_536, %cond3A_537 : i32
      scf.if %cond3A_538 {
        %dma_start3A_615 = arith.constant 3 : i32
        %dma_start3A_616 = arith.constant 0 : i32
        %dma_start3A_617 = arith.constant 0 : i32
        %dma_start3A_618 = tpu.memref_slice %arg8[%dma_start3A_615, %dma_start3A_616, %dma_start3A_617] : memref<12x128x64xbf16, #tpu.memory_space<vmem>> -> memref<1x128x64xbf16, #tpu.memory_space<vmem>>
        %dma_start3A_619 = tpu.memref_squeeze %dma_start3A_618 : memref<1x128x64xbf16, #tpu.memory_space<vmem>> -> memref<128x64xbf16, #tpu.memory_space<vmem>>
        %dma_start3A_620 = arith.constant 0 : i32
        %dma_start3A_621 = tpu.memref_slice %arg6[%add3A_528, %dma_start3A_620] : memref<84x128xi32, #tpu.memory_space<vmem>> -> memref<1x128xi32, #tpu.memory_space<vmem>>
        %dma_start3A_622 = tpu.memref_squeeze %dma_start3A_621 : memref<1x128xi32, #tpu.memory_space<vmem>> -> memref<128xi32, #tpu.memory_space<vmem>>
        %dma_start3A_623 = arith.constant 0 : i32
        %dma_start3A_624 = arith.constant 0 : i32
        %dma_start3A_625 = tpu.memref_slice %arg2[%dma_start3A_623, %dma_start3A_624] : memref<10240x64xbf16, #tpu.memory_space<hbm>> -> memref<10240x64xbf16, #tpu.memory_space<hbm>>
        tpu.enqueue_indirect_dma source(%dma_start3A_625 : memref<10240x64xbf16, #tpu.memory_space<hbm>>) target(%dma_start3A_619 : memref<128x64xbf16, #tpu.memory_space<vmem>>) offsets(%dma_start3A_622 : memref<128xi32, #tpu.memory_space<vmem>>) semaphore(%arg13 : memref<!tpu.dma_semaphore, #tpu.memory_space<semaphore_mem>>)
      } else {
      }
      %mul3A_539 = arith.constant 12 : i32
      %mul3A_540 = arith.muli %mul3A_539, %scan3A_163 : i32
      %add3A_541 = arith.constant 10 : i32
      %add3A_542 = arith.addi %mul3A_540, %add3A_541 : i32
      %dma_wait3A_543 = arith.constant 10 : i32
      %dma_wait3A_544 = arith.constant 0 : i32
      %dma_wait3A_545 = arith.constant 0 : i32
      %dma_wait3A_546 = tpu.memref_slice %arg8[%dma_wait3A_543, %dma_wait3A_544, %dma_wait3A_545] : memref<12x128x64xbf16, #tpu.memory_space<vmem>> -> memref<1x128x64xbf16, #tpu.memory_space<vmem>>
      %dma_wait3A_547 = tpu.memref_squeeze %dma_wait3A_546 : memref<1x128x64xbf16, #tpu.memory_space<vmem>> -> memref<128x64xbf16, #tpu.memory_space<vmem>>
      %dma_wait3A_548 = arith.constant 0 : i32
      %dma_wait3A_549 = tpu.memref_slice %arg6[%add3A_542, %dma_wait3A_548] : memref<84x128xi32, #tpu.memory_space<vmem>> -> memref<1x128xi32, #tpu.memory_space<vmem>>
      %dma_wait3A_550 = tpu.memref_squeeze %dma_wait3A_549 : memref<1x128xi32, #tpu.memory_space<vmem>> -> memref<128xi32, #tpu.memory_space<vmem>>
      %dma_wait3A_551 = arith.constant 0 : i32
      %dma_wait3A_552 = arith.constant 0 : i32
      %dma_wait3A_553 = tpu.memref_slice %arg2[%dma_wait3A_551, %dma_wait3A_552] : memref<10240x64xbf16, #tpu.memory_space<hbm>> -> memref<10240x64xbf16, #tpu.memory_space<hbm>>
      tpu.wait_indirect_dma semaphore(%arg20 : memref<!tpu.dma_semaphore, #tpu.memory_space<semaphore_mem>>) src(%dma_wait3A_553 : memref<10240x64xbf16, #tpu.memory_space<hbm>>) dst(%dma_wait3A_547 : memref<128x64xbf16, #tpu.memory_space<vmem>>)
      %dma_start3A_554 = arith.constant 10 : i32
      %dma_start3A_555 = arith.constant 0 : i32
      %dma_start3A_556 = arith.constant 0 : i32
      %dma_start3A_557 = tpu.memref_slice %arg8[%dma_start3A_554, %dma_start3A_555, %dma_start3A_556] : memref<12x128x64xbf16, #tpu.memory_space<vmem>> -> memref<1x128x64xbf16, #tpu.memory_space<vmem>>
      %dma_start3A_558 = tpu.memref_squeeze %dma_start3A_557 : memref<1x128x64xbf16, #tpu.memory_space<vmem>> -> memref<128x64xbf16, #tpu.memory_space<vmem>>
      %dma_start3A_559 = arith.constant 0 : i32
      %dma_start3A_560 = tpu.memref_slice %arg7[%add3A_542, %dma_start3A_559] : memref<84x128xi32, #tpu.memory_space<vmem>> -> memref<1x128xi32, #tpu.memory_space<vmem>>
      %dma_start3A_561 = tpu.memref_squeeze %dma_start3A_560 : memref<1x128xi32, #tpu.memory_space<vmem>> -> memref<128xi32, #tpu.memory_space<vmem>>
      %dma_start3A_562 = arith.constant 0 : i32
      %dma_start3A_563 = arith.constant 0 : i32
      %dma_start3A_564 = tpu.memref_slice %arg9[%dma_start3A_562, %dma_start3A_563] : memref<10240x64xbf16, #tpu.memory_space<vmem_shared>> -> memref<10240x64xbf16, #tpu.memory_space<vmem_shared>>
      tpu.enqueue_indirect_dma source(%dma_start3A_558 : memref<128x64xbf16, #tpu.memory_space<vmem>>) target(%dma_start3A_564 : memref<10240x64xbf16, #tpu.memory_space<vmem_shared>>) offsets(%dma_start3A_561 : memref<128xi32, #tpu.memory_space<vmem>>) semaphore(%arg32 : memref<!tpu.dma_semaphore, #tpu.memory_space<semaphore_mem>>) {add = true}
      %add3A_565 = arith.constant 6 : i32
      %add3A_566 = arith.addi %add3A_542, %add3A_565 : i32
      %ge3A_567 = arith.constant 12 : i32
      %ge3A_568 = arith.cmpi sge, %add3A_566, %ge3A_567 : i32
      %convert_element_type3A_569 = arith.extui %ge3A_568 : i1 to i32
      %cond3A_570 = arith.constant 0 : i32
      %cond3A_571 = arith.cmpi ne, %convert_element_type3A_569, %cond3A_570 : i32
      scf.if %cond3A_571 {
        %sub3A = arith.constant 12 : i32
        %sub3A_615 = arith.subi %add3A_566, %sub3A : i32
        %dma_wait3A_616 = arith.constant 4 : i32
        %dma_wait3A_617 = arith.constant 0 : i32
        %dma_wait3A_618 = arith.constant 0 : i32
        %dma_wait3A_619 = tpu.memref_slice %arg8[%dma_wait3A_616, %dma_wait3A_617, %dma_wait3A_618] : memref<12x128x64xbf16, #tpu.memory_space<vmem>> -> memref<1x128x64xbf16, #tpu.memory_space<vmem>>
        %dma_wait3A_620 = tpu.memref_squeeze %dma_wait3A_619 : memref<1x128x64xbf16, #tpu.memory_space<vmem>> -> memref<128x64xbf16, #tpu.memory_space<vmem>>
        %dma_wait3A_621 = arith.constant 0 : i32
        %dma_wait3A_622 = tpu.memref_slice %arg7[%sub3A_615, %dma_wait3A_621] : memref<84x128xi32, #tpu.memory_space<vmem>> -> memref<1x128xi32, #tpu.memory_space<vmem>>
        %dma_wait3A_623 = tpu.memref_squeeze %dma_wait3A_622 : memref<1x128xi32, #tpu.memory_space<vmem>> -> memref<128xi32, #tpu.memory_space<vmem>>
        %dma_wait3A_624 = arith.constant 0 : i32
        %dma_wait3A_625 = arith.constant 0 : i32
        %dma_wait3A_626 = tpu.memref_slice %arg9[%dma_wait3A_624, %dma_wait3A_625] : memref<10240x64xbf16, #tpu.memory_space<vmem_shared>> -> memref<10240x64xbf16, #tpu.memory_space<vmem_shared>>
        tpu.wait_indirect_dma semaphore(%arg26 : memref<!tpu.dma_semaphore, #tpu.memory_space<semaphore_mem>>) src(%dma_wait3A_620 : memref<128x64xbf16, #tpu.memory_space<vmem>>) dst(%dma_wait3A_626 : memref<10240x64xbf16, #tpu.memory_space<vmem_shared>>)
      } else {
      }
      %lt3A_572 = arith.constant 84 : i32
      %lt3A_573 = arith.cmpi slt, %add3A_566, %lt3A_572 : i32
      %convert_element_type3A_574 = arith.extui %lt3A_573 : i1 to i32
      %cond3A_575 = arith.constant 0 : i32
      %cond3A_576 = arith.cmpi ne, %convert_element_type3A_574, %cond3A_575 : i32
      scf.if %cond3A_576 {
        %dma_start3A_615 = arith.constant 4 : i32
        %dma_start3A_616 = arith.constant 0 : i32
        %dma_start3A_617 = arith.constant 0 : i32
        %dma_start3A_618 = tpu.memref_slice %arg8[%dma_start3A_615, %dma_start3A_616, %dma_start3A_617] : memref<12x128x64xbf16, #tpu.memory_space<vmem>> -> memref<1x128x64xbf16, #tpu.memory_space<vmem>>
        %dma_start3A_619 = tpu.memref_squeeze %dma_start3A_618 : memref<1x128x64xbf16, #tpu.memory_space<vmem>> -> memref<128x64xbf16, #tpu.memory_space<vmem>>
        %dma_start3A_620 = arith.constant 0 : i32
        %dma_start3A_621 = tpu.memref_slice %arg6[%add3A_566, %dma_start3A_620] : memref<84x128xi32, #tpu.memory_space<vmem>> -> memref<1x128xi32, #tpu.memory_space<vmem>>
        %dma_start3A_622 = tpu.memref_squeeze %dma_start3A_621 : memref<1x128xi32, #tpu.memory_space<vmem>> -> memref<128xi32, #tpu.memory_space<vmem>>
        %dma_start3A_623 = arith.constant 0 : i32
        %dma_start3A_624 = arith.constant 0 : i32
        %dma_start3A_625 = tpu.memref_slice %arg2[%dma_start3A_623, %dma_start3A_624] : memref<10240x64xbf16, #tpu.memory_space<hbm>> -> memref<10240x64xbf16, #tpu.memory_space<hbm>>
        tpu.enqueue_indirect_dma source(%dma_start3A_625 : memref<10240x64xbf16, #tpu.memory_space<hbm>>) target(%dma_start3A_619 : memref<128x64xbf16, #tpu.memory_space<vmem>>) offsets(%dma_start3A_622 : memref<128xi32, #tpu.memory_space<vmem>>) semaphore(%arg14 : memref<!tpu.dma_semaphore, #tpu.memory_space<semaphore_mem>>)
      } else {
      }
      %mul3A_577 = arith.constant 12 : i32
      %mul3A_578 = arith.muli %mul3A_577, %scan3A_163 : i32
      %add3A_579 = arith.constant 11 : i32
      %add3A_580 = arith.addi %mul3A_578, %add3A_579 : i32
      %dma_wait3A_581 = arith.constant 11 : i32
      %dma_wait3A_582 = arith.constant 0 : i32
      %dma_wait3A_583 = arith.constant 0 : i32
      %dma_wait3A_584 = tpu.memref_slice %arg8[%dma_wait3A_581, %dma_wait3A_582, %dma_wait3A_583] : memref<12x128x64xbf16, #tpu.memory_space<vmem>> -> memref<1x128x64xbf16, #tpu.memory_space<vmem>>
      %dma_wait3A_585 = tpu.memref_squeeze %dma_wait3A_584 : memref<1x128x64xbf16, #tpu.memory_space<vmem>> -> memref<128x64xbf16, #tpu.memory_space<vmem>>
      %dma_wait3A_586 = arith.constant 0 : i32
      %dma_wait3A_587 = tpu.memref_slice %arg6[%add3A_580, %dma_wait3A_586] : memref<84x128xi32, #tpu.memory_space<vmem>> -> memref<1x128xi32, #tpu.memory_space<vmem>>
      %dma_wait3A_588 = tpu.memref_squeeze %dma_wait3A_587 : memref<1x128xi32, #tpu.memory_space<vmem>> -> memref<128xi32, #tpu.memory_space<vmem>>
      %dma_wait3A_589 = arith.constant 0 : i32
      %dma_wait3A_590 = arith.constant 0 : i32
      %dma_wait3A_591 = tpu.memref_slice %arg2[%dma_wait3A_589, %dma_wait3A_590] : memref<10240x64xbf16, #tpu.memory_space<hbm>> -> memref<10240x64xbf16, #tpu.memory_space<hbm>>
      tpu.wait_indirect_dma semaphore(%arg21 : memref<!tpu.dma_semaphore, #tpu.memory_space<semaphore_mem>>) src(%dma_wait3A_591 : memref<10240x64xbf16, #tpu.memory_space<hbm>>) dst(%dma_wait3A_585 : memref<128x64xbf16, #tpu.memory_space<vmem>>)
      %dma_start3A_592 = arith.constant 11 : i32
      %dma_start3A_593 = arith.constant 0 : i32
      %dma_start3A_594 = arith.constant 0 : i32
      %dma_start3A_595 = tpu.memref_slice %arg8[%dma_start3A_592, %dma_start3A_593, %dma_start3A_594] : memref<12x128x64xbf16, #tpu.memory_space<vmem>> -> memref<1x128x64xbf16, #tpu.memory_space<vmem>>
      %dma_start3A_596 = tpu.memref_squeeze %dma_start3A_595 : memref<1x128x64xbf16, #tpu.memory_space<vmem>> -> memref<128x64xbf16, #tpu.memory_space<vmem>>
      %dma_start3A_597 = arith.constant 0 : i32
      %dma_start3A_598 = tpu.memref_slice %arg7[%add3A_580, %dma_start3A_597] : memref<84x128xi32, #tpu.memory_space<vmem>> -> memref<1x128xi32, #tpu.memory_space<vmem>>
      %dma_start3A_599 = tpu.memref_squeeze %dma_start3A_598 : memref<1x128xi32, #tpu.memory_space<vmem>> -> memref<128xi32, #tpu.memory_space<vmem>>
      %dma_start3A_600 = arith.constant 0 : i32
      %dma_start3A_601 = arith.constant 0 : i32
      %dma_start3A_602 = tpu.memref_slice %arg9[%dma_start3A_600, %dma_start3A_601] : memref<10240x64xbf16, #tpu.memory_space<vmem_shared>> -> memref<10240x64xbf16, #tpu.memory_space<vmem_shared>>
      tpu.enqueue_indirect_dma source(%dma_start3A_596 : memref<128x64xbf16, #tpu.memory_space<vmem>>) target(%dma_start3A_602 : memref<10240x64xbf16, #tpu.memory_space<vmem_shared>>) offsets(%dma_start3A_599 : memref<128xi32, #tpu.memory_space<vmem>>) semaphore(%arg33 : memref<!tpu.dma_semaphore, #tpu.memory_space<semaphore_mem>>) {add = true}
      %add3A_603 = arith.constant 6 : i32
      %add3A_604 = arith.addi %add3A_580, %add3A_603 : i32
      %ge3A_605 = arith.constant 12 : i32
      %ge3A_606 = arith.cmpi sge, %add3A_604, %ge3A_605 : i32
      %convert_element_type3A_607 = arith.extui %ge3A_606 : i1 to i32
      %cond3A_608 = arith.constant 0 : i32
      %cond3A_609 = arith.cmpi ne, %convert_element_type3A_607, %cond3A_608 : i32
      scf.if %cond3A_609 {
        %sub3A = arith.constant 12 : i32
        %sub3A_615 = arith.subi %add3A_604, %sub3A : i32
        %dma_wait3A_616 = arith.constant 5 : i32
        %dma_wait3A_617 = arith.constant 0 : i32
        %dma_wait3A_618 = arith.constant 0 : i32
        %dma_wait3A_619 = tpu.memref_slice %arg8[%dma_wait3A_616, %dma_wait3A_617, %dma_wait3A_618] : memref<12x128x64xbf16, #tpu.memory_space<vmem>> -> memref<1x128x64xbf16, #tpu.memory_space<vmem>>
        %dma_wait3A_620 = tpu.memref_squeeze %dma_wait3A_619 : memref<1x128x64xbf16, #tpu.memory_space<vmem>> -> memref<128x64xbf16, #tpu.memory_space<vmem>>
        %dma_wait3A_621 = arith.constant 0 : i32
        %dma_wait3A_622 = tpu.memref_slice %arg7[%sub3A_615, %dma_wait3A_621] : memref<84x128xi32, #tpu.memory_space<vmem>> -> memref<1x128xi32, #tpu.memory_space<vmem>>
        %dma_wait3A_623 = tpu.memref_squeeze %dma_wait3A_622 : memref<1x128xi32, #tpu.memory_space<vmem>> -> memref<128xi32, #tpu.memory_space<vmem>>
        %dma_wait3A_624 = arith.constant 0 : i32
        %dma_wait3A_625 = arith.constant 0 : i32
        %dma_wait3A_626 = tpu.memref_slice %arg9[%dma_wait3A_624, %dma_wait3A_625] : memref<10240x64xbf16, #tpu.memory_space<vmem_shared>> -> memref<10240x64xbf16, #tpu.memory_space<vmem_shared>>
        tpu.wait_indirect_dma semaphore(%arg27 : memref<!tpu.dma_semaphore, #tpu.memory_space<semaphore_mem>>) src(%dma_wait3A_620 : memref<128x64xbf16, #tpu.memory_space<vmem>>) dst(%dma_wait3A_626 : memref<10240x64xbf16, #tpu.memory_space<vmem_shared>>)
      } else {
      }
      %lt3A_610 = arith.constant 84 : i32
      %lt3A_611 = arith.cmpi slt, %add3A_604, %lt3A_610 : i32
      %convert_element_type3A_612 = arith.extui %lt3A_611 : i1 to i32
      %cond3A_613 = arith.constant 0 : i32
      %cond3A_614 = arith.cmpi ne, %convert_element_type3A_612, %cond3A_613 : i32
      scf.if %cond3A_614 {
        %dma_start3A_615 = arith.constant 5 : i32
        %dma_start3A_616 = arith.constant 0 : i32
        %dma_start3A_617 = arith.constant 0 : i32
        %dma_start3A_618 = tpu.memref_slice %arg8[%dma_start3A_615, %dma_start3A_616, %dma_start3A_617] : memref<12x128x64xbf16, #tpu.memory_space<vmem>> -> memref<1x128x64xbf16, #tpu.memory_space<vmem>>
        %dma_start3A_619 = tpu.memref_squeeze %dma_start3A_618 : memref<1x128x64xbf16, #tpu.memory_space<vmem>> -> memref<128x64xbf16, #tpu.memory_space<vmem>>
        %dma_start3A_620 = arith.constant 0 : i32
        %dma_start3A_621 = tpu.memref_slice %arg6[%add3A_604, %dma_start3A_620] : memref<84x128xi32, #tpu.memory_space<vmem>> -> memref<1x128xi32, #tpu.memory_space<vmem>>
        %dma_start3A_622 = tpu.memref_squeeze %dma_start3A_621 : memref<1x128xi32, #tpu.memory_space<vmem>> -> memref<128xi32, #tpu.memory_space<vmem>>
        %dma_start3A_623 = arith.constant 0 : i32
        %dma_start3A_624 = arith.constant 0 : i32
        %dma_start3A_625 = tpu.memref_slice %arg2[%dma_start3A_623, %dma_start3A_624] : memref<10240x64xbf16, #tpu.memory_space<hbm>> -> memref<10240x64xbf16, #tpu.memory_space<hbm>>
        tpu.enqueue_indirect_dma source(%dma_start3A_625 : memref<10240x64xbf16, #tpu.memory_space<hbm>>) target(%dma_start3A_619 : memref<128x64xbf16, #tpu.memory_space<vmem>>) offsets(%dma_start3A_622 : memref<128xi32, #tpu.memory_space<vmem>>) semaphore(%arg15 : memref<!tpu.dma_semaphore, #tpu.memory_space<semaphore_mem>>)
      } else {
      }
    }
    %scan3A_85 = arith.constant 7 : i32
    %dma_wait3A_86 = arith.constant 6 : i32
    %dma_wait3A_87 = arith.constant 78 : i32
    %dma_wait3A_88 = arith.constant 0 : i32
    %dma_wait3A_89 = arith.constant 0 : i32
    %dma_wait3A_90 = tpu.memref_slice %arg8[%dma_wait3A_86, %dma_wait3A_88, %dma_wait3A_89] : memref<12x128x64xbf16, #tpu.memory_space<vmem>> -> memref<1x128x64xbf16, #tpu.memory_space<vmem>>
    %dma_wait3A_91 = tpu.memref_squeeze %dma_wait3A_90 : memref<1x128x64xbf16, #tpu.memory_space<vmem>> -> memref<128x64xbf16, #tpu.memory_space<vmem>>
    %dma_wait3A_92 = arith.constant 0 : i32
    %dma_wait3A_93 = tpu.memref_slice %arg7[%dma_wait3A_87, %dma_wait3A_92] : memref<84x128xi32, #tpu.memory_space<vmem>> -> memref<1x128xi32, #tpu.memory_space<vmem>>
    %dma_wait3A_94 = tpu.memref_squeeze %dma_wait3A_93 : memref<1x128xi32, #tpu.memory_space<vmem>> -> memref<128xi32, #tpu.memory_space<vmem>>
    %dma_wait3A_95 = arith.constant 0 : i32
    %dma_wait3A_96 = arith.constant 0 : i32
    %dma_wait3A_97 = tpu.memref_slice %arg9[%dma_wait3A_95, %dma_wait3A_96] : memref<10240x64xbf16, #tpu.memory_space<vmem_shared>> -> memref<10240x64xbf16, #tpu.memory_space<vmem_shared>>
    tpu.wait_indirect_dma semaphore(%arg28 : memref<!tpu.dma_semaphore, #tpu.memory_space<semaphore_mem>>) src(%dma_wait3A_91 : memref<128x64xbf16, #tpu.memory_space<vmem>>) dst(%dma_wait3A_97 : memref<10240x64xbf16, #tpu.memory_space<vmem_shared>>)
    %dma_wait3A_98 = arith.constant 7 : i32
    %dma_wait3A_99 = arith.constant 79 : i32
    %dma_wait3A_100 = arith.constant 0 : i32
    %dma_wait3A_101 = arith.constant 0 : i32
    %dma_wait3A_102 = tpu.memref_slice %arg8[%dma_wait3A_98, %dma_wait3A_100, %dma_wait3A_101] : memref<12x128x64xbf16, #tpu.memory_space<vmem>> -> memref<1x128x64xbf16, #tpu.memory_space<vmem>>
    %dma_wait3A_103 = tpu.memref_squeeze %dma_wait3A_102 : memref<1x128x64xbf16, #tpu.memory_space<vmem>> -> memref<128x64xbf16, #tpu.memory_space<vmem>>
    %dma_wait3A_104 = arith.constant 0 : i32
    %dma_wait3A_105 = tpu.memref_slice %arg7[%dma_wait3A_99, %dma_wait3A_104] : memref<84x128xi32, #tpu.memory_space<vmem>> -> memref<1x128xi32, #tpu.memory_space<vmem>>
    %dma_wait3A_106 = tpu.memref_squeeze %dma_wait3A_105 : memref<1x128xi32, #tpu.memory_space<vmem>> -> memref<128xi32, #tpu.memory_space<vmem>>
    %dma_wait3A_107 = arith.constant 0 : i32
    %dma_wait3A_108 = arith.constant 0 : i32
    %dma_wait3A_109 = tpu.memref_slice %arg9[%dma_wait3A_107, %dma_wait3A_108] : memref<10240x64xbf16, #tpu.memory_space<vmem_shared>> -> memref<10240x64xbf16, #tpu.memory_space<vmem_shared>>
    tpu.wait_indirect_dma semaphore(%arg29 : memref<!tpu.dma_semaphore, #tpu.memory_space<semaphore_mem>>) src(%dma_wait3A_103 : memref<128x64xbf16, #tpu.memory_space<vmem>>) dst(%dma_wait3A_109 : memref<10240x64xbf16, #tpu.memory_space<vmem_shared>>)
    %dma_wait3A_110 = arith.constant 8 : i32
    %dma_wait3A_111 = arith.constant 80 : i32
    %dma_wait3A_112 = arith.constant 0 : i32
    %dma_wait3A_113 = arith.constant 0 : i32
    %dma_wait3A_114 = tpu.memref_slice %arg8[%dma_wait3A_110, %dma_wait3A_112, %dma_wait3A_113] : memref<12x128x64xbf16, #tpu.memory_space<vmem>> -> memref<1x128x64xbf16, #tpu.memory_space<vmem>>
    %dma_wait3A_115 = tpu.memref_squeeze %dma_wait3A_114 : memref<1x128x64xbf16, #tpu.memory_space<vmem>> -> memref<128x64xbf16, #tpu.memory_space<vmem>>
    %dma_wait3A_116 = arith.constant 0 : i32
    %dma_wait3A_117 = tpu.memref_slice %arg7[%dma_wait3A_111, %dma_wait3A_116] : memref<84x128xi32, #tpu.memory_space<vmem>> -> memref<1x128xi32, #tpu.memory_space<vmem>>
    %dma_wait3A_118 = tpu.memref_squeeze %dma_wait3A_117 : memref<1x128xi32, #tpu.memory_space<vmem>> -> memref<128xi32, #tpu.memory_space<vmem>>
    %dma_wait3A_119 = arith.constant 0 : i32
    %dma_wait3A_120 = arith.constant 0 : i32
    %dma_wait3A_121 = tpu.memref_slice %arg9[%dma_wait3A_119, %dma_wait3A_120] : memref<10240x64xbf16, #tpu.memory_space<vmem_shared>> -> memref<10240x64xbf16, #tpu.memory_space<vmem_shared>>
    tpu.wait_indirect_dma semaphore(%arg30 : memref<!tpu.dma_semaphore, #tpu.memory_space<semaphore_mem>>) src(%dma_wait3A_115 : memref<128x64xbf16, #tpu.memory_space<vmem>>) dst(%dma_wait3A_121 : memref<10240x64xbf16, #tpu.memory_space<vmem_shared>>)
    %dma_wait3A_122 = arith.constant 9 : i32
    %dma_wait3A_123 = arith.constant 81 : i32
    %dma_wait3A_124 = arith.constant 0 : i32
    %dma_wait3A_125 = arith.constant 0 : i32
    %dma_wait3A_126 = tpu.memref_slice %arg8[%dma_wait3A_122, %dma_wait3A_124, %dma_wait3A_125] : memref<12x128x64xbf16, #tpu.memory_space<vmem>> -> memref<1x128x64xbf16, #tpu.memory_space<vmem>>
    %dma_wait3A_127 = tpu.memref_squeeze %dma_wait3A_126 : memref<1x128x64xbf16, #tpu.memory_space<vmem>> -> memref<128x64xbf16, #tpu.memory_space<vmem>>
    %dma_wait3A_128 = arith.constant 0 : i32
    %dma_wait3A_129 = tpu.memref_slice %arg7[%dma_wait3A_123, %dma_wait3A_128] : memref<84x128xi32, #tpu.memory_space<vmem>> -> memref<1x128xi32, #tpu.memory_space<vmem>>
    %dma_wait3A_130 = tpu.memref_squeeze %dma_wait3A_129 : memref<1x128xi32, #tpu.memory_space<vmem>> -> memref<128xi32, #tpu.memory_space<vmem>>
    %dma_wait3A_131 = arith.constant 0 : i32
    %dma_wait3A_132 = arith.constant 0 : i32
    %dma_wait3A_133 = tpu.memref_slice %arg9[%dma_wait3A_131, %dma_wait3A_132] : memref<10240x64xbf16, #tpu.memory_space<vmem_shared>> -> memref<10240x64xbf16, #tpu.memory_space<vmem_shared>>
    tpu.wait_indirect_dma semaphore(%arg31 : memref<!tpu.dma_semaphore, #tpu.memory_space<semaphore_mem>>) src(%dma_wait3A_127 : memref<128x64xbf16, #tpu.memory_space<vmem>>) dst(%dma_wait3A_133 : memref<10240x64xbf16, #tpu.memory_space<vmem_shared>>)
    %dma_wait3A_134 = arith.constant 10 : i32
    %dma_wait3A_135 = arith.constant 82 : i32
    %dma_wait3A_136 = arith.constant 0 : i32
    %dma_wait3A_137 = arith.constant 0 : i32
    %dma_wait3A_138 = tpu.memref_slice %arg8[%dma_wait3A_134, %dma_wait3A_136, %dma_wait3A_137] : memref<12x128x64xbf16, #tpu.memory_space<vmem>> -> memref<1x128x64xbf16, #tpu.memory_space<vmem>>
    %dma_wait3A_139 = tpu.memref_squeeze %dma_wait3A_138 : memref<1x128x64xbf16, #tpu.memory_space<vmem>> -> memref<128x64xbf16, #tpu.memory_space<vmem>>
    %dma_wait3A_140 = arith.constant 0 : i32
    %dma_wait3A_141 = tpu.memref_slice %arg7[%dma_wait3A_135, %dma_wait3A_140] : memref<84x128xi32, #tpu.memory_space<vmem>> -> memref<1x128xi32, #tpu.memory_space<vmem>>
    %dma_wait3A_142 = tpu.memref_squeeze %dma_wait3A_141 : memref<1x128xi32, #tpu.memory_space<vmem>> -> memref<128xi32, #tpu.memory_space<vmem>>
    %dma_wait3A_143 = arith.constant 0 : i32
    %dma_wait3A_144 = arith.constant 0 : i32
    %dma_wait3A_145 = tpu.memref_slice %arg9[%dma_wait3A_143, %dma_wait3A_144] : memref<10240x64xbf16, #tpu.memory_space<vmem_shared>> -> memref<10240x64xbf16, #tpu.memory_space<vmem_shared>>
    tpu.wait_indirect_dma semaphore(%arg32 : memref<!tpu.dma_semaphore, #tpu.memory_space<semaphore_mem>>) src(%dma_wait3A_139 : memref<128x64xbf16, #tpu.memory_space<vmem>>) dst(%dma_wait3A_145 : memref<10240x64xbf16, #tpu.memory_space<vmem_shared>>)
    %dma_wait3A_146 = arith.constant 11 : i32
    %dma_wait3A_147 = arith.constant 83 : i32
    %dma_wait3A_148 = arith.constant 0 : i32
    %dma_wait3A_149 = arith.constant 0 : i32
    %dma_wait3A_150 = tpu.memref_slice %arg8[%dma_wait3A_146, %dma_wait3A_148, %dma_wait3A_149] : memref<12x128x64xbf16, #tpu.memory_space<vmem>> -> memref<1x128x64xbf16, #tpu.memory_space<vmem>>
    %dma_wait3A_151 = tpu.memref_squeeze %dma_wait3A_150 : memref<1x128x64xbf16, #tpu.memory_space<vmem>> -> memref<128x64xbf16, #tpu.memory_space<vmem>>
    %dma_wait3A_152 = arith.constant 0 : i32
    %dma_wait3A_153 = tpu.memref_slice %arg7[%dma_wait3A_147, %dma_wait3A_152] : memref<84x128xi32, #tpu.memory_space<vmem>> -> memref<1x128xi32, #tpu.memory_space<vmem>>
    %dma_wait3A_154 = tpu.memref_squeeze %dma_wait3A_153 : memref<1x128xi32, #tpu.memory_space<vmem>> -> memref<128xi32, #tpu.memory_space<vmem>>
    %dma_wait3A_155 = arith.constant 0 : i32
    %dma_wait3A_156 = arith.constant 0 : i32
    %dma_wait3A_157 = tpu.memref_slice %arg9[%dma_wait3A_155, %dma_wait3A_156] : memref<10240x64xbf16, #tpu.memory_space<vmem_shared>> -> memref<10240x64xbf16, #tpu.memory_space<vmem_shared>>
    tpu.wait_indirect_dma semaphore(%arg33 : memref<!tpu.dma_semaphore, #tpu.memory_space<semaphore_mem>>) src(%dma_wait3A_151 : memref<128x64xbf16, #tpu.memory_space<vmem>>) dst(%dma_wait3A_157 : memref<10240x64xbf16, #tpu.memory_space<vmem_shared>>)
    %barrier3A_158 = arith.constant 0 : index
    tpu.barrier barrier_id(%barrier3A_158)
    %mul3A_159 = arith.constant 640 : i32
    %mul3A_160 = arith.muli %arg1, %mul3A_159 : i32
    %mul3A_161 = arith.constant 640 : i32
    %mul3A_162 = arith.muli %arg1, %mul3A_161 : i32
    "tpu.region"() ({
      %run_scoped3A = tpu.sem_alloc : memref<!tpu.dma_semaphore, #tpu.memory_space<semaphore_mem>>
      %dma_start3A_163 = arith.constant 0 : i32
      %dma_start3A_164 = tpu.memref_slice %arg5[%arg0, %mul3A_162, %dma_start3A_163] : memref<2x10240x64xbf16, #tpu.memory_space<hbm>> -> memref<1x640x64xbf16, #tpu.memory_space<hbm>>
      %dma_start3A_165 = tpu.memref_squeeze %dma_start3A_164 : memref<1x640x64xbf16, #tpu.memory_space<hbm>> -> memref<640x64xbf16, #tpu.memory_space<hbm>>
      %dma_start3A_166 = arith.constant 0 : i32
      %dma_start3A_167 = tpu.memref_slice %arg9[%mul3A_160, %dma_start3A_166] : memref<10240x64xbf16, #tpu.memory_space<vmem_shared>> -> memref<640x64xbf16, #tpu.memory_space<vmem_shared>>
      tpu.enqueue_dma source(%dma_start3A_167 : memref<640x64xbf16, #tpu.memory_space<vmem_shared>>) target(%dma_start3A_165 : memref<640x64xbf16, #tpu.memory_space<hbm>>) target_semaphore(%run_scoped3A : memref<!tpu.dma_semaphore, #tpu.memory_space<semaphore_mem>>)
      %dma_wait3A_168 = arith.constant 0 : i32
      %dma_wait3A_169 = tpu.memref_slice %arg5[%arg0, %mul3A_162, %dma_wait3A_168] : memref<2x10240x64xbf16, #tpu.memory_space<hbm>> -> memref<1x640x64xbf16, #tpu.memory_space<hbm>>
      %dma_wait3A_170 = tpu.memref_squeeze %dma_wait3A_169 : memref<1x640x64xbf16, #tpu.memory_space<hbm>> -> memref<640x64xbf16, #tpu.memory_space<hbm>>
      %dma_wait3A_171 = arith.constant 0 : i32
      %dma_wait3A_172 = tpu.memref_slice %arg9[%mul3A_160, %dma_wait3A_171] : memref<10240x64xbf16, #tpu.memory_space<vmem_shared>> -> memref<640x64xbf16, #tpu.memory_space<vmem_shared>>
      tpu.wait_dma2 semaphore(%run_scoped3A : memref<!tpu.dma_semaphore, #tpu.memory_space<semaphore_mem>>) src(%dma_wait3A_172 : memref<640x64xbf16, #tpu.memory_space<vmem_shared>>) dst(%dma_wait3A_170 : memref<640x64xbf16, #tpu.memory_space<hbm>>)
      tpu.yield
    }) : () -> ()
    return
  }
}

#map = affine_map<(d0, d1) -> (0, 0, 0, 0)>
#map1 = affine_map<(d0, d1) -> (0, 0)>
module attributes {stable_mosaic.version = 14 : i64} {
  func.func @deg_kernel(%arg0: i32, %arg1: i32, %arg2: memref<2x16x84x128xi32, #tpu.memory_space<hbm>>, %arg3: memref<2x10240xf32, #tpu.memory_space<hbm>>, %arg4: memref<84x128xi32, #tpu.memory_space<vmem>>, %arg5: memref<128xf32, #tpu.memory_space<vmem>>, %arg6: memref<640xf32, #tpu.memory_space<vmem>>, %arg7: memref<10240xf32, #tpu.memory_space<vmem_shared>>, %arg8: memref<!tpu.dma_semaphore, #tpu.memory_space<semaphore_mem>>, %arg9: memref<!tpu.dma_semaphore, #tpu.memory_space<semaphore_mem>>, %arg10: memref<!tpu.dma_semaphore, #tpu.memory_space<semaphore_mem>>, %arg11: memref<!tpu.dma_semaphore, #tpu.memory_space<semaphore_mem>>) attributes {dimension_semantics = [#tpu.dimension_semantics<core_parallel>, #tpu.dimension_semantics<subcore_parallel>], iteration_bounds = array<i64: 2, 16>, scalar_prefetch = 0 : i64, scratch_operands = 8 : i64, tpu.core_type = #tpu.core_type<sc_vector_subcore>, window_params = [{transform_indices = #map}, {transform_indices = #map1}]} {
    "tpu.region"() ({
      %run_scoped3A = tpu.sem_alloc : memref<!tpu.dma_semaphore, #tpu.memory_space<semaphore_mem>>
      %dma_start3A = arith.constant 0 : i32
      %dma_start3A_228 = arith.constant 0 : i32
      %dma_start3A_229 = tpu.memref_slice %arg2[%arg0, %arg1, %dma_start3A, %dma_start3A_228] : memref<2x16x84x128xi32, #tpu.memory_space<hbm>> -> memref<1x1x84x128xi32, #tpu.memory_space<hbm>>
      %dma_start3A_230 = tpu.memref_squeeze %dma_start3A_229 : memref<1x1x84x128xi32, #tpu.memory_space<hbm>> -> memref<84x128xi32, #tpu.memory_space<hbm>>
      %dma_start3A_231 = arith.constant 0 : i32
      %dma_start3A_232 = arith.constant 0 : i32
      %dma_start3A_233 = tpu.memref_slice %arg2[%arg0, %arg1, %dma_start3A_231, %dma_start3A_232] : memref<2x16x84x128xi32, #tpu.memory_space<hbm>> -> memref<1x1x84x128xi32, #tpu.memory_space<hbm>>
      %dma_start3A_234 = tpu.memref_squeeze %dma_start3A_233 : memref<1x1x84x128xi32, #tpu.memory_space<hbm>> -> memref<84x128xi32, #tpu.memory_space<hbm>>
      tpu.enqueue_dma source(%dma_start3A_234 : memref<84x128xi32, #tpu.memory_space<hbm>>) target(%arg4 : memref<84x128xi32, #tpu.memory_space<vmem>>) target_semaphore(%run_scoped3A : memref<!tpu.dma_semaphore, #tpu.memory_space<semaphore_mem>>)
      %dma_wait3A_235 = arith.constant 0 : i32
      %dma_wait3A_236 = arith.constant 0 : i32
      %dma_wait3A_237 = tpu.memref_slice %arg2[%arg0, %arg1, %dma_wait3A_235, %dma_wait3A_236] : memref<2x16x84x128xi32, #tpu.memory_space<hbm>> -> memref<1x1x84x128xi32, #tpu.memory_space<hbm>>
      %dma_wait3A_238 = tpu.memref_squeeze %dma_wait3A_237 : memref<1x1x84x128xi32, #tpu.memory_space<hbm>> -> memref<84x128xi32, #tpu.memory_space<hbm>>
      %dma_wait3A_239 = arith.constant 0 : i32
      %dma_wait3A_240 = arith.constant 0 : i32
      %dma_wait3A_241 = tpu.memref_slice %arg2[%arg0, %arg1, %dma_wait3A_239, %dma_wait3A_240] : memref<2x16x84x128xi32, #tpu.memory_space<hbm>> -> memref<1x1x84x128xi32, #tpu.memory_space<hbm>>
      %dma_wait3A_242 = tpu.memref_squeeze %dma_wait3A_241 : memref<1x1x84x128xi32, #tpu.memory_space<hbm>> -> memref<84x128xi32, #tpu.memory_space<hbm>>
      tpu.wait_dma2 semaphore(%run_scoped3A : memref<!tpu.dma_semaphore, #tpu.memory_space<semaphore_mem>>) src(%dma_wait3A_242 : memref<84x128xi32, #tpu.memory_space<hbm>>) dst(%arg4 : memref<84x128xi32, #tpu.memory_space<vmem>>)
      tpu.yield
    }) : () -> ()
    %broadcast_in_dim3A = arith.constant 1.000000e+00 : f32
    %broadcast_in_dim3A_0 = vector.broadcast %broadcast_in_dim3A : f32 to vector<16xf32>
    %broadcast_in_dim3A_1 = arith.constant 0.000000e+00 : f32
    %broadcast_in_dim3A_2 = vector.broadcast %broadcast_in_dim3A_1 : f32 to vector<16xf32>
    %swap3A = arith.constant 0 : index
    %swap3A_3 = tpu.vector_load %arg5[%swap3A] {strides = array<i32>} : memref<128xf32, #tpu.memory_space<vmem>>, vector<16xf32>,
    %swap3A_4 = vector.shape_cast %swap3A_3 : vector<16xf32> to vector<16xf32>
    %swap3A_5 = vector.shape_cast %broadcast_in_dim3A_0 : vector<16xf32> to vector<16xf32>
    tpu.vector_store %arg5[%swap3A], %swap3A_5 {strides = array<i32>} : memref<128xf32, #tpu.memory_space<vmem>>, vector<16xf32>,
    %swap3A_6 = arith.constant 16 : index
    %swap3A_7 = tpu.vector_load %arg5[%swap3A_6] {strides = array<i32>} : memref<128xf32, #tpu.memory_space<vmem>>, vector<16xf32>,
    %swap3A_8 = vector.shape_cast %swap3A_7 : vector<16xf32> to vector<16xf32>
    %swap3A_9 = vector.shape_cast %broadcast_in_dim3A_0 : vector<16xf32> to vector<16xf32>
    tpu.vector_store %arg5[%swap3A_6], %swap3A_9 {strides = array<i32>} : memref<128xf32, #tpu.memory_space<vmem>>, vector<16xf32>,
    %swap3A_10 = arith.constant 32 : index
    %swap3A_11 = tpu.vector_load %arg5[%swap3A_10] {strides = array<i32>} : memref<128xf32, #tpu.memory_space<vmem>>, vector<16xf32>,
    %swap3A_12 = vector.shape_cast %swap3A_11 : vector<16xf32> to vector<16xf32>
    %swap3A_13 = vector.shape_cast %broadcast_in_dim3A_0 : vector<16xf32> to vector<16xf32>
    tpu.vector_store %arg5[%swap3A_10], %swap3A_13 {strides = array<i32>} : memref<128xf32, #tpu.memory_space<vmem>>, vector<16xf32>,
    %swap3A_14 = arith.constant 48 : index
    %swap3A_15 = tpu.vector_load %arg5[%swap3A_14] {strides = array<i32>} : memref<128xf32, #tpu.memory_space<vmem>>, vector<16xf32>,
    %swap3A_16 = vector.shape_cast %swap3A_15 : vector<16xf32> to vector<16xf32>
    %swap3A_17 = vector.shape_cast %broadcast_in_dim3A_0 : vector<16xf32> to vector<16xf32>
    tpu.vector_store %arg5[%swap3A_14], %swap3A_17 {strides = array<i32>} : memref<128xf32, #tpu.memory_space<vmem>>, vector<16xf32>,
    %swap3A_18 = arith.constant 64 : index
    %swap3A_19 = tpu.vector_load %arg5[%swap3A_18] {strides = array<i32>} : memref<128xf32, #tpu.memory_space<vmem>>, vector<16xf32>,
    %swap3A_20 = vector.shape_cast %swap3A_19 : vector<16xf32> to vector<16xf32>
    %swap3A_21 = vector.shape_cast %broadcast_in_dim3A_0 : vector<16xf32> to vector<16xf32>
    tpu.vector_store %arg5[%swap3A_18], %swap3A_21 {strides = array<i32>} : memref<128xf32, #tpu.memory_space<vmem>>, vector<16xf32>,
    %swap3A_22 = arith.constant 80 : index
    %swap3A_23 = tpu.vector_load %arg5[%swap3A_22] {strides = array<i32>} : memref<128xf32, #tpu.memory_space<vmem>>, vector<16xf32>,
    %swap3A_24 = vector.shape_cast %swap3A_23 : vector<16xf32> to vector<16xf32>
    %swap3A_25 = vector.shape_cast %broadcast_in_dim3A_0 : vector<16xf32> to vector<16xf32>
    tpu.vector_store %arg5[%swap3A_22], %swap3A_25 {strides = array<i32>} : memref<128xf32, #tpu.memory_space<vmem>>, vector<16xf32>,
    %swap3A_26 = arith.constant 96 : index
    %swap3A_27 = tpu.vector_load %arg5[%swap3A_26] {strides = array<i32>} : memref<128xf32, #tpu.memory_space<vmem>>, vector<16xf32>,
    %swap3A_28 = vector.shape_cast %swap3A_27 : vector<16xf32> to vector<16xf32>
    %swap3A_29 = vector.shape_cast %broadcast_in_dim3A_0 : vector<16xf32> to vector<16xf32>
    tpu.vector_store %arg5[%swap3A_26], %swap3A_29 {strides = array<i32>} : memref<128xf32, #tpu.memory_space<vmem>>, vector<16xf32>,
    %swap3A_30 = arith.constant 112 : index
    %swap3A_31 = tpu.vector_load %arg5[%swap3A_30] {strides = array<i32>} : memref<128xf32, #tpu.memory_space<vmem>>, vector<16xf32>,
    %swap3A_32 = vector.shape_cast %swap3A_31 : vector<16xf32> to vector<16xf32>
    %swap3A_33 = vector.shape_cast %broadcast_in_dim3A_0 : vector<16xf32> to vector<16xf32>
    tpu.vector_store %arg5[%swap3A_30], %swap3A_33 {strides = array<i32>} : memref<128xf32, #tpu.memory_space<vmem>>, vector<16xf32>,
    %swap3A_34 = arith.constant 0 : index
    %swap3A_35 = tpu.vector_load %arg6[%swap3A_34] {strides = array<i32>} : memref<640xf32, #tpu.memory_space<vmem>>, vector<16xf32>,
    %swap3A_36 = vector.shape_cast %swap3A_35 : vector<16xf32> to vector<16xf32>
    %swap3A_37 = vector.shape_cast %broadcast_in_dim3A_2 : vector<16xf32> to vector<16xf32>
    tpu.vector_store %arg6[%swap3A_34], %swap3A_37 {strides = array<i32>} : memref<640xf32, #tpu.memory_space<vmem>>, vector<16xf32>,
    %swap3A_38 = arith.constant 16 : index
    %swap3A_39 = tpu.vector_load %arg6[%swap3A_38] {strides = array<i32>} : memref<640xf32, #tpu.memory_space<vmem>>, vector<16xf32>,
    %swap3A_40 = vector.shape_cast %swap3A_39 : vector<16xf32> to vector<16xf32>
    %swap3A_41 = vector.shape_cast %broadcast_in_dim3A_2 : vector<16xf32> to vector<16xf32>
    tpu.vector_store %arg6[%swap3A_38], %swap3A_41 {strides = array<i32>} : memref<640xf32, #tpu.memory_space<vmem>>, vector<16xf32>,
    %swap3A_42 = arith.constant 32 : index
    %swap3A_43 = tpu.vector_load %arg6[%swap3A_42] {strides = array<i32>} : memref<640xf32, #tpu.memory_space<vmem>>, vector<16xf32>,
    %swap3A_44 = vector.shape_cast %swap3A_43 : vector<16xf32> to vector<16xf32>
    %swap3A_45 = vector.shape_cast %broadcast_in_dim3A_2 : vector<16xf32> to vector<16xf32>
    tpu.vector_store %arg6[%swap3A_42], %swap3A_45 {strides = array<i32>} : memref<640xf32, #tpu.memory_space<vmem>>, vector<16xf32>,
    %swap3A_46 = arith.constant 48 : index
    %swap3A_47 = tpu.vector_load %arg6[%swap3A_46] {strides = array<i32>} : memref<640xf32, #tpu.memory_space<vmem>>, vector<16xf32>,
    %swap3A_48 = vector.shape_cast %swap3A_47 : vector<16xf32> to vector<16xf32>
    %swap3A_49 = vector.shape_cast %broadcast_in_dim3A_2 : vector<16xf32> to vector<16xf32>
    tpu.vector_store %arg6[%swap3A_46], %swap3A_49 {strides = array<i32>} : memref<640xf32, #tpu.memory_space<vmem>>, vector<16xf32>,
    %swap3A_50 = arith.constant 64 : index
    %swap3A_51 = tpu.vector_load %arg6[%swap3A_50] {strides = array<i32>} : memref<640xf32, #tpu.memory_space<vmem>>, vector<16xf32>,
    %swap3A_52 = vector.shape_cast %swap3A_51 : vector<16xf32> to vector<16xf32>
    %swap3A_53 = vector.shape_cast %broadcast_in_dim3A_2 : vector<16xf32> to vector<16xf32>
    tpu.vector_store %arg6[%swap3A_50], %swap3A_53 {strides = array<i32>} : memref<640xf32, #tpu.memory_space<vmem>>, vector<16xf32>,
    %swap3A_54 = arith.constant 80 : index
    %swap3A_55 = tpu.vector_load %arg6[%swap3A_54] {strides = array<i32>} : memref<640xf32, #tpu.memory_space<vmem>>, vector<16xf32>,
    %swap3A_56 = vector.shape_cast %swap3A_55 : vector<16xf32> to vector<16xf32>
    %swap3A_57 = vector.shape_cast %broadcast_in_dim3A_2 : vector<16xf32> to vector<16xf32>
    tpu.vector_store %arg6[%swap3A_54], %swap3A_57 {strides = array<i32>} : memref<640xf32, #tpu.memory_space<vmem>>, vector<16xf32>,
    %swap3A_58 = arith.constant 96 : index
    %swap3A_59 = tpu.vector_load %arg6[%swap3A_58] {strides = array<i32>} : memref<640xf32, #tpu.memory_space<vmem>>, vector<16xf32>,
    %swap3A_60 = vector.shape_cast %swap3A_59 : vector<16xf32> to vector<16xf32>
    %swap3A_61 = vector.shape_cast %broadcast_in_dim3A_2 : vector<16xf32> to vector<16xf32>
    tpu.vector_store %arg6[%swap3A_58], %swap3A_61 {strides = array<i32>} : memref<640xf32, #tpu.memory_space<vmem>>, vector<16xf32>,
    %swap3A_62 = arith.constant 112 : index
    %swap3A_63 = tpu.vector_load %arg6[%swap3A_62] {strides = array<i32>} : memref<640xf32, #tpu.memory_space<vmem>>, vector<16xf32>,
    %swap3A_64 = vector.shape_cast %swap3A_63 : vector<16xf32> to vector<16xf32>
    %swap3A_65 = vector.shape_cast %broadcast_in_dim3A_2 : vector<16xf32> to vector<16xf32>
    tpu.vector_store %arg6[%swap3A_62], %swap3A_65 {strides = array<i32>} : memref<640xf32, #tpu.memory_space<vmem>>, vector<16xf32>,
    %swap3A_66 = arith.constant 128 : index
    %swap3A_67 = tpu.vector_load %arg6[%swap3A_66] {strides = array<i32>} : memref<640xf32, #tpu.memory_space<vmem>>, vector<16xf32>,
    %swap3A_68 = vector.shape_cast %swap3A_67 : vector<16xf32> to vector<16xf32>
    %swap3A_69 = vector.shape_cast %broadcast_in_dim3A_2 : vector<16xf32> to vector<16xf32>
    tpu.vector_store %arg6[%swap3A_66], %swap3A_69 {strides = array<i32>} : memref<640xf32, #tpu.memory_space<vmem>>, vector<16xf32>,
    %swap3A_70 = arith.constant 144 : index
    %swap3A_71 = tpu.vector_load %arg6[%swap3A_70] {strides = array<i32>} : memref<640xf32, #tpu.memory_space<vmem>>, vector<16xf32>,
    %swap3A_72 = vector.shape_cast %swap3A_71 : vector<16xf32> to vector<16xf32>
    %swap3A_73 = vector.shape_cast %broadcast_in_dim3A_2 : vector<16xf32> to vector<16xf32>
    tpu.vector_store %arg6[%swap3A_70], %swap3A_73 {strides = array<i32>} : memref<640xf32, #tpu.memory_space<vmem>>, vector<16xf32>,
    %swap3A_74 = arith.constant 160 : index
    %swap3A_75 = tpu.vector_load %arg6[%swap3A_74] {strides = array<i32>} : memref<640xf32, #tpu.memory_space<vmem>>, vector<16xf32>,
    %swap3A_76 = vector.shape_cast %swap3A_75 : vector<16xf32> to vector<16xf32>
    %swap3A_77 = vector.shape_cast %broadcast_in_dim3A_2 : vector<16xf32> to vector<16xf32>
    tpu.vector_store %arg6[%swap3A_74], %swap3A_77 {strides = array<i32>} : memref<640xf32, #tpu.memory_space<vmem>>, vector<16xf32>,
    %swap3A_78 = arith.constant 176 : index
    %swap3A_79 = tpu.vector_load %arg6[%swap3A_78] {strides = array<i32>} : memref<640xf32, #tpu.memory_space<vmem>>, vector<16xf32>,
    %swap3A_80 = vector.shape_cast %swap3A_79 : vector<16xf32> to vector<16xf32>
    %swap3A_81 = vector.shape_cast %broadcast_in_dim3A_2 : vector<16xf32> to vector<16xf32>
    tpu.vector_store %arg6[%swap3A_78], %swap3A_81 {strides = array<i32>} : memref<640xf32, #tpu.memory_space<vmem>>, vector<16xf32>,
    %swap3A_82 = arith.constant 192 : index
    %swap3A_83 = tpu.vector_load %arg6[%swap3A_82] {strides = array<i32>} : memref<640xf32, #tpu.memory_space<vmem>>, vector<16xf32>,
    %swap3A_84 = vector.shape_cast %swap3A_83 : vector<16xf32> to vector<16xf32>
    %swap3A_85 = vector.shape_cast %broadcast_in_dim3A_2 : vector<16xf32> to vector<16xf32>
    tpu.vector_store %arg6[%swap3A_82], %swap3A_85 {strides = array<i32>} : memref<640xf32, #tpu.memory_space<vmem>>, vector<16xf32>,
    %swap3A_86 = arith.constant 208 : index
    %swap3A_87 = tpu.vector_load %arg6[%swap3A_86] {strides = array<i32>} : memref<640xf32, #tpu.memory_space<vmem>>, vector<16xf32>,
    %swap3A_88 = vector.shape_cast %swap3A_87 : vector<16xf32> to vector<16xf32>
    %swap3A_89 = vector.shape_cast %broadcast_in_dim3A_2 : vector<16xf32> to vector<16xf32>
    tpu.vector_store %arg6[%swap3A_86], %swap3A_89 {strides = array<i32>} : memref<640xf32, #tpu.memory_space<vmem>>, vector<16xf32>,
    %swap3A_90 = arith.constant 224 : index
    %swap3A_91 = tpu.vector_load %arg6[%swap3A_90] {strides = array<i32>} : memref<640xf32, #tpu.memory_space<vmem>>, vector<16xf32>,
    %swap3A_92 = vector.shape_cast %swap3A_91 : vector<16xf32> to vector<16xf32>
    %swap3A_93 = vector.shape_cast %broadcast_in_dim3A_2 : vector<16xf32> to vector<16xf32>
    tpu.vector_store %arg6[%swap3A_90], %swap3A_93 {strides = array<i32>} : memref<640xf32, #tpu.memory_space<vmem>>, vector<16xf32>,
    %swap3A_94 = arith.constant 240 : index
    %swap3A_95 = tpu.vector_load %arg6[%swap3A_94] {strides = array<i32>} : memref<640xf32, #tpu.memory_space<vmem>>, vector<16xf32>,
    %swap3A_96 = vector.shape_cast %swap3A_95 : vector<16xf32> to vector<16xf32>
    %swap3A_97 = vector.shape_cast %broadcast_in_dim3A_2 : vector<16xf32> to vector<16xf32>
    tpu.vector_store %arg6[%swap3A_94], %swap3A_97 {strides = array<i32>} : memref<640xf32, #tpu.memory_space<vmem>>, vector<16xf32>,
    %swap3A_98 = arith.constant 256 : index
    %swap3A_99 = tpu.vector_load %arg6[%swap3A_98] {strides = array<i32>} : memref<640xf32, #tpu.memory_space<vmem>>, vector<16xf32>,
    %swap3A_100 = vector.shape_cast %swap3A_99 : vector<16xf32> to vector<16xf32>
    %swap3A_101 = vector.shape_cast %broadcast_in_dim3A_2 : vector<16xf32> to vector<16xf32>
    tpu.vector_store %arg6[%swap3A_98], %swap3A_101 {strides = array<i32>} : memref<640xf32, #tpu.memory_space<vmem>>, vector<16xf32>,
    %swap3A_102 = arith.constant 272 : index
    %swap3A_103 = tpu.vector_load %arg6[%swap3A_102] {strides = array<i32>} : memref<640xf32, #tpu.memory_space<vmem>>, vector<16xf32>,
    %swap3A_104 = vector.shape_cast %swap3A_103 : vector<16xf32> to vector<16xf32>
    %swap3A_105 = vector.shape_cast %broadcast_in_dim3A_2 : vector<16xf32> to vector<16xf32>
    tpu.vector_store %arg6[%swap3A_102], %swap3A_105 {strides = array<i32>} : memref<640xf32, #tpu.memory_space<vmem>>, vector<16xf32>,
    %swap3A_106 = arith.constant 288 : index
    %swap3A_107 = tpu.vector_load %arg6[%swap3A_106] {strides = array<i32>} : memref<640xf32, #tpu.memory_space<vmem>>, vector<16xf32>,
    %swap3A_108 = vector.shape_cast %swap3A_107 : vector<16xf32> to vector<16xf32>
    %swap3A_109 = vector.shape_cast %broadcast_in_dim3A_2 : vector<16xf32> to vector<16xf32>
    tpu.vector_store %arg6[%swap3A_106], %swap3A_109 {strides = array<i32>} : memref<640xf32, #tpu.memory_space<vmem>>, vector<16xf32>,
    %swap3A_110 = arith.constant 304 : index
    %swap3A_111 = tpu.vector_load %arg6[%swap3A_110] {strides = array<i32>} : memref<640xf32, #tpu.memory_space<vmem>>, vector<16xf32>,
    %swap3A_112 = vector.shape_cast %swap3A_111 : vector<16xf32> to vector<16xf32>
    %swap3A_113 = vector.shape_cast %broadcast_in_dim3A_2 : vector<16xf32> to vector<16xf32>
    tpu.vector_store %arg6[%swap3A_110], %swap3A_113 {strides = array<i32>} : memref<640xf32, #tpu.memory_space<vmem>>, vector<16xf32>,
    %swap3A_114 = arith.constant 320 : index
    %swap3A_115 = tpu.vector_load %arg6[%swap3A_114] {strides = array<i32>} : memref<640xf32, #tpu.memory_space<vmem>>, vector<16xf32>,
    %swap3A_116 = vector.shape_cast %swap3A_115 : vector<16xf32> to vector<16xf32>
    %swap3A_117 = vector.shape_cast %broadcast_in_dim3A_2 : vector<16xf32> to vector<16xf32>
    tpu.vector_store %arg6[%swap3A_114], %swap3A_117 {strides = array<i32>} : memref<640xf32, #tpu.memory_space<vmem>>, vector<16xf32>,
    %swap3A_118 = arith.constant 336 : index
    %swap3A_119 = tpu.vector_load %arg6[%swap3A_118] {strides = array<i32>} : memref<640xf32, #tpu.memory_space<vmem>>, vector<16xf32>,
    %swap3A_120 = vector.shape_cast %swap3A_119 : vector<16xf32> to vector<16xf32>
    %swap3A_121 = vector.shape_cast %broadcast_in_dim3A_2 : vector<16xf32> to vector<16xf32>
    tpu.vector_store %arg6[%swap3A_118], %swap3A_121 {strides = array<i32>} : memref<640xf32, #tpu.memory_space<vmem>>, vector<16xf32>,
    %swap3A_122 = arith.constant 352 : index
    %swap3A_123 = tpu.vector_load %arg6[%swap3A_122] {strides = array<i32>} : memref<640xf32, #tpu.memory_space<vmem>>, vector<16xf32>,
    %swap3A_124 = vector.shape_cast %swap3A_123 : vector<16xf32> to vector<16xf32>
    %swap3A_125 = vector.shape_cast %broadcast_in_dim3A_2 : vector<16xf32> to vector<16xf32>
    tpu.vector_store %arg6[%swap3A_122], %swap3A_125 {strides = array<i32>} : memref<640xf32, #tpu.memory_space<vmem>>, vector<16xf32>,
    %swap3A_126 = arith.constant 368 : index
    %swap3A_127 = tpu.vector_load %arg6[%swap3A_126] {strides = array<i32>} : memref<640xf32, #tpu.memory_space<vmem>>, vector<16xf32>,
    %swap3A_128 = vector.shape_cast %swap3A_127 : vector<16xf32> to vector<16xf32>
    %swap3A_129 = vector.shape_cast %broadcast_in_dim3A_2 : vector<16xf32> to vector<16xf32>
    tpu.vector_store %arg6[%swap3A_126], %swap3A_129 {strides = array<i32>} : memref<640xf32, #tpu.memory_space<vmem>>, vector<16xf32>,
    %swap3A_130 = arith.constant 384 : index
    %swap3A_131 = tpu.vector_load %arg6[%swap3A_130] {strides = array<i32>} : memref<640xf32, #tpu.memory_space<vmem>>, vector<16xf32>,
    %swap3A_132 = vector.shape_cast %swap3A_131 : vector<16xf32> to vector<16xf32>
    %swap3A_133 = vector.shape_cast %broadcast_in_dim3A_2 : vector<16xf32> to vector<16xf32>
    tpu.vector_store %arg6[%swap3A_130], %swap3A_133 {strides = array<i32>} : memref<640xf32, #tpu.memory_space<vmem>>, vector<16xf32>,
    %swap3A_134 = arith.constant 400 : index
    %swap3A_135 = tpu.vector_load %arg6[%swap3A_134] {strides = array<i32>} : memref<640xf32, #tpu.memory_space<vmem>>, vector<16xf32>,
    %swap3A_136 = vector.shape_cast %swap3A_135 : vector<16xf32> to vector<16xf32>
    %swap3A_137 = vector.shape_cast %broadcast_in_dim3A_2 : vector<16xf32> to vector<16xf32>
    tpu.vector_store %arg6[%swap3A_134], %swap3A_137 {strides = array<i32>} : memref<640xf32, #tpu.memory_space<vmem>>, vector<16xf32>,
    %swap3A_138 = arith.constant 416 : index
    %swap3A_139 = tpu.vector_load %arg6[%swap3A_138] {strides = array<i32>} : memref<640xf32, #tpu.memory_space<vmem>>, vector<16xf32>,
    %swap3A_140 = vector.shape_cast %swap3A_139 : vector<16xf32> to vector<16xf32>
    %swap3A_141 = vector.shape_cast %broadcast_in_dim3A_2 : vector<16xf32> to vector<16xf32>
    tpu.vector_store %arg6[%swap3A_138], %swap3A_141 {strides = array<i32>} : memref<640xf32, #tpu.memory_space<vmem>>, vector<16xf32>,
    %swap3A_142 = arith.constant 432 : index
    %swap3A_143 = tpu.vector_load %arg6[%swap3A_142] {strides = array<i32>} : memref<640xf32, #tpu.memory_space<vmem>>, vector<16xf32>,
    %swap3A_144 = vector.shape_cast %swap3A_143 : vector<16xf32> to vector<16xf32>
    %swap3A_145 = vector.shape_cast %broadcast_in_dim3A_2 : vector<16xf32> to vector<16xf32>
    tpu.vector_store %arg6[%swap3A_142], %swap3A_145 {strides = array<i32>} : memref<640xf32, #tpu.memory_space<vmem>>, vector<16xf32>,
    %swap3A_146 = arith.constant 448 : index
    %swap3A_147 = tpu.vector_load %arg6[%swap3A_146] {strides = array<i32>} : memref<640xf32, #tpu.memory_space<vmem>>, vector<16xf32>,
    %swap3A_148 = vector.shape_cast %swap3A_147 : vector<16xf32> to vector<16xf32>
    %swap3A_149 = vector.shape_cast %broadcast_in_dim3A_2 : vector<16xf32> to vector<16xf32>
    tpu.vector_store %arg6[%swap3A_146], %swap3A_149 {strides = array<i32>} : memref<640xf32, #tpu.memory_space<vmem>>, vector<16xf32>,
    %swap3A_150 = arith.constant 464 : index
    %swap3A_151 = tpu.vector_load %arg6[%swap3A_150] {strides = array<i32>} : memref<640xf32, #tpu.memory_space<vmem>>, vector<16xf32>,
    %swap3A_152 = vector.shape_cast %swap3A_151 : vector<16xf32> to vector<16xf32>
    %swap3A_153 = vector.shape_cast %broadcast_in_dim3A_2 : vector<16xf32> to vector<16xf32>
    tpu.vector_store %arg6[%swap3A_150], %swap3A_153 {strides = array<i32>} : memref<640xf32, #tpu.memory_space<vmem>>, vector<16xf32>,
    %swap3A_154 = arith.constant 480 : index
    %swap3A_155 = tpu.vector_load %arg6[%swap3A_154] {strides = array<i32>} : memref<640xf32, #tpu.memory_space<vmem>>, vector<16xf32>,
    %swap3A_156 = vector.shape_cast %swap3A_155 : vector<16xf32> to vector<16xf32>
    %swap3A_157 = vector.shape_cast %broadcast_in_dim3A_2 : vector<16xf32> to vector<16xf32>
    tpu.vector_store %arg6[%swap3A_154], %swap3A_157 {strides = array<i32>} : memref<640xf32, #tpu.memory_space<vmem>>, vector<16xf32>,
    %swap3A_158 = arith.constant 496 : index
    %swap3A_159 = tpu.vector_load %arg6[%swap3A_158] {strides = array<i32>} : memref<640xf32, #tpu.memory_space<vmem>>, vector<16xf32>,
    %swap3A_160 = vector.shape_cast %swap3A_159 : vector<16xf32> to vector<16xf32>
    %swap3A_161 = vector.shape_cast %broadcast_in_dim3A_2 : vector<16xf32> to vector<16xf32>
    tpu.vector_store %arg6[%swap3A_158], %swap3A_161 {strides = array<i32>} : memref<640xf32, #tpu.memory_space<vmem>>, vector<16xf32>,
    %swap3A_162 = arith.constant 512 : index
    %swap3A_163 = tpu.vector_load %arg6[%swap3A_162] {strides = array<i32>} : memref<640xf32, #tpu.memory_space<vmem>>, vector<16xf32>,
    %swap3A_164 = vector.shape_cast %swap3A_163 : vector<16xf32> to vector<16xf32>
    %swap3A_165 = vector.shape_cast %broadcast_in_dim3A_2 : vector<16xf32> to vector<16xf32>
    tpu.vector_store %arg6[%swap3A_162], %swap3A_165 {strides = array<i32>} : memref<640xf32, #tpu.memory_space<vmem>>, vector<16xf32>,
    %swap3A_166 = arith.constant 528 : index
    %swap3A_167 = tpu.vector_load %arg6[%swap3A_166] {strides = array<i32>} : memref<640xf32, #tpu.memory_space<vmem>>, vector<16xf32>,
    %swap3A_168 = vector.shape_cast %swap3A_167 : vector<16xf32> to vector<16xf32>
    %swap3A_169 = vector.shape_cast %broadcast_in_dim3A_2 : vector<16xf32> to vector<16xf32>
    tpu.vector_store %arg6[%swap3A_166], %swap3A_169 {strides = array<i32>} : memref<640xf32, #tpu.memory_space<vmem>>, vector<16xf32>,
    %swap3A_170 = arith.constant 544 : index
    %swap3A_171 = tpu.vector_load %arg6[%swap3A_170] {strides = array<i32>} : memref<640xf32, #tpu.memory_space<vmem>>, vector<16xf32>,
    %swap3A_172 = vector.shape_cast %swap3A_171 : vector<16xf32> to vector<16xf32>
    %swap3A_173 = vector.shape_cast %broadcast_in_dim3A_2 : vector<16xf32> to vector<16xf32>
    tpu.vector_store %arg6[%swap3A_170], %swap3A_173 {strides = array<i32>} : memref<640xf32, #tpu.memory_space<vmem>>, vector<16xf32>,
    %swap3A_174 = arith.constant 560 : index
    %swap3A_175 = tpu.vector_load %arg6[%swap3A_174] {strides = array<i32>} : memref<640xf32, #tpu.memory_space<vmem>>, vector<16xf32>,
    %swap3A_176 = vector.shape_cast %swap3A_175 : vector<16xf32> to vector<16xf32>
    %swap3A_177 = vector.shape_cast %broadcast_in_dim3A_2 : vector<16xf32> to vector<16xf32>
    tpu.vector_store %arg6[%swap3A_174], %swap3A_177 {strides = array<i32>} : memref<640xf32, #tpu.memory_space<vmem>>, vector<16xf32>,
    %swap3A_178 = arith.constant 576 : index
    %swap3A_179 = tpu.vector_load %arg6[%swap3A_178] {strides = array<i32>} : memref<640xf32, #tpu.memory_space<vmem>>, vector<16xf32>,
    %swap3A_180 = vector.shape_cast %swap3A_179 : vector<16xf32> to vector<16xf32>
    %swap3A_181 = vector.shape_cast %broadcast_in_dim3A_2 : vector<16xf32> to vector<16xf32>
    tpu.vector_store %arg6[%swap3A_178], %swap3A_181 {strides = array<i32>} : memref<640xf32, #tpu.memory_space<vmem>>, vector<16xf32>,
    %swap3A_182 = arith.constant 592 : index
    %swap3A_183 = tpu.vector_load %arg6[%swap3A_182] {strides = array<i32>} : memref<640xf32, #tpu.memory_space<vmem>>, vector<16xf32>,
    %swap3A_184 = vector.shape_cast %swap3A_183 : vector<16xf32> to vector<16xf32>
    %swap3A_185 = vector.shape_cast %broadcast_in_dim3A_2 : vector<16xf32> to vector<16xf32>
    tpu.vector_store %arg6[%swap3A_182], %swap3A_185 {strides = array<i32>} : memref<640xf32, #tpu.memory_space<vmem>>, vector<16xf32>,
    %swap3A_186 = arith.constant 608 : index
    %swap3A_187 = tpu.vector_load %arg6[%swap3A_186] {strides = array<i32>} : memref<640xf32, #tpu.memory_space<vmem>>, vector<16xf32>,
    %swap3A_188 = vector.shape_cast %swap3A_187 : vector<16xf32> to vector<16xf32>
    %swap3A_189 = vector.shape_cast %broadcast_in_dim3A_2 : vector<16xf32> to vector<16xf32>
    tpu.vector_store %arg6[%swap3A_186], %swap3A_189 {strides = array<i32>} : memref<640xf32, #tpu.memory_space<vmem>>, vector<16xf32>,
    %swap3A_190 = arith.constant 624 : index
    %swap3A_191 = tpu.vector_load %arg6[%swap3A_190] {strides = array<i32>} : memref<640xf32, #tpu.memory_space<vmem>>, vector<16xf32>,
    %swap3A_192 = vector.shape_cast %swap3A_191 : vector<16xf32> to vector<16xf32>
    %swap3A_193 = vector.shape_cast %broadcast_in_dim3A_2 : vector<16xf32> to vector<16xf32>
    tpu.vector_store %arg6[%swap3A_190], %swap3A_193 {strides = array<i32>} : memref<640xf32, #tpu.memory_space<vmem>>, vector<16xf32>,
    %mul3A = arith.constant 640 : i32
    %mul3A_194 = arith.muli %arg1, %mul3A : i32
    "tpu.region"() ({
      %run_scoped3A = tpu.sem_alloc : memref<!tpu.dma_semaphore, #tpu.memory_space<semaphore_mem>>
      %dma_start3A = tpu.memref_slice %arg7[%mul3A_194] : memref<10240xf32, #tpu.memory_space<vmem_shared>> -> memref<640xf32, #tpu.memory_space<vmem_shared>>
      %dma_start3A_228 = tpu.memref_slice %arg7[%mul3A_194] : memref<10240xf32, #tpu.memory_space<vmem_shared>> -> memref<640xf32, #tpu.memory_space<vmem_shared>>
      tpu.enqueue_dma source(%arg6 : memref<640xf32, #tpu.memory_space<vmem>>) target(%dma_start3A_228 : memref<640xf32, #tpu.memory_space<vmem_shared>>) target_semaphore(%run_scoped3A : memref<!tpu.dma_semaphore, #tpu.memory_space<semaphore_mem>>)
      %dma_wait3A_229 = tpu.memref_slice %arg7[%mul3A_194] : memref<10240xf32, #tpu.memory_space<vmem_shared>> -> memref<640xf32, #tpu.memory_space<vmem_shared>>
      %dma_wait3A_230 = tpu.memref_slice %arg7[%mul3A_194] : memref<10240xf32, #tpu.memory_space<vmem_shared>> -> memref<640xf32, #tpu.memory_space<vmem_shared>>
      tpu.wait_dma2 semaphore(%run_scoped3A : memref<!tpu.dma_semaphore, #tpu.memory_space<semaphore_mem>>) src(%arg6 : memref<640xf32, #tpu.memory_space<vmem>>) dst(%dma_wait3A_230 : memref<640xf32, #tpu.memory_space<vmem_shared>>)
      tpu.yield
    }) : () -> ()
    %barrier3A = arith.constant 0 : index
    tpu.barrier barrier_id(%barrier3A)
    %scan3A = arith.constant 0 : i32
    %scan3A_195 = arith.constant 0 : i32
    %scan3A_196 = arith.constant 21 : i32
    %scan3A_197 = arith.addi %scan3A_195, %scan3A_196 : i32
    %scan3A_198 = arith.constant 1 : i32
    scf.for %scan3A_228 = %scan3A_195 to %scan3A_197 step %scan3A_198  : i32 {
      %mul3A_229 = arith.constant 4 : i32
      %mul3A_230 = arith.muli %mul3A_229, %scan3A_228 : i32
      %add3A = arith.constant 0 : i32
      %add3A_231 = arith.addi %mul3A_230, %add3A : i32
      %dma_start3A = arith.constant 0 : i32
      %dma_start3A_232 = tpu.memref_slice %arg4[%add3A_231, %dma_start3A] : memref<84x128xi32, #tpu.memory_space<vmem>> -> memref<1x128xi32, #tpu.memory_space<vmem>>
      %dma_start3A_233 = tpu.memref_squeeze %dma_start3A_232 : memref<1x128xi32, #tpu.memory_space<vmem>> -> memref<128xi32, #tpu.memory_space<vmem>>
      %dma_start3A_234 = arith.constant 0 : i32
      %dma_start3A_235 = tpu.memref_slice %arg7[%dma_start3A_234] : memref<10240xf32, #tpu.memory_space<vmem_shared>> -> memref<10240xf32, #tpu.memory_space<vmem_shared>>
      tpu.enqueue_indirect_dma source(%arg5 : memref<128xf32, #tpu.memory_space<vmem>>) target(%dma_start3A_235 : memref<10240xf32, #tpu.memory_space<vmem_shared>>) offsets(%dma_start3A_233 : memref<128xi32, #tpu.memory_space<vmem>>) semaphore(%arg8 : memref<!tpu.dma_semaphore, #tpu.memory_space<semaphore_mem>>) {add = true}
      %ge3A = arith.constant 4 : i32
      %ge3A_236 = arith.cmpi sge, %add3A_231, %ge3A : i32
      %convert_element_type3A = arith.extui %ge3A_236 : i1 to i32
      %cond3A = arith.constant 0 : i32
      %cond3A_237 = arith.cmpi ne, %convert_element_type3A, %cond3A : i32
      scf.if %cond3A_237 {
        %sub3A = arith.constant 4 : i32
        %sub3A_280 = arith.subi %add3A_231, %sub3A : i32
        %dma_wait3A_281 = arith.constant 0 : i32
        %dma_wait3A_282 = tpu.memref_slice %arg4[%sub3A_280, %dma_wait3A_281] : memref<84x128xi32, #tpu.memory_space<vmem>> -> memref<1x128xi32, #tpu.memory_space<vmem>>
        %dma_wait3A_283 = tpu.memref_squeeze %dma_wait3A_282 : memref<1x128xi32, #tpu.memory_space<vmem>> -> memref<128xi32, #tpu.memory_space<vmem>>
        %dma_wait3A_284 = arith.constant 0 : i32
        %dma_wait3A_285 = tpu.memref_slice %arg7[%dma_wait3A_284] : memref<10240xf32, #tpu.memory_space<vmem_shared>> -> memref<10240xf32, #tpu.memory_space<vmem_shared>>
        tpu.wait_indirect_dma semaphore(%arg8 : memref<!tpu.dma_semaphore, #tpu.memory_space<semaphore_mem>>) src(%arg5 : memref<128xf32, #tpu.memory_space<vmem>>) dst(%dma_wait3A_285 : memref<10240xf32, #tpu.memory_space<vmem_shared>>)
      } else {
      }
      %mul3A_238 = arith.constant 4 : i32
      %mul3A_239 = arith.muli %mul3A_238, %scan3A_228 : i32
      %add3A_240 = arith.constant 1 : i32
      %add3A_241 = arith.addi %mul3A_239, %add3A_240 : i32
      %dma_start3A_242 = arith.constant 0 : i32
      %dma_start3A_243 = tpu.memref_slice %arg4[%add3A_241, %dma_start3A_242] : memref<84x128xi32, #tpu.memory_space<vmem>> -> memref<1x128xi32, #tpu.memory_space<vmem>>
      %dma_start3A_244 = tpu.memref_squeeze %dma_start3A_243 : memref<1x128xi32, #tpu.memory_space<vmem>> -> memref<128xi32, #tpu.memory_space<vmem>>
      %dma_start3A_245 = arith.constant 0 : i32
      %dma_start3A_246 = tpu.memref_slice %arg7[%dma_start3A_245] : memref<10240xf32, #tpu.memory_space<vmem_shared>> -> memref<10240xf32, #tpu.memory_space<vmem_shared>>
      tpu.enqueue_indirect_dma source(%arg5 : memref<128xf32, #tpu.memory_space<vmem>>) target(%dma_start3A_246 : memref<10240xf32, #tpu.memory_space<vmem_shared>>) offsets(%dma_start3A_244 : memref<128xi32, #tpu.memory_space<vmem>>) semaphore(%arg9 : memref<!tpu.dma_semaphore, #tpu.memory_space<semaphore_mem>>) {add = true}
      %ge3A_247 = arith.constant 4 : i32
      %ge3A_248 = arith.cmpi sge, %add3A_241, %ge3A_247 : i32
      %convert_element_type3A_249 = arith.extui %ge3A_248 : i1 to i32
      %cond3A_250 = arith.constant 0 : i32
      %cond3A_251 = arith.cmpi ne, %convert_element_type3A_249, %cond3A_250 : i32
      scf.if %cond3A_251 {
        %sub3A = arith.constant 4 : i32
        %sub3A_280 = arith.subi %add3A_241, %sub3A : i32
        %dma_wait3A_281 = arith.constant 0 : i32
        %dma_wait3A_282 = tpu.memref_slice %arg4[%sub3A_280, %dma_wait3A_281] : memref<84x128xi32, #tpu.memory_space<vmem>> -> memref<1x128xi32, #tpu.memory_space<vmem>>
        %dma_wait3A_283 = tpu.memref_squeeze %dma_wait3A_282 : memref<1x128xi32, #tpu.memory_space<vmem>> -> memref<128xi32, #tpu.memory_space<vmem>>
        %dma_wait3A_284 = arith.constant 0 : i32
        %dma_wait3A_285 = tpu.memref_slice %arg7[%dma_wait3A_284] : memref<10240xf32, #tpu.memory_space<vmem_shared>> -> memref<10240xf32, #tpu.memory_space<vmem_shared>>
        tpu.wait_indirect_dma semaphore(%arg9 : memref<!tpu.dma_semaphore, #tpu.memory_space<semaphore_mem>>) src(%arg5 : memref<128xf32, #tpu.memory_space<vmem>>) dst(%dma_wait3A_285 : memref<10240xf32, #tpu.memory_space<vmem_shared>>)
      } else {
      }
      %mul3A_252 = arith.constant 4 : i32
      %mul3A_253 = arith.muli %mul3A_252, %scan3A_228 : i32
      %add3A_254 = arith.constant 2 : i32
      %add3A_255 = arith.addi %mul3A_253, %add3A_254 : i32
      %dma_start3A_256 = arith.constant 0 : i32
      %dma_start3A_257 = tpu.memref_slice %arg4[%add3A_255, %dma_start3A_256] : memref<84x128xi32, #tpu.memory_space<vmem>> -> memref<1x128xi32, #tpu.memory_space<vmem>>
      %dma_start3A_258 = tpu.memref_squeeze %dma_start3A_257 : memref<1x128xi32, #tpu.memory_space<vmem>> -> memref<128xi32, #tpu.memory_space<vmem>>
      %dma_start3A_259 = arith.constant 0 : i32
      %dma_start3A_260 = tpu.memref_slice %arg7[%dma_start3A_259] : memref<10240xf32, #tpu.memory_space<vmem_shared>> -> memref<10240xf32, #tpu.memory_space<vmem_shared>>
      tpu.enqueue_indirect_dma source(%arg5 : memref<128xf32, #tpu.memory_space<vmem>>) target(%dma_start3A_260 : memref<10240xf32, #tpu.memory_space<vmem_shared>>) offsets(%dma_start3A_258 : memref<128xi32, #tpu.memory_space<vmem>>) semaphore(%arg10 : memref<!tpu.dma_semaphore, #tpu.memory_space<semaphore_mem>>) {add = true}
      %ge3A_261 = arith.constant 4 : i32
      %ge3A_262 = arith.cmpi sge, %add3A_255, %ge3A_261 : i32
      %convert_element_type3A_263 = arith.extui %ge3A_262 : i1 to i32
      %cond3A_264 = arith.constant 0 : i32
      %cond3A_265 = arith.cmpi ne, %convert_element_type3A_263, %cond3A_264 : i32
      scf.if %cond3A_265 {
        %sub3A = arith.constant 4 : i32
        %sub3A_280 = arith.subi %add3A_255, %sub3A : i32
        %dma_wait3A_281 = arith.constant 0 : i32
        %dma_wait3A_282 = tpu.memref_slice %arg4[%sub3A_280, %dma_wait3A_281] : memref<84x128xi32, #tpu.memory_space<vmem>> -> memref<1x128xi32, #tpu.memory_space<vmem>>
        %dma_wait3A_283 = tpu.memref_squeeze %dma_wait3A_282 : memref<1x128xi32, #tpu.memory_space<vmem>> -> memref<128xi32, #tpu.memory_space<vmem>>
        %dma_wait3A_284 = arith.constant 0 : i32
        %dma_wait3A_285 = tpu.memref_slice %arg7[%dma_wait3A_284] : memref<10240xf32, #tpu.memory_space<vmem_shared>> -> memref<10240xf32, #tpu.memory_space<vmem_shared>>
        tpu.wait_indirect_dma semaphore(%arg10 : memref<!tpu.dma_semaphore, #tpu.memory_space<semaphore_mem>>) src(%arg5 : memref<128xf32, #tpu.memory_space<vmem>>) dst(%dma_wait3A_285 : memref<10240xf32, #tpu.memory_space<vmem_shared>>)
      } else {
      }
      %mul3A_266 = arith.constant 4 : i32
      %mul3A_267 = arith.muli %mul3A_266, %scan3A_228 : i32
      %add3A_268 = arith.constant 3 : i32
      %add3A_269 = arith.addi %mul3A_267, %add3A_268 : i32
      %dma_start3A_270 = arith.constant 0 : i32
      %dma_start3A_271 = tpu.memref_slice %arg4[%add3A_269, %dma_start3A_270] : memref<84x128xi32, #tpu.memory_space<vmem>> -> memref<1x128xi32, #tpu.memory_space<vmem>>
      %dma_start3A_272 = tpu.memref_squeeze %dma_start3A_271 : memref<1x128xi32, #tpu.memory_space<vmem>> -> memref<128xi32, #tpu.memory_space<vmem>>
      %dma_start3A_273 = arith.constant 0 : i32
      %dma_start3A_274 = tpu.memref_slice %arg7[%dma_start3A_273] : memref<10240xf32, #tpu.memory_space<vmem_shared>> -> memref<10240xf32, #tpu.memory_space<vmem_shared>>
      tpu.enqueue_indirect_dma source(%arg5 : memref<128xf32, #tpu.memory_space<vmem>>) target(%dma_start3A_274 : memref<10240xf32, #tpu.memory_space<vmem_shared>>) offsets(%dma_start3A_272 : memref<128xi32, #tpu.memory_space<vmem>>) semaphore(%arg11 : memref<!tpu.dma_semaphore, #tpu.memory_space<semaphore_mem>>) {add = true}
      %ge3A_275 = arith.constant 4 : i32
      %ge3A_276 = arith.cmpi sge, %add3A_269, %ge3A_275 : i32
      %convert_element_type3A_277 = arith.extui %ge3A_276 : i1 to i32
      %cond3A_278 = arith.constant 0 : i32
      %cond3A_279 = arith.cmpi ne, %convert_element_type3A_277, %cond3A_278 : i32
      scf.if %cond3A_279 {
        %sub3A = arith.constant 4 : i32
        %sub3A_280 = arith.subi %add3A_269, %sub3A : i32
        %dma_wait3A_281 = arith.constant 0 : i32
        %dma_wait3A_282 = tpu.memref_slice %arg4[%sub3A_280, %dma_wait3A_281] : memref<84x128xi32, #tpu.memory_space<vmem>> -> memref<1x128xi32, #tpu.memory_space<vmem>>
        %dma_wait3A_283 = tpu.memref_squeeze %dma_wait3A_282 : memref<1x128xi32, #tpu.memory_space<vmem>> -> memref<128xi32, #tpu.memory_space<vmem>>
        %dma_wait3A_284 = arith.constant 0 : i32
        %dma_wait3A_285 = tpu.memref_slice %arg7[%dma_wait3A_284] : memref<10240xf32, #tpu.memory_space<vmem_shared>> -> memref<10240xf32, #tpu.memory_space<vmem_shared>>
        tpu.wait_indirect_dma semaphore(%arg11 : memref<!tpu.dma_semaphore, #tpu.memory_space<semaphore_mem>>) src(%arg5 : memref<128xf32, #tpu.memory_space<vmem>>) dst(%dma_wait3A_285 : memref<10240xf32, #tpu.memory_space<vmem_shared>>)
      } else {
      }
    }
    %scan3A_199 = arith.constant 21 : i32
    %dma_wait3A = arith.constant 80 : i32
    %dma_wait3A_200 = arith.constant 0 : i32
    %dma_wait3A_201 = tpu.memref_slice %arg4[%dma_wait3A, %dma_wait3A_200] : memref<84x128xi32, #tpu.memory_space<vmem>> -> memref<1x128xi32, #tpu.memory_space<vmem>>
    %dma_wait3A_202 = tpu.memref_squeeze %dma_wait3A_201 : memref<1x128xi32, #tpu.memory_space<vmem>> -> memref<128xi32, #tpu.memory_space<vmem>>
    %dma_wait3A_203 = arith.constant 0 : i32
    %dma_wait3A_204 = tpu.memref_slice %arg7[%dma_wait3A_203] : memref<10240xf32, #tpu.memory_space<vmem_shared>> -> memref<10240xf32, #tpu.memory_space<vmem_shared>>
    tpu.wait_indirect_dma semaphore(%arg8 : memref<!tpu.dma_semaphore, #tpu.memory_space<semaphore_mem>>) src(%arg5 : memref<128xf32, #tpu.memory_space<vmem>>) dst(%dma_wait3A_204 : memref<10240xf32, #tpu.memory_space<vmem_shared>>)
    %dma_wait3A_205 = arith.constant 81 : i32
    %dma_wait3A_206 = arith.constant 0 : i32
    %dma_wait3A_207 = tpu.memref_slice %arg4[%dma_wait3A_205, %dma_wait3A_206] : memref<84x128xi32, #tpu.memory_space<vmem>> -> memref<1x128xi32, #tpu.memory_space<vmem>>
    %dma_wait3A_208 = tpu.memref_squeeze %dma_wait3A_207 : memref<1x128xi32, #tpu.memory_space<vmem>> -> memref<128xi32, #tpu.memory_space<vmem>>
    %dma_wait3A_209 = arith.constant 0 : i32
    %dma_wait3A_210 = tpu.memref_slice %arg7[%dma_wait3A_209] : memref<10240xf32, #tpu.memory_space<vmem_shared>> -> memref<10240xf32, #tpu.memory_space<vmem_shared>>
    tpu.wait_indirect_dma semaphore(%arg9 : memref<!tpu.dma_semaphore, #tpu.memory_space<semaphore_mem>>) src(%arg5 : memref<128xf32, #tpu.memory_space<vmem>>) dst(%dma_wait3A_210 : memref<10240xf32, #tpu.memory_space<vmem_shared>>)
    %dma_wait3A_211 = arith.constant 82 : i32
    %dma_wait3A_212 = arith.constant 0 : i32
    %dma_wait3A_213 = tpu.memref_slice %arg4[%dma_wait3A_211, %dma_wait3A_212] : memref<84x128xi32, #tpu.memory_space<vmem>> -> memref<1x128xi32, #tpu.memory_space<vmem>>
    %dma_wait3A_214 = tpu.memref_squeeze %dma_wait3A_213 : memref<1x128xi32, #tpu.memory_space<vmem>> -> memref<128xi32, #tpu.memory_space<vmem>>
    %dma_wait3A_215 = arith.constant 0 : i32
    %dma_wait3A_216 = tpu.memref_slice %arg7[%dma_wait3A_215] : memref<10240xf32, #tpu.memory_space<vmem_shared>> -> memref<10240xf32, #tpu.memory_space<vmem_shared>>
    tpu.wait_indirect_dma semaphore(%arg10 : memref<!tpu.dma_semaphore, #tpu.memory_space<semaphore_mem>>) src(%arg5 : memref<128xf32, #tpu.memory_space<vmem>>) dst(%dma_wait3A_216 : memref<10240xf32, #tpu.memory_space<vmem_shared>>)
    %dma_wait3A_217 = arith.constant 83 : i32
    %dma_wait3A_218 = arith.constant 0 : i32
    %dma_wait3A_219 = tpu.memref_slice %arg4[%dma_wait3A_217, %dma_wait3A_218] : memref<84x128xi32, #tpu.memory_space<vmem>> -> memref<1x128xi32, #tpu.memory_space<vmem>>
    %dma_wait3A_220 = tpu.memref_squeeze %dma_wait3A_219 : memref<1x128xi32, #tpu.memory_space<vmem>> -> memref<128xi32, #tpu.memory_space<vmem>>
    %dma_wait3A_221 = arith.constant 0 : i32
    %dma_wait3A_222 = tpu.memref_slice %arg7[%dma_wait3A_221] : memref<10240xf32, #tpu.memory_space<vmem_shared>> -> memref<10240xf32, #tpu.memory_space<vmem_shared>>
    tpu.wait_indirect_dma semaphore(%arg11 : memref<!tpu.dma_semaphore, #tpu.memory_space<semaphore_mem>>) src(%arg5 : memref<128xf32, #tpu.memory_space<vmem>>) dst(%dma_wait3A_222 : memref<10240xf32, #tpu.memory_space<vmem_shared>>)
    %barrier3A_223 = arith.constant 0 : index
    tpu.barrier barrier_id(%barrier3A_223)
    %mul3A_224 = arith.constant 640 : i32
    %mul3A_225 = arith.muli %arg1, %mul3A_224 : i32
    %mul3A_226 = arith.constant 640 : i32
    %mul3A_227 = arith.muli %arg1, %mul3A_226 : i32
    "tpu.region"() ({
      %run_scoped3A = tpu.sem_alloc : memref<!tpu.dma_semaphore, #tpu.memory_space<semaphore_mem>>
      %dma_start3A = tpu.memref_slice %arg3[%arg0, %mul3A_227] : memref<2x10240xf32, #tpu.memory_space<hbm>> -> memref<1x640xf32, #tpu.memory_space<hbm>>
      %dma_start3A_228 = tpu.memref_squeeze %dma_start3A : memref<1x640xf32, #tpu.memory_space<hbm>> -> memref<640xf32, #tpu.memory_space<hbm>>
      %dma_start3A_229 = tpu.memref_slice %arg7[%mul3A_225] : memref<10240xf32, #tpu.memory_space<vmem_shared>> -> memref<640xf32, #tpu.memory_space<vmem_shared>>
      tpu.enqueue_dma source(%dma_start3A_229 : memref<640xf32, #tpu.memory_space<vmem_shared>>) target(%dma_start3A_228 : memref<640xf32, #tpu.memory_space<hbm>>) target_semaphore(%run_scoped3A : memref<!tpu.dma_semaphore, #tpu.memory_space<semaphore_mem>>)
      %dma_wait3A_230 = tpu.memref_slice %arg3[%arg0, %mul3A_227] : memref<2x10240xf32, #tpu.memory_space<hbm>> -> memref<1x640xf32, #tpu.memory_space<hbm>>
      %dma_wait3A_231 = tpu.memref_squeeze %dma_wait3A_230 : memref<1x640xf32, #tpu.memory_space<hbm>> -> memref<640xf32, #tpu.memory_space<hbm>>
      %dma_wait3A_232 = tpu.memref_slice %arg7[%mul3A_225] : memref<10240xf32, #tpu.memory_space<vmem_shared>> -> memref<640xf32, #tpu.memory_space<vmem_shared>>
      tpu.wait_dma2 semaphore(%run_scoped3A : memref<!tpu.dma_semaphore, #tpu.memory_space<semaphore_mem>>) src(%dma_wait3A_232 : memref<640xf32, #tpu.memory_space<vmem_shared>>) dst(%dma_wait3A_231 : memref<640xf32, #tpu.memory_space<hbm>>)
      tpu.yield
    }) : () -> ()
    return
  }
}

#map = affine_map<(d0, d1) -> (0, 0)>
#map1 = affine_map<(d0, d1) -> (0, 0, 0, 0)>
#map2 = affine_map<(d0, d1) -> (0, 0, 0)>
module attributes {stable_mosaic.version = 14 : i64} {
  func.func @agg_kernel(%arg0: i32, %arg1: i32, %arg2: memref<10240x64xbf16, #tpu.memory_space<hbm>>, %arg3: memref<2x16x84x128xi32, #tpu.memory_space<hbm>>, %arg4: memref<2x16x84x128xi32, #tpu.memory_space<hbm>>, %arg5: memref<2x10240x64xbf16, #tpu.memory_space<hbm>>, %arg6: memref<84x128xi32, #tpu.memory_space<vmem>>, %arg7: memref<84x128xi32, #tpu.memory_space<vmem>>, %arg8: memref<12x128x64xbf16, #tpu.memory_space<vmem>>, %arg9: memref<10240x64xbf16, #tpu.memory_space<vmem_shared>>, %arg10: memref<!tpu.dma_semaphore, #tpu.memory_space<semaphore_mem>>, %arg11: memref<!tpu.dma_semaphore, #tpu.memory_space<semaphore_mem>>, %arg12: memref<!tpu.dma_semaphore, #tpu.memory_space<semaphore_mem>>, %arg13: memref<!tpu.dma_semaphore, #tpu.memory_space<semaphore_mem>>, %arg14: memref<!tpu.dma_semaphore, #tpu.memory_space<semaphore_mem>>, %arg15: memref<!tpu.dma_semaphore, #tpu.memory_space<semaphore_mem>>, %arg16: memref<!tpu.dma_semaphore, #tpu.memory_space<semaphore_mem>>, %arg17: memref<!tpu.dma_semaphore, #tpu.memory_space<semaphore_mem>>, %arg18: memref<!tpu.dma_semaphore, #tpu.memory_space<semaphore_mem>>, %arg19: memref<!tpu.dma_semaphore, #tpu.memory_space<semaphore_mem>>, %arg20: memref<!tpu.dma_semaphore, #tpu.memory_space<semaphore_mem>>, %arg21: memref<!tpu.dma_semaphore, #tpu.memory_space<semaphore_mem>>, %arg22: memref<!tpu.dma_semaphore, #tpu.memory_space<semaphore_mem>>, %arg23: memref<!tpu.dma_semaphore, #tpu.memory_space<semaphore_mem>>, %arg24: memref<!tpu.dma_semaphore, #tpu.memory_space<semaphore_mem>>, %arg25: memref<!tpu.dma_semaphore, #tpu.memory_space<semaphore_mem>>, %arg26: memref<!tpu.dma_semaphore, #tpu.memory_space<semaphore_mem>>, %arg27: memref<!tpu.dma_semaphore, #tpu.memory_space<semaphore_mem>>, %arg28: memref<!tpu.dma_semaphore, #tpu.memory_space<semaphore_mem>>, %arg29: memref<!tpu.dma_semaphore, #tpu.memory_space<semaphore_mem>>, %arg30: memref<!tpu.dma_semaphore, #tpu.memory_space<semaphore_mem>>, %arg31: memref<!tpu.dma_semaphore, #tpu.memory_space<semaphore_mem>>, %arg32: memref<!tpu.dma_semaphore, #tpu.memory_space<semaphore_mem>>, %arg33: memref<!tpu.dma_semaphore, #tpu.memory_space<semaphore_mem>>, %arg34: memref<!tpu.dma_semaphore, #tpu.memory_space<semaphore_mem>>) attributes {dimension_semantics = [#tpu.dimension_semantics<core_parallel>, #tpu.dimension_semantics<subcore_parallel>], iteration_bounds = array<i64: 2, 16>, scalar_prefetch = 0 : i64, scratch_operands = 29 : i64, tpu.core_type = #tpu.core_type<sc_vector_subcore>, window_params = [{transform_indices = #map}, {transform_indices = #map1}, {transform_indices = #map1}, {transform_indices = #map2}]} {
    "tpu.region"() ({
      %run_scoped3A = tpu.sem_alloc : memref<!tpu.dma_semaphore, #tpu.memory_space<semaphore_mem>>
      %dma_start3A_163 = arith.constant 0 : i32
      %dma_start3A_164 = arith.constant 0 : i32
      %dma_start3A_165 = tpu.memref_slice %arg3[%arg0, %arg1, %dma_start3A_163, %dma_start3A_164] : memref<2x16x84x128xi32, #tpu.memory_space<hbm>> -> memref<1x1x84x128xi32, #tpu.memory_space<hbm>>
      %dma_start3A_166 = tpu.memref_squeeze %dma_start3A_165 : memref<1x1x84x128xi32, #tpu.memory_space<hbm>> -> memref<84x128xi32, #tpu.memory_space<hbm>>
      %dma_start3A_167 = arith.constant 0 : i32
      %dma_start3A_168 = arith.constant 0 : i32
      %dma_start3A_169 = tpu.memref_slice %arg3[%arg0, %arg1, %dma_start3A_167, %dma_start3A_168] : memref<2x16x84x128xi32, #tpu.memory_space<hbm>> -> memref<1x1x84x128xi32, #tpu.memory_space<hbm>>
      %dma_start3A_170 = tpu.memref_squeeze %dma_start3A_169 : memref<1x1x84x128xi32, #tpu.memory_space<hbm>> -> memref<84x128xi32, #tpu.memory_space<hbm>>
      tpu.enqueue_dma source(%dma_start3A_170 : memref<84x128xi32, #tpu.memory_space<hbm>>) target(%arg6 : memref<84x128xi32, #tpu.memory_space<vmem>>) target_semaphore(%run_scoped3A : memref<!tpu.dma_semaphore, #tpu.memory_space<semaphore_mem>>)
      %dma_wait3A_171 = arith.constant 0 : i32
      %dma_wait3A_172 = arith.constant 0 : i32
      %dma_wait3A_173 = tpu.memref_slice %arg3[%arg0, %arg1, %dma_wait3A_171, %dma_wait3A_172] : memref<2x16x84x128xi32, #tpu.memory_space<hbm>> -> memref<1x1x84x128xi32, #tpu.memory_space<hbm>>
      %dma_wait3A_174 = tpu.memref_squeeze %dma_wait3A_173 : memref<1x1x84x128xi32, #tpu.memory_space<hbm>> -> memref<84x128xi32, #tpu.memory_space<hbm>>
      %dma_wait3A_175 = arith.constant 0 : i32
      %dma_wait3A_176 = arith.constant 0 : i32
      %dma_wait3A_177 = tpu.memref_slice %arg3[%arg0, %arg1, %dma_wait3A_175, %dma_wait3A_176] : memref<2x16x84x128xi32, #tpu.memory_space<hbm>> -> memref<1x1x84x128xi32, #tpu.memory_space<hbm>>
      %dma_wait3A_178 = tpu.memref_squeeze %dma_wait3A_177 : memref<1x1x84x128xi32, #tpu.memory_space<hbm>> -> memref<84x128xi32, #tpu.memory_space<hbm>>
      tpu.wait_dma2 semaphore(%run_scoped3A : memref<!tpu.dma_semaphore, #tpu.memory_space<semaphore_mem>>) src(%dma_wait3A_178 : memref<84x128xi32, #tpu.memory_space<hbm>>) dst(%arg6 : memref<84x128xi32, #tpu.memory_space<vmem>>)
      tpu.yield
    }) : () -> ()
    %mul3A = arith.constant 640 : i32
    %mul3A_0 = arith.muli %arg1, %mul3A : i32
    %mul3A_1 = arith.constant 640 : i32
    %mul3A_2 = arith.muli %arg1, %mul3A_1 : i32
    %dma_start3A = arith.constant 0 : i32
    %dma_start3A_3 = tpu.memref_slice %arg9[%mul3A_2, %dma_start3A] : memref<10240x64xbf16, #tpu.memory_space<vmem_shared>> -> memref<640x64xbf16, #tpu.memory_space<vmem_shared>>
    %dma_start3A_4 = arith.constant 0 : i32
    %dma_start3A_5 = tpu.memref_slice %arg2[%mul3A_0, %dma_start3A_4] : memref<10240x64xbf16, #tpu.memory_space<hbm>> -> memref<640x64xbf16, #tpu.memory_space<hbm>>
    tpu.enqueue_dma source(%dma_start3A_5 : memref<640x64xbf16, #tpu.memory_space<hbm>>) target(%dma_start3A_3 : memref<640x64xbf16, #tpu.memory_space<vmem_shared>>) target_semaphore(%arg34 : memref<!tpu.dma_semaphore, #tpu.memory_space<semaphore_mem>>)
    %dma_start3A_6 = arith.constant 0 : i32
    %dma_start3A_7 = arith.constant 0 : i32
    %dma_start3A_8 = arith.constant 0 : i32
    %dma_start3A_9 = arith.constant 0 : i32
    %dma_start3A_10 = tpu.memref_slice %arg8[%dma_start3A_7, %dma_start3A_8, %dma_start3A_9] : memref<12x128x64xbf16, #tpu.memory_space<vmem>> -> memref<1x128x64xbf16, #tpu.memory_space<vmem>>
    %dma_start3A_11 = tpu.memref_squeeze %dma_start3A_10 : memref<1x128x64xbf16, #tpu.memory_space<vmem>> -> memref<128x64xbf16, #tpu.memory_space<vmem>>
    %dma_start3A_12 = arith.constant 0 : i32
    %dma_start3A_13 = tpu.memref_slice %arg6[%dma_start3A_6, %dma_start3A_12] : memref<84x128xi32, #tpu.memory_space<vmem>> -> memref<1x128xi32, #tpu.memory_space<vmem>>
    %dma_start3A_14 = tpu.memref_squeeze %dma_start3A_13 : memref<1x128xi32, #tpu.memory_space<vmem>> -> memref<128xi32, #tpu.memory_space<vmem>>
    %dma_start3A_15 = arith.constant 0 : i32
    %dma_start3A_16 = arith.constant 0 : i32
    %dma_start3A_17 = tpu.memref_slice %arg2[%dma_start3A_15, %dma_start3A_16] : memref<10240x64xbf16, #tpu.memory_space<hbm>> -> memref<10240x64xbf16, #tpu.memory_space<hbm>>
    tpu.enqueue_indirect_dma source(%dma_start3A_17 : memref<10240x64xbf16, #tpu.memory_space<hbm>>) target(%dma_start3A_11 : memref<128x64xbf16, #tpu.memory_space<vmem>>) offsets(%dma_start3A_14 : memref<128xi32, #tpu.memory_space<vmem>>) semaphore(%arg10 : memref<!tpu.dma_semaphore, #tpu.memory_space<semaphore_mem>>)
    %dma_start3A_18 = arith.constant 1 : i32
    %dma_start3A_19 = arith.constant 1 : i32
    %dma_start3A_20 = arith.constant 0 : i32
    %dma_start3A_21 = arith.constant 0 : i32
    %dma_start3A_22 = tpu.memref_slice %arg8[%dma_start3A_19, %dma_start3A_20, %dma_start3A_21] : memref<12x128x64xbf16, #tpu.memory_space<vmem>> -> memref<1x128x64xbf16, #tpu.memory_space<vmem>>
    %dma_start3A_23 = tpu.memref_squeeze %dma_start3A_22 : memref<1x128x64xbf16, #tpu.memory_space<vmem>> -> memref<128x64xbf16, #tpu.memory_space<vmem>>
    %dma_start3A_24 = arith.constant 0 : i32
    %dma_start3A_25 = tpu.memref_slice %arg6[%dma_start3A_18, %dma_start3A_24] : memref<84x128xi32, #tpu.memory_space<vmem>> -> memref<1x128xi32, #tpu.memory_space<vmem>>
    %dma_start3A_26 = tpu.memref_squeeze %dma_start3A_25 : memref<1x128xi32, #tpu.memory_space<vmem>> -> memref<128xi32, #tpu.memory_space<vmem>>
    %dma_start3A_27 = arith.constant 0 : i32
    %dma_start3A_28 = arith.constant 0 : i32
    %dma_start3A_29 = tpu.memref_slice %arg2[%dma_start3A_27, %dma_start3A_28] : memref<10240x64xbf16, #tpu.memory_space<hbm>> -> memref<10240x64xbf16, #tpu.memory_space<hbm>>
    tpu.enqueue_indirect_dma source(%dma_start3A_29 : memref<10240x64xbf16, #tpu.memory_space<hbm>>) target(%dma_start3A_23 : memref<128x64xbf16, #tpu.memory_space<vmem>>) offsets(%dma_start3A_26 : memref<128xi32, #tpu.memory_space<vmem>>) semaphore(%arg11 : memref<!tpu.dma_semaphore, #tpu.memory_space<semaphore_mem>>)
    %dma_start3A_30 = arith.constant 2 : i32
    %dma_start3A_31 = arith.constant 2 : i32
    %dma_start3A_32 = arith.constant 0 : i32
    %dma_start3A_33 = arith.constant 0 : i32
    %dma_start3A_34 = tpu.memref_slice %arg8[%dma_start3A_31, %dma_start3A_32, %dma_start3A_33] : memref<12x128x64xbf16, #tpu.memory_space<vmem>> -> memref<1x128x64xbf16, #tpu.memory_space<vmem>>
    %dma_start3A_35 = tpu.memref_squeeze %dma_start3A_34 : memref<1x128x64xbf16, #tpu.memory_space<vmem>> -> memref<128x64xbf16, #tpu.memory_space<vmem>>
    %dma_start3A_36 = arith.constant 0 : i32
    %dma_start3A_37 = tpu.memref_slice %arg6[%dma_start3A_30, %dma_start3A_36] : memref<84x128xi32, #tpu.memory_space<vmem>> -> memref<1x128xi32, #tpu.memory_space<vmem>>
    %dma_start3A_38 = tpu.memref_squeeze %dma_start3A_37 : memref<1x128xi32, #tpu.memory_space<vmem>> -> memref<128xi32, #tpu.memory_space<vmem>>
    %dma_start3A_39 = arith.constant 0 : i32
    %dma_start3A_40 = arith.constant 0 : i32
    %dma_start3A_41 = tpu.memref_slice %arg2[%dma_start3A_39, %dma_start3A_40] : memref<10240x64xbf16, #tpu.memory_space<hbm>> -> memref<10240x64xbf16, #tpu.memory_space<hbm>>
    tpu.enqueue_indirect_dma source(%dma_start3A_41 : memref<10240x64xbf16, #tpu.memory_space<hbm>>) target(%dma_start3A_35 : memref<128x64xbf16, #tpu.memory_space<vmem>>) offsets(%dma_start3A_38 : memref<128xi32, #tpu.memory_space<vmem>>) semaphore(%arg12 : memref<!tpu.dma_semaphore, #tpu.memory_space<semaphore_mem>>)
    %dma_start3A_42 = arith.constant 3 : i32
    %dma_start3A_43 = arith.constant 3 : i32
    %dma_start3A_44 = arith.constant 0 : i32
    %dma_start3A_45 = arith.constant 0 : i32
    %dma_start3A_46 = tpu.memref_slice %arg8[%dma_start3A_43, %dma_start3A_44, %dma_start3A_45] : memref<12x128x64xbf16, #tpu.memory_space<vmem>> -> memref<1x128x64xbf16, #tpu.memory_space<vmem>>
    %dma_start3A_47 = tpu.memref_squeeze %dma_start3A_46 : memref<1x128x64xbf16, #tpu.memory_space<vmem>> -> memref<128x64xbf16, #tpu.memory_space<vmem>>
    %dma_start3A_48 = arith.constant 0 : i32
    %dma_start3A_49 = tpu.memref_slice %arg6[%dma_start3A_42, %dma_start3A_48] : memref<84x128xi32, #tpu.memory_space<vmem>> -> memref<1x128xi32, #tpu.memory_space<vmem>>
    %dma_start3A_50 = tpu.memref_squeeze %dma_start3A_49 : memref<1x128xi32, #tpu.memory_space<vmem>> -> memref<128xi32, #tpu.memory_space<vmem>>
    %dma_start3A_51 = arith.constant 0 : i32
    %dma_start3A_52 = arith.constant 0 : i32
    %dma_start3A_53 = tpu.memref_slice %arg2[%dma_start3A_51, %dma_start3A_52] : memref<10240x64xbf16, #tpu.memory_space<hbm>> -> memref<10240x64xbf16, #tpu.memory_space<hbm>>
    tpu.enqueue_indirect_dma source(%dma_start3A_53 : memref<10240x64xbf16, #tpu.memory_space<hbm>>) target(%dma_start3A_47 : memref<128x64xbf16, #tpu.memory_space<vmem>>) offsets(%dma_start3A_50 : memref<128xi32, #tpu.memory_space<vmem>>) semaphore(%arg13 : memref<!tpu.dma_semaphore, #tpu.memory_space<semaphore_mem>>)
    %dma_start3A_54 = arith.constant 4 : i32
    %dma_start3A_55 = arith.constant 4 : i32
    %dma_start3A_56 = arith.constant 0 : i32
    %dma_start3A_57 = arith.constant 0 : i32
    %dma_start3A_58 = tpu.memref_slice %arg8[%dma_start3A_55, %dma_start3A_56, %dma_start3A_57] : memref<12x128x64xbf16, #tpu.memory_space<vmem>> -> memref<1x128x64xbf16, #tpu.memory_space<vmem>>
    %dma_start3A_59 = tpu.memref_squeeze %dma_start3A_58 : memref<1x128x64xbf16, #tpu.memory_space<vmem>> -> memref<128x64xbf16, #tpu.memory_space<vmem>>
    %dma_start3A_60 = arith.constant 0 : i32
    %dma_start3A_61 = tpu.memref_slice %arg6[%dma_start3A_54, %dma_start3A_60] : memref<84x128xi32, #tpu.memory_space<vmem>> -> memref<1x128xi32, #tpu.memory_space<vmem>>
    %dma_start3A_62 = tpu.memref_squeeze %dma_start3A_61 : memref<1x128xi32, #tpu.memory_space<vmem>> -> memref<128xi32, #tpu.memory_space<vmem>>
    %dma_start3A_63 = arith.constant 0 : i32
    %dma_start3A_64 = arith.constant 0 : i32
    %dma_start3A_65 = tpu.memref_slice %arg2[%dma_start3A_63, %dma_start3A_64] : memref<10240x64xbf16, #tpu.memory_space<hbm>> -> memref<10240x64xbf16, #tpu.memory_space<hbm>>
    tpu.enqueue_indirect_dma source(%dma_start3A_65 : memref<10240x64xbf16, #tpu.memory_space<hbm>>) target(%dma_start3A_59 : memref<128x64xbf16, #tpu.memory_space<vmem>>) offsets(%dma_start3A_62 : memref<128xi32, #tpu.memory_space<vmem>>) semaphore(%arg14 : memref<!tpu.dma_semaphore, #tpu.memory_space<semaphore_mem>>)
    %dma_start3A_66 = arith.constant 5 : i32
    %dma_start3A_67 = arith.constant 5 : i32
    %dma_start3A_68 = arith.constant 0 : i32
    %dma_start3A_69 = arith.constant 0 : i32
    %dma_start3A_70 = tpu.memref_slice %arg8[%dma_start3A_67, %dma_start3A_68, %dma_start3A_69] : memref<12x128x64xbf16, #tpu.memory_space<vmem>> -> memref<1x128x64xbf16, #tpu.memory_space<vmem>>
    %dma_start3A_71 = tpu.memref_squeeze %dma_start3A_70 : memref<1x128x64xbf16, #tpu.memory_space<vmem>> -> memref<128x64xbf16, #tpu.memory_space<vmem>>
    %dma_start3A_72 = arith.constant 0 : i32
    %dma_start3A_73 = tpu.memref_slice %arg6[%dma_start3A_66, %dma_start3A_72] : memref<84x128xi32, #tpu.memory_space<vmem>> -> memref<1x128xi32, #tpu.memory_space<vmem>>
    %dma_start3A_74 = tpu.memref_squeeze %dma_start3A_73 : memref<1x128xi32, #tpu.memory_space<vmem>> -> memref<128xi32, #tpu.memory_space<vmem>>
    %dma_start3A_75 = arith.constant 0 : i32
    %dma_start3A_76 = arith.constant 0 : i32
    %dma_start3A_77 = tpu.memref_slice %arg2[%dma_start3A_75, %dma_start3A_76] : memref<10240x64xbf16, #tpu.memory_space<hbm>> -> memref<10240x64xbf16, #tpu.memory_space<hbm>>
    tpu.enqueue_indirect_dma source(%dma_start3A_77 : memref<10240x64xbf16, #tpu.memory_space<hbm>>) target(%dma_start3A_71 : memref<128x64xbf16, #tpu.memory_space<vmem>>) offsets(%dma_start3A_74 : memref<128xi32, #tpu.memory_space<vmem>>) semaphore(%arg15 : memref<!tpu.dma_semaphore, #tpu.memory_space<semaphore_mem>>)
    "tpu.region"() ({
      %run_scoped3A = tpu.sem_alloc : memref<!tpu.dma_semaphore, #tpu.memory_space<semaphore_mem>>
      %dma_start3A_163 = arith.constant 0 : i32
      %dma_start3A_164 = arith.constant 0 : i32
      %dma_start3A_165 = tpu.memref_slice %arg4[%arg0, %arg1, %dma_start3A_163, %dma_start3A_164] : memref<2x16x84x128xi32, #tpu.memory_space<hbm>> -> memref<1x1x84x128xi32, #tpu.memory_space<hbm>>
      %dma_start3A_166 = tpu.memref_squeeze %dma_start3A_165 : memref<1x1x84x128xi32, #tpu.memory_space<hbm>> -> memref<84x128xi32, #tpu.memory_space<hbm>>
      %dma_start3A_167 = arith.constant 0 : i32
      %dma_start3A_168 = arith.constant 0 : i32
      %dma_start3A_169 = tpu.memref_slice %arg4[%arg0, %arg1, %dma_start3A_167, %dma_start3A_168] : memref<2x16x84x128xi32, #tpu.memory_space<hbm>> -> memref<1x1x84x128xi32, #tpu.memory_space<hbm>>
      %dma_start3A_170 = tpu.memref_squeeze %dma_start3A_169 : memref<1x1x84x128xi32, #tpu.memory_space<hbm>> -> memref<84x128xi32, #tpu.memory_space<hbm>>
      tpu.enqueue_dma source(%dma_start3A_170 : memref<84x128xi32, #tpu.memory_space<hbm>>) target(%arg7 : memref<84x128xi32, #tpu.memory_space<vmem>>) target_semaphore(%run_scoped3A : memref<!tpu.dma_semaphore, #tpu.memory_space<semaphore_mem>>)
      %dma_wait3A_171 = arith.constant 0 : i32
      %dma_wait3A_172 = arith.constant 0 : i32
      %dma_wait3A_173 = tpu.memref_slice %arg4[%arg0, %arg1, %dma_wait3A_171, %dma_wait3A_172] : memref<2x16x84x128xi32, #tpu.memory_space<hbm>> -> memref<1x1x84x128xi32, #tpu.memory_space<hbm>>
      %dma_wait3A_174 = tpu.memref_squeeze %dma_wait3A_173 : memref<1x1x84x128xi32, #tpu.memory_space<hbm>> -> memref<84x128xi32, #tpu.memory_space<hbm>>
      %dma_wait3A_175 = arith.constant 0 : i32
      %dma_wait3A_176 = arith.constant 0 : i32
      %dma_wait3A_177 = tpu.memref_slice %arg4[%arg0, %arg1, %dma_wait3A_175, %dma_wait3A_176] : memref<2x16x84x128xi32, #tpu.memory_space<hbm>> -> memref<1x1x84x128xi32, #tpu.memory_space<hbm>>
      %dma_wait3A_178 = tpu.memref_squeeze %dma_wait3A_177 : memref<1x1x84x128xi32, #tpu.memory_space<hbm>> -> memref<84x128xi32, #tpu.memory_space<hbm>>
      tpu.wait_dma2 semaphore(%run_scoped3A : memref<!tpu.dma_semaphore, #tpu.memory_space<semaphore_mem>>) src(%dma_wait3A_178 : memref<84x128xi32, #tpu.memory_space<hbm>>) dst(%arg7 : memref<84x128xi32, #tpu.memory_space<vmem>>)
      tpu.yield
    }) : () -> ()
    %dma_wait3A = arith.constant 0 : i32
    %dma_wait3A_78 = tpu.memref_slice %arg9[%mul3A_2, %dma_wait3A] : memref<10240x64xbf16, #tpu.memory_space<vmem_shared>> -> memref<640x64xbf16, #tpu.memory_space<vmem_shared>>
    %dma_wait3A_79 = arith.constant 0 : i32
    %dma_wait3A_80 = tpu.memref_slice %arg2[%mul3A_0, %dma_wait3A_79] : memref<10240x64xbf16, #tpu.memory_space<hbm>> -> memref<640x64xbf16, #tpu.memory_space<hbm>>
    tpu.wait_dma2 semaphore(%arg34 : memref<!tpu.dma_semaphore, #tpu.memory_space<semaphore_mem>>) src(%dma_wait3A_80 : memref<640x64xbf16, #tpu.memory_space<hbm>>) dst(%dma_wait3A_78 : memref<640x64xbf16, #tpu.memory_space<vmem_shared>>)
    %barrier3A = arith.constant 0 : index
    tpu.barrier barrier_id(%barrier3A)
    %scan3A = arith.constant 0 : i32
    %scan3A_81 = arith.constant 0 : i32
    %scan3A_82 = arith.constant 7 : i32
    %scan3A_83 = arith.addi %scan3A_81, %scan3A_82 : i32
    %scan3A_84 = arith.constant 1 : i32
    scf.for %scan3A_163 = %scan3A_81 to %scan3A_83 step %scan3A_84  : i32 {
      %mul3A_164 = arith.constant 12 : i32
      %mul3A_165 = arith.muli %mul3A_164, %scan3A_163 : i32
      %add3A = arith.constant 0 : i32
      %add3A_166 = arith.addi %mul3A_165, %add3A : i32
      %dma_wait3A_167 = arith.constant 0 : i32
      %dma_wait3A_168 = arith.constant 0 : i32
      %dma_wait3A_169 = arith.constant 0 : i32
      %dma_wait3A_170 = tpu.memref_slice %arg8[%dma_wait3A_167, %dma_wait3A_168, %dma_wait3A_169] : memref<12x128x64xbf16, #tpu.memory_space<vmem>> -> memref<1x128x64xbf16, #tpu.memory_space<vmem>>
      %dma_wait3A_171 = tpu.memref_squeeze %dma_wait3A_170 : memref<1x128x64xbf16, #tpu.memory_space<vmem>> -> memref<128x64xbf16, #tpu.memory_space<vmem>>
      %dma_wait3A_172 = arith.constant 0 : i32
      %dma_wait3A_173 = tpu.memref_slice %arg6[%add3A_166, %dma_wait3A_172] : memref<84x128xi32, #tpu.memory_space<vmem>> -> memref<1x128xi32, #tpu.memory_space<vmem>>
      %dma_wait3A_174 = tpu.memref_squeeze %dma_wait3A_173 : memref<1x128xi32, #tpu.memory_space<vmem>> -> memref<128xi32, #tpu.memory_space<vmem>>
      %dma_wait3A_175 = arith.constant 0 : i32
      %dma_wait3A_176 = arith.constant 0 : i32
      %dma_wait3A_177 = tpu.memref_slice %arg2[%dma_wait3A_175, %dma_wait3A_176] : memref<10240x64xbf16, #tpu.memory_space<hbm>> -> memref<10240x64xbf16, #tpu.memory_space<hbm>>
      tpu.wait_indirect_dma semaphore(%arg10 : memref<!tpu.dma_semaphore, #tpu.memory_space<semaphore_mem>>) src(%dma_wait3A_177 : memref<10240x64xbf16, #tpu.memory_space<hbm>>) dst(%dma_wait3A_171 : memref<128x64xbf16, #tpu.memory_space<vmem>>)
      %dma_start3A_178 = arith.constant 0 : i32
      %dma_start3A_179 = arith.constant 0 : i32
      %dma_start3A_180 = arith.constant 0 : i32
      %dma_start3A_181 = tpu.memref_slice %arg8[%dma_start3A_178, %dma_start3A_179, %dma_start3A_180] : memref<12x128x64xbf16, #tpu.memory_space<vmem>> -> memref<1x128x64xbf16, #tpu.memory_space<vmem>>
      %dma_start3A_182 = tpu.memref_squeeze %dma_start3A_181 : memref<1x128x64xbf16, #tpu.memory_space<vmem>> -> memref<128x64xbf16, #tpu.memory_space<vmem>>
      %dma_start3A_183 = arith.constant 0 : i32
      %dma_start3A_184 = tpu.memref_slice %arg7[%add3A_166, %dma_start3A_183] : memref<84x128xi32, #tpu.memory_space<vmem>> -> memref<1x128xi32, #tpu.memory_space<vmem>>
      %dma_start3A_185 = tpu.memref_squeeze %dma_start3A_184 : memref<1x128xi32, #tpu.memory_space<vmem>> -> memref<128xi32, #tpu.memory_space<vmem>>
      %dma_start3A_186 = arith.constant 0 : i32
      %dma_start3A_187 = arith.constant 0 : i32
      %dma_start3A_188 = tpu.memref_slice %arg9[%dma_start3A_186, %dma_start3A_187] : memref<10240x64xbf16, #tpu.memory_space<vmem_shared>> -> memref<10240x64xbf16, #tpu.memory_space<vmem_shared>>
      tpu.enqueue_indirect_dma source(%dma_start3A_182 : memref<128x64xbf16, #tpu.memory_space<vmem>>) target(%dma_start3A_188 : memref<10240x64xbf16, #tpu.memory_space<vmem_shared>>) offsets(%dma_start3A_185 : memref<128xi32, #tpu.memory_space<vmem>>) semaphore(%arg22 : memref<!tpu.dma_semaphore, #tpu.memory_space<semaphore_mem>>) {add = true}
      %add3A_189 = arith.constant 6 : i32
      %add3A_190 = arith.addi %add3A_166, %add3A_189 : i32
      %ge3A = arith.constant 12 : i32
      %ge3A_191 = arith.cmpi sge, %add3A_190, %ge3A : i32
      %convert_element_type3A = arith.extui %ge3A_191 : i1 to i32
      %cond3A = arith.constant 0 : i32
      %cond3A_192 = arith.cmpi ne, %convert_element_type3A, %cond3A : i32
      scf.if %cond3A_192 {
        %sub3A = arith.constant 12 : i32
        %sub3A_615 = arith.subi %add3A_190, %sub3A : i32
        %dma_wait3A_616 = arith.constant 6 : i32
        %dma_wait3A_617 = arith.constant 0 : i32
        %dma_wait3A_618 = arith.constant 0 : i32
        %dma_wait3A_619 = tpu.memref_slice %arg8[%dma_wait3A_616, %dma_wait3A_617, %dma_wait3A_618] : memref<12x128x64xbf16, #tpu.memory_space<vmem>> -> memref<1x128x64xbf16, #tpu.memory_space<vmem>>
        %dma_wait3A_620 = tpu.memref_squeeze %dma_wait3A_619 : memref<1x128x64xbf16, #tpu.memory_space<vmem>> -> memref<128x64xbf16, #tpu.memory_space<vmem>>
        %dma_wait3A_621 = arith.constant 0 : i32
        %dma_wait3A_622 = tpu.memref_slice %arg7[%sub3A_615, %dma_wait3A_621] : memref<84x128xi32, #tpu.memory_space<vmem>> -> memref<1x128xi32, #tpu.memory_space<vmem>>
        %dma_wait3A_623 = tpu.memref_squeeze %dma_wait3A_622 : memref<1x128xi32, #tpu.memory_space<vmem>> -> memref<128xi32, #tpu.memory_space<vmem>>
        %dma_wait3A_624 = arith.constant 0 : i32
        %dma_wait3A_625 = arith.constant 0 : i32
        %dma_wait3A_626 = tpu.memref_slice %arg9[%dma_wait3A_624, %dma_wait3A_625] : memref<10240x64xbf16, #tpu.memory_space<vmem_shared>> -> memref<10240x64xbf16, #tpu.memory_space<vmem_shared>>
        tpu.wait_indirect_dma semaphore(%arg28 : memref<!tpu.dma_semaphore, #tpu.memory_space<semaphore_mem>>) src(%dma_wait3A_620 : memref<128x64xbf16, #tpu.memory_space<vmem>>) dst(%dma_wait3A_626 : memref<10240x64xbf16, #tpu.memory_space<vmem_shared>>)
      } else {
      }
      %lt3A = arith.constant 84 : i32
      %lt3A_193 = arith.cmpi slt, %add3A_190, %lt3A : i32
      %convert_element_type3A_194 = arith.extui %lt3A_193 : i1 to i32
      %cond3A_195 = arith.constant 0 : i32
      %cond3A_196 = arith.cmpi ne, %convert_element_type3A_194, %cond3A_195 : i32
      scf.if %cond3A_196 {
        %dma_start3A_615 = arith.constant 6 : i32
        %dma_start3A_616 = arith.constant 0 : i32
        %dma_start3A_617 = arith.constant 0 : i32
        %dma_start3A_618 = tpu.memref_slice %arg8[%dma_start3A_615, %dma_start3A_616, %dma_start3A_617] : memref<12x128x64xbf16, #tpu.memory_space<vmem>> -> memref<1x128x64xbf16, #tpu.memory_space<vmem>>
        %dma_start3A_619 = tpu.memref_squeeze %dma_start3A_618 : memref<1x128x64xbf16, #tpu.memory_space<vmem>> -> memref<128x64xbf16, #tpu.memory_space<vmem>>
        %dma_start3A_620 = arith.constant 0 : i32
        %dma_start3A_621 = tpu.memref_slice %arg6[%add3A_190, %dma_start3A_620] : memref<84x128xi32, #tpu.memory_space<vmem>> -> memref<1x128xi32, #tpu.memory_space<vmem>>
        %dma_start3A_622 = tpu.memref_squeeze %dma_start3A_621 : memref<1x128xi32, #tpu.memory_space<vmem>> -> memref<128xi32, #tpu.memory_space<vmem>>
        %dma_start3A_623 = arith.constant 0 : i32
        %dma_start3A_624 = arith.constant 0 : i32
        %dma_start3A_625 = tpu.memref_slice %arg2[%dma_start3A_623, %dma_start3A_624] : memref<10240x64xbf16, #tpu.memory_space<hbm>> -> memref<10240x64xbf16, #tpu.memory_space<hbm>>
        tpu.enqueue_indirect_dma source(%dma_start3A_625 : memref<10240x64xbf16, #tpu.memory_space<hbm>>) target(%dma_start3A_619 : memref<128x64xbf16, #tpu.memory_space<vmem>>) offsets(%dma_start3A_622 : memref<128xi32, #tpu.memory_space<vmem>>) semaphore(%arg16 : memref<!tpu.dma_semaphore, #tpu.memory_space<semaphore_mem>>)
      } else {
      }
      %mul3A_197 = arith.constant 12 : i32
      %mul3A_198 = arith.muli %mul3A_197, %scan3A_163 : i32
      %add3A_199 = arith.constant 1 : i32
      %add3A_200 = arith.addi %mul3A_198, %add3A_199 : i32
      %dma_wait3A_201 = arith.constant 1 : i32
      %dma_wait3A_202 = arith.constant 0 : i32
      %dma_wait3A_203 = arith.constant 0 : i32
      %dma_wait3A_204 = tpu.memref_slice %arg8[%dma_wait3A_201, %dma_wait3A_202, %dma_wait3A_203] : memref<12x128x64xbf16, #tpu.memory_space<vmem>> -> memref<1x128x64xbf16, #tpu.memory_space<vmem>>
      %dma_wait3A_205 = tpu.memref_squeeze %dma_wait3A_204 : memref<1x128x64xbf16, #tpu.memory_space<vmem>> -> memref<128x64xbf16, #tpu.memory_space<vmem>>
      %dma_wait3A_206 = arith.constant 0 : i32
      %dma_wait3A_207 = tpu.memref_slice %arg6[%add3A_200, %dma_wait3A_206] : memref<84x128xi32, #tpu.memory_space<vmem>> -> memref<1x128xi32, #tpu.memory_space<vmem>>
      %dma_wait3A_208 = tpu.memref_squeeze %dma_wait3A_207 : memref<1x128xi32, #tpu.memory_space<vmem>> -> memref<128xi32, #tpu.memory_space<vmem>>
      %dma_wait3A_209 = arith.constant 0 : i32
      %dma_wait3A_210 = arith.constant 0 : i32
      %dma_wait3A_211 = tpu.memref_slice %arg2[%dma_wait3A_209, %dma_wait3A_210] : memref<10240x64xbf16, #tpu.memory_space<hbm>> -> memref<10240x64xbf16, #tpu.memory_space<hbm>>
      tpu.wait_indirect_dma semaphore(%arg11 : memref<!tpu.dma_semaphore, #tpu.memory_space<semaphore_mem>>) src(%dma_wait3A_211 : memref<10240x64xbf16, #tpu.memory_space<hbm>>) dst(%dma_wait3A_205 : memref<128x64xbf16, #tpu.memory_space<vmem>>)
      %dma_start3A_212 = arith.constant 1 : i32
      %dma_start3A_213 = arith.constant 0 : i32
      %dma_start3A_214 = arith.constant 0 : i32
      %dma_start3A_215 = tpu.memref_slice %arg8[%dma_start3A_212, %dma_start3A_213, %dma_start3A_214] : memref<12x128x64xbf16, #tpu.memory_space<vmem>> -> memref<1x128x64xbf16, #tpu.memory_space<vmem>>
      %dma_start3A_216 = tpu.memref_squeeze %dma_start3A_215 : memref<1x128x64xbf16, #tpu.memory_space<vmem>> -> memref<128x64xbf16, #tpu.memory_space<vmem>>
      %dma_start3A_217 = arith.constant 0 : i32
      %dma_start3A_218 = tpu.memref_slice %arg7[%add3A_200, %dma_start3A_217] : memref<84x128xi32, #tpu.memory_space<vmem>> -> memref<1x128xi32, #tpu.memory_space<vmem>>
      %dma_start3A_219 = tpu.memref_squeeze %dma_start3A_218 : memref<1x128xi32, #tpu.memory_space<vmem>> -> memref<128xi32, #tpu.memory_space<vmem>>
      %dma_start3A_220 = arith.constant 0 : i32
      %dma_start3A_221 = arith.constant 0 : i32
      %dma_start3A_222 = tpu.memref_slice %arg9[%dma_start3A_220, %dma_start3A_221] : memref<10240x64xbf16, #tpu.memory_space<vmem_shared>> -> memref<10240x64xbf16, #tpu.memory_space<vmem_shared>>
      tpu.enqueue_indirect_dma source(%dma_start3A_216 : memref<128x64xbf16, #tpu.memory_space<vmem>>) target(%dma_start3A_222 : memref<10240x64xbf16, #tpu.memory_space<vmem_shared>>) offsets(%dma_start3A_219 : memref<128xi32, #tpu.memory_space<vmem>>) semaphore(%arg23 : memref<!tpu.dma_semaphore, #tpu.memory_space<semaphore_mem>>) {add = true}
      %add3A_223 = arith.constant 6 : i32
      %add3A_224 = arith.addi %add3A_200, %add3A_223 : i32
      %ge3A_225 = arith.constant 12 : i32
      %ge3A_226 = arith.cmpi sge, %add3A_224, %ge3A_225 : i32
      %convert_element_type3A_227 = arith.extui %ge3A_226 : i1 to i32
      %cond3A_228 = arith.constant 0 : i32
      %cond3A_229 = arith.cmpi ne, %convert_element_type3A_227, %cond3A_228 : i32
      scf.if %cond3A_229 {
        %sub3A = arith.constant 12 : i32
        %sub3A_615 = arith.subi %add3A_224, %sub3A : i32
        %dma_wait3A_616 = arith.constant 7 : i32
        %dma_wait3A_617 = arith.constant 0 : i32
        %dma_wait3A_618 = arith.constant 0 : i32
        %dma_wait3A_619 = tpu.memref_slice %arg8[%dma_wait3A_616, %dma_wait3A_617, %dma_wait3A_618] : memref<12x128x64xbf16, #tpu.memory_space<vmem>> -> memref<1x128x64xbf16, #tpu.memory_space<vmem>>
        %dma_wait3A_620 = tpu.memref_squeeze %dma_wait3A_619 : memref<1x128x64xbf16, #tpu.memory_space<vmem>> -> memref<128x64xbf16, #tpu.memory_space<vmem>>
        %dma_wait3A_621 = arith.constant 0 : i32
        %dma_wait3A_622 = tpu.memref_slice %arg7[%sub3A_615, %dma_wait3A_621] : memref<84x128xi32, #tpu.memory_space<vmem>> -> memref<1x128xi32, #tpu.memory_space<vmem>>
        %dma_wait3A_623 = tpu.memref_squeeze %dma_wait3A_622 : memref<1x128xi32, #tpu.memory_space<vmem>> -> memref<128xi32, #tpu.memory_space<vmem>>
        %dma_wait3A_624 = arith.constant 0 : i32
        %dma_wait3A_625 = arith.constant 0 : i32
        %dma_wait3A_626 = tpu.memref_slice %arg9[%dma_wait3A_624, %dma_wait3A_625] : memref<10240x64xbf16, #tpu.memory_space<vmem_shared>> -> memref<10240x64xbf16, #tpu.memory_space<vmem_shared>>
        tpu.wait_indirect_dma semaphore(%arg29 : memref<!tpu.dma_semaphore, #tpu.memory_space<semaphore_mem>>) src(%dma_wait3A_620 : memref<128x64xbf16, #tpu.memory_space<vmem>>) dst(%dma_wait3A_626 : memref<10240x64xbf16, #tpu.memory_space<vmem_shared>>)
      } else {
      }
      %lt3A_230 = arith.constant 84 : i32
      %lt3A_231 = arith.cmpi slt, %add3A_224, %lt3A_230 : i32
      %convert_element_type3A_232 = arith.extui %lt3A_231 : i1 to i32
      %cond3A_233 = arith.constant 0 : i32
      %cond3A_234 = arith.cmpi ne, %convert_element_type3A_232, %cond3A_233 : i32
      scf.if %cond3A_234 {
        %dma_start3A_615 = arith.constant 7 : i32
        %dma_start3A_616 = arith.constant 0 : i32
        %dma_start3A_617 = arith.constant 0 : i32
        %dma_start3A_618 = tpu.memref_slice %arg8[%dma_start3A_615, %dma_start3A_616, %dma_start3A_617] : memref<12x128x64xbf16, #tpu.memory_space<vmem>> -> memref<1x128x64xbf16, #tpu.memory_space<vmem>>
        %dma_start3A_619 = tpu.memref_squeeze %dma_start3A_618 : memref<1x128x64xbf16, #tpu.memory_space<vmem>> -> memref<128x64xbf16, #tpu.memory_space<vmem>>
        %dma_start3A_620 = arith.constant 0 : i32
        %dma_start3A_621 = tpu.memref_slice %arg6[%add3A_224, %dma_start3A_620] : memref<84x128xi32, #tpu.memory_space<vmem>> -> memref<1x128xi32, #tpu.memory_space<vmem>>
        %dma_start3A_622 = tpu.memref_squeeze %dma_start3A_621 : memref<1x128xi32, #tpu.memory_space<vmem>> -> memref<128xi32, #tpu.memory_space<vmem>>
        %dma_start3A_623 = arith.constant 0 : i32
        %dma_start3A_624 = arith.constant 0 : i32
        %dma_start3A_625 = tpu.memref_slice %arg2[%dma_start3A_623, %dma_start3A_624] : memref<10240x64xbf16, #tpu.memory_space<hbm>> -> memref<10240x64xbf16, #tpu.memory_space<hbm>>
        tpu.enqueue_indirect_dma source(%dma_start3A_625 : memref<10240x64xbf16, #tpu.memory_space<hbm>>) target(%dma_start3A_619 : memref<128x64xbf16, #tpu.memory_space<vmem>>) offsets(%dma_start3A_622 : memref<128xi32, #tpu.memory_space<vmem>>) semaphore(%arg17 : memref<!tpu.dma_semaphore, #tpu.memory_space<semaphore_mem>>)
      } else {
      }
      %mul3A_235 = arith.constant 12 : i32
      %mul3A_236 = arith.muli %mul3A_235, %scan3A_163 : i32
      %add3A_237 = arith.constant 2 : i32
      %add3A_238 = arith.addi %mul3A_236, %add3A_237 : i32
      %dma_wait3A_239 = arith.constant 2 : i32
      %dma_wait3A_240 = arith.constant 0 : i32
      %dma_wait3A_241 = arith.constant 0 : i32
      %dma_wait3A_242 = tpu.memref_slice %arg8[%dma_wait3A_239, %dma_wait3A_240, %dma_wait3A_241] : memref<12x128x64xbf16, #tpu.memory_space<vmem>> -> memref<1x128x64xbf16, #tpu.memory_space<vmem>>
      %dma_wait3A_243 = tpu.memref_squeeze %dma_wait3A_242 : memref<1x128x64xbf16, #tpu.memory_space<vmem>> -> memref<128x64xbf16, #tpu.memory_space<vmem>>
      %dma_wait3A_244 = arith.constant 0 : i32
      %dma_wait3A_245 = tpu.memref_slice %arg6[%add3A_238, %dma_wait3A_244] : memref<84x128xi32, #tpu.memory_space<vmem>> -> memref<1x128xi32, #tpu.memory_space<vmem>>
      %dma_wait3A_246 = tpu.memref_squeeze %dma_wait3A_245 : memref<1x128xi32, #tpu.memory_space<vmem>> -> memref<128xi32, #tpu.memory_space<vmem>>
      %dma_wait3A_247 = arith.constant 0 : i32
      %dma_wait3A_248 = arith.constant 0 : i32
      %dma_wait3A_249 = tpu.memref_slice %arg2[%dma_wait3A_247, %dma_wait3A_248] : memref<10240x64xbf16, #tpu.memory_space<hbm>> -> memref<10240x64xbf16, #tpu.memory_space<hbm>>
      tpu.wait_indirect_dma semaphore(%arg12 : memref<!tpu.dma_semaphore, #tpu.memory_space<semaphore_mem>>) src(%dma_wait3A_249 : memref<10240x64xbf16, #tpu.memory_space<hbm>>) dst(%dma_wait3A_243 : memref<128x64xbf16, #tpu.memory_space<vmem>>)
      %dma_start3A_250 = arith.constant 2 : i32
      %dma_start3A_251 = arith.constant 0 : i32
      %dma_start3A_252 = arith.constant 0 : i32
      %dma_start3A_253 = tpu.memref_slice %arg8[%dma_start3A_250, %dma_start3A_251, %dma_start3A_252] : memref<12x128x64xbf16, #tpu.memory_space<vmem>> -> memref<1x128x64xbf16, #tpu.memory_space<vmem>>
      %dma_start3A_254 = tpu.memref_squeeze %dma_start3A_253 : memref<1x128x64xbf16, #tpu.memory_space<vmem>> -> memref<128x64xbf16, #tpu.memory_space<vmem>>
      %dma_start3A_255 = arith.constant 0 : i32
      %dma_start3A_256 = tpu.memref_slice %arg7[%add3A_238, %dma_start3A_255] : memref<84x128xi32, #tpu.memory_space<vmem>> -> memref<1x128xi32, #tpu.memory_space<vmem>>
      %dma_start3A_257 = tpu.memref_squeeze %dma_start3A_256 : memref<1x128xi32, #tpu.memory_space<vmem>> -> memref<128xi32, #tpu.memory_space<vmem>>
      %dma_start3A_258 = arith.constant 0 : i32
      %dma_start3A_259 = arith.constant 0 : i32
      %dma_start3A_260 = tpu.memref_slice %arg9[%dma_start3A_258, %dma_start3A_259] : memref<10240x64xbf16, #tpu.memory_space<vmem_shared>> -> memref<10240x64xbf16, #tpu.memory_space<vmem_shared>>
      tpu.enqueue_indirect_dma source(%dma_start3A_254 : memref<128x64xbf16, #tpu.memory_space<vmem>>) target(%dma_start3A_260 : memref<10240x64xbf16, #tpu.memory_space<vmem_shared>>) offsets(%dma_start3A_257 : memref<128xi32, #tpu.memory_space<vmem>>) semaphore(%arg24 : memref<!tpu.dma_semaphore, #tpu.memory_space<semaphore_mem>>) {add = true}
      %add3A_261 = arith.constant 6 : i32
      %add3A_262 = arith.addi %add3A_238, %add3A_261 : i32
      %ge3A_263 = arith.constant 12 : i32
      %ge3A_264 = arith.cmpi sge, %add3A_262, %ge3A_263 : i32
      %convert_element_type3A_265 = arith.extui %ge3A_264 : i1 to i32
      %cond3A_266 = arith.constant 0 : i32
      %cond3A_267 = arith.cmpi ne, %convert_element_type3A_265, %cond3A_266 : i32
      scf.if %cond3A_267 {
        %sub3A = arith.constant 12 : i32
        %sub3A_615 = arith.subi %add3A_262, %sub3A : i32
        %dma_wait3A_616 = arith.constant 8 : i32
        %dma_wait3A_617 = arith.constant 0 : i32
        %dma_wait3A_618 = arith.constant 0 : i32
        %dma_wait3A_619 = tpu.memref_slice %arg8[%dma_wait3A_616, %dma_wait3A_617, %dma_wait3A_618] : memref<12x128x64xbf16, #tpu.memory_space<vmem>> -> memref<1x128x64xbf16, #tpu.memory_space<vmem>>
        %dma_wait3A_620 = tpu.memref_squeeze %dma_wait3A_619 : memref<1x128x64xbf16, #tpu.memory_space<vmem>> -> memref<128x64xbf16, #tpu.memory_space<vmem>>
        %dma_wait3A_621 = arith.constant 0 : i32
        %dma_wait3A_622 = tpu.memref_slice %arg7[%sub3A_615, %dma_wait3A_621] : memref<84x128xi32, #tpu.memory_space<vmem>> -> memref<1x128xi32, #tpu.memory_space<vmem>>
        %dma_wait3A_623 = tpu.memref_squeeze %dma_wait3A_622 : memref<1x128xi32, #tpu.memory_space<vmem>> -> memref<128xi32, #tpu.memory_space<vmem>>
        %dma_wait3A_624 = arith.constant 0 : i32
        %dma_wait3A_625 = arith.constant 0 : i32
        %dma_wait3A_626 = tpu.memref_slice %arg9[%dma_wait3A_624, %dma_wait3A_625] : memref<10240x64xbf16, #tpu.memory_space<vmem_shared>> -> memref<10240x64xbf16, #tpu.memory_space<vmem_shared>>
        tpu.wait_indirect_dma semaphore(%arg30 : memref<!tpu.dma_semaphore, #tpu.memory_space<semaphore_mem>>) src(%dma_wait3A_620 : memref<128x64xbf16, #tpu.memory_space<vmem>>) dst(%dma_wait3A_626 : memref<10240x64xbf16, #tpu.memory_space<vmem_shared>>)
      } else {
      }
      %lt3A_268 = arith.constant 84 : i32
      %lt3A_269 = arith.cmpi slt, %add3A_262, %lt3A_268 : i32
      %convert_element_type3A_270 = arith.extui %lt3A_269 : i1 to i32
      %cond3A_271 = arith.constant 0 : i32
      %cond3A_272 = arith.cmpi ne, %convert_element_type3A_270, %cond3A_271 : i32
      scf.if %cond3A_272 {
        %dma_start3A_615 = arith.constant 8 : i32
        %dma_start3A_616 = arith.constant 0 : i32
        %dma_start3A_617 = arith.constant 0 : i32
        %dma_start3A_618 = tpu.memref_slice %arg8[%dma_start3A_615, %dma_start3A_616, %dma_start3A_617] : memref<12x128x64xbf16, #tpu.memory_space<vmem>> -> memref<1x128x64xbf16, #tpu.memory_space<vmem>>
        %dma_start3A_619 = tpu.memref_squeeze %dma_start3A_618 : memref<1x128x64xbf16, #tpu.memory_space<vmem>> -> memref<128x64xbf16, #tpu.memory_space<vmem>>
        %dma_start3A_620 = arith.constant 0 : i32
        %dma_start3A_621 = tpu.memref_slice %arg6[%add3A_262, %dma_start3A_620] : memref<84x128xi32, #tpu.memory_space<vmem>> -> memref<1x128xi32, #tpu.memory_space<vmem>>
        %dma_start3A_622 = tpu.memref_squeeze %dma_start3A_621 : memref<1x128xi32, #tpu.memory_space<vmem>> -> memref<128xi32, #tpu.memory_space<vmem>>
        %dma_start3A_623 = arith.constant 0 : i32
        %dma_start3A_624 = arith.constant 0 : i32
        %dma_start3A_625 = tpu.memref_slice %arg2[%dma_start3A_623, %dma_start3A_624] : memref<10240x64xbf16, #tpu.memory_space<hbm>> -> memref<10240x64xbf16, #tpu.memory_space<hbm>>
        tpu.enqueue_indirect_dma source(%dma_start3A_625 : memref<10240x64xbf16, #tpu.memory_space<hbm>>) target(%dma_start3A_619 : memref<128x64xbf16, #tpu.memory_space<vmem>>) offsets(%dma_start3A_622 : memref<128xi32, #tpu.memory_space<vmem>>) semaphore(%arg18 : memref<!tpu.dma_semaphore, #tpu.memory_space<semaphore_mem>>)
      } else {
      }
      %mul3A_273 = arith.constant 12 : i32
      %mul3A_274 = arith.muli %mul3A_273, %scan3A_163 : i32
      %add3A_275 = arith.constant 3 : i32
      %add3A_276 = arith.addi %mul3A_274, %add3A_275 : i32
      %dma_wait3A_277 = arith.constant 3 : i32
      %dma_wait3A_278 = arith.constant 0 : i32
      %dma_wait3A_279 = arith.constant 0 : i32
      %dma_wait3A_280 = tpu.memref_slice %arg8[%dma_wait3A_277, %dma_wait3A_278, %dma_wait3A_279] : memref<12x128x64xbf16, #tpu.memory_space<vmem>> -> memref<1x128x64xbf16, #tpu.memory_space<vmem>>
      %dma_wait3A_281 = tpu.memref_squeeze %dma_wait3A_280 : memref<1x128x64xbf16, #tpu.memory_space<vmem>> -> memref<128x64xbf16, #tpu.memory_space<vmem>>
      %dma_wait3A_282 = arith.constant 0 : i32
      %dma_wait3A_283 = tpu.memref_slice %arg6[%add3A_276, %dma_wait3A_282] : memref<84x128xi32, #tpu.memory_space<vmem>> -> memref<1x128xi32, #tpu.memory_space<vmem>>
      %dma_wait3A_284 = tpu.memref_squeeze %dma_wait3A_283 : memref<1x128xi32, #tpu.memory_space<vmem>> -> memref<128xi32, #tpu.memory_space<vmem>>
      %dma_wait3A_285 = arith.constant 0 : i32
      %dma_wait3A_286 = arith.constant 0 : i32
      %dma_wait3A_287 = tpu.memref_slice %arg2[%dma_wait3A_285, %dma_wait3A_286] : memref<10240x64xbf16, #tpu.memory_space<hbm>> -> memref<10240x64xbf16, #tpu.memory_space<hbm>>
      tpu.wait_indirect_dma semaphore(%arg13 : memref<!tpu.dma_semaphore, #tpu.memory_space<semaphore_mem>>) src(%dma_wait3A_287 : memref<10240x64xbf16, #tpu.memory_space<hbm>>) dst(%dma_wait3A_281 : memref<128x64xbf16, #tpu.memory_space<vmem>>)
      %dma_start3A_288 = arith.constant 3 : i32
      %dma_start3A_289 = arith.constant 0 : i32
      %dma_start3A_290 = arith.constant 0 : i32
      %dma_start3A_291 = tpu.memref_slice %arg8[%dma_start3A_288, %dma_start3A_289, %dma_start3A_290] : memref<12x128x64xbf16, #tpu.memory_space<vmem>> -> memref<1x128x64xbf16, #tpu.memory_space<vmem>>
      %dma_start3A_292 = tpu.memref_squeeze %dma_start3A_291 : memref<1x128x64xbf16, #tpu.memory_space<vmem>> -> memref<128x64xbf16, #tpu.memory_space<vmem>>
      %dma_start3A_293 = arith.constant 0 : i32
      %dma_start3A_294 = tpu.memref_slice %arg7[%add3A_276, %dma_start3A_293] : memref<84x128xi32, #tpu.memory_space<vmem>> -> memref<1x128xi32, #tpu.memory_space<vmem>>
      %dma_start3A_295 = tpu.memref_squeeze %dma_start3A_294 : memref<1x128xi32, #tpu.memory_space<vmem>> -> memref<128xi32, #tpu.memory_space<vmem>>
      %dma_start3A_296 = arith.constant 0 : i32
      %dma_start3A_297 = arith.constant 0 : i32
      %dma_start3A_298 = tpu.memref_slice %arg9[%dma_start3A_296, %dma_start3A_297] : memref<10240x64xbf16, #tpu.memory_space<vmem_shared>> -> memref<10240x64xbf16, #tpu.memory_space<vmem_shared>>
      tpu.enqueue_indirect_dma source(%dma_start3A_292 : memref<128x64xbf16, #tpu.memory_space<vmem>>) target(%dma_start3A_298 : memref<10240x64xbf16, #tpu.memory_space<vmem_shared>>) offsets(%dma_start3A_295 : memref<128xi32, #tpu.memory_space<vmem>>) semaphore(%arg25 : memref<!tpu.dma_semaphore, #tpu.memory_space<semaphore_mem>>) {add = true}
      %add3A_299 = arith.constant 6 : i32
      %add3A_300 = arith.addi %add3A_276, %add3A_299 : i32
      %ge3A_301 = arith.constant 12 : i32
      %ge3A_302 = arith.cmpi sge, %add3A_300, %ge3A_301 : i32
      %convert_element_type3A_303 = arith.extui %ge3A_302 : i1 to i32
      %cond3A_304 = arith.constant 0 : i32
      %cond3A_305 = arith.cmpi ne, %convert_element_type3A_303, %cond3A_304 : i32
      scf.if %cond3A_305 {
        %sub3A = arith.constant 12 : i32
        %sub3A_615 = arith.subi %add3A_300, %sub3A : i32
        %dma_wait3A_616 = arith.constant 9 : i32
        %dma_wait3A_617 = arith.constant 0 : i32
        %dma_wait3A_618 = arith.constant 0 : i32
        %dma_wait3A_619 = tpu.memref_slice %arg8[%dma_wait3A_616, %dma_wait3A_617, %dma_wait3A_618] : memref<12x128x64xbf16, #tpu.memory_space<vmem>> -> memref<1x128x64xbf16, #tpu.memory_space<vmem>>
        %dma_wait3A_620 = tpu.memref_squeeze %dma_wait3A_619 : memref<1x128x64xbf16, #tpu.memory_space<vmem>> -> memref<128x64xbf16, #tpu.memory_space<vmem>>
        %dma_wait3A_621 = arith.constant 0 : i32
        %dma_wait3A_622 = tpu.memref_slice %arg7[%sub3A_615, %dma_wait3A_621] : memref<84x128xi32, #tpu.memory_space<vmem>> -> memref<1x128xi32, #tpu.memory_space<vmem>>
        %dma_wait3A_623 = tpu.memref_squeeze %dma_wait3A_622 : memref<1x128xi32, #tpu.memory_space<vmem>> -> memref<128xi32, #tpu.memory_space<vmem>>
        %dma_wait3A_624 = arith.constant 0 : i32
        %dma_wait3A_625 = arith.constant 0 : i32
        %dma_wait3A_626 = tpu.memref_slice %arg9[%dma_wait3A_624, %dma_wait3A_625] : memref<10240x64xbf16, #tpu.memory_space<vmem_shared>> -> memref<10240x64xbf16, #tpu.memory_space<vmem_shared>>
        tpu.wait_indirect_dma semaphore(%arg31 : memref<!tpu.dma_semaphore, #tpu.memory_space<semaphore_mem>>) src(%dma_wait3A_620 : memref<128x64xbf16, #tpu.memory_space<vmem>>) dst(%dma_wait3A_626 : memref<10240x64xbf16, #tpu.memory_space<vmem_shared>>)
      } else {
      }
      %lt3A_306 = arith.constant 84 : i32
      %lt3A_307 = arith.cmpi slt, %add3A_300, %lt3A_306 : i32
      %convert_element_type3A_308 = arith.extui %lt3A_307 : i1 to i32
      %cond3A_309 = arith.constant 0 : i32
      %cond3A_310 = arith.cmpi ne, %convert_element_type3A_308, %cond3A_309 : i32
      scf.if %cond3A_310 {
        %dma_start3A_615 = arith.constant 9 : i32
        %dma_start3A_616 = arith.constant 0 : i32
        %dma_start3A_617 = arith.constant 0 : i32
        %dma_start3A_618 = tpu.memref_slice %arg8[%dma_start3A_615, %dma_start3A_616, %dma_start3A_617] : memref<12x128x64xbf16, #tpu.memory_space<vmem>> -> memref<1x128x64xbf16, #tpu.memory_space<vmem>>
        %dma_start3A_619 = tpu.memref_squeeze %dma_start3A_618 : memref<1x128x64xbf16, #tpu.memory_space<vmem>> -> memref<128x64xbf16, #tpu.memory_space<vmem>>
        %dma_start3A_620 = arith.constant 0 : i32
        %dma_start3A_621 = tpu.memref_slice %arg6[%add3A_300, %dma_start3A_620] : memref<84x128xi32, #tpu.memory_space<vmem>> -> memref<1x128xi32, #tpu.memory_space<vmem>>
        %dma_start3A_622 = tpu.memref_squeeze %dma_start3A_621 : memref<1x128xi32, #tpu.memory_space<vmem>> -> memref<128xi32, #tpu.memory_space<vmem>>
        %dma_start3A_623 = arith.constant 0 : i32
        %dma_start3A_624 = arith.constant 0 : i32
        %dma_start3A_625 = tpu.memref_slice %arg2[%dma_start3A_623, %dma_start3A_624] : memref<10240x64xbf16, #tpu.memory_space<hbm>> -> memref<10240x64xbf16, #tpu.memory_space<hbm>>
        tpu.enqueue_indirect_dma source(%dma_start3A_625 : memref<10240x64xbf16, #tpu.memory_space<hbm>>) target(%dma_start3A_619 : memref<128x64xbf16, #tpu.memory_space<vmem>>) offsets(%dma_start3A_622 : memref<128xi32, #tpu.memory_space<vmem>>) semaphore(%arg19 : memref<!tpu.dma_semaphore, #tpu.memory_space<semaphore_mem>>)
      } else {
      }
      %mul3A_311 = arith.constant 12 : i32
      %mul3A_312 = arith.muli %mul3A_311, %scan3A_163 : i32
      %add3A_313 = arith.constant 4 : i32
      %add3A_314 = arith.addi %mul3A_312, %add3A_313 : i32
      %dma_wait3A_315 = arith.constant 4 : i32
      %dma_wait3A_316 = arith.constant 0 : i32
      %dma_wait3A_317 = arith.constant 0 : i32
      %dma_wait3A_318 = tpu.memref_slice %arg8[%dma_wait3A_315, %dma_wait3A_316, %dma_wait3A_317] : memref<12x128x64xbf16, #tpu.memory_space<vmem>> -> memref<1x128x64xbf16, #tpu.memory_space<vmem>>
      %dma_wait3A_319 = tpu.memref_squeeze %dma_wait3A_318 : memref<1x128x64xbf16, #tpu.memory_space<vmem>> -> memref<128x64xbf16, #tpu.memory_space<vmem>>
      %dma_wait3A_320 = arith.constant 0 : i32
      %dma_wait3A_321 = tpu.memref_slice %arg6[%add3A_314, %dma_wait3A_320] : memref<84x128xi32, #tpu.memory_space<vmem>> -> memref<1x128xi32, #tpu.memory_space<vmem>>
      %dma_wait3A_322 = tpu.memref_squeeze %dma_wait3A_321 : memref<1x128xi32, #tpu.memory_space<vmem>> -> memref<128xi32, #tpu.memory_space<vmem>>
      %dma_wait3A_323 = arith.constant 0 : i32
      %dma_wait3A_324 = arith.constant 0 : i32
      %dma_wait3A_325 = tpu.memref_slice %arg2[%dma_wait3A_323, %dma_wait3A_324] : memref<10240x64xbf16, #tpu.memory_space<hbm>> -> memref<10240x64xbf16, #tpu.memory_space<hbm>>
      tpu.wait_indirect_dma semaphore(%arg14 : memref<!tpu.dma_semaphore, #tpu.memory_space<semaphore_mem>>) src(%dma_wait3A_325 : memref<10240x64xbf16, #tpu.memory_space<hbm>>) dst(%dma_wait3A_319 : memref<128x64xbf16, #tpu.memory_space<vmem>>)
      %dma_start3A_326 = arith.constant 4 : i32
      %dma_start3A_327 = arith.constant 0 : i32
      %dma_start3A_328 = arith.constant 0 : i32
      %dma_start3A_329 = tpu.memref_slice %arg8[%dma_start3A_326, %dma_start3A_327, %dma_start3A_328] : memref<12x128x64xbf16, #tpu.memory_space<vmem>> -> memref<1x128x64xbf16, #tpu.memory_space<vmem>>
      %dma_start3A_330 = tpu.memref_squeeze %dma_start3A_329 : memref<1x128x64xbf16, #tpu.memory_space<vmem>> -> memref<128x64xbf16, #tpu.memory_space<vmem>>
      %dma_start3A_331 = arith.constant 0 : i32
      %dma_start3A_332 = tpu.memref_slice %arg7[%add3A_314, %dma_start3A_331] : memref<84x128xi32, #tpu.memory_space<vmem>> -> memref<1x128xi32, #tpu.memory_space<vmem>>
      %dma_start3A_333 = tpu.memref_squeeze %dma_start3A_332 : memref<1x128xi32, #tpu.memory_space<vmem>> -> memref<128xi32, #tpu.memory_space<vmem>>
      %dma_start3A_334 = arith.constant 0 : i32
      %dma_start3A_335 = arith.constant 0 : i32
      %dma_start3A_336 = tpu.memref_slice %arg9[%dma_start3A_334, %dma_start3A_335] : memref<10240x64xbf16, #tpu.memory_space<vmem_shared>> -> memref<10240x64xbf16, #tpu.memory_space<vmem_shared>>
      tpu.enqueue_indirect_dma source(%dma_start3A_330 : memref<128x64xbf16, #tpu.memory_space<vmem>>) target(%dma_start3A_336 : memref<10240x64xbf16, #tpu.memory_space<vmem_shared>>) offsets(%dma_start3A_333 : memref<128xi32, #tpu.memory_space<vmem>>) semaphore(%arg26 : memref<!tpu.dma_semaphore, #tpu.memory_space<semaphore_mem>>) {add = true}
      %add3A_337 = arith.constant 6 : i32
      %add3A_338 = arith.addi %add3A_314, %add3A_337 : i32
      %ge3A_339 = arith.constant 12 : i32
      %ge3A_340 = arith.cmpi sge, %add3A_338, %ge3A_339 : i32
      %convert_element_type3A_341 = arith.extui %ge3A_340 : i1 to i32
      %cond3A_342 = arith.constant 0 : i32
      %cond3A_343 = arith.cmpi ne, %convert_element_type3A_341, %cond3A_342 : i32
      scf.if %cond3A_343 {
        %sub3A = arith.constant 12 : i32
        %sub3A_615 = arith.subi %add3A_338, %sub3A : i32
        %dma_wait3A_616 = arith.constant 10 : i32
        %dma_wait3A_617 = arith.constant 0 : i32
        %dma_wait3A_618 = arith.constant 0 : i32
        %dma_wait3A_619 = tpu.memref_slice %arg8[%dma_wait3A_616, %dma_wait3A_617, %dma_wait3A_618] : memref<12x128x64xbf16, #tpu.memory_space<vmem>> -> memref<1x128x64xbf16, #tpu.memory_space<vmem>>
        %dma_wait3A_620 = tpu.memref_squeeze %dma_wait3A_619 : memref<1x128x64xbf16, #tpu.memory_space<vmem>> -> memref<128x64xbf16, #tpu.memory_space<vmem>>
        %dma_wait3A_621 = arith.constant 0 : i32
        %dma_wait3A_622 = tpu.memref_slice %arg7[%sub3A_615, %dma_wait3A_621] : memref<84x128xi32, #tpu.memory_space<vmem>> -> memref<1x128xi32, #tpu.memory_space<vmem>>
        %dma_wait3A_623 = tpu.memref_squeeze %dma_wait3A_622 : memref<1x128xi32, #tpu.memory_space<vmem>> -> memref<128xi32, #tpu.memory_space<vmem>>
        %dma_wait3A_624 = arith.constant 0 : i32
        %dma_wait3A_625 = arith.constant 0 : i32
        %dma_wait3A_626 = tpu.memref_slice %arg9[%dma_wait3A_624, %dma_wait3A_625] : memref<10240x64xbf16, #tpu.memory_space<vmem_shared>> -> memref<10240x64xbf16, #tpu.memory_space<vmem_shared>>
        tpu.wait_indirect_dma semaphore(%arg32 : memref<!tpu.dma_semaphore, #tpu.memory_space<semaphore_mem>>) src(%dma_wait3A_620 : memref<128x64xbf16, #tpu.memory_space<vmem>>) dst(%dma_wait3A_626 : memref<10240x64xbf16, #tpu.memory_space<vmem_shared>>)
      } else {
      }
      %lt3A_344 = arith.constant 84 : i32
      %lt3A_345 = arith.cmpi slt, %add3A_338, %lt3A_344 : i32
      %convert_element_type3A_346 = arith.extui %lt3A_345 : i1 to i32
      %cond3A_347 = arith.constant 0 : i32
      %cond3A_348 = arith.cmpi ne, %convert_element_type3A_346, %cond3A_347 : i32
      scf.if %cond3A_348 {
        %dma_start3A_615 = arith.constant 10 : i32
        %dma_start3A_616 = arith.constant 0 : i32
        %dma_start3A_617 = arith.constant 0 : i32
        %dma_start3A_618 = tpu.memref_slice %arg8[%dma_start3A_615, %dma_start3A_616, %dma_start3A_617] : memref<12x128x64xbf16, #tpu.memory_space<vmem>> -> memref<1x128x64xbf16, #tpu.memory_space<vmem>>
        %dma_start3A_619 = tpu.memref_squeeze %dma_start3A_618 : memref<1x128x64xbf16, #tpu.memory_space<vmem>> -> memref<128x64xbf16, #tpu.memory_space<vmem>>
        %dma_start3A_620 = arith.constant 0 : i32
        %dma_start3A_621 = tpu.memref_slice %arg6[%add3A_338, %dma_start3A_620] : memref<84x128xi32, #tpu.memory_space<vmem>> -> memref<1x128xi32, #tpu.memory_space<vmem>>
        %dma_start3A_622 = tpu.memref_squeeze %dma_start3A_621 : memref<1x128xi32, #tpu.memory_space<vmem>> -> memref<128xi32, #tpu.memory_space<vmem>>
        %dma_start3A_623 = arith.constant 0 : i32
        %dma_start3A_624 = arith.constant 0 : i32
        %dma_start3A_625 = tpu.memref_slice %arg2[%dma_start3A_623, %dma_start3A_624] : memref<10240x64xbf16, #tpu.memory_space<hbm>> -> memref<10240x64xbf16, #tpu.memory_space<hbm>>
        tpu.enqueue_indirect_dma source(%dma_start3A_625 : memref<10240x64xbf16, #tpu.memory_space<hbm>>) target(%dma_start3A_619 : memref<128x64xbf16, #tpu.memory_space<vmem>>) offsets(%dma_start3A_622 : memref<128xi32, #tpu.memory_space<vmem>>) semaphore(%arg20 : memref<!tpu.dma_semaphore, #tpu.memory_space<semaphore_mem>>)
      } else {
      }
      %mul3A_349 = arith.constant 12 : i32
      %mul3A_350 = arith.muli %mul3A_349, %scan3A_163 : i32
      %add3A_351 = arith.constant 5 : i32
      %add3A_352 = arith.addi %mul3A_350, %add3A_351 : i32
      %dma_wait3A_353 = arith.constant 5 : i32
      %dma_wait3A_354 = arith.constant 0 : i32
      %dma_wait3A_355 = arith.constant 0 : i32
      %dma_wait3A_356 = tpu.memref_slice %arg8[%dma_wait3A_353, %dma_wait3A_354, %dma_wait3A_355] : memref<12x128x64xbf16, #tpu.memory_space<vmem>> -> memref<1x128x64xbf16, #tpu.memory_space<vmem>>
      %dma_wait3A_357 = tpu.memref_squeeze %dma_wait3A_356 : memref<1x128x64xbf16, #tpu.memory_space<vmem>> -> memref<128x64xbf16, #tpu.memory_space<vmem>>
      %dma_wait3A_358 = arith.constant 0 : i32
      %dma_wait3A_359 = tpu.memref_slice %arg6[%add3A_352, %dma_wait3A_358] : memref<84x128xi32, #tpu.memory_space<vmem>> -> memref<1x128xi32, #tpu.memory_space<vmem>>
      %dma_wait3A_360 = tpu.memref_squeeze %dma_wait3A_359 : memref<1x128xi32, #tpu.memory_space<vmem>> -> memref<128xi32, #tpu.memory_space<vmem>>
      %dma_wait3A_361 = arith.constant 0 : i32
      %dma_wait3A_362 = arith.constant 0 : i32
      %dma_wait3A_363 = tpu.memref_slice %arg2[%dma_wait3A_361, %dma_wait3A_362] : memref<10240x64xbf16, #tpu.memory_space<hbm>> -> memref<10240x64xbf16, #tpu.memory_space<hbm>>
      tpu.wait_indirect_dma semaphore(%arg15 : memref<!tpu.dma_semaphore, #tpu.memory_space<semaphore_mem>>) src(%dma_wait3A_363 : memref<10240x64xbf16, #tpu.memory_space<hbm>>) dst(%dma_wait3A_357 : memref<128x64xbf16, #tpu.memory_space<vmem>>)
      %dma_start3A_364 = arith.constant 5 : i32
      %dma_start3A_365 = arith.constant 0 : i32
      %dma_start3A_366 = arith.constant 0 : i32
      %dma_start3A_367 = tpu.memref_slice %arg8[%dma_start3A_364, %dma_start3A_365, %dma_start3A_366] : memref<12x128x64xbf16, #tpu.memory_space<vmem>> -> memref<1x128x64xbf16, #tpu.memory_space<vmem>>
      %dma_start3A_368 = tpu.memref_squeeze %dma_start3A_367 : memref<1x128x64xbf16, #tpu.memory_space<vmem>> -> memref<128x64xbf16, #tpu.memory_space<vmem>>
      %dma_start3A_369 = arith.constant 0 : i32
      %dma_start3A_370 = tpu.memref_slice %arg7[%add3A_352, %dma_start3A_369] : memref<84x128xi32, #tpu.memory_space<vmem>> -> memref<1x128xi32, #tpu.memory_space<vmem>>
      %dma_start3A_371 = tpu.memref_squeeze %dma_start3A_370 : memref<1x128xi32, #tpu.memory_space<vmem>> -> memref<128xi32, #tpu.memory_space<vmem>>
      %dma_start3A_372 = arith.constant 0 : i32
      %dma_start3A_373 = arith.constant 0 : i32
      %dma_start3A_374 = tpu.memref_slice %arg9[%dma_start3A_372, %dma_start3A_373] : memref<10240x64xbf16, #tpu.memory_space<vmem_shared>> -> memref<10240x64xbf16, #tpu.memory_space<vmem_shared>>
      tpu.enqueue_indirect_dma source(%dma_start3A_368 : memref<128x64xbf16, #tpu.memory_space<vmem>>) target(%dma_start3A_374 : memref<10240x64xbf16, #tpu.memory_space<vmem_shared>>) offsets(%dma_start3A_371 : memref<128xi32, #tpu.memory_space<vmem>>) semaphore(%arg27 : memref<!tpu.dma_semaphore, #tpu.memory_space<semaphore_mem>>) {add = true}
      %add3A_375 = arith.constant 6 : i32
      %add3A_376 = arith.addi %add3A_352, %add3A_375 : i32
      %ge3A_377 = arith.constant 12 : i32
      %ge3A_378 = arith.cmpi sge, %add3A_376, %ge3A_377 : i32
      %convert_element_type3A_379 = arith.extui %ge3A_378 : i1 to i32
      %cond3A_380 = arith.constant 0 : i32
      %cond3A_381 = arith.cmpi ne, %convert_element_type3A_379, %cond3A_380 : i32
      scf.if %cond3A_381 {
        %sub3A = arith.constant 12 : i32
        %sub3A_615 = arith.subi %add3A_376, %sub3A : i32
        %dma_wait3A_616 = arith.constant 11 : i32
        %dma_wait3A_617 = arith.constant 0 : i32
        %dma_wait3A_618 = arith.constant 0 : i32
        %dma_wait3A_619 = tpu.memref_slice %arg8[%dma_wait3A_616, %dma_wait3A_617, %dma_wait3A_618] : memref<12x128x64xbf16, #tpu.memory_space<vmem>> -> memref<1x128x64xbf16, #tpu.memory_space<vmem>>
        %dma_wait3A_620 = tpu.memref_squeeze %dma_wait3A_619 : memref<1x128x64xbf16, #tpu.memory_space<vmem>> -> memref<128x64xbf16, #tpu.memory_space<vmem>>
        %dma_wait3A_621 = arith.constant 0 : i32
        %dma_wait3A_622 = tpu.memref_slice %arg7[%sub3A_615, %dma_wait3A_621] : memref<84x128xi32, #tpu.memory_space<vmem>> -> memref<1x128xi32, #tpu.memory_space<vmem>>
        %dma_wait3A_623 = tpu.memref_squeeze %dma_wait3A_622 : memref<1x128xi32, #tpu.memory_space<vmem>> -> memref<128xi32, #tpu.memory_space<vmem>>
        %dma_wait3A_624 = arith.constant 0 : i32
        %dma_wait3A_625 = arith.constant 0 : i32
        %dma_wait3A_626 = tpu.memref_slice %arg9[%dma_wait3A_624, %dma_wait3A_625] : memref<10240x64xbf16, #tpu.memory_space<vmem_shared>> -> memref<10240x64xbf16, #tpu.memory_space<vmem_shared>>
        tpu.wait_indirect_dma semaphore(%arg33 : memref<!tpu.dma_semaphore, #tpu.memory_space<semaphore_mem>>) src(%dma_wait3A_620 : memref<128x64xbf16, #tpu.memory_space<vmem>>) dst(%dma_wait3A_626 : memref<10240x64xbf16, #tpu.memory_space<vmem_shared>>)
      } else {
      }
      %lt3A_382 = arith.constant 84 : i32
      %lt3A_383 = arith.cmpi slt, %add3A_376, %lt3A_382 : i32
      %convert_element_type3A_384 = arith.extui %lt3A_383 : i1 to i32
      %cond3A_385 = arith.constant 0 : i32
      %cond3A_386 = arith.cmpi ne, %convert_element_type3A_384, %cond3A_385 : i32
      scf.if %cond3A_386 {
        %dma_start3A_615 = arith.constant 11 : i32
        %dma_start3A_616 = arith.constant 0 : i32
        %dma_start3A_617 = arith.constant 0 : i32
        %dma_start3A_618 = tpu.memref_slice %arg8[%dma_start3A_615, %dma_start3A_616, %dma_start3A_617] : memref<12x128x64xbf16, #tpu.memory_space<vmem>> -> memref<1x128x64xbf16, #tpu.memory_space<vmem>>
        %dma_start3A_619 = tpu.memref_squeeze %dma_start3A_618 : memref<1x128x64xbf16, #tpu.memory_space<vmem>> -> memref<128x64xbf16, #tpu.memory_space<vmem>>
        %dma_start3A_620 = arith.constant 0 : i32
        %dma_start3A_621 = tpu.memref_slice %arg6[%add3A_376, %dma_start3A_620] : memref<84x128xi32, #tpu.memory_space<vmem>> -> memref<1x128xi32, #tpu.memory_space<vmem>>
        %dma_start3A_622 = tpu.memref_squeeze %dma_start3A_621 : memref<1x128xi32, #tpu.memory_space<vmem>> -> memref<128xi32, #tpu.memory_space<vmem>>
        %dma_start3A_623 = arith.constant 0 : i32
        %dma_start3A_624 = arith.constant 0 : i32
        %dma_start3A_625 = tpu.memref_slice %arg2[%dma_start3A_623, %dma_start3A_624] : memref<10240x64xbf16, #tpu.memory_space<hbm>> -> memref<10240x64xbf16, #tpu.memory_space<hbm>>
        tpu.enqueue_indirect_dma source(%dma_start3A_625 : memref<10240x64xbf16, #tpu.memory_space<hbm>>) target(%dma_start3A_619 : memref<128x64xbf16, #tpu.memory_space<vmem>>) offsets(%dma_start3A_622 : memref<128xi32, #tpu.memory_space<vmem>>) semaphore(%arg21 : memref<!tpu.dma_semaphore, #tpu.memory_space<semaphore_mem>>)
      } else {
      }
      %mul3A_387 = arith.constant 12 : i32
      %mul3A_388 = arith.muli %mul3A_387, %scan3A_163 : i32
      %add3A_389 = arith.constant 6 : i32
      %add3A_390 = arith.addi %mul3A_388, %add3A_389 : i32
      %dma_wait3A_391 = arith.constant 6 : i32
      %dma_wait3A_392 = arith.constant 0 : i32
      %dma_wait3A_393 = arith.constant 0 : i32
      %dma_wait3A_394 = tpu.memref_slice %arg8[%dma_wait3A_391, %dma_wait3A_392, %dma_wait3A_393] : memref<12x128x64xbf16, #tpu.memory_space<vmem>> -> memref<1x128x64xbf16, #tpu.memory_space<vmem>>
      %dma_wait3A_395 = tpu.memref_squeeze %dma_wait3A_394 : memref<1x128x64xbf16, #tpu.memory_space<vmem>> -> memref<128x64xbf16, #tpu.memory_space<vmem>>
      %dma_wait3A_396 = arith.constant 0 : i32
      %dma_wait3A_397 = tpu.memref_slice %arg6[%add3A_390, %dma_wait3A_396] : memref<84x128xi32, #tpu.memory_space<vmem>> -> memref<1x128xi32, #tpu.memory_space<vmem>>
      %dma_wait3A_398 = tpu.memref_squeeze %dma_wait3A_397 : memref<1x128xi32, #tpu.memory_space<vmem>> -> memref<128xi32, #tpu.memory_space<vmem>>
      %dma_wait3A_399 = arith.constant 0 : i32
      %dma_wait3A_400 = arith.constant 0 : i32
      %dma_wait3A_401 = tpu.memref_slice %arg2[%dma_wait3A_399, %dma_wait3A_400] : memref<10240x64xbf16, #tpu.memory_space<hbm>> -> memref<10240x64xbf16, #tpu.memory_space<hbm>>
      tpu.wait_indirect_dma semaphore(%arg16 : memref<!tpu.dma_semaphore, #tpu.memory_space<semaphore_mem>>) src(%dma_wait3A_401 : memref<10240x64xbf16, #tpu.memory_space<hbm>>) dst(%dma_wait3A_395 : memref<128x64xbf16, #tpu.memory_space<vmem>>)
      %dma_start3A_402 = arith.constant 6 : i32
      %dma_start3A_403 = arith.constant 0 : i32
      %dma_start3A_404 = arith.constant 0 : i32
      %dma_start3A_405 = tpu.memref_slice %arg8[%dma_start3A_402, %dma_start3A_403, %dma_start3A_404] : memref<12x128x64xbf16, #tpu.memory_space<vmem>> -> memref<1x128x64xbf16, #tpu.memory_space<vmem>>
      %dma_start3A_406 = tpu.memref_squeeze %dma_start3A_405 : memref<1x128x64xbf16, #tpu.memory_space<vmem>> -> memref<128x64xbf16, #tpu.memory_space<vmem>>
      %dma_start3A_407 = arith.constant 0 : i32
      %dma_start3A_408 = tpu.memref_slice %arg7[%add3A_390, %dma_start3A_407] : memref<84x128xi32, #tpu.memory_space<vmem>> -> memref<1x128xi32, #tpu.memory_space<vmem>>
      %dma_start3A_409 = tpu.memref_squeeze %dma_start3A_408 : memref<1x128xi32, #tpu.memory_space<vmem>> -> memref<128xi32, #tpu.memory_space<vmem>>
      %dma_start3A_410 = arith.constant 0 : i32
      %dma_start3A_411 = arith.constant 0 : i32
      %dma_start3A_412 = tpu.memref_slice %arg9[%dma_start3A_410, %dma_start3A_411] : memref<10240x64xbf16, #tpu.memory_space<vmem_shared>> -> memref<10240x64xbf16, #tpu.memory_space<vmem_shared>>
      tpu.enqueue_indirect_dma source(%dma_start3A_406 : memref<128x64xbf16, #tpu.memory_space<vmem>>) target(%dma_start3A_412 : memref<10240x64xbf16, #tpu.memory_space<vmem_shared>>) offsets(%dma_start3A_409 : memref<128xi32, #tpu.memory_space<vmem>>) semaphore(%arg28 : memref<!tpu.dma_semaphore, #tpu.memory_space<semaphore_mem>>) {add = true}
      %add3A_413 = arith.constant 6 : i32
      %add3A_414 = arith.addi %add3A_390, %add3A_413 : i32
      %ge3A_415 = arith.constant 12 : i32
      %ge3A_416 = arith.cmpi sge, %add3A_414, %ge3A_415 : i32
      %convert_element_type3A_417 = arith.extui %ge3A_416 : i1 to i32
      %cond3A_418 = arith.constant 0 : i32
      %cond3A_419 = arith.cmpi ne, %convert_element_type3A_417, %cond3A_418 : i32
      scf.if %cond3A_419 {
        %sub3A = arith.constant 12 : i32
        %sub3A_615 = arith.subi %add3A_414, %sub3A : i32
        %dma_wait3A_616 = arith.constant 0 : i32
        %dma_wait3A_617 = arith.constant 0 : i32
        %dma_wait3A_618 = arith.constant 0 : i32
        %dma_wait3A_619 = tpu.memref_slice %arg8[%dma_wait3A_616, %dma_wait3A_617, %dma_wait3A_618] : memref<12x128x64xbf16, #tpu.memory_space<vmem>> -> memref<1x128x64xbf16, #tpu.memory_space<vmem>>
        %dma_wait3A_620 = tpu.memref_squeeze %dma_wait3A_619 : memref<1x128x64xbf16, #tpu.memory_space<vmem>> -> memref<128x64xbf16, #tpu.memory_space<vmem>>
        %dma_wait3A_621 = arith.constant 0 : i32
        %dma_wait3A_622 = tpu.memref_slice %arg7[%sub3A_615, %dma_wait3A_621] : memref<84x128xi32, #tpu.memory_space<vmem>> -> memref<1x128xi32, #tpu.memory_space<vmem>>
        %dma_wait3A_623 = tpu.memref_squeeze %dma_wait3A_622 : memref<1x128xi32, #tpu.memory_space<vmem>> -> memref<128xi32, #tpu.memory_space<vmem>>
        %dma_wait3A_624 = arith.constant 0 : i32
        %dma_wait3A_625 = arith.constant 0 : i32
        %dma_wait3A_626 = tpu.memref_slice %arg9[%dma_wait3A_624, %dma_wait3A_625] : memref<10240x64xbf16, #tpu.memory_space<vmem_shared>> -> memref<10240x64xbf16, #tpu.memory_space<vmem_shared>>
        tpu.wait_indirect_dma semaphore(%arg22 : memref<!tpu.dma_semaphore, #tpu.memory_space<semaphore_mem>>) src(%dma_wait3A_620 : memref<128x64xbf16, #tpu.memory_space<vmem>>) dst(%dma_wait3A_626 : memref<10240x64xbf16, #tpu.memory_space<vmem_shared>>)
      } else {
      }
      %lt3A_420 = arith.constant 84 : i32
      %lt3A_421 = arith.cmpi slt, %add3A_414, %lt3A_420 : i32
      %convert_element_type3A_422 = arith.extui %lt3A_421 : i1 to i32
      %cond3A_423 = arith.constant 0 : i32
      %cond3A_424 = arith.cmpi ne, %convert_element_type3A_422, %cond3A_423 : i32
      scf.if %cond3A_424 {
        %dma_start3A_615 = arith.constant 0 : i32
        %dma_start3A_616 = arith.constant 0 : i32
        %dma_start3A_617 = arith.constant 0 : i32
        %dma_start3A_618 = tpu.memref_slice %arg8[%dma_start3A_615, %dma_start3A_616, %dma_start3A_617] : memref<12x128x64xbf16, #tpu.memory_space<vmem>> -> memref<1x128x64xbf16, #tpu.memory_space<vmem>>
        %dma_start3A_619 = tpu.memref_squeeze %dma_start3A_618 : memref<1x128x64xbf16, #tpu.memory_space<vmem>> -> memref<128x64xbf16, #tpu.memory_space<vmem>>
        %dma_start3A_620 = arith.constant 0 : i32
        %dma_start3A_621 = tpu.memref_slice %arg6[%add3A_414, %dma_start3A_620] : memref<84x128xi32, #tpu.memory_space<vmem>> -> memref<1x128xi32, #tpu.memory_space<vmem>>
        %dma_start3A_622 = tpu.memref_squeeze %dma_start3A_621 : memref<1x128xi32, #tpu.memory_space<vmem>> -> memref<128xi32, #tpu.memory_space<vmem>>
        %dma_start3A_623 = arith.constant 0 : i32
        %dma_start3A_624 = arith.constant 0 : i32
        %dma_start3A_625 = tpu.memref_slice %arg2[%dma_start3A_623, %dma_start3A_624] : memref<10240x64xbf16, #tpu.memory_space<hbm>> -> memref<10240x64xbf16, #tpu.memory_space<hbm>>
        tpu.enqueue_indirect_dma source(%dma_start3A_625 : memref<10240x64xbf16, #tpu.memory_space<hbm>>) target(%dma_start3A_619 : memref<128x64xbf16, #tpu.memory_space<vmem>>) offsets(%dma_start3A_622 : memref<128xi32, #tpu.memory_space<vmem>>) semaphore(%arg10 : memref<!tpu.dma_semaphore, #tpu.memory_space<semaphore_mem>>)
      } else {
      }
      %mul3A_425 = arith.constant 12 : i32
      %mul3A_426 = arith.muli %mul3A_425, %scan3A_163 : i32
      %add3A_427 = arith.constant 7 : i32
      %add3A_428 = arith.addi %mul3A_426, %add3A_427 : i32
      %dma_wait3A_429 = arith.constant 7 : i32
      %dma_wait3A_430 = arith.constant 0 : i32
      %dma_wait3A_431 = arith.constant 0 : i32
      %dma_wait3A_432 = tpu.memref_slice %arg8[%dma_wait3A_429, %dma_wait3A_430, %dma_wait3A_431] : memref<12x128x64xbf16, #tpu.memory_space<vmem>> -> memref<1x128x64xbf16, #tpu.memory_space<vmem>>
      %dma_wait3A_433 = tpu.memref_squeeze %dma_wait3A_432 : memref<1x128x64xbf16, #tpu.memory_space<vmem>> -> memref<128x64xbf16, #tpu.memory_space<vmem>>
      %dma_wait3A_434 = arith.constant 0 : i32
      %dma_wait3A_435 = tpu.memref_slice %arg6[%add3A_428, %dma_wait3A_434] : memref<84x128xi32, #tpu.memory_space<vmem>> -> memref<1x128xi32, #tpu.memory_space<vmem>>
      %dma_wait3A_436 = tpu.memref_squeeze %dma_wait3A_435 : memref<1x128xi32, #tpu.memory_space<vmem>> -> memref<128xi32, #tpu.memory_space<vmem>>
      %dma_wait3A_437 = arith.constant 0 : i32
      %dma_wait3A_438 = arith.constant 0 : i32
      %dma_wait3A_439 = tpu.memref_slice %arg2[%dma_wait3A_437, %dma_wait3A_438] : memref<10240x64xbf16, #tpu.memory_space<hbm>> -> memref<10240x64xbf16, #tpu.memory_space<hbm>>
      tpu.wait_indirect_dma semaphore(%arg17 : memref<!tpu.dma_semaphore, #tpu.memory_space<semaphore_mem>>) src(%dma_wait3A_439 : memref<10240x64xbf16, #tpu.memory_space<hbm>>) dst(%dma_wait3A_433 : memref<128x64xbf16, #tpu.memory_space<vmem>>)
      %dma_start3A_440 = arith.constant 7 : i32
      %dma_start3A_441 = arith.constant 0 : i32
      %dma_start3A_442 = arith.constant 0 : i32
      %dma_start3A_443 = tpu.memref_slice %arg8[%dma_start3A_440, %dma_start3A_441, %dma_start3A_442] : memref<12x128x64xbf16, #tpu.memory_space<vmem>> -> memref<1x128x64xbf16, #tpu.memory_space<vmem>>
      %dma_start3A_444 = tpu.memref_squeeze %dma_start3A_443 : memref<1x128x64xbf16, #tpu.memory_space<vmem>> -> memref<128x64xbf16, #tpu.memory_space<vmem>>
      %dma_start3A_445 = arith.constant 0 : i32
      %dma_start3A_446 = tpu.memref_slice %arg7[%add3A_428, %dma_start3A_445] : memref<84x128xi32, #tpu.memory_space<vmem>> -> memref<1x128xi32, #tpu.memory_space<vmem>>
      %dma_start3A_447 = tpu.memref_squeeze %dma_start3A_446 : memref<1x128xi32, #tpu.memory_space<vmem>> -> memref<128xi32, #tpu.memory_space<vmem>>
      %dma_start3A_448 = arith.constant 0 : i32
      %dma_start3A_449 = arith.constant 0 : i32
      %dma_start3A_450 = tpu.memref_slice %arg9[%dma_start3A_448, %dma_start3A_449] : memref<10240x64xbf16, #tpu.memory_space<vmem_shared>> -> memref<10240x64xbf16, #tpu.memory_space<vmem_shared>>
      tpu.enqueue_indirect_dma source(%dma_start3A_444 : memref<128x64xbf16, #tpu.memory_space<vmem>>) target(%dma_start3A_450 : memref<10240x64xbf16, #tpu.memory_space<vmem_shared>>) offsets(%dma_start3A_447 : memref<128xi32, #tpu.memory_space<vmem>>) semaphore(%arg29 : memref<!tpu.dma_semaphore, #tpu.memory_space<semaphore_mem>>) {add = true}
      %add3A_451 = arith.constant 6 : i32
      %add3A_452 = arith.addi %add3A_428, %add3A_451 : i32
      %ge3A_453 = arith.constant 12 : i32
      %ge3A_454 = arith.cmpi sge, %add3A_452, %ge3A_453 : i32
      %convert_element_type3A_455 = arith.extui %ge3A_454 : i1 to i32
      %cond3A_456 = arith.constant 0 : i32
      %cond3A_457 = arith.cmpi ne, %convert_element_type3A_455, %cond3A_456 : i32
      scf.if %cond3A_457 {
        %sub3A = arith.constant 12 : i32
        %sub3A_615 = arith.subi %add3A_452, %sub3A : i32
        %dma_wait3A_616 = arith.constant 1 : i32
        %dma_wait3A_617 = arith.constant 0 : i32
        %dma_wait3A_618 = arith.constant 0 : i32
        %dma_wait3A_619 = tpu.memref_slice %arg8[%dma_wait3A_616, %dma_wait3A_617, %dma_wait3A_618] : memref<12x128x64xbf16, #tpu.memory_space<vmem>> -> memref<1x128x64xbf16, #tpu.memory_space<vmem>>
        %dma_wait3A_620 = tpu.memref_squeeze %dma_wait3A_619 : memref<1x128x64xbf16, #tpu.memory_space<vmem>> -> memref<128x64xbf16, #tpu.memory_space<vmem>>
        %dma_wait3A_621 = arith.constant 0 : i32
        %dma_wait3A_622 = tpu.memref_slice %arg7[%sub3A_615, %dma_wait3A_621] : memref<84x128xi32, #tpu.memory_space<vmem>> -> memref<1x128xi32, #tpu.memory_space<vmem>>
        %dma_wait3A_623 = tpu.memref_squeeze %dma_wait3A_622 : memref<1x128xi32, #tpu.memory_space<vmem>> -> memref<128xi32, #tpu.memory_space<vmem>>
        %dma_wait3A_624 = arith.constant 0 : i32
        %dma_wait3A_625 = arith.constant 0 : i32
        %dma_wait3A_626 = tpu.memref_slice %arg9[%dma_wait3A_624, %dma_wait3A_625] : memref<10240x64xbf16, #tpu.memory_space<vmem_shared>> -> memref<10240x64xbf16, #tpu.memory_space<vmem_shared>>
        tpu.wait_indirect_dma semaphore(%arg23 : memref<!tpu.dma_semaphore, #tpu.memory_space<semaphore_mem>>) src(%dma_wait3A_620 : memref<128x64xbf16, #tpu.memory_space<vmem>>) dst(%dma_wait3A_626 : memref<10240x64xbf16, #tpu.memory_space<vmem_shared>>)
      } else {
      }
      %lt3A_458 = arith.constant 84 : i32
      %lt3A_459 = arith.cmpi slt, %add3A_452, %lt3A_458 : i32
      %convert_element_type3A_460 = arith.extui %lt3A_459 : i1 to i32
      %cond3A_461 = arith.constant 0 : i32
      %cond3A_462 = arith.cmpi ne, %convert_element_type3A_460, %cond3A_461 : i32
      scf.if %cond3A_462 {
        %dma_start3A_615 = arith.constant 1 : i32
        %dma_start3A_616 = arith.constant 0 : i32
        %dma_start3A_617 = arith.constant 0 : i32
        %dma_start3A_618 = tpu.memref_slice %arg8[%dma_start3A_615, %dma_start3A_616, %dma_start3A_617] : memref<12x128x64xbf16, #tpu.memory_space<vmem>> -> memref<1x128x64xbf16, #tpu.memory_space<vmem>>
        %dma_start3A_619 = tpu.memref_squeeze %dma_start3A_618 : memref<1x128x64xbf16, #tpu.memory_space<vmem>> -> memref<128x64xbf16, #tpu.memory_space<vmem>>
        %dma_start3A_620 = arith.constant 0 : i32
        %dma_start3A_621 = tpu.memref_slice %arg6[%add3A_452, %dma_start3A_620] : memref<84x128xi32, #tpu.memory_space<vmem>> -> memref<1x128xi32, #tpu.memory_space<vmem>>
        %dma_start3A_622 = tpu.memref_squeeze %dma_start3A_621 : memref<1x128xi32, #tpu.memory_space<vmem>> -> memref<128xi32, #tpu.memory_space<vmem>>
        %dma_start3A_623 = arith.constant 0 : i32
        %dma_start3A_624 = arith.constant 0 : i32
        %dma_start3A_625 = tpu.memref_slice %arg2[%dma_start3A_623, %dma_start3A_624] : memref<10240x64xbf16, #tpu.memory_space<hbm>> -> memref<10240x64xbf16, #tpu.memory_space<hbm>>
        tpu.enqueue_indirect_dma source(%dma_start3A_625 : memref<10240x64xbf16, #tpu.memory_space<hbm>>) target(%dma_start3A_619 : memref<128x64xbf16, #tpu.memory_space<vmem>>) offsets(%dma_start3A_622 : memref<128xi32, #tpu.memory_space<vmem>>) semaphore(%arg11 : memref<!tpu.dma_semaphore, #tpu.memory_space<semaphore_mem>>)
      } else {
      }
      %mul3A_463 = arith.constant 12 : i32
      %mul3A_464 = arith.muli %mul3A_463, %scan3A_163 : i32
      %add3A_465 = arith.constant 8 : i32
      %add3A_466 = arith.addi %mul3A_464, %add3A_465 : i32
      %dma_wait3A_467 = arith.constant 8 : i32
      %dma_wait3A_468 = arith.constant 0 : i32
      %dma_wait3A_469 = arith.constant 0 : i32
      %dma_wait3A_470 = tpu.memref_slice %arg8[%dma_wait3A_467, %dma_wait3A_468, %dma_wait3A_469] : memref<12x128x64xbf16, #tpu.memory_space<vmem>> -> memref<1x128x64xbf16, #tpu.memory_space<vmem>>
      %dma_wait3A_471 = tpu.memref_squeeze %dma_wait3A_470 : memref<1x128x64xbf16, #tpu.memory_space<vmem>> -> memref<128x64xbf16, #tpu.memory_space<vmem>>
      %dma_wait3A_472 = arith.constant 0 : i32
      %dma_wait3A_473 = tpu.memref_slice %arg6[%add3A_466, %dma_wait3A_472] : memref<84x128xi32, #tpu.memory_space<vmem>> -> memref<1x128xi32, #tpu.memory_space<vmem>>
      %dma_wait3A_474 = tpu.memref_squeeze %dma_wait3A_473 : memref<1x128xi32, #tpu.memory_space<vmem>> -> memref<128xi32, #tpu.memory_space<vmem>>
      %dma_wait3A_475 = arith.constant 0 : i32
      %dma_wait3A_476 = arith.constant 0 : i32
      %dma_wait3A_477 = tpu.memref_slice %arg2[%dma_wait3A_475, %dma_wait3A_476] : memref<10240x64xbf16, #tpu.memory_space<hbm>> -> memref<10240x64xbf16, #tpu.memory_space<hbm>>
      tpu.wait_indirect_dma semaphore(%arg18 : memref<!tpu.dma_semaphore, #tpu.memory_space<semaphore_mem>>) src(%dma_wait3A_477 : memref<10240x64xbf16, #tpu.memory_space<hbm>>) dst(%dma_wait3A_471 : memref<128x64xbf16, #tpu.memory_space<vmem>>)
      %dma_start3A_478 = arith.constant 8 : i32
      %dma_start3A_479 = arith.constant 0 : i32
      %dma_start3A_480 = arith.constant 0 : i32
      %dma_start3A_481 = tpu.memref_slice %arg8[%dma_start3A_478, %dma_start3A_479, %dma_start3A_480] : memref<12x128x64xbf16, #tpu.memory_space<vmem>> -> memref<1x128x64xbf16, #tpu.memory_space<vmem>>
      %dma_start3A_482 = tpu.memref_squeeze %dma_start3A_481 : memref<1x128x64xbf16, #tpu.memory_space<vmem>> -> memref<128x64xbf16, #tpu.memory_space<vmem>>
      %dma_start3A_483 = arith.constant 0 : i32
      %dma_start3A_484 = tpu.memref_slice %arg7[%add3A_466, %dma_start3A_483] : memref<84x128xi32, #tpu.memory_space<vmem>> -> memref<1x128xi32, #tpu.memory_space<vmem>>
      %dma_start3A_485 = tpu.memref_squeeze %dma_start3A_484 : memref<1x128xi32, #tpu.memory_space<vmem>> -> memref<128xi32, #tpu.memory_space<vmem>>
      %dma_start3A_486 = arith.constant 0 : i32
      %dma_start3A_487 = arith.constant 0 : i32
      %dma_start3A_488 = tpu.memref_slice %arg9[%dma_start3A_486, %dma_start3A_487] : memref<10240x64xbf16, #tpu.memory_space<vmem_shared>> -> memref<10240x64xbf16, #tpu.memory_space<vmem_shared>>
      tpu.enqueue_indirect_dma source(%dma_start3A_482 : memref<128x64xbf16, #tpu.memory_space<vmem>>) target(%dma_start3A_488 : memref<10240x64xbf16, #tpu.memory_space<vmem_shared>>) offsets(%dma_start3A_485 : memref<128xi32, #tpu.memory_space<vmem>>) semaphore(%arg30 : memref<!tpu.dma_semaphore, #tpu.memory_space<semaphore_mem>>) {add = true}
      %add3A_489 = arith.constant 6 : i32
      %add3A_490 = arith.addi %add3A_466, %add3A_489 : i32
      %ge3A_491 = arith.constant 12 : i32
      %ge3A_492 = arith.cmpi sge, %add3A_490, %ge3A_491 : i32
      %convert_element_type3A_493 = arith.extui %ge3A_492 : i1 to i32
      %cond3A_494 = arith.constant 0 : i32
      %cond3A_495 = arith.cmpi ne, %convert_element_type3A_493, %cond3A_494 : i32
      scf.if %cond3A_495 {
        %sub3A = arith.constant 12 : i32
        %sub3A_615 = arith.subi %add3A_490, %sub3A : i32
        %dma_wait3A_616 = arith.constant 2 : i32
        %dma_wait3A_617 = arith.constant 0 : i32
        %dma_wait3A_618 = arith.constant 0 : i32
        %dma_wait3A_619 = tpu.memref_slice %arg8[%dma_wait3A_616, %dma_wait3A_617, %dma_wait3A_618] : memref<12x128x64xbf16, #tpu.memory_space<vmem>> -> memref<1x128x64xbf16, #tpu.memory_space<vmem>>
        %dma_wait3A_620 = tpu.memref_squeeze %dma_wait3A_619 : memref<1x128x64xbf16, #tpu.memory_space<vmem>> -> memref<128x64xbf16, #tpu.memory_space<vmem>>
        %dma_wait3A_621 = arith.constant 0 : i32
        %dma_wait3A_622 = tpu.memref_slice %arg7[%sub3A_615, %dma_wait3A_621] : memref<84x128xi32, #tpu.memory_space<vmem>> -> memref<1x128xi32, #tpu.memory_space<vmem>>
        %dma_wait3A_623 = tpu.memref_squeeze %dma_wait3A_622 : memref<1x128xi32, #tpu.memory_space<vmem>> -> memref<128xi32, #tpu.memory_space<vmem>>
        %dma_wait3A_624 = arith.constant 0 : i32
        %dma_wait3A_625 = arith.constant 0 : i32
        %dma_wait3A_626 = tpu.memref_slice %arg9[%dma_wait3A_624, %dma_wait3A_625] : memref<10240x64xbf16, #tpu.memory_space<vmem_shared>> -> memref<10240x64xbf16, #tpu.memory_space<vmem_shared>>
        tpu.wait_indirect_dma semaphore(%arg24 : memref<!tpu.dma_semaphore, #tpu.memory_space<semaphore_mem>>) src(%dma_wait3A_620 : memref<128x64xbf16, #tpu.memory_space<vmem>>) dst(%dma_wait3A_626 : memref<10240x64xbf16, #tpu.memory_space<vmem_shared>>)
      } else {
      }
      %lt3A_496 = arith.constant 84 : i32
      %lt3A_497 = arith.cmpi slt, %add3A_490, %lt3A_496 : i32
      %convert_element_type3A_498 = arith.extui %lt3A_497 : i1 to i32
      %cond3A_499 = arith.constant 0 : i32
      %cond3A_500 = arith.cmpi ne, %convert_element_type3A_498, %cond3A_499 : i32
      scf.if %cond3A_500 {
        %dma_start3A_615 = arith.constant 2 : i32
        %dma_start3A_616 = arith.constant 0 : i32
        %dma_start3A_617 = arith.constant 0 : i32
        %dma_start3A_618 = tpu.memref_slice %arg8[%dma_start3A_615, %dma_start3A_616, %dma_start3A_617] : memref<12x128x64xbf16, #tpu.memory_space<vmem>> -> memref<1x128x64xbf16, #tpu.memory_space<vmem>>
        %dma_start3A_619 = tpu.memref_squeeze %dma_start3A_618 : memref<1x128x64xbf16, #tpu.memory_space<vmem>> -> memref<128x64xbf16, #tpu.memory_space<vmem>>
        %dma_start3A_620 = arith.constant 0 : i32
        %dma_start3A_621 = tpu.memref_slice %arg6[%add3A_490, %dma_start3A_620] : memref<84x128xi32, #tpu.memory_space<vmem>> -> memref<1x128xi32, #tpu.memory_space<vmem>>
        %dma_start3A_622 = tpu.memref_squeeze %dma_start3A_621 : memref<1x128xi32, #tpu.memory_space<vmem>> -> memref<128xi32, #tpu.memory_space<vmem>>
        %dma_start3A_623 = arith.constant 0 : i32
        %dma_start3A_624 = arith.constant 0 : i32
        %dma_start3A_625 = tpu.memref_slice %arg2[%dma_start3A_623, %dma_start3A_624] : memref<10240x64xbf16, #tpu.memory_space<hbm>> -> memref<10240x64xbf16, #tpu.memory_space<hbm>>
        tpu.enqueue_indirect_dma source(%dma_start3A_625 : memref<10240x64xbf16, #tpu.memory_space<hbm>>) target(%dma_start3A_619 : memref<128x64xbf16, #tpu.memory_space<vmem>>) offsets(%dma_start3A_622 : memref<128xi32, #tpu.memory_space<vmem>>) semaphore(%arg12 : memref<!tpu.dma_semaphore, #tpu.memory_space<semaphore_mem>>)
      } else {
      }
      %mul3A_501 = arith.constant 12 : i32
      %mul3A_502 = arith.muli %mul3A_501, %scan3A_163 : i32
      %add3A_503 = arith.constant 9 : i32
      %add3A_504 = arith.addi %mul3A_502, %add3A_503 : i32
      %dma_wait3A_505 = arith.constant 9 : i32
      %dma_wait3A_506 = arith.constant 0 : i32
      %dma_wait3A_507 = arith.constant 0 : i32
      %dma_wait3A_508 = tpu.memref_slice %arg8[%dma_wait3A_505, %dma_wait3A_506, %dma_wait3A_507] : memref<12x128x64xbf16, #tpu.memory_space<vmem>> -> memref<1x128x64xbf16, #tpu.memory_space<vmem>>
      %dma_wait3A_509 = tpu.memref_squeeze %dma_wait3A_508 : memref<1x128x64xbf16, #tpu.memory_space<vmem>> -> memref<128x64xbf16, #tpu.memory_space<vmem>>
      %dma_wait3A_510 = arith.constant 0 : i32
      %dma_wait3A_511 = tpu.memref_slice %arg6[%add3A_504, %dma_wait3A_510] : memref<84x128xi32, #tpu.memory_space<vmem>> -> memref<1x128xi32, #tpu.memory_space<vmem>>
      %dma_wait3A_512 = tpu.memref_squeeze %dma_wait3A_511 : memref<1x128xi32, #tpu.memory_space<vmem>> -> memref<128xi32, #tpu.memory_space<vmem>>
      %dma_wait3A_513 = arith.constant 0 : i32
      %dma_wait3A_514 = arith.constant 0 : i32
      %dma_wait3A_515 = tpu.memref_slice %arg2[%dma_wait3A_513, %dma_wait3A_514] : memref<10240x64xbf16, #tpu.memory_space<hbm>> -> memref<10240x64xbf16, #tpu.memory_space<hbm>>
      tpu.wait_indirect_dma semaphore(%arg19 : memref<!tpu.dma_semaphore, #tpu.memory_space<semaphore_mem>>) src(%dma_wait3A_515 : memref<10240x64xbf16, #tpu.memory_space<hbm>>) dst(%dma_wait3A_509 : memref<128x64xbf16, #tpu.memory_space<vmem>>)
      %dma_start3A_516 = arith.constant 9 : i32
      %dma_start3A_517 = arith.constant 0 : i32
      %dma_start3A_518 = arith.constant 0 : i32
      %dma_start3A_519 = tpu.memref_slice %arg8[%dma_start3A_516, %dma_start3A_517, %dma_start3A_518] : memref<12x128x64xbf16, #tpu.memory_space<vmem>> -> memref<1x128x64xbf16, #tpu.memory_space<vmem>>
      %dma_start3A_520 = tpu.memref_squeeze %dma_start3A_519 : memref<1x128x64xbf16, #tpu.memory_space<vmem>> -> memref<128x64xbf16, #tpu.memory_space<vmem>>
      %dma_start3A_521 = arith.constant 0 : i32
      %dma_start3A_522 = tpu.memref_slice %arg7[%add3A_504, %dma_start3A_521] : memref<84x128xi32, #tpu.memory_space<vmem>> -> memref<1x128xi32, #tpu.memory_space<vmem>>
      %dma_start3A_523 = tpu.memref_squeeze %dma_start3A_522 : memref<1x128xi32, #tpu.memory_space<vmem>> -> memref<128xi32, #tpu.memory_space<vmem>>
      %dma_start3A_524 = arith.constant 0 : i32
      %dma_start3A_525 = arith.constant 0 : i32
      %dma_start3A_526 = tpu.memref_slice %arg9[%dma_start3A_524, %dma_start3A_525] : memref<10240x64xbf16, #tpu.memory_space<vmem_shared>> -> memref<10240x64xbf16, #tpu.memory_space<vmem_shared>>
      tpu.enqueue_indirect_dma source(%dma_start3A_520 : memref<128x64xbf16, #tpu.memory_space<vmem>>) target(%dma_start3A_526 : memref<10240x64xbf16, #tpu.memory_space<vmem_shared>>) offsets(%dma_start3A_523 : memref<128xi32, #tpu.memory_space<vmem>>) semaphore(%arg31 : memref<!tpu.dma_semaphore, #tpu.memory_space<semaphore_mem>>) {add = true}
      %add3A_527 = arith.constant 6 : i32
      %add3A_528 = arith.addi %add3A_504, %add3A_527 : i32
      %ge3A_529 = arith.constant 12 : i32
      %ge3A_530 = arith.cmpi sge, %add3A_528, %ge3A_529 : i32
      %convert_element_type3A_531 = arith.extui %ge3A_530 : i1 to i32
      %cond3A_532 = arith.constant 0 : i32
      %cond3A_533 = arith.cmpi ne, %convert_element_type3A_531, %cond3A_532 : i32
      scf.if %cond3A_533 {
        %sub3A = arith.constant 12 : i32
        %sub3A_615 = arith.subi %add3A_528, %sub3A : i32
        %dma_wait3A_616 = arith.constant 3 : i32
        %dma_wait3A_617 = arith.constant 0 : i32
        %dma_wait3A_618 = arith.constant 0 : i32
        %dma_wait3A_619 = tpu.memref_slice %arg8[%dma_wait3A_616, %dma_wait3A_617, %dma_wait3A_618] : memref<12x128x64xbf16, #tpu.memory_space<vmem>> -> memref<1x128x64xbf16, #tpu.memory_space<vmem>>
        %dma_wait3A_620 = tpu.memref_squeeze %dma_wait3A_619 : memref<1x128x64xbf16, #tpu.memory_space<vmem>> -> memref<128x64xbf16, #tpu.memory_space<vmem>>
        %dma_wait3A_621 = arith.constant 0 : i32
        %dma_wait3A_622 = tpu.memref_slice %arg7[%sub3A_615, %dma_wait3A_621] : memref<84x128xi32, #tpu.memory_space<vmem>> -> memref<1x128xi32, #tpu.memory_space<vmem>>
        %dma_wait3A_623 = tpu.memref_squeeze %dma_wait3A_622 : memref<1x128xi32, #tpu.memory_space<vmem>> -> memref<128xi32, #tpu.memory_space<vmem>>
        %dma_wait3A_624 = arith.constant 0 : i32
        %dma_wait3A_625 = arith.constant 0 : i32
        %dma_wait3A_626 = tpu.memref_slice %arg9[%dma_wait3A_624, %dma_wait3A_625] : memref<10240x64xbf16, #tpu.memory_space<vmem_shared>> -> memref<10240x64xbf16, #tpu.memory_space<vmem_shared>>
        tpu.wait_indirect_dma semaphore(%arg25 : memref<!tpu.dma_semaphore, #tpu.memory_space<semaphore_mem>>) src(%dma_wait3A_620 : memref<128x64xbf16, #tpu.memory_space<vmem>>) dst(%dma_wait3A_626 : memref<10240x64xbf16, #tpu.memory_space<vmem_shared>>)
      } else {
      }
      %lt3A_534 = arith.constant 84 : i32
      %lt3A_535 = arith.cmpi slt, %add3A_528, %lt3A_534 : i32
      %convert_element_type3A_536 = arith.extui %lt3A_535 : i1 to i32
      %cond3A_537 = arith.constant 0 : i32
      %cond3A_538 = arith.cmpi ne, %convert_element_type3A_536, %cond3A_537 : i32
      scf.if %cond3A_538 {
        %dma_start3A_615 = arith.constant 3 : i32
        %dma_start3A_616 = arith.constant 0 : i32
        %dma_start3A_617 = arith.constant 0 : i32
        %dma_start3A_618 = tpu.memref_slice %arg8[%dma_start3A_615, %dma_start3A_616, %dma_start3A_617] : memref<12x128x64xbf16, #tpu.memory_space<vmem>> -> memref<1x128x64xbf16, #tpu.memory_space<vmem>>
        %dma_start3A_619 = tpu.memref_squeeze %dma_start3A_618 : memref<1x128x64xbf16, #tpu.memory_space<vmem>> -> memref<128x64xbf16, #tpu.memory_space<vmem>>
        %dma_start3A_620 = arith.constant 0 : i32
        %dma_start3A_621 = tpu.memref_slice %arg6[%add3A_528, %dma_start3A_620] : memref<84x128xi32, #tpu.memory_space<vmem>> -> memref<1x128xi32, #tpu.memory_space<vmem>>
        %dma_start3A_622 = tpu.memref_squeeze %dma_start3A_621 : memref<1x128xi32, #tpu.memory_space<vmem>> -> memref<128xi32, #tpu.memory_space<vmem>>
        %dma_start3A_623 = arith.constant 0 : i32
        %dma_start3A_624 = arith.constant 0 : i32
        %dma_start3A_625 = tpu.memref_slice %arg2[%dma_start3A_623, %dma_start3A_624] : memref<10240x64xbf16, #tpu.memory_space<hbm>> -> memref<10240x64xbf16, #tpu.memory_space<hbm>>
        tpu.enqueue_indirect_dma source(%dma_start3A_625 : memref<10240x64xbf16, #tpu.memory_space<hbm>>) target(%dma_start3A_619 : memref<128x64xbf16, #tpu.memory_space<vmem>>) offsets(%dma_start3A_622 : memref<128xi32, #tpu.memory_space<vmem>>) semaphore(%arg13 : memref<!tpu.dma_semaphore, #tpu.memory_space<semaphore_mem>>)
      } else {
      }
      %mul3A_539 = arith.constant 12 : i32
      %mul3A_540 = arith.muli %mul3A_539, %scan3A_163 : i32
      %add3A_541 = arith.constant 10 : i32
      %add3A_542 = arith.addi %mul3A_540, %add3A_541 : i32
      %dma_wait3A_543 = arith.constant 10 : i32
      %dma_wait3A_544 = arith.constant 0 : i32
      %dma_wait3A_545 = arith.constant 0 : i32
      %dma_wait3A_546 = tpu.memref_slice %arg8[%dma_wait3A_543, %dma_wait3A_544, %dma_wait3A_545] : memref<12x128x64xbf16, #tpu.memory_space<vmem>> -> memref<1x128x64xbf16, #tpu.memory_space<vmem>>
      %dma_wait3A_547 = tpu.memref_squeeze %dma_wait3A_546 : memref<1x128x64xbf16, #tpu.memory_space<vmem>> -> memref<128x64xbf16, #tpu.memory_space<vmem>>
      %dma_wait3A_548 = arith.constant 0 : i32
      %dma_wait3A_549 = tpu.memref_slice %arg6[%add3A_542, %dma_wait3A_548] : memref<84x128xi32, #tpu.memory_space<vmem>> -> memref<1x128xi32, #tpu.memory_space<vmem>>
      %dma_wait3A_550 = tpu.memref_squeeze %dma_wait3A_549 : memref<1x128xi32, #tpu.memory_space<vmem>> -> memref<128xi32, #tpu.memory_space<vmem>>
      %dma_wait3A_551 = arith.constant 0 : i32
      %dma_wait3A_552 = arith.constant 0 : i32
      %dma_wait3A_553 = tpu.memref_slice %arg2[%dma_wait3A_551, %dma_wait3A_552] : memref<10240x64xbf16, #tpu.memory_space<hbm>> -> memref<10240x64xbf16, #tpu.memory_space<hbm>>
      tpu.wait_indirect_dma semaphore(%arg20 : memref<!tpu.dma_semaphore, #tpu.memory_space<semaphore_mem>>) src(%dma_wait3A_553 : memref<10240x64xbf16, #tpu.memory_space<hbm>>) dst(%dma_wait3A_547 : memref<128x64xbf16, #tpu.memory_space<vmem>>)
      %dma_start3A_554 = arith.constant 10 : i32
      %dma_start3A_555 = arith.constant 0 : i32
      %dma_start3A_556 = arith.constant 0 : i32
      %dma_start3A_557 = tpu.memref_slice %arg8[%dma_start3A_554, %dma_start3A_555, %dma_start3A_556] : memref<12x128x64xbf16, #tpu.memory_space<vmem>> -> memref<1x128x64xbf16, #tpu.memory_space<vmem>>
      %dma_start3A_558 = tpu.memref_squeeze %dma_start3A_557 : memref<1x128x64xbf16, #tpu.memory_space<vmem>> -> memref<128x64xbf16, #tpu.memory_space<vmem>>
      %dma_start3A_559 = arith.constant 0 : i32
      %dma_start3A_560 = tpu.memref_slice %arg7[%add3A_542, %dma_start3A_559] : memref<84x128xi32, #tpu.memory_space<vmem>> -> memref<1x128xi32, #tpu.memory_space<vmem>>
      %dma_start3A_561 = tpu.memref_squeeze %dma_start3A_560 : memref<1x128xi32, #tpu.memory_space<vmem>> -> memref<128xi32, #tpu.memory_space<vmem>>
      %dma_start3A_562 = arith.constant 0 : i32
      %dma_start3A_563 = arith.constant 0 : i32
      %dma_start3A_564 = tpu.memref_slice %arg9[%dma_start3A_562, %dma_start3A_563] : memref<10240x64xbf16, #tpu.memory_space<vmem_shared>> -> memref<10240x64xbf16, #tpu.memory_space<vmem_shared>>
      tpu.enqueue_indirect_dma source(%dma_start3A_558 : memref<128x64xbf16, #tpu.memory_space<vmem>>) target(%dma_start3A_564 : memref<10240x64xbf16, #tpu.memory_space<vmem_shared>>) offsets(%dma_start3A_561 : memref<128xi32, #tpu.memory_space<vmem>>) semaphore(%arg32 : memref<!tpu.dma_semaphore, #tpu.memory_space<semaphore_mem>>) {add = true}
      %add3A_565 = arith.constant 6 : i32
      %add3A_566 = arith.addi %add3A_542, %add3A_565 : i32
      %ge3A_567 = arith.constant 12 : i32
      %ge3A_568 = arith.cmpi sge, %add3A_566, %ge3A_567 : i32
      %convert_element_type3A_569 = arith.extui %ge3A_568 : i1 to i32
      %cond3A_570 = arith.constant 0 : i32
      %cond3A_571 = arith.cmpi ne, %convert_element_type3A_569, %cond3A_570 : i32
      scf.if %cond3A_571 {
        %sub3A = arith.constant 12 : i32
        %sub3A_615 = arith.subi %add3A_566, %sub3A : i32
        %dma_wait3A_616 = arith.constant 4 : i32
        %dma_wait3A_617 = arith.constant 0 : i32
        %dma_wait3A_618 = arith.constant 0 : i32
        %dma_wait3A_619 = tpu.memref_slice %arg8[%dma_wait3A_616, %dma_wait3A_617, %dma_wait3A_618] : memref<12x128x64xbf16, #tpu.memory_space<vmem>> -> memref<1x128x64xbf16, #tpu.memory_space<vmem>>
        %dma_wait3A_620 = tpu.memref_squeeze %dma_wait3A_619 : memref<1x128x64xbf16, #tpu.memory_space<vmem>> -> memref<128x64xbf16, #tpu.memory_space<vmem>>
        %dma_wait3A_621 = arith.constant 0 : i32
        %dma_wait3A_622 = tpu.memref_slice %arg7[%sub3A_615, %dma_wait3A_621] : memref<84x128xi32, #tpu.memory_space<vmem>> -> memref<1x128xi32, #tpu.memory_space<vmem>>
        %dma_wait3A_623 = tpu.memref_squeeze %dma_wait3A_622 : memref<1x128xi32, #tpu.memory_space<vmem>> -> memref<128xi32, #tpu.memory_space<vmem>>
        %dma_wait3A_624 = arith.constant 0 : i32
        %dma_wait3A_625 = arith.constant 0 : i32
        %dma_wait3A_626 = tpu.memref_slice %arg9[%dma_wait3A_624, %dma_wait3A_625] : memref<10240x64xbf16, #tpu.memory_space<vmem_shared>> -> memref<10240x64xbf16, #tpu.memory_space<vmem_shared>>
        tpu.wait_indirect_dma semaphore(%arg26 : memref<!tpu.dma_semaphore, #tpu.memory_space<semaphore_mem>>) src(%dma_wait3A_620 : memref<128x64xbf16, #tpu.memory_space<vmem>>) dst(%dma_wait3A_626 : memref<10240x64xbf16, #tpu.memory_space<vmem_shared>>)
      } else {
      }
      %lt3A_572 = arith.constant 84 : i32
      %lt3A_573 = arith.cmpi slt, %add3A_566, %lt3A_572 : i32
      %convert_element_type3A_574 = arith.extui %lt3A_573 : i1 to i32
      %cond3A_575 = arith.constant 0 : i32
      %cond3A_576 = arith.cmpi ne, %convert_element_type3A_574, %cond3A_575 : i32
      scf.if %cond3A_576 {
        %dma_start3A_615 = arith.constant 4 : i32
        %dma_start3A_616 = arith.constant 0 : i32
        %dma_start3A_617 = arith.constant 0 : i32
        %dma_start3A_618 = tpu.memref_slice %arg8[%dma_start3A_615, %dma_start3A_616, %dma_start3A_617] : memref<12x128x64xbf16, #tpu.memory_space<vmem>> -> memref<1x128x64xbf16, #tpu.memory_space<vmem>>
        %dma_start3A_619 = tpu.memref_squeeze %dma_start3A_618 : memref<1x128x64xbf16, #tpu.memory_space<vmem>> -> memref<128x64xbf16, #tpu.memory_space<vmem>>
        %dma_start3A_620 = arith.constant 0 : i32
        %dma_start3A_621 = tpu.memref_slice %arg6[%add3A_566, %dma_start3A_620] : memref<84x128xi32, #tpu.memory_space<vmem>> -> memref<1x128xi32, #tpu.memory_space<vmem>>
        %dma_start3A_622 = tpu.memref_squeeze %dma_start3A_621 : memref<1x128xi32, #tpu.memory_space<vmem>> -> memref<128xi32, #tpu.memory_space<vmem>>
        %dma_start3A_623 = arith.constant 0 : i32
        %dma_start3A_624 = arith.constant 0 : i32
        %dma_start3A_625 = tpu.memref_slice %arg2[%dma_start3A_623, %dma_start3A_624] : memref<10240x64xbf16, #tpu.memory_space<hbm>> -> memref<10240x64xbf16, #tpu.memory_space<hbm>>
        tpu.enqueue_indirect_dma source(%dma_start3A_625 : memref<10240x64xbf16, #tpu.memory_space<hbm>>) target(%dma_start3A_619 : memref<128x64xbf16, #tpu.memory_space<vmem>>) offsets(%dma_start3A_622 : memref<128xi32, #tpu.memory_space<vmem>>) semaphore(%arg14 : memref<!tpu.dma_semaphore, #tpu.memory_space<semaphore_mem>>)
      } else {
      }
      %mul3A_577 = arith.constant 12 : i32
      %mul3A_578 = arith.muli %mul3A_577, %scan3A_163 : i32
      %add3A_579 = arith.constant 11 : i32
      %add3A_580 = arith.addi %mul3A_578, %add3A_579 : i32
      %dma_wait3A_581 = arith.constant 11 : i32
      %dma_wait3A_582 = arith.constant 0 : i32
      %dma_wait3A_583 = arith.constant 0 : i32
      %dma_wait3A_584 = tpu.memref_slice %arg8[%dma_wait3A_581, %dma_wait3A_582, %dma_wait3A_583] : memref<12x128x64xbf16, #tpu.memory_space<vmem>> -> memref<1x128x64xbf16, #tpu.memory_space<vmem>>
      %dma_wait3A_585 = tpu.memref_squeeze %dma_wait3A_584 : memref<1x128x64xbf16, #tpu.memory_space<vmem>> -> memref<128x64xbf16, #tpu.memory_space<vmem>>
      %dma_wait3A_586 = arith.constant 0 : i32
      %dma_wait3A_587 = tpu.memref_slice %arg6[%add3A_580, %dma_wait3A_586] : memref<84x128xi32, #tpu.memory_space<vmem>> -> memref<1x128xi32, #tpu.memory_space<vmem>>
      %dma_wait3A_588 = tpu.memref_squeeze %dma_wait3A_587 : memref<1x128xi32, #tpu.memory_space<vmem>> -> memref<128xi32, #tpu.memory_space<vmem>>
      %dma_wait3A_589 = arith.constant 0 : i32
      %dma_wait3A_590 = arith.constant 0 : i32
      %dma_wait3A_591 = tpu.memref_slice %arg2[%dma_wait3A_589, %dma_wait3A_590] : memref<10240x64xbf16, #tpu.memory_space<hbm>> -> memref<10240x64xbf16, #tpu.memory_space<hbm>>
      tpu.wait_indirect_dma semaphore(%arg21 : memref<!tpu.dma_semaphore, #tpu.memory_space<semaphore_mem>>) src(%dma_wait3A_591 : memref<10240x64xbf16, #tpu.memory_space<hbm>>) dst(%dma_wait3A_585 : memref<128x64xbf16, #tpu.memory_space<vmem>>)
      %dma_start3A_592 = arith.constant 11 : i32
      %dma_start3A_593 = arith.constant 0 : i32
      %dma_start3A_594 = arith.constant 0 : i32
      %dma_start3A_595 = tpu.memref_slice %arg8[%dma_start3A_592, %dma_start3A_593, %dma_start3A_594] : memref<12x128x64xbf16, #tpu.memory_space<vmem>> -> memref<1x128x64xbf16, #tpu.memory_space<vmem>>
      %dma_start3A_596 = tpu.memref_squeeze %dma_start3A_595 : memref<1x128x64xbf16, #tpu.memory_space<vmem>> -> memref<128x64xbf16, #tpu.memory_space<vmem>>
      %dma_start3A_597 = arith.constant 0 : i32
      %dma_start3A_598 = tpu.memref_slice %arg7[%add3A_580, %dma_start3A_597] : memref<84x128xi32, #tpu.memory_space<vmem>> -> memref<1x128xi32, #tpu.memory_space<vmem>>
      %dma_start3A_599 = tpu.memref_squeeze %dma_start3A_598 : memref<1x128xi32, #tpu.memory_space<vmem>> -> memref<128xi32, #tpu.memory_space<vmem>>
      %dma_start3A_600 = arith.constant 0 : i32
      %dma_start3A_601 = arith.constant 0 : i32
      %dma_start3A_602 = tpu.memref_slice %arg9[%dma_start3A_600, %dma_start3A_601] : memref<10240x64xbf16, #tpu.memory_space<vmem_shared>> -> memref<10240x64xbf16, #tpu.memory_space<vmem_shared>>
      tpu.enqueue_indirect_dma source(%dma_start3A_596 : memref<128x64xbf16, #tpu.memory_space<vmem>>) target(%dma_start3A_602 : memref<10240x64xbf16, #tpu.memory_space<vmem_shared>>) offsets(%dma_start3A_599 : memref<128xi32, #tpu.memory_space<vmem>>) semaphore(%arg33 : memref<!tpu.dma_semaphore, #tpu.memory_space<semaphore_mem>>) {add = true}
      %add3A_603 = arith.constant 6 : i32
      %add3A_604 = arith.addi %add3A_580, %add3A_603 : i32
      %ge3A_605 = arith.constant 12 : i32
      %ge3A_606 = arith.cmpi sge, %add3A_604, %ge3A_605 : i32
      %convert_element_type3A_607 = arith.extui %ge3A_606 : i1 to i32
      %cond3A_608 = arith.constant 0 : i32
      %cond3A_609 = arith.cmpi ne, %convert_element_type3A_607, %cond3A_608 : i32
      scf.if %cond3A_609 {
        %sub3A = arith.constant 12 : i32
        %sub3A_615 = arith.subi %add3A_604, %sub3A : i32
        %dma_wait3A_616 = arith.constant 5 : i32
        %dma_wait3A_617 = arith.constant 0 : i32
        %dma_wait3A_618 = arith.constant 0 : i32
        %dma_wait3A_619 = tpu.memref_slice %arg8[%dma_wait3A_616, %dma_wait3A_617, %dma_wait3A_618] : memref<12x128x64xbf16, #tpu.memory_space<vmem>> -> memref<1x128x64xbf16, #tpu.memory_space<vmem>>
        %dma_wait3A_620 = tpu.memref_squeeze %dma_wait3A_619 : memref<1x128x64xbf16, #tpu.memory_space<vmem>> -> memref<128x64xbf16, #tpu.memory_space<vmem>>
        %dma_wait3A_621 = arith.constant 0 : i32
        %dma_wait3A_622 = tpu.memref_slice %arg7[%sub3A_615, %dma_wait3A_621] : memref<84x128xi32, #tpu.memory_space<vmem>> -> memref<1x128xi32, #tpu.memory_space<vmem>>
        %dma_wait3A_623 = tpu.memref_squeeze %dma_wait3A_622 : memref<1x128xi32, #tpu.memory_space<vmem>> -> memref<128xi32, #tpu.memory_space<vmem>>
        %dma_wait3A_624 = arith.constant 0 : i32
        %dma_wait3A_625 = arith.constant 0 : i32
        %dma_wait3A_626 = tpu.memref_slice %arg9[%dma_wait3A_624, %dma_wait3A_625] : memref<10240x64xbf16, #tpu.memory_space<vmem_shared>> -> memref<10240x64xbf16, #tpu.memory_space<vmem_shared>>
        tpu.wait_indirect_dma semaphore(%arg27 : memref<!tpu.dma_semaphore, #tpu.memory_space<semaphore_mem>>) src(%dma_wait3A_620 : memref<128x64xbf16, #tpu.memory_space<vmem>>) dst(%dma_wait3A_626 : memref<10240x64xbf16, #tpu.memory_space<vmem_shared>>)
      } else {
      }
      %lt3A_610 = arith.constant 84 : i32
      %lt3A_611 = arith.cmpi slt, %add3A_604, %lt3A_610 : i32
      %convert_element_type3A_612 = arith.extui %lt3A_611 : i1 to i32
      %cond3A_613 = arith.constant 0 : i32
      %cond3A_614 = arith.cmpi ne, %convert_element_type3A_612, %cond3A_613 : i32
      scf.if %cond3A_614 {
        %dma_start3A_615 = arith.constant 5 : i32
        %dma_start3A_616 = arith.constant 0 : i32
        %dma_start3A_617 = arith.constant 0 : i32
        %dma_start3A_618 = tpu.memref_slice %arg8[%dma_start3A_615, %dma_start3A_616, %dma_start3A_617] : memref<12x128x64xbf16, #tpu.memory_space<vmem>> -> memref<1x128x64xbf16, #tpu.memory_space<vmem>>
        %dma_start3A_619 = tpu.memref_squeeze %dma_start3A_618 : memref<1x128x64xbf16, #tpu.memory_space<vmem>> -> memref<128x64xbf16, #tpu.memory_space<vmem>>
        %dma_start3A_620 = arith.constant 0 : i32
        %dma_start3A_621 = tpu.memref_slice %arg6[%add3A_604, %dma_start3A_620] : memref<84x128xi32, #tpu.memory_space<vmem>> -> memref<1x128xi32, #tpu.memory_space<vmem>>
        %dma_start3A_622 = tpu.memref_squeeze %dma_start3A_621 : memref<1x128xi32, #tpu.memory_space<vmem>> -> memref<128xi32, #tpu.memory_space<vmem>>
        %dma_start3A_623 = arith.constant 0 : i32
        %dma_start3A_624 = arith.constant 0 : i32
        %dma_start3A_625 = tpu.memref_slice %arg2[%dma_start3A_623, %dma_start3A_624] : memref<10240x64xbf16, #tpu.memory_space<hbm>> -> memref<10240x64xbf16, #tpu.memory_space<hbm>>
        tpu.enqueue_indirect_dma source(%dma_start3A_625 : memref<10240x64xbf16, #tpu.memory_space<hbm>>) target(%dma_start3A_619 : memref<128x64xbf16, #tpu.memory_space<vmem>>) offsets(%dma_start3A_622 : memref<128xi32, #tpu.memory_space<vmem>>) semaphore(%arg15 : memref<!tpu.dma_semaphore, #tpu.memory_space<semaphore_mem>>)
      } else {
      }
    }
    %scan3A_85 = arith.constant 7 : i32
    %dma_wait3A_86 = arith.constant 6 : i32
    %dma_wait3A_87 = arith.constant 78 : i32
    %dma_wait3A_88 = arith.constant 0 : i32
    %dma_wait3A_89 = arith.constant 0 : i32
    %dma_wait3A_90 = tpu.memref_slice %arg8[%dma_wait3A_86, %dma_wait3A_88, %dma_wait3A_89] : memref<12x128x64xbf16, #tpu.memory_space<vmem>> -> memref<1x128x64xbf16, #tpu.memory_space<vmem>>
    %dma_wait3A_91 = tpu.memref_squeeze %dma_wait3A_90 : memref<1x128x64xbf16, #tpu.memory_space<vmem>> -> memref<128x64xbf16, #tpu.memory_space<vmem>>
    %dma_wait3A_92 = arith.constant 0 : i32
    %dma_wait3A_93 = tpu.memref_slice %arg7[%dma_wait3A_87, %dma_wait3A_92] : memref<84x128xi32, #tpu.memory_space<vmem>> -> memref<1x128xi32, #tpu.memory_space<vmem>>
    %dma_wait3A_94 = tpu.memref_squeeze %dma_wait3A_93 : memref<1x128xi32, #tpu.memory_space<vmem>> -> memref<128xi32, #tpu.memory_space<vmem>>
    %dma_wait3A_95 = arith.constant 0 : i32
    %dma_wait3A_96 = arith.constant 0 : i32
    %dma_wait3A_97 = tpu.memref_slice %arg9[%dma_wait3A_95, %dma_wait3A_96] : memref<10240x64xbf16, #tpu.memory_space<vmem_shared>> -> memref<10240x64xbf16, #tpu.memory_space<vmem_shared>>
    tpu.wait_indirect_dma semaphore(%arg28 : memref<!tpu.dma_semaphore, #tpu.memory_space<semaphore_mem>>) src(%dma_wait3A_91 : memref<128x64xbf16, #tpu.memory_space<vmem>>) dst(%dma_wait3A_97 : memref<10240x64xbf16, #tpu.memory_space<vmem_shared>>)
    %dma_wait3A_98 = arith.constant 7 : i32
    %dma_wait3A_99 = arith.constant 79 : i32
    %dma_wait3A_100 = arith.constant 0 : i32
    %dma_wait3A_101 = arith.constant 0 : i32
    %dma_wait3A_102 = tpu.memref_slice %arg8[%dma_wait3A_98, %dma_wait3A_100, %dma_wait3A_101] : memref<12x128x64xbf16, #tpu.memory_space<vmem>> -> memref<1x128x64xbf16, #tpu.memory_space<vmem>>
    %dma_wait3A_103 = tpu.memref_squeeze %dma_wait3A_102 : memref<1x128x64xbf16, #tpu.memory_space<vmem>> -> memref<128x64xbf16, #tpu.memory_space<vmem>>
    %dma_wait3A_104 = arith.constant 0 : i32
    %dma_wait3A_105 = tpu.memref_slice %arg7[%dma_wait3A_99, %dma_wait3A_104] : memref<84x128xi32, #tpu.memory_space<vmem>> -> memref<1x128xi32, #tpu.memory_space<vmem>>
    %dma_wait3A_106 = tpu.memref_squeeze %dma_wait3A_105 : memref<1x128xi32, #tpu.memory_space<vmem>> -> memref<128xi32, #tpu.memory_space<vmem>>
    %dma_wait3A_107 = arith.constant 0 : i32
    %dma_wait3A_108 = arith.constant 0 : i32
    %dma_wait3A_109 = tpu.memref_slice %arg9[%dma_wait3A_107, %dma_wait3A_108] : memref<10240x64xbf16, #tpu.memory_space<vmem_shared>> -> memref<10240x64xbf16, #tpu.memory_space<vmem_shared>>
    tpu.wait_indirect_dma semaphore(%arg29 : memref<!tpu.dma_semaphore, #tpu.memory_space<semaphore_mem>>) src(%dma_wait3A_103 : memref<128x64xbf16, #tpu.memory_space<vmem>>) dst(%dma_wait3A_109 : memref<10240x64xbf16, #tpu.memory_space<vmem_shared>>)
    %dma_wait3A_110 = arith.constant 8 : i32
    %dma_wait3A_111 = arith.constant 80 : i32
    %dma_wait3A_112 = arith.constant 0 : i32
    %dma_wait3A_113 = arith.constant 0 : i32
    %dma_wait3A_114 = tpu.memref_slice %arg8[%dma_wait3A_110, %dma_wait3A_112, %dma_wait3A_113] : memref<12x128x64xbf16, #tpu.memory_space<vmem>> -> memref<1x128x64xbf16, #tpu.memory_space<vmem>>
    %dma_wait3A_115 = tpu.memref_squeeze %dma_wait3A_114 : memref<1x128x64xbf16, #tpu.memory_space<vmem>> -> memref<128x64xbf16, #tpu.memory_space<vmem>>
    %dma_wait3A_116 = arith.constant 0 : i32
    %dma_wait3A_117 = tpu.memref_slice %arg7[%dma_wait3A_111, %dma_wait3A_116] : memref<84x128xi32, #tpu.memory_space<vmem>> -> memref<1x128xi32, #tpu.memory_space<vmem>>
    %dma_wait3A_118 = tpu.memref_squeeze %dma_wait3A_117 : memref<1x128xi32, #tpu.memory_space<vmem>> -> memref<128xi32, #tpu.memory_space<vmem>>
    %dma_wait3A_119 = arith.constant 0 : i32
    %dma_wait3A_120 = arith.constant 0 : i32
    %dma_wait3A_121 = tpu.memref_slice %arg9[%dma_wait3A_119, %dma_wait3A_120] : memref<10240x64xbf16, #tpu.memory_space<vmem_shared>> -> memref<10240x64xbf16, #tpu.memory_space<vmem_shared>>
    tpu.wait_indirect_dma semaphore(%arg30 : memref<!tpu.dma_semaphore, #tpu.memory_space<semaphore_mem>>) src(%dma_wait3A_115 : memref<128x64xbf16, #tpu.memory_space<vmem>>) dst(%dma_wait3A_121 : memref<10240x64xbf16, #tpu.memory_space<vmem_shared>>)
    %dma_wait3A_122 = arith.constant 9 : i32
    %dma_wait3A_123 = arith.constant 81 : i32
    %dma_wait3A_124 = arith.constant 0 : i32
    %dma_wait3A_125 = arith.constant 0 : i32
    %dma_wait3A_126 = tpu.memref_slice %arg8[%dma_wait3A_122, %dma_wait3A_124, %dma_wait3A_125] : memref<12x128x64xbf16, #tpu.memory_space<vmem>> -> memref<1x128x64xbf16, #tpu.memory_space<vmem>>
    %dma_wait3A_127 = tpu.memref_squeeze %dma_wait3A_126 : memref<1x128x64xbf16, #tpu.memory_space<vmem>> -> memref<128x64xbf16, #tpu.memory_space<vmem>>
    %dma_wait3A_128 = arith.constant 0 : i32
    %dma_wait3A_129 = tpu.memref_slice %arg7[%dma_wait3A_123, %dma_wait3A_128] : memref<84x128xi32, #tpu.memory_space<vmem>> -> memref<1x128xi32, #tpu.memory_space<vmem>>
    %dma_wait3A_130 = tpu.memref_squeeze %dma_wait3A_129 : memref<1x128xi32, #tpu.memory_space<vmem>> -> memref<128xi32, #tpu.memory_space<vmem>>
    %dma_wait3A_131 = arith.constant 0 : i32
    %dma_wait3A_132 = arith.constant 0 : i32
    %dma_wait3A_133 = tpu.memref_slice %arg9[%dma_wait3A_131, %dma_wait3A_132] : memref<10240x64xbf16, #tpu.memory_space<vmem_shared>> -> memref<10240x64xbf16, #tpu.memory_space<vmem_shared>>
    tpu.wait_indirect_dma semaphore(%arg31 : memref<!tpu.dma_semaphore, #tpu.memory_space<semaphore_mem>>) src(%dma_wait3A_127 : memref<128x64xbf16, #tpu.memory_space<vmem>>) dst(%dma_wait3A_133 : memref<10240x64xbf16, #tpu.memory_space<vmem_shared>>)
    %dma_wait3A_134 = arith.constant 10 : i32
    %dma_wait3A_135 = arith.constant 82 : i32
    %dma_wait3A_136 = arith.constant 0 : i32
    %dma_wait3A_137 = arith.constant 0 : i32
    %dma_wait3A_138 = tpu.memref_slice %arg8[%dma_wait3A_134, %dma_wait3A_136, %dma_wait3A_137] : memref<12x128x64xbf16, #tpu.memory_space<vmem>> -> memref<1x128x64xbf16, #tpu.memory_space<vmem>>
    %dma_wait3A_139 = tpu.memref_squeeze %dma_wait3A_138 : memref<1x128x64xbf16, #tpu.memory_space<vmem>> -> memref<128x64xbf16, #tpu.memory_space<vmem>>
    %dma_wait3A_140 = arith.constant 0 : i32
    %dma_wait3A_141 = tpu.memref_slice %arg7[%dma_wait3A_135, %dma_wait3A_140] : memref<84x128xi32, #tpu.memory_space<vmem>> -> memref<1x128xi32, #tpu.memory_space<vmem>>
    %dma_wait3A_142 = tpu.memref_squeeze %dma_wait3A_141 : memref<1x128xi32, #tpu.memory_space<vmem>> -> memref<128xi32, #tpu.memory_space<vmem>>
    %dma_wait3A_143 = arith.constant 0 : i32
    %dma_wait3A_144 = arith.constant 0 : i32
    %dma_wait3A_145 = tpu.memref_slice %arg9[%dma_wait3A_143, %dma_wait3A_144] : memref<10240x64xbf16, #tpu.memory_space<vmem_shared>> -> memref<10240x64xbf16, #tpu.memory_space<vmem_shared>>
    tpu.wait_indirect_dma semaphore(%arg32 : memref<!tpu.dma_semaphore, #tpu.memory_space<semaphore_mem>>) src(%dma_wait3A_139 : memref<128x64xbf16, #tpu.memory_space<vmem>>) dst(%dma_wait3A_145 : memref<10240x64xbf16, #tpu.memory_space<vmem_shared>>)
    %dma_wait3A_146 = arith.constant 11 : i32
    %dma_wait3A_147 = arith.constant 83 : i32
    %dma_wait3A_148 = arith.constant 0 : i32
    %dma_wait3A_149 = arith.constant 0 : i32
    %dma_wait3A_150 = tpu.memref_slice %arg8[%dma_wait3A_146, %dma_wait3A_148, %dma_wait3A_149] : memref<12x128x64xbf16, #tpu.memory_space<vmem>> -> memref<1x128x64xbf16, #tpu.memory_space<vmem>>
    %dma_wait3A_151 = tpu.memref_squeeze %dma_wait3A_150 : memref<1x128x64xbf16, #tpu.memory_space<vmem>> -> memref<128x64xbf16, #tpu.memory_space<vmem>>
    %dma_wait3A_152 = arith.constant 0 : i32
    %dma_wait3A_153 = tpu.memref_slice %arg7[%dma_wait3A_147, %dma_wait3A_152] : memref<84x128xi32, #tpu.memory_space<vmem>> -> memref<1x128xi32, #tpu.memory_space<vmem>>
    %dma_wait3A_154 = tpu.memref_squeeze %dma_wait3A_153 : memref<1x128xi32, #tpu.memory_space<vmem>> -> memref<128xi32, #tpu.memory_space<vmem>>
    %dma_wait3A_155 = arith.constant 0 : i32
    %dma_wait3A_156 = arith.constant 0 : i32
    %dma_wait3A_157 = tpu.memref_slice %arg9[%dma_wait3A_155, %dma_wait3A_156] : memref<10240x64xbf16, #tpu.memory_space<vmem_shared>> -> memref<10240x64xbf16, #tpu.memory_space<vmem_shared>>
    tpu.wait_indirect_dma semaphore(%arg33 : memref<!tpu.dma_semaphore, #tpu.memory_space<semaphore_mem>>) src(%dma_wait3A_151 : memref<128x64xbf16, #tpu.memory_space<vmem>>) dst(%dma_wait3A_157 : memref<10240x64xbf16, #tpu.memory_space<vmem_shared>>)
    %barrier3A_158 = arith.constant 0 : index
    tpu.barrier barrier_id(%barrier3A_158)
    %mul3A_159 = arith.constant 640 : i32
    %mul3A_160 = arith.muli %arg1, %mul3A_159 : i32
    %mul3A_161 = arith.constant 640 : i32
    %mul3A_162 = arith.muli %arg1, %mul3A_161 : i32
    "tpu.region"() ({
      %run_scoped3A = tpu.sem_alloc : memref<!tpu.dma_semaphore, #tpu.memory_space<semaphore_mem>>
      %dma_start3A_163 = arith.constant 0 : i32
      %dma_start3A_164 = tpu.memref_slice %arg5[%arg0, %mul3A_162, %dma_start3A_163] : memref<2x10240x64xbf16, #tpu.memory_space<hbm>> -> memref<1x640x64xbf16, #tpu.memory_space<hbm>>
      %dma_start3A_165 = tpu.memref_squeeze %dma_start3A_164 : memref<1x640x64xbf16, #tpu.memory_space<hbm>> -> memref<640x64xbf16, #tpu.memory_space<hbm>>
      %dma_start3A_166 = arith.constant 0 : i32
      %dma_start3A_167 = tpu.memref_slice %arg9[%mul3A_160, %dma_start3A_166] : memref<10240x64xbf16, #tpu.memory_space<vmem_shared>> -> memref<640x64xbf16, #tpu.memory_space<vmem_shared>>
      tpu.enqueue_dma source(%dma_start3A_167 : memref<640x64xbf16, #tpu.memory_space<vmem_shared>>) target(%dma_start3A_165 : memref<640x64xbf16, #tpu.memory_space<hbm>>) target_semaphore(%run_scoped3A : memref<!tpu.dma_semaphore, #tpu.memory_space<semaphore_mem>>)
      %dma_wait3A_168 = arith.constant 0 : i32
      %dma_wait3A_169 = tpu.memref_slice %arg5[%arg0, %mul3A_162, %dma_wait3A_168] : memref<2x10240x64xbf16, #tpu.memory_space<hbm>> -> memref<1x640x64xbf16, #tpu.memory_space<hbm>>
      %dma_wait3A_170 = tpu.memref_squeeze %dma_wait3A_169 : memref<1x640x64xbf16, #tpu.memory_space<hbm>> -> memref<640x64xbf16, #tpu.memory_space<hbm>>
      %dma_wait3A_171 = arith.constant 0 : i32
      %dma_wait3A_172 = tpu.memref_slice %arg9[%mul3A_160, %dma_wait3A_171] : memref<10240x64xbf16, #tpu.memory_space<vmem_shared>> -> memref<640x64xbf16, #tpu.memory_space<vmem_shared>>
      tpu.wait_dma2 semaphore(%run_scoped3A : memref<!tpu.dma_semaphore, #tpu.memory_space<semaphore_mem>>) src(%dma_wait3A_172 : memref<640x64xbf16, #tpu.memory_space<vmem_shared>>) dst(%dma_wait3A_170 : memref<640x64xbf16, #tpu.memory_space<hbm>>)
      tpu.yield
    }) : () -> ()
    return
  }
}

#map = affine_map<(d0, d1) -> (0, 0)>
#map1 = affine_map<(d0, d1) -> (0, 0, 0, 0)>
#map2 = affine_map<(d0, d1) -> (0, 0, 0)>
module attributes {stable_mosaic.version = 14 : i64} {
  func.func @agg_kernel(%arg0: i32, %arg1: i32, %arg2: memref<10240x64xbf16, #tpu.memory_space<hbm>>, %arg3: memref<2x16x84x128xi32, #tpu.memory_space<hbm>>, %arg4: memref<2x16x84x128xi32, #tpu.memory_space<hbm>>, %arg5: memref<2x10240x64xbf16, #tpu.memory_space<hbm>>, %arg6: memref<84x128xi32, #tpu.memory_space<vmem>>, %arg7: memref<84x128xi32, #tpu.memory_space<vmem>>, %arg8: memref<12x128x64xbf16, #tpu.memory_space<vmem>>, %arg9: memref<10240x64xbf16, #tpu.memory_space<vmem_shared>>, %arg10: memref<!tpu.dma_semaphore, #tpu.memory_space<semaphore_mem>>, %arg11: memref<!tpu.dma_semaphore, #tpu.memory_space<semaphore_mem>>, %arg12: memref<!tpu.dma_semaphore, #tpu.memory_space<semaphore_mem>>, %arg13: memref<!tpu.dma_semaphore, #tpu.memory_space<semaphore_mem>>, %arg14: memref<!tpu.dma_semaphore, #tpu.memory_space<semaphore_mem>>, %arg15: memref<!tpu.dma_semaphore, #tpu.memory_space<semaphore_mem>>, %arg16: memref<!tpu.dma_semaphore, #tpu.memory_space<semaphore_mem>>, %arg17: memref<!tpu.dma_semaphore, #tpu.memory_space<semaphore_mem>>, %arg18: memref<!tpu.dma_semaphore, #tpu.memory_space<semaphore_mem>>, %arg19: memref<!tpu.dma_semaphore, #tpu.memory_space<semaphore_mem>>, %arg20: memref<!tpu.dma_semaphore, #tpu.memory_space<semaphore_mem>>, %arg21: memref<!tpu.dma_semaphore, #tpu.memory_space<semaphore_mem>>, %arg22: memref<!tpu.dma_semaphore, #tpu.memory_space<semaphore_mem>>, %arg23: memref<!tpu.dma_semaphore, #tpu.memory_space<semaphore_mem>>, %arg24: memref<!tpu.dma_semaphore, #tpu.memory_space<semaphore_mem>>, %arg25: memref<!tpu.dma_semaphore, #tpu.memory_space<semaphore_mem>>, %arg26: memref<!tpu.dma_semaphore, #tpu.memory_space<semaphore_mem>>, %arg27: memref<!tpu.dma_semaphore, #tpu.memory_space<semaphore_mem>>, %arg28: memref<!tpu.dma_semaphore, #tpu.memory_space<semaphore_mem>>, %arg29: memref<!tpu.dma_semaphore, #tpu.memory_space<semaphore_mem>>, %arg30: memref<!tpu.dma_semaphore, #tpu.memory_space<semaphore_mem>>, %arg31: memref<!tpu.dma_semaphore, #tpu.memory_space<semaphore_mem>>, %arg32: memref<!tpu.dma_semaphore, #tpu.memory_space<semaphore_mem>>, %arg33: memref<!tpu.dma_semaphore, #tpu.memory_space<semaphore_mem>>, %arg34: memref<!tpu.dma_semaphore, #tpu.memory_space<semaphore_mem>>) attributes {dimension_semantics = [#tpu.dimension_semantics<core_parallel>, #tpu.dimension_semantics<subcore_parallel>], iteration_bounds = array<i64: 2, 16>, scalar_prefetch = 0 : i64, scratch_operands = 29 : i64, tpu.core_type = #tpu.core_type<sc_vector_subcore>, window_params = [{transform_indices = #map}, {transform_indices = #map1}, {transform_indices = #map1}, {transform_indices = #map2}]} {
    "tpu.region"() ({
      %run_scoped3A = tpu.sem_alloc : memref<!tpu.dma_semaphore, #tpu.memory_space<semaphore_mem>>
      %dma_start3A_163 = arith.constant 0 : i32
      %dma_start3A_164 = arith.constant 0 : i32
      %dma_start3A_165 = tpu.memref_slice %arg3[%arg0, %arg1, %dma_start3A_163, %dma_start3A_164] : memref<2x16x84x128xi32, #tpu.memory_space<hbm>> -> memref<1x1x84x128xi32, #tpu.memory_space<hbm>>
      %dma_start3A_166 = tpu.memref_squeeze %dma_start3A_165 : memref<1x1x84x128xi32, #tpu.memory_space<hbm>> -> memref<84x128xi32, #tpu.memory_space<hbm>>
      %dma_start3A_167 = arith.constant 0 : i32
      %dma_start3A_168 = arith.constant 0 : i32
      %dma_start3A_169 = tpu.memref_slice %arg3[%arg0, %arg1, %dma_start3A_167, %dma_start3A_168] : memref<2x16x84x128xi32, #tpu.memory_space<hbm>> -> memref<1x1x84x128xi32, #tpu.memory_space<hbm>>
      %dma_start3A_170 = tpu.memref_squeeze %dma_start3A_169 : memref<1x1x84x128xi32, #tpu.memory_space<hbm>> -> memref<84x128xi32, #tpu.memory_space<hbm>>
      tpu.enqueue_dma source(%dma_start3A_170 : memref<84x128xi32, #tpu.memory_space<hbm>>) target(%arg6 : memref<84x128xi32, #tpu.memory_space<vmem>>) target_semaphore(%run_scoped3A : memref<!tpu.dma_semaphore, #tpu.memory_space<semaphore_mem>>)
      %dma_wait3A_171 = arith.constant 0 : i32
      %dma_wait3A_172 = arith.constant 0 : i32
      %dma_wait3A_173 = tpu.memref_slice %arg3[%arg0, %arg1, %dma_wait3A_171, %dma_wait3A_172] : memref<2x16x84x128xi32, #tpu.memory_space<hbm>> -> memref<1x1x84x128xi32, #tpu.memory_space<hbm>>
      %dma_wait3A_174 = tpu.memref_squeeze %dma_wait3A_173 : memref<1x1x84x128xi32, #tpu.memory_space<hbm>> -> memref<84x128xi32, #tpu.memory_space<hbm>>
      %dma_wait3A_175 = arith.constant 0 : i32
      %dma_wait3A_176 = arith.constant 0 : i32
      %dma_wait3A_177 = tpu.memref_slice %arg3[%arg0, %arg1, %dma_wait3A_175, %dma_wait3A_176] : memref<2x16x84x128xi32, #tpu.memory_space<hbm>> -> memref<1x1x84x128xi32, #tpu.memory_space<hbm>>
      %dma_wait3A_178 = tpu.memref_squeeze %dma_wait3A_177 : memref<1x1x84x128xi32, #tpu.memory_space<hbm>> -> memref<84x128xi32, #tpu.memory_space<hbm>>
      tpu.wait_dma2 semaphore(%run_scoped3A : memref<!tpu.dma_semaphore, #tpu.memory_space<semaphore_mem>>) src(%dma_wait3A_178 : memref<84x128xi32, #tpu.memory_space<hbm>>) dst(%arg6 : memref<84x128xi32, #tpu.memory_space<vmem>>)
      tpu.yield
    }) : () -> ()
    %mul3A = arith.constant 640 : i32
    %mul3A_0 = arith.muli %arg1, %mul3A : i32
    %mul3A_1 = arith.constant 640 : i32
    %mul3A_2 = arith.muli %arg1, %mul3A_1 : i32
    %dma_start3A = arith.constant 0 : i32
    %dma_start3A_3 = tpu.memref_slice %arg9[%mul3A_2, %dma_start3A] : memref<10240x64xbf16, #tpu.memory_space<vmem_shared>> -> memref<640x64xbf16, #tpu.memory_space<vmem_shared>>
    %dma_start3A_4 = arith.constant 0 : i32
    %dma_start3A_5 = tpu.memref_slice %arg2[%mul3A_0, %dma_start3A_4] : memref<10240x64xbf16, #tpu.memory_space<hbm>> -> memref<640x64xbf16, #tpu.memory_space<hbm>>
    tpu.enqueue_dma source(%dma_start3A_5 : memref<640x64xbf16, #tpu.memory_space<hbm>>) target(%dma_start3A_3 : memref<640x64xbf16, #tpu.memory_space<vmem_shared>>) target_semaphore(%arg34 : memref<!tpu.dma_semaphore, #tpu.memory_space<semaphore_mem>>)
    %dma_start3A_6 = arith.constant 0 : i32
    %dma_start3A_7 = arith.constant 0 : i32
    %dma_start3A_8 = arith.constant 0 : i32
    %dma_start3A_9 = arith.constant 0 : i32
    %dma_start3A_10 = tpu.memref_slice %arg8[%dma_start3A_7, %dma_start3A_8, %dma_start3A_9] : memref<12x128x64xbf16, #tpu.memory_space<vmem>> -> memref<1x128x64xbf16, #tpu.memory_space<vmem>>
    %dma_start3A_11 = tpu.memref_squeeze %dma_start3A_10 : memref<1x128x64xbf16, #tpu.memory_space<vmem>> -> memref<128x64xbf16, #tpu.memory_space<vmem>>
    %dma_start3A_12 = arith.constant 0 : i32
    %dma_start3A_13 = tpu.memref_slice %arg6[%dma_start3A_6, %dma_start3A_12] : memref<84x128xi32, #tpu.memory_space<vmem>> -> memref<1x128xi32, #tpu.memory_space<vmem>>
    %dma_start3A_14 = tpu.memref_squeeze %dma_start3A_13 : memref<1x128xi32, #tpu.memory_space<vmem>> -> memref<128xi32, #tpu.memory_space<vmem>>
    %dma_start3A_15 = arith.constant 0 : i32
    %dma_start3A_16 = arith.constant 0 : i32
    %dma_start3A_17 = tpu.memref_slice %arg2[%dma_start3A_15, %dma_start3A_16] : memref<10240x64xbf16, #tpu.memory_space<hbm>> -> memref<10240x64xbf16, #tpu.memory_space<hbm>>
    tpu.enqueue_indirect_dma source(%dma_start3A_17 : memref<10240x64xbf16, #tpu.memory_space<hbm>>) target(%dma_start3A_11 : memref<128x64xbf16, #tpu.memory_space<vmem>>) offsets(%dma_start3A_14 : memref<128xi32, #tpu.memory_space<vmem>>) semaphore(%arg10 : memref<!tpu.dma_semaphore, #tpu.memory_space<semaphore_mem>>)
    %dma_start3A_18 = arith.constant 1 : i32
    %dma_start3A_19 = arith.constant 1 : i32
    %dma_start3A_20 = arith.constant 0 : i32
    %dma_start3A_21 = arith.constant 0 : i32
    %dma_start3A_22 = tpu.memref_slice %arg8[%dma_start3A_19, %dma_start3A_20, %dma_start3A_21] : memref<12x128x64xbf16, #tpu.memory_space<vmem>> -> memref<1x128x64xbf16, #tpu.memory_space<vmem>>
    %dma_start3A_23 = tpu.memref_squeeze %dma_start3A_22 : memref<1x128x64xbf16, #tpu.memory_space<vmem>> -> memref<128x64xbf16, #tpu.memory_space<vmem>>
    %dma_start3A_24 = arith.constant 0 : i32
    %dma_start3A_25 = tpu.memref_slice %arg6[%dma_start3A_18, %dma_start3A_24] : memref<84x128xi32, #tpu.memory_space<vmem>> -> memref<1x128xi32, #tpu.memory_space<vmem>>
    %dma_start3A_26 = tpu.memref_squeeze %dma_start3A_25 : memref<1x128xi32, #tpu.memory_space<vmem>> -> memref<128xi32, #tpu.memory_space<vmem>>
    %dma_start3A_27 = arith.constant 0 : i32
    %dma_start3A_28 = arith.constant 0 : i32
    %dma_start3A_29 = tpu.memref_slice %arg2[%dma_start3A_27, %dma_start3A_28] : memref<10240x64xbf16, #tpu.memory_space<hbm>> -> memref<10240x64xbf16, #tpu.memory_space<hbm>>
    tpu.enqueue_indirect_dma source(%dma_start3A_29 : memref<10240x64xbf16, #tpu.memory_space<hbm>>) target(%dma_start3A_23 : memref<128x64xbf16, #tpu.memory_space<vmem>>) offsets(%dma_start3A_26 : memref<128xi32, #tpu.memory_space<vmem>>) semaphore(%arg11 : memref<!tpu.dma_semaphore, #tpu.memory_space<semaphore_mem>>)
    %dma_start3A_30 = arith.constant 2 : i32
    %dma_start3A_31 = arith.constant 2 : i32
    %dma_start3A_32 = arith.constant 0 : i32
    %dma_start3A_33 = arith.constant 0 : i32
    %dma_start3A_34 = tpu.memref_slice %arg8[%dma_start3A_31, %dma_start3A_32, %dma_start3A_33] : memref<12x128x64xbf16, #tpu.memory_space<vmem>> -> memref<1x128x64xbf16, #tpu.memory_space<vmem>>
    %dma_start3A_35 = tpu.memref_squeeze %dma_start3A_34 : memref<1x128x64xbf16, #tpu.memory_space<vmem>> -> memref<128x64xbf16, #tpu.memory_space<vmem>>
    %dma_start3A_36 = arith.constant 0 : i32
    %dma_start3A_37 = tpu.memref_slice %arg6[%dma_start3A_30, %dma_start3A_36] : memref<84x128xi32, #tpu.memory_space<vmem>> -> memref<1x128xi32, #tpu.memory_space<vmem>>
    %dma_start3A_38 = tpu.memref_squeeze %dma_start3A_37 : memref<1x128xi32, #tpu.memory_space<vmem>> -> memref<128xi32, #tpu.memory_space<vmem>>
    %dma_start3A_39 = arith.constant 0 : i32
    %dma_start3A_40 = arith.constant 0 : i32
    %dma_start3A_41 = tpu.memref_slice %arg2[%dma_start3A_39, %dma_start3A_40] : memref<10240x64xbf16, #tpu.memory_space<hbm>> -> memref<10240x64xbf16, #tpu.memory_space<hbm>>
    tpu.enqueue_indirect_dma source(%dma_start3A_41 : memref<10240x64xbf16, #tpu.memory_space<hbm>>) target(%dma_start3A_35 : memref<128x64xbf16, #tpu.memory_space<vmem>>) offsets(%dma_start3A_38 : memref<128xi32, #tpu.memory_space<vmem>>) semaphore(%arg12 : memref<!tpu.dma_semaphore, #tpu.memory_space<semaphore_mem>>)
    %dma_start3A_42 = arith.constant 3 : i32
    %dma_start3A_43 = arith.constant 3 : i32
    %dma_start3A_44 = arith.constant 0 : i32
    %dma_start3A_45 = arith.constant 0 : i32
    %dma_start3A_46 = tpu.memref_slice %arg8[%dma_start3A_43, %dma_start3A_44, %dma_start3A_45] : memref<12x128x64xbf16, #tpu.memory_space<vmem>> -> memref<1x128x64xbf16, #tpu.memory_space<vmem>>
    %dma_start3A_47 = tpu.memref_squeeze %dma_start3A_46 : memref<1x128x64xbf16, #tpu.memory_space<vmem>> -> memref<128x64xbf16, #tpu.memory_space<vmem>>
    %dma_start3A_48 = arith.constant 0 : i32
    %dma_start3A_49 = tpu.memref_slice %arg6[%dma_start3A_42, %dma_start3A_48] : memref<84x128xi32, #tpu.memory_space<vmem>> -> memref<1x128xi32, #tpu.memory_space<vmem>>
    %dma_start3A_50 = tpu.memref_squeeze %dma_start3A_49 : memref<1x128xi32, #tpu.memory_space<vmem>> -> memref<128xi32, #tpu.memory_space<vmem>>
    %dma_start3A_51 = arith.constant 0 : i32
    %dma_start3A_52 = arith.constant 0 : i32
    %dma_start3A_53 = tpu.memref_slice %arg2[%dma_start3A_51, %dma_start3A_52] : memref<10240x64xbf16, #tpu.memory_space<hbm>> -> memref<10240x64xbf16, #tpu.memory_space<hbm>>
    tpu.enqueue_indirect_dma source(%dma_start3A_53 : memref<10240x64xbf16, #tpu.memory_space<hbm>>) target(%dma_start3A_47 : memref<128x64xbf16, #tpu.memory_space<vmem>>) offsets(%dma_start3A_50 : memref<128xi32, #tpu.memory_space<vmem>>) semaphore(%arg13 : memref<!tpu.dma_semaphore, #tpu.memory_space<semaphore_mem>>)
    %dma_start3A_54 = arith.constant 4 : i32
    %dma_start3A_55 = arith.constant 4 : i32
    %dma_start3A_56 = arith.constant 0 : i32
    %dma_start3A_57 = arith.constant 0 : i32
    %dma_start3A_58 = tpu.memref_slice %arg8[%dma_start3A_55, %dma_start3A_56, %dma_start3A_57] : memref<12x128x64xbf16, #tpu.memory_space<vmem>> -> memref<1x128x64xbf16, #tpu.memory_space<vmem>>
    %dma_start3A_59 = tpu.memref_squeeze %dma_start3A_58 : memref<1x128x64xbf16, #tpu.memory_space<vmem>> -> memref<128x64xbf16, #tpu.memory_space<vmem>>
    %dma_start3A_60 = arith.constant 0 : i32
    %dma_start3A_61 = tpu.memref_slice %arg6[%dma_start3A_54, %dma_start3A_60] : memref<84x128xi32, #tpu.memory_space<vmem>> -> memref<1x128xi32, #tpu.memory_space<vmem>>
    %dma_start3A_62 = tpu.memref_squeeze %dma_start3A_61 : memref<1x128xi32, #tpu.memory_space<vmem>> -> memref<128xi32, #tpu.memory_space<vmem>>
    %dma_start3A_63 = arith.constant 0 : i32
    %dma_start3A_64 = arith.constant 0 : i32
    %dma_start3A_65 = tpu.memref_slice %arg2[%dma_start3A_63, %dma_start3A_64] : memref<10240x64xbf16, #tpu.memory_space<hbm>> -> memref<10240x64xbf16, #tpu.memory_space<hbm>>
    tpu.enqueue_indirect_dma source(%dma_start3A_65 : memref<10240x64xbf16, #tpu.memory_space<hbm>>) target(%dma_start3A_59 : memref<128x64xbf16, #tpu.memory_space<vmem>>) offsets(%dma_start3A_62 : memref<128xi32, #tpu.memory_space<vmem>>) semaphore(%arg14 : memref<!tpu.dma_semaphore, #tpu.memory_space<semaphore_mem>>)
    %dma_start3A_66 = arith.constant 5 : i32
    %dma_start3A_67 = arith.constant 5 : i32
    %dma_start3A_68 = arith.constant 0 : i32
    %dma_start3A_69 = arith.constant 0 : i32
    %dma_start3A_70 = tpu.memref_slice %arg8[%dma_start3A_67, %dma_start3A_68, %dma_start3A_69] : memref<12x128x64xbf16, #tpu.memory_space<vmem>> -> memref<1x128x64xbf16, #tpu.memory_space<vmem>>
    %dma_start3A_71 = tpu.memref_squeeze %dma_start3A_70 : memref<1x128x64xbf16, #tpu.memory_space<vmem>> -> memref<128x64xbf16, #tpu.memory_space<vmem>>
    %dma_start3A_72 = arith.constant 0 : i32
    %dma_start3A_73 = tpu.memref_slice %arg6[%dma_start3A_66, %dma_start3A_72] : memref<84x128xi32, #tpu.memory_space<vmem>> -> memref<1x128xi32, #tpu.memory_space<vmem>>
    %dma_start3A_74 = tpu.memref_squeeze %dma_start3A_73 : memref<1x128xi32, #tpu.memory_space<vmem>> -> memref<128xi32, #tpu.memory_space<vmem>>
    %dma_start3A_75 = arith.constant 0 : i32
    %dma_start3A_76 = arith.constant 0 : i32
    %dma_start3A_77 = tpu.memref_slice %arg2[%dma_start3A_75, %dma_start3A_76] : memref<10240x64xbf16, #tpu.memory_space<hbm>> -> memref<10240x64xbf16, #tpu.memory_space<hbm>>
    tpu.enqueue_indirect_dma source(%dma_start3A_77 : memref<10240x64xbf16, #tpu.memory_space<hbm>>) target(%dma_start3A_71 : memref<128x64xbf16, #tpu.memory_space<vmem>>) offsets(%dma_start3A_74 : memref<128xi32, #tpu.memory_space<vmem>>) semaphore(%arg15 : memref<!tpu.dma_semaphore, #tpu.memory_space<semaphore_mem>>)
    "tpu.region"() ({
      %run_scoped3A = tpu.sem_alloc : memref<!tpu.dma_semaphore, #tpu.memory_space<semaphore_mem>>
      %dma_start3A_163 = arith.constant 0 : i32
      %dma_start3A_164 = arith.constant 0 : i32
      %dma_start3A_165 = tpu.memref_slice %arg4[%arg0, %arg1, %dma_start3A_163, %dma_start3A_164] : memref<2x16x84x128xi32, #tpu.memory_space<hbm>> -> memref<1x1x84x128xi32, #tpu.memory_space<hbm>>
      %dma_start3A_166 = tpu.memref_squeeze %dma_start3A_165 : memref<1x1x84x128xi32, #tpu.memory_space<hbm>> -> memref<84x128xi32, #tpu.memory_space<hbm>>
      %dma_start3A_167 = arith.constant 0 : i32
      %dma_start3A_168 = arith.constant 0 : i32
      %dma_start3A_169 = tpu.memref_slice %arg4[%arg0, %arg1, %dma_start3A_167, %dma_start3A_168] : memref<2x16x84x128xi32, #tpu.memory_space<hbm>> -> memref<1x1x84x128xi32, #tpu.memory_space<hbm>>
      %dma_start3A_170 = tpu.memref_squeeze %dma_start3A_169 : memref<1x1x84x128xi32, #tpu.memory_space<hbm>> -> memref<84x128xi32, #tpu.memory_space<hbm>>
      tpu.enqueue_dma source(%dma_start3A_170 : memref<84x128xi32, #tpu.memory_space<hbm>>) target(%arg7 : memref<84x128xi32, #tpu.memory_space<vmem>>) target_semaphore(%run_scoped3A : memref<!tpu.dma_semaphore, #tpu.memory_space<semaphore_mem>>)
      %dma_wait3A_171 = arith.constant 0 : i32
      %dma_wait3A_172 = arith.constant 0 : i32
      %dma_wait3A_173 = tpu.memref_slice %arg4[%arg0, %arg1, %dma_wait3A_171, %dma_wait3A_172] : memref<2x16x84x128xi32, #tpu.memory_space<hbm>> -> memref<1x1x84x128xi32, #tpu.memory_space<hbm>>
      %dma_wait3A_174 = tpu.memref_squeeze %dma_wait3A_173 : memref<1x1x84x128xi32, #tpu.memory_space<hbm>> -> memref<84x128xi32, #tpu.memory_space<hbm>>
      %dma_wait3A_175 = arith.constant 0 : i32
      %dma_wait3A_176 = arith.constant 0 : i32
      %dma_wait3A_177 = tpu.memref_slice %arg4[%arg0, %arg1, %dma_wait3A_175, %dma_wait3A_176] : memref<2x16x84x128xi32, #tpu.memory_space<hbm>> -> memref<1x1x84x128xi32, #tpu.memory_space<hbm>>
      %dma_wait3A_178 = tpu.memref_squeeze %dma_wait3A_177 : memref<1x1x84x128xi32, #tpu.memory_space<hbm>> -> memref<84x128xi32, #tpu.memory_space<hbm>>
      tpu.wait_dma2 semaphore(%run_scoped3A : memref<!tpu.dma_semaphore, #tpu.memory_space<semaphore_mem>>) src(%dma_wait3A_178 : memref<84x128xi32, #tpu.memory_space<hbm>>) dst(%arg7 : memref<84x128xi32, #tpu.memory_space<vmem>>)
      tpu.yield
    }) : () -> ()
    %dma_wait3A = arith.constant 0 : i32
    %dma_wait3A_78 = tpu.memref_slice %arg9[%mul3A_2, %dma_wait3A] : memref<10240x64xbf16, #tpu.memory_space<vmem_shared>> -> memref<640x64xbf16, #tpu.memory_space<vmem_shared>>
    %dma_wait3A_79 = arith.constant 0 : i32
    %dma_wait3A_80 = tpu.memref_slice %arg2[%mul3A_0, %dma_wait3A_79] : memref<10240x64xbf16, #tpu.memory_space<hbm>> -> memref<640x64xbf16, #tpu.memory_space<hbm>>
    tpu.wait_dma2 semaphore(%arg34 : memref<!tpu.dma_semaphore, #tpu.memory_space<semaphore_mem>>) src(%dma_wait3A_80 : memref<640x64xbf16, #tpu.memory_space<hbm>>) dst(%dma_wait3A_78 : memref<640x64xbf16, #tpu.memory_space<vmem_shared>>)
    %barrier3A = arith.constant 0 : index
    tpu.barrier barrier_id(%barrier3A)
    %scan3A = arith.constant 0 : i32
    %scan3A_81 = arith.constant 0 : i32
    %scan3A_82 = arith.constant 7 : i32
    %scan3A_83 = arith.addi %scan3A_81, %scan3A_82 : i32
    %scan3A_84 = arith.constant 1 : i32
    scf.for %scan3A_163 = %scan3A_81 to %scan3A_83 step %scan3A_84  : i32 {
      %mul3A_164 = arith.constant 12 : i32
      %mul3A_165 = arith.muli %mul3A_164, %scan3A_163 : i32
      %add3A = arith.constant 0 : i32
      %add3A_166 = arith.addi %mul3A_165, %add3A : i32
      %dma_wait3A_167 = arith.constant 0 : i32
      %dma_wait3A_168 = arith.constant 0 : i32
      %dma_wait3A_169 = arith.constant 0 : i32
      %dma_wait3A_170 = tpu.memref_slice %arg8[%dma_wait3A_167, %dma_wait3A_168, %dma_wait3A_169] : memref<12x128x64xbf16, #tpu.memory_space<vmem>> -> memref<1x128x64xbf16, #tpu.memory_space<vmem>>
      %dma_wait3A_171 = tpu.memref_squeeze %dma_wait3A_170 : memref<1x128x64xbf16, #tpu.memory_space<vmem>> -> memref<128x64xbf16, #tpu.memory_space<vmem>>
      %dma_wait3A_172 = arith.constant 0 : i32
      %dma_wait3A_173 = tpu.memref_slice %arg6[%add3A_166, %dma_wait3A_172] : memref<84x128xi32, #tpu.memory_space<vmem>> -> memref<1x128xi32, #tpu.memory_space<vmem>>
      %dma_wait3A_174 = tpu.memref_squeeze %dma_wait3A_173 : memref<1x128xi32, #tpu.memory_space<vmem>> -> memref<128xi32, #tpu.memory_space<vmem>>
      %dma_wait3A_175 = arith.constant 0 : i32
      %dma_wait3A_176 = arith.constant 0 : i32
      %dma_wait3A_177 = tpu.memref_slice %arg2[%dma_wait3A_175, %dma_wait3A_176] : memref<10240x64xbf16, #tpu.memory_space<hbm>> -> memref<10240x64xbf16, #tpu.memory_space<hbm>>
      tpu.wait_indirect_dma semaphore(%arg10 : memref<!tpu.dma_semaphore, #tpu.memory_space<semaphore_mem>>) src(%dma_wait3A_177 : memref<10240x64xbf16, #tpu.memory_space<hbm>>) dst(%dma_wait3A_171 : memref<128x64xbf16, #tpu.memory_space<vmem>>)
      %dma_start3A_178 = arith.constant 0 : i32
      %dma_start3A_179 = arith.constant 0 : i32
      %dma_start3A_180 = arith.constant 0 : i32
      %dma_start3A_181 = tpu.memref_slice %arg8[%dma_start3A_178, %dma_start3A_179, %dma_start3A_180] : memref<12x128x64xbf16, #tpu.memory_space<vmem>> -> memref<1x128x64xbf16, #tpu.memory_space<vmem>>
      %dma_start3A_182 = tpu.memref_squeeze %dma_start3A_181 : memref<1x128x64xbf16, #tpu.memory_space<vmem>> -> memref<128x64xbf16, #tpu.memory_space<vmem>>
      %dma_start3A_183 = arith.constant 0 : i32
      %dma_start3A_184 = tpu.memref_slice %arg7[%add3A_166, %dma_start3A_183] : memref<84x128xi32, #tpu.memory_space<vmem>> -> memref<1x128xi32, #tpu.memory_space<vmem>>
      %dma_start3A_185 = tpu.memref_squeeze %dma_start3A_184 : memref<1x128xi32, #tpu.memory_space<vmem>> -> memref<128xi32, #tpu.memory_space<vmem>>
      %dma_start3A_186 = arith.constant 0 : i32
      %dma_start3A_187 = arith.constant 0 : i32
      %dma_start3A_188 = tpu.memref_slice %arg9[%dma_start3A_186, %dma_start3A_187] : memref<10240x64xbf16, #tpu.memory_space<vmem_shared>> -> memref<10240x64xbf16, #tpu.memory_space<vmem_shared>>
      tpu.enqueue_indirect_dma source(%dma_start3A_182 : memref<128x64xbf16, #tpu.memory_space<vmem>>) target(%dma_start3A_188 : memref<10240x64xbf16, #tpu.memory_space<vmem_shared>>) offsets(%dma_start3A_185 : memref<128xi32, #tpu.memory_space<vmem>>) semaphore(%arg22 : memref<!tpu.dma_semaphore, #tpu.memory_space<semaphore_mem>>) {add = true}
      %add3A_189 = arith.constant 6 : i32
      %add3A_190 = arith.addi %add3A_166, %add3A_189 : i32
      %ge3A = arith.constant 12 : i32
      %ge3A_191 = arith.cmpi sge, %add3A_190, %ge3A : i32
      %convert_element_type3A = arith.extui %ge3A_191 : i1 to i32
      %cond3A = arith.constant 0 : i32
      %cond3A_192 = arith.cmpi ne, %convert_element_type3A, %cond3A : i32
      scf.if %cond3A_192 {
        %sub3A = arith.constant 12 : i32
        %sub3A_615 = arith.subi %add3A_190, %sub3A : i32
        %dma_wait3A_616 = arith.constant 6 : i32
        %dma_wait3A_617 = arith.constant 0 : i32
        %dma_wait3A_618 = arith.constant 0 : i32
        %dma_wait3A_619 = tpu.memref_slice %arg8[%dma_wait3A_616, %dma_wait3A_617, %dma_wait3A_618] : memref<12x128x64xbf16, #tpu.memory_space<vmem>> -> memref<1x128x64xbf16, #tpu.memory_space<vmem>>
        %dma_wait3A_620 = tpu.memref_squeeze %dma_wait3A_619 : memref<1x128x64xbf16, #tpu.memory_space<vmem>> -> memref<128x64xbf16, #tpu.memory_space<vmem>>
        %dma_wait3A_621 = arith.constant 0 : i32
        %dma_wait3A_622 = tpu.memref_slice %arg7[%sub3A_615, %dma_wait3A_621] : memref<84x128xi32, #tpu.memory_space<vmem>> -> memref<1x128xi32, #tpu.memory_space<vmem>>
        %dma_wait3A_623 = tpu.memref_squeeze %dma_wait3A_622 : memref<1x128xi32, #tpu.memory_space<vmem>> -> memref<128xi32, #tpu.memory_space<vmem>>
        %dma_wait3A_624 = arith.constant 0 : i32
        %dma_wait3A_625 = arith.constant 0 : i32
        %dma_wait3A_626 = tpu.memref_slice %arg9[%dma_wait3A_624, %dma_wait3A_625] : memref<10240x64xbf16, #tpu.memory_space<vmem_shared>> -> memref<10240x64xbf16, #tpu.memory_space<vmem_shared>>
        tpu.wait_indirect_dma semaphore(%arg28 : memref<!tpu.dma_semaphore, #tpu.memory_space<semaphore_mem>>) src(%dma_wait3A_620 : memref<128x64xbf16, #tpu.memory_space<vmem>>) dst(%dma_wait3A_626 : memref<10240x64xbf16, #tpu.memory_space<vmem_shared>>)
      } else {
      }
      %lt3A = arith.constant 84 : i32
      %lt3A_193 = arith.cmpi slt, %add3A_190, %lt3A : i32
      %convert_element_type3A_194 = arith.extui %lt3A_193 : i1 to i32
      %cond3A_195 = arith.constant 0 : i32
      %cond3A_196 = arith.cmpi ne, %convert_element_type3A_194, %cond3A_195 : i32
      scf.if %cond3A_196 {
        %dma_start3A_615 = arith.constant 6 : i32
        %dma_start3A_616 = arith.constant 0 : i32
        %dma_start3A_617 = arith.constant 0 : i32
        %dma_start3A_618 = tpu.memref_slice %arg8[%dma_start3A_615, %dma_start3A_616, %dma_start3A_617] : memref<12x128x64xbf16, #tpu.memory_space<vmem>> -> memref<1x128x64xbf16, #tpu.memory_space<vmem>>
        %dma_start3A_619 = tpu.memref_squeeze %dma_start3A_618 : memref<1x128x64xbf16, #tpu.memory_space<vmem>> -> memref<128x64xbf16, #tpu.memory_space<vmem>>
        %dma_start3A_620 = arith.constant 0 : i32
        %dma_start3A_621 = tpu.memref_slice %arg6[%add3A_190, %dma_start3A_620] : memref<84x128xi32, #tpu.memory_space<vmem>> -> memref<1x128xi32, #tpu.memory_space<vmem>>
        %dma_start3A_622 = tpu.memref_squeeze %dma_start3A_621 : memref<1x128xi32, #tpu.memory_space<vmem>> -> memref<128xi32, #tpu.memory_space<vmem>>
        %dma_start3A_623 = arith.constant 0 : i32
        %dma_start3A_624 = arith.constant 0 : i32
        %dma_start3A_625 = tpu.memref_slice %arg2[%dma_start3A_623, %dma_start3A_624] : memref<10240x64xbf16, #tpu.memory_space<hbm>> -> memref<10240x64xbf16, #tpu.memory_space<hbm>>
        tpu.enqueue_indirect_dma source(%dma_start3A_625 : memref<10240x64xbf16, #tpu.memory_space<hbm>>) target(%dma_start3A_619 : memref<128x64xbf16, #tpu.memory_space<vmem>>) offsets(%dma_start3A_622 : memref<128xi32, #tpu.memory_space<vmem>>) semaphore(%arg16 : memref<!tpu.dma_semaphore, #tpu.memory_space<semaphore_mem>>)
      } else {
      }
      %mul3A_197 = arith.constant 12 : i32
      %mul3A_198 = arith.muli %mul3A_197, %scan3A_163 : i32
      %add3A_199 = arith.constant 1 : i32
      %add3A_200 = arith.addi %mul3A_198, %add3A_199 : i32
      %dma_wait3A_201 = arith.constant 1 : i32
      %dma_wait3A_202 = arith.constant 0 : i32
      %dma_wait3A_203 = arith.constant 0 : i32
      %dma_wait3A_204 = tpu.memref_slice %arg8[%dma_wait3A_201, %dma_wait3A_202, %dma_wait3A_203] : memref<12x128x64xbf16, #tpu.memory_space<vmem>> -> memref<1x128x64xbf16, #tpu.memory_space<vmem>>
      %dma_wait3A_205 = tpu.memref_squeeze %dma_wait3A_204 : memref<1x128x64xbf16, #tpu.memory_space<vmem>> -> memref<128x64xbf16, #tpu.memory_space<vmem>>
      %dma_wait3A_206 = arith.constant 0 : i32
      %dma_wait3A_207 = tpu.memref_slice %arg6[%add3A_200, %dma_wait3A_206] : memref<84x128xi32, #tpu.memory_space<vmem>> -> memref<1x128xi32, #tpu.memory_space<vmem>>
      %dma_wait3A_208 = tpu.memref_squeeze %dma_wait3A_207 : memref<1x128xi32, #tpu.memory_space<vmem>> -> memref<128xi32, #tpu.memory_space<vmem>>
      %dma_wait3A_209 = arith.constant 0 : i32
      %dma_wait3A_210 = arith.constant 0 : i32
      %dma_wait3A_211 = tpu.memref_slice %arg2[%dma_wait3A_209, %dma_wait3A_210] : memref<10240x64xbf16, #tpu.memory_space<hbm>> -> memref<10240x64xbf16, #tpu.memory_space<hbm>>
      tpu.wait_indirect_dma semaphore(%arg11 : memref<!tpu.dma_semaphore, #tpu.memory_space<semaphore_mem>>) src(%dma_wait3A_211 : memref<10240x64xbf16, #tpu.memory_space<hbm>>) dst(%dma_wait3A_205 : memref<128x64xbf16, #tpu.memory_space<vmem>>)
      %dma_start3A_212 = arith.constant 1 : i32
      %dma_start3A_213 = arith.constant 0 : i32
      %dma_start3A_214 = arith.constant 0 : i32
      %dma_start3A_215 = tpu.memref_slice %arg8[%dma_start3A_212, %dma_start3A_213, %dma_start3A_214] : memref<12x128x64xbf16, #tpu.memory_space<vmem>> -> memref<1x128x64xbf16, #tpu.memory_space<vmem>>
      %dma_start3A_216 = tpu.memref_squeeze %dma_start3A_215 : memref<1x128x64xbf16, #tpu.memory_space<vmem>> -> memref<128x64xbf16, #tpu.memory_space<vmem>>
      %dma_start3A_217 = arith.constant 0 : i32
      %dma_start3A_218 = tpu.memref_slice %arg7[%add3A_200, %dma_start3A_217] : memref<84x128xi32, #tpu.memory_space<vmem>> -> memref<1x128xi32, #tpu.memory_space<vmem>>
      %dma_start3A_219 = tpu.memref_squeeze %dma_start3A_218 : memref<1x128xi32, #tpu.memory_space<vmem>> -> memref<128xi32, #tpu.memory_space<vmem>>
      %dma_start3A_220 = arith.constant 0 : i32
      %dma_start3A_221 = arith.constant 0 : i32
      %dma_start3A_222 = tpu.memref_slice %arg9[%dma_start3A_220, %dma_start3A_221] : memref<10240x64xbf16, #tpu.memory_space<vmem_shared>> -> memref<10240x64xbf16, #tpu.memory_space<vmem_shared>>
      tpu.enqueue_indirect_dma source(%dma_start3A_216 : memref<128x64xbf16, #tpu.memory_space<vmem>>) target(%dma_start3A_222 : memref<10240x64xbf16, #tpu.memory_space<vmem_shared>>) offsets(%dma_start3A_219 : memref<128xi32, #tpu.memory_space<vmem>>) semaphore(%arg23 : memref<!tpu.dma_semaphore, #tpu.memory_space<semaphore_mem>>) {add = true}
      %add3A_223 = arith.constant 6 : i32
      %add3A_224 = arith.addi %add3A_200, %add3A_223 : i32
      %ge3A_225 = arith.constant 12 : i32
      %ge3A_226 = arith.cmpi sge, %add3A_224, %ge3A_225 : i32
      %convert_element_type3A_227 = arith.extui %ge3A_226 : i1 to i32
      %cond3A_228 = arith.constant 0 : i32
      %cond3A_229 = arith.cmpi ne, %convert_element_type3A_227, %cond3A_228 : i32
      scf.if %cond3A_229 {
        %sub3A = arith.constant 12 : i32
        %sub3A_615 = arith.subi %add3A_224, %sub3A : i32
        %dma_wait3A_616 = arith.constant 7 : i32
        %dma_wait3A_617 = arith.constant 0 : i32
        %dma_wait3A_618 = arith.constant 0 : i32
        %dma_wait3A_619 = tpu.memref_slice %arg8[%dma_wait3A_616, %dma_wait3A_617, %dma_wait3A_618] : memref<12x128x64xbf16, #tpu.memory_space<vmem>> -> memref<1x128x64xbf16, #tpu.memory_space<vmem>>
        %dma_wait3A_620 = tpu.memref_squeeze %dma_wait3A_619 : memref<1x128x64xbf16, #tpu.memory_space<vmem>> -> memref<128x64xbf16, #tpu.memory_space<vmem>>
        %dma_wait3A_621 = arith.constant 0 : i32
        %dma_wait3A_622 = tpu.memref_slice %arg7[%sub3A_615, %dma_wait3A_621] : memref<84x128xi32, #tpu.memory_space<vmem>> -> memref<1x128xi32, #tpu.memory_space<vmem>>
        %dma_wait3A_623 = tpu.memref_squeeze %dma_wait3A_622 : memref<1x128xi32, #tpu.memory_space<vmem>> -> memref<128xi32, #tpu.memory_space<vmem>>
        %dma_wait3A_624 = arith.constant 0 : i32
        %dma_wait3A_625 = arith.constant 0 : i32
        %dma_wait3A_626 = tpu.memref_slice %arg9[%dma_wait3A_624, %dma_wait3A_625] : memref<10240x64xbf16, #tpu.memory_space<vmem_shared>> -> memref<10240x64xbf16, #tpu.memory_space<vmem_shared>>
        tpu.wait_indirect_dma semaphore(%arg29 : memref<!tpu.dma_semaphore, #tpu.memory_space<semaphore_mem>>) src(%dma_wait3A_620 : memref<128x64xbf16, #tpu.memory_space<vmem>>) dst(%dma_wait3A_626 : memref<10240x64xbf16, #tpu.memory_space<vmem_shared>>)
      } else {
      }
      %lt3A_230 = arith.constant 84 : i32
      %lt3A_231 = arith.cmpi slt, %add3A_224, %lt3A_230 : i32
      %convert_element_type3A_232 = arith.extui %lt3A_231 : i1 to i32
      %cond3A_233 = arith.constant 0 : i32
      %cond3A_234 = arith.cmpi ne, %convert_element_type3A_232, %cond3A_233 : i32
      scf.if %cond3A_234 {
        %dma_start3A_615 = arith.constant 7 : i32
        %dma_start3A_616 = arith.constant 0 : i32
        %dma_start3A_617 = arith.constant 0 : i32
        %dma_start3A_618 = tpu.memref_slice %arg8[%dma_start3A_615, %dma_start3A_616, %dma_start3A_617] : memref<12x128x64xbf16, #tpu.memory_space<vmem>> -> memref<1x128x64xbf16, #tpu.memory_space<vmem>>
        %dma_start3A_619 = tpu.memref_squeeze %dma_start3A_618 : memref<1x128x64xbf16, #tpu.memory_space<vmem>> -> memref<128x64xbf16, #tpu.memory_space<vmem>>
        %dma_start3A_620 = arith.constant 0 : i32
        %dma_start3A_621 = tpu.memref_slice %arg6[%add3A_224, %dma_start3A_620] : memref<84x128xi32, #tpu.memory_space<vmem>> -> memref<1x128xi32, #tpu.memory_space<vmem>>
        %dma_start3A_622 = tpu.memref_squeeze %dma_start3A_621 : memref<1x128xi32, #tpu.memory_space<vmem>> -> memref<128xi32, #tpu.memory_space<vmem>>
        %dma_start3A_623 = arith.constant 0 : i32
        %dma_start3A_624 = arith.constant 0 : i32
        %dma_start3A_625 = tpu.memref_slice %arg2[%dma_start3A_623, %dma_start3A_624] : memref<10240x64xbf16, #tpu.memory_space<hbm>> -> memref<10240x64xbf16, #tpu.memory_space<hbm>>
        tpu.enqueue_indirect_dma source(%dma_start3A_625 : memref<10240x64xbf16, #tpu.memory_space<hbm>>) target(%dma_start3A_619 : memref<128x64xbf16, #tpu.memory_space<vmem>>) offsets(%dma_start3A_622 : memref<128xi32, #tpu.memory_space<vmem>>) semaphore(%arg17 : memref<!tpu.dma_semaphore, #tpu.memory_space<semaphore_mem>>)
      } else {
      }
      %mul3A_235 = arith.constant 12 : i32
      %mul3A_236 = arith.muli %mul3A_235, %scan3A_163 : i32
      %add3A_237 = arith.constant 2 : i32
      %add3A_238 = arith.addi %mul3A_236, %add3A_237 : i32
      %dma_wait3A_239 = arith.constant 2 : i32
      %dma_wait3A_240 = arith.constant 0 : i32
      %dma_wait3A_241 = arith.constant 0 : i32
      %dma_wait3A_242 = tpu.memref_slice %arg8[%dma_wait3A_239, %dma_wait3A_240, %dma_wait3A_241] : memref<12x128x64xbf16, #tpu.memory_space<vmem>> -> memref<1x128x64xbf16, #tpu.memory_space<vmem>>
      %dma_wait3A_243 = tpu.memref_squeeze %dma_wait3A_242 : memref<1x128x64xbf16, #tpu.memory_space<vmem>> -> memref<128x64xbf16, #tpu.memory_space<vmem>>
      %dma_wait3A_244 = arith.constant 0 : i32
      %dma_wait3A_245 = tpu.memref_slice %arg6[%add3A_238, %dma_wait3A_244] : memref<84x128xi32, #tpu.memory_space<vmem>> -> memref<1x128xi32, #tpu.memory_space<vmem>>
      %dma_wait3A_246 = tpu.memref_squeeze %dma_wait3A_245 : memref<1x128xi32, #tpu.memory_space<vmem>> -> memref<128xi32, #tpu.memory_space<vmem>>
      %dma_wait3A_247 = arith.constant 0 : i32
      %dma_wait3A_248 = arith.constant 0 : i32
      %dma_wait3A_249 = tpu.memref_slice %arg2[%dma_wait3A_247, %dma_wait3A_248] : memref<10240x64xbf16, #tpu.memory_space<hbm>> -> memref<10240x64xbf16, #tpu.memory_space<hbm>>
      tpu.wait_indirect_dma semaphore(%arg12 : memref<!tpu.dma_semaphore, #tpu.memory_space<semaphore_mem>>) src(%dma_wait3A_249 : memref<10240x64xbf16, #tpu.memory_space<hbm>>) dst(%dma_wait3A_243 : memref<128x64xbf16, #tpu.memory_space<vmem>>)
      %dma_start3A_250 = arith.constant 2 : i32
      %dma_start3A_251 = arith.constant 0 : i32
      %dma_start3A_252 = arith.constant 0 : i32
      %dma_start3A_253 = tpu.memref_slice %arg8[%dma_start3A_250, %dma_start3A_251, %dma_start3A_252] : memref<12x128x64xbf16, #tpu.memory_space<vmem>> -> memref<1x128x64xbf16, #tpu.memory_space<vmem>>
      %dma_start3A_254 = tpu.memref_squeeze %dma_start3A_253 : memref<1x128x64xbf16, #tpu.memory_space<vmem>> -> memref<128x64xbf16, #tpu.memory_space<vmem>>
      %dma_start3A_255 = arith.constant 0 : i32
      %dma_start3A_256 = tpu.memref_slice %arg7[%add3A_238, %dma_start3A_255] : memref<84x128xi32, #tpu.memory_space<vmem>> -> memref<1x128xi32, #tpu.memory_space<vmem>>
      %dma_start3A_257 = tpu.memref_squeeze %dma_start3A_256 : memref<1x128xi32, #tpu.memory_space<vmem>> -> memref<128xi32, #tpu.memory_space<vmem>>
      %dma_start3A_258 = arith.constant 0 : i32
      %dma_start3A_259 = arith.constant 0 : i32
      %dma_start3A_260 = tpu.memref_slice %arg9[%dma_start3A_258, %dma_start3A_259] : memref<10240x64xbf16, #tpu.memory_space<vmem_shared>> -> memref<10240x64xbf16, #tpu.memory_space<vmem_shared>>
      tpu.enqueue_indirect_dma source(%dma_start3A_254 : memref<128x64xbf16, #tpu.memory_space<vmem>>) target(%dma_start3A_260 : memref<10240x64xbf16, #tpu.memory_space<vmem_shared>>) offsets(%dma_start3A_257 : memref<128xi32, #tpu.memory_space<vmem>>) semaphore(%arg24 : memref<!tpu.dma_semaphore, #tpu.memory_space<semaphore_mem>>) {add = true}
      %add3A_261 = arith.constant 6 : i32
      %add3A_262 = arith.addi %add3A_238, %add3A_261 : i32
      %ge3A_263 = arith.constant 12 : i32
      %ge3A_264 = arith.cmpi sge, %add3A_262, %ge3A_263 : i32
      %convert_element_type3A_265 = arith.extui %ge3A_264 : i1 to i32
      %cond3A_266 = arith.constant 0 : i32
      %cond3A_267 = arith.cmpi ne, %convert_element_type3A_265, %cond3A_266 : i32
      scf.if %cond3A_267 {
        %sub3A = arith.constant 12 : i32
        %sub3A_615 = arith.subi %add3A_262, %sub3A : i32
        %dma_wait3A_616 = arith.constant 8 : i32
        %dma_wait3A_617 = arith.constant 0 : i32
        %dma_wait3A_618 = arith.constant 0 : i32
        %dma_wait3A_619 = tpu.memref_slice %arg8[%dma_wait3A_616, %dma_wait3A_617, %dma_wait3A_618] : memref<12x128x64xbf16, #tpu.memory_space<vmem>> -> memref<1x128x64xbf16, #tpu.memory_space<vmem>>
        %dma_wait3A_620 = tpu.memref_squeeze %dma_wait3A_619 : memref<1x128x64xbf16, #tpu.memory_space<vmem>> -> memref<128x64xbf16, #tpu.memory_space<vmem>>
        %dma_wait3A_621 = arith.constant 0 : i32
        %dma_wait3A_622 = tpu.memref_slice %arg7[%sub3A_615, %dma_wait3A_621] : memref<84x128xi32, #tpu.memory_space<vmem>> -> memref<1x128xi32, #tpu.memory_space<vmem>>
        %dma_wait3A_623 = tpu.memref_squeeze %dma_wait3A_622 : memref<1x128xi32, #tpu.memory_space<vmem>> -> memref<128xi32, #tpu.memory_space<vmem>>
        %dma_wait3A_624 = arith.constant 0 : i32
        %dma_wait3A_625 = arith.constant 0 : i32
        %dma_wait3A_626 = tpu.memref_slice %arg9[%dma_wait3A_624, %dma_wait3A_625] : memref<10240x64xbf16, #tpu.memory_space<vmem_shared>> -> memref<10240x64xbf16, #tpu.memory_space<vmem_shared>>
        tpu.wait_indirect_dma semaphore(%arg30 : memref<!tpu.dma_semaphore, #tpu.memory_space<semaphore_mem>>) src(%dma_wait3A_620 : memref<128x64xbf16, #tpu.memory_space<vmem>>) dst(%dma_wait3A_626 : memref<10240x64xbf16, #tpu.memory_space<vmem_shared>>)
      } else {
      }
      %lt3A_268 = arith.constant 84 : i32
      %lt3A_269 = arith.cmpi slt, %add3A_262, %lt3A_268 : i32
      %convert_element_type3A_270 = arith.extui %lt3A_269 : i1 to i32
      %cond3A_271 = arith.constant 0 : i32
      %cond3A_272 = arith.cmpi ne, %convert_element_type3A_270, %cond3A_271 : i32
      scf.if %cond3A_272 {
        %dma_start3A_615 = arith.constant 8 : i32
        %dma_start3A_616 = arith.constant 0 : i32
        %dma_start3A_617 = arith.constant 0 : i32
        %dma_start3A_618 = tpu.memref_slice %arg8[%dma_start3A_615, %dma_start3A_616, %dma_start3A_617] : memref<12x128x64xbf16, #tpu.memory_space<vmem>> -> memref<1x128x64xbf16, #tpu.memory_space<vmem>>
        %dma_start3A_619 = tpu.memref_squeeze %dma_start3A_618 : memref<1x128x64xbf16, #tpu.memory_space<vmem>> -> memref<128x64xbf16, #tpu.memory_space<vmem>>
        %dma_start3A_620 = arith.constant 0 : i32
        %dma_start3A_621 = tpu.memref_slice %arg6[%add3A_262, %dma_start3A_620] : memref<84x128xi32, #tpu.memory_space<vmem>> -> memref<1x128xi32, #tpu.memory_space<vmem>>
        %dma_start3A_622 = tpu.memref_squeeze %dma_start3A_621 : memref<1x128xi32, #tpu.memory_space<vmem>> -> memref<128xi32, #tpu.memory_space<vmem>>
        %dma_start3A_623 = arith.constant 0 : i32
        %dma_start3A_624 = arith.constant 0 : i32
        %dma_start3A_625 = tpu.memref_slice %arg2[%dma_start3A_623, %dma_start3A_624] : memref<10240x64xbf16, #tpu.memory_space<hbm>> -> memref<10240x64xbf16, #tpu.memory_space<hbm>>
        tpu.enqueue_indirect_dma source(%dma_start3A_625 : memref<10240x64xbf16, #tpu.memory_space<hbm>>) target(%dma_start3A_619 : memref<128x64xbf16, #tpu.memory_space<vmem>>) offsets(%dma_start3A_622 : memref<128xi32, #tpu.memory_space<vmem>>) semaphore(%arg18 : memref<!tpu.dma_semaphore, #tpu.memory_space<semaphore_mem>>)
      } else {
      }
      %mul3A_273 = arith.constant 12 : i32
      %mul3A_274 = arith.muli %mul3A_273, %scan3A_163 : i32
      %add3A_275 = arith.constant 3 : i32
      %add3A_276 = arith.addi %mul3A_274, %add3A_275 : i32
      %dma_wait3A_277 = arith.constant 3 : i32
      %dma_wait3A_278 = arith.constant 0 : i32
      %dma_wait3A_279 = arith.constant 0 : i32
      %dma_wait3A_280 = tpu.memref_slice %arg8[%dma_wait3A_277, %dma_wait3A_278, %dma_wait3A_279] : memref<12x128x64xbf16, #tpu.memory_space<vmem>> -> memref<1x128x64xbf16, #tpu.memory_space<vmem>>
      %dma_wait3A_281 = tpu.memref_squeeze %dma_wait3A_280 : memref<1x128x64xbf16, #tpu.memory_space<vmem>> -> memref<128x64xbf16, #tpu.memory_space<vmem>>
      %dma_wait3A_282 = arith.constant 0 : i32
      %dma_wait3A_283 = tpu.memref_slice %arg6[%add3A_276, %dma_wait3A_282] : memref<84x128xi32, #tpu.memory_space<vmem>> -> memref<1x128xi32, #tpu.memory_space<vmem>>
      %dma_wait3A_284 = tpu.memref_squeeze %dma_wait3A_283 : memref<1x128xi32, #tpu.memory_space<vmem>> -> memref<128xi32, #tpu.memory_space<vmem>>
      %dma_wait3A_285 = arith.constant 0 : i32
      %dma_wait3A_286 = arith.constant 0 : i32
      %dma_wait3A_287 = tpu.memref_slice %arg2[%dma_wait3A_285, %dma_wait3A_286] : memref<10240x64xbf16, #tpu.memory_space<hbm>> -> memref<10240x64xbf16, #tpu.memory_space<hbm>>
      tpu.wait_indirect_dma semaphore(%arg13 : memref<!tpu.dma_semaphore, #tpu.memory_space<semaphore_mem>>) src(%dma_wait3A_287 : memref<10240x64xbf16, #tpu.memory_space<hbm>>) dst(%dma_wait3A_281 : memref<128x64xbf16, #tpu.memory_space<vmem>>)
      %dma_start3A_288 = arith.constant 3 : i32
      %dma_start3A_289 = arith.constant 0 : i32
      %dma_start3A_290 = arith.constant 0 : i32
      %dma_start3A_291 = tpu.memref_slice %arg8[%dma_start3A_288, %dma_start3A_289, %dma_start3A_290] : memref<12x128x64xbf16, #tpu.memory_space<vmem>> -> memref<1x128x64xbf16, #tpu.memory_space<vmem>>
      %dma_start3A_292 = tpu.memref_squeeze %dma_start3A_291 : memref<1x128x64xbf16, #tpu.memory_space<vmem>> -> memref<128x64xbf16, #tpu.memory_space<vmem>>
      %dma_start3A_293 = arith.constant 0 : i32
      %dma_start3A_294 = tpu.memref_slice %arg7[%add3A_276, %dma_start3A_293] : memref<84x128xi32, #tpu.memory_space<vmem>> -> memref<1x128xi32, #tpu.memory_space<vmem>>
      %dma_start3A_295 = tpu.memref_squeeze %dma_start3A_294 : memref<1x128xi32, #tpu.memory_space<vmem>> -> memref<128xi32, #tpu.memory_space<vmem>>
      %dma_start3A_296 = arith.constant 0 : i32
      %dma_start3A_297 = arith.constant 0 : i32
      %dma_start3A_298 = tpu.memref_slice %arg9[%dma_start3A_296, %dma_start3A_297] : memref<10240x64xbf16, #tpu.memory_space<vmem_shared>> -> memref<10240x64xbf16, #tpu.memory_space<vmem_shared>>
      tpu.enqueue_indirect_dma source(%dma_start3A_292 : memref<128x64xbf16, #tpu.memory_space<vmem>>) target(%dma_start3A_298 : memref<10240x64xbf16, #tpu.memory_space<vmem_shared>>) offsets(%dma_start3A_295 : memref<128xi32, #tpu.memory_space<vmem>>) semaphore(%arg25 : memref<!tpu.dma_semaphore, #tpu.memory_space<semaphore_mem>>) {add = true}
      %add3A_299 = arith.constant 6 : i32
      %add3A_300 = arith.addi %add3A_276, %add3A_299 : i32
      %ge3A_301 = arith.constant 12 : i32
      %ge3A_302 = arith.cmpi sge, %add3A_300, %ge3A_301 : i32
      %convert_element_type3A_303 = arith.extui %ge3A_302 : i1 to i32
      %cond3A_304 = arith.constant 0 : i32
      %cond3A_305 = arith.cmpi ne, %convert_element_type3A_303, %cond3A_304 : i32
      scf.if %cond3A_305 {
        %sub3A = arith.constant 12 : i32
        %sub3A_615 = arith.subi %add3A_300, %sub3A : i32
        %dma_wait3A_616 = arith.constant 9 : i32
        %dma_wait3A_617 = arith.constant 0 : i32
        %dma_wait3A_618 = arith.constant 0 : i32
        %dma_wait3A_619 = tpu.memref_slice %arg8[%dma_wait3A_616, %dma_wait3A_617, %dma_wait3A_618] : memref<12x128x64xbf16, #tpu.memory_space<vmem>> -> memref<1x128x64xbf16, #tpu.memory_space<vmem>>
        %dma_wait3A_620 = tpu.memref_squeeze %dma_wait3A_619 : memref<1x128x64xbf16, #tpu.memory_space<vmem>> -> memref<128x64xbf16, #tpu.memory_space<vmem>>
        %dma_wait3A_621 = arith.constant 0 : i32
        %dma_wait3A_622 = tpu.memref_slice %arg7[%sub3A_615, %dma_wait3A_621] : memref<84x128xi32, #tpu.memory_space<vmem>> -> memref<1x128xi32, #tpu.memory_space<vmem>>
        %dma_wait3A_623 = tpu.memref_squeeze %dma_wait3A_622 : memref<1x128xi32, #tpu.memory_space<vmem>> -> memref<128xi32, #tpu.memory_space<vmem>>
        %dma_wait3A_624 = arith.constant 0 : i32
        %dma_wait3A_625 = arith.constant 0 : i32
        %dma_wait3A_626 = tpu.memref_slice %arg9[%dma_wait3A_624, %dma_wait3A_625] : memref<10240x64xbf16, #tpu.memory_space<vmem_shared>> -> memref<10240x64xbf16, #tpu.memory_space<vmem_shared>>
        tpu.wait_indirect_dma semaphore(%arg31 : memref<!tpu.dma_semaphore, #tpu.memory_space<semaphore_mem>>) src(%dma_wait3A_620 : memref<128x64xbf16, #tpu.memory_space<vmem>>) dst(%dma_wait3A_626 : memref<10240x64xbf16, #tpu.memory_space<vmem_shared>>)
      } else {
      }
      %lt3A_306 = arith.constant 84 : i32
      %lt3A_307 = arith.cmpi slt, %add3A_300, %lt3A_306 : i32
      %convert_element_type3A_308 = arith.extui %lt3A_307 : i1 to i32
      %cond3A_309 = arith.constant 0 : i32
      %cond3A_310 = arith.cmpi ne, %convert_element_type3A_308, %cond3A_309 : i32
      scf.if %cond3A_310 {
        %dma_start3A_615 = arith.constant 9 : i32
        %dma_start3A_616 = arith.constant 0 : i32
        %dma_start3A_617 = arith.constant 0 : i32
        %dma_start3A_618 = tpu.memref_slice %arg8[%dma_start3A_615, %dma_start3A_616, %dma_start3A_617] : memref<12x128x64xbf16, #tpu.memory_space<vmem>> -> memref<1x128x64xbf16, #tpu.memory_space<vmem>>
        %dma_start3A_619 = tpu.memref_squeeze %dma_start3A_618 : memref<1x128x64xbf16, #tpu.memory_space<vmem>> -> memref<128x64xbf16, #tpu.memory_space<vmem>>
        %dma_start3A_620 = arith.constant 0 : i32
        %dma_start3A_621 = tpu.memref_slice %arg6[%add3A_300, %dma_start3A_620] : memref<84x128xi32, #tpu.memory_space<vmem>> -> memref<1x128xi32, #tpu.memory_space<vmem>>
        %dma_start3A_622 = tpu.memref_squeeze %dma_start3A_621 : memref<1x128xi32, #tpu.memory_space<vmem>> -> memref<128xi32, #tpu.memory_space<vmem>>
        %dma_start3A_623 = arith.constant 0 : i32
        %dma_start3A_624 = arith.constant 0 : i32
        %dma_start3A_625 = tpu.memref_slice %arg2[%dma_start3A_623, %dma_start3A_624] : memref<10240x64xbf16, #tpu.memory_space<hbm>> -> memref<10240x64xbf16, #tpu.memory_space<hbm>>
        tpu.enqueue_indirect_dma source(%dma_start3A_625 : memref<10240x64xbf16, #tpu.memory_space<hbm>>) target(%dma_start3A_619 : memref<128x64xbf16, #tpu.memory_space<vmem>>) offsets(%dma_start3A_622 : memref<128xi32, #tpu.memory_space<vmem>>) semaphore(%arg19 : memref<!tpu.dma_semaphore, #tpu.memory_space<semaphore_mem>>)
      } else {
      }
      %mul3A_311 = arith.constant 12 : i32
      %mul3A_312 = arith.muli %mul3A_311, %scan3A_163 : i32
      %add3A_313 = arith.constant 4 : i32
      %add3A_314 = arith.addi %mul3A_312, %add3A_313 : i32
      %dma_wait3A_315 = arith.constant 4 : i32
      %dma_wait3A_316 = arith.constant 0 : i32
      %dma_wait3A_317 = arith.constant 0 : i32
      %dma_wait3A_318 = tpu.memref_slice %arg8[%dma_wait3A_315, %dma_wait3A_316, %dma_wait3A_317] : memref<12x128x64xbf16, #tpu.memory_space<vmem>> -> memref<1x128x64xbf16, #tpu.memory_space<vmem>>
      %dma_wait3A_319 = tpu.memref_squeeze %dma_wait3A_318 : memref<1x128x64xbf16, #tpu.memory_space<vmem>> -> memref<128x64xbf16, #tpu.memory_space<vmem>>
      %dma_wait3A_320 = arith.constant 0 : i32
      %dma_wait3A_321 = tpu.memref_slice %arg6[%add3A_314, %dma_wait3A_320] : memref<84x128xi32, #tpu.memory_space<vmem>> -> memref<1x128xi32, #tpu.memory_space<vmem>>
      %dma_wait3A_322 = tpu.memref_squeeze %dma_wait3A_321 : memref<1x128xi32, #tpu.memory_space<vmem>> -> memref<128xi32, #tpu.memory_space<vmem>>
      %dma_wait3A_323 = arith.constant 0 : i32
      %dma_wait3A_324 = arith.constant 0 : i32
      %dma_wait3A_325 = tpu.memref_slice %arg2[%dma_wait3A_323, %dma_wait3A_324] : memref<10240x64xbf16, #tpu.memory_space<hbm>> -> memref<10240x64xbf16, #tpu.memory_space<hbm>>
      tpu.wait_indirect_dma semaphore(%arg14 : memref<!tpu.dma_semaphore, #tpu.memory_space<semaphore_mem>>) src(%dma_wait3A_325 : memref<10240x64xbf16, #tpu.memory_space<hbm>>) dst(%dma_wait3A_319 : memref<128x64xbf16, #tpu.memory_space<vmem>>)
      %dma_start3A_326 = arith.constant 4 : i32
      %dma_start3A_327 = arith.constant 0 : i32
      %dma_start3A_328 = arith.constant 0 : i32
      %dma_start3A_329 = tpu.memref_slice %arg8[%dma_start3A_326, %dma_start3A_327, %dma_start3A_328] : memref<12x128x64xbf16, #tpu.memory_space<vmem>> -> memref<1x128x64xbf16, #tpu.memory_space<vmem>>
      %dma_start3A_330 = tpu.memref_squeeze %dma_start3A_329 : memref<1x128x64xbf16, #tpu.memory_space<vmem>> -> memref<128x64xbf16, #tpu.memory_space<vmem>>
      %dma_start3A_331 = arith.constant 0 : i32
      %dma_start3A_332 = tpu.memref_slice %arg7[%add3A_314, %dma_start3A_331] : memref<84x128xi32, #tpu.memory_space<vmem>> -> memref<1x128xi32, #tpu.memory_space<vmem>>
      %dma_start3A_333 = tpu.memref_squeeze %dma_start3A_332 : memref<1x128xi32, #tpu.memory_space<vmem>> -> memref<128xi32, #tpu.memory_space<vmem>>
      %dma_start3A_334 = arith.constant 0 : i32
      %dma_start3A_335 = arith.constant 0 : i32
      %dma_start3A_336 = tpu.memref_slice %arg9[%dma_start3A_334, %dma_start3A_335] : memref<10240x64xbf16, #tpu.memory_space<vmem_shared>> -> memref<10240x64xbf16, #tpu.memory_space<vmem_shared>>
      tpu.enqueue_indirect_dma source(%dma_start3A_330 : memref<128x64xbf16, #tpu.memory_space<vmem>>) target(%dma_start3A_336 : memref<10240x64xbf16, #tpu.memory_space<vmem_shared>>) offsets(%dma_start3A_333 : memref<128xi32, #tpu.memory_space<vmem>>) semaphore(%arg26 : memref<!tpu.dma_semaphore, #tpu.memory_space<semaphore_mem>>) {add = true}
      %add3A_337 = arith.constant 6 : i32
      %add3A_338 = arith.addi %add3A_314, %add3A_337 : i32
      %ge3A_339 = arith.constant 12 : i32
      %ge3A_340 = arith.cmpi sge, %add3A_338, %ge3A_339 : i32
      %convert_element_type3A_341 = arith.extui %ge3A_340 : i1 to i32
      %cond3A_342 = arith.constant 0 : i32
      %cond3A_343 = arith.cmpi ne, %convert_element_type3A_341, %cond3A_342 : i32
      scf.if %cond3A_343 {
        %sub3A = arith.constant 12 : i32
        %sub3A_615 = arith.subi %add3A_338, %sub3A : i32
        %dma_wait3A_616 = arith.constant 10 : i32
        %dma_wait3A_617 = arith.constant 0 : i32
        %dma_wait3A_618 = arith.constant 0 : i32
        %dma_wait3A_619 = tpu.memref_slice %arg8[%dma_wait3A_616, %dma_wait3A_617, %dma_wait3A_618] : memref<12x128x64xbf16, #tpu.memory_space<vmem>> -> memref<1x128x64xbf16, #tpu.memory_space<vmem>>
        %dma_wait3A_620 = tpu.memref_squeeze %dma_wait3A_619 : memref<1x128x64xbf16, #tpu.memory_space<vmem>> -> memref<128x64xbf16, #tpu.memory_space<vmem>>
        %dma_wait3A_621 = arith.constant 0 : i32
        %dma_wait3A_622 = tpu.memref_slice %arg7[%sub3A_615, %dma_wait3A_621] : memref<84x128xi32, #tpu.memory_space<vmem>> -> memref<1x128xi32, #tpu.memory_space<vmem>>
        %dma_wait3A_623 = tpu.memref_squeeze %dma_wait3A_622 : memref<1x128xi32, #tpu.memory_space<vmem>> -> memref<128xi32, #tpu.memory_space<vmem>>
        %dma_wait3A_624 = arith.constant 0 : i32
        %dma_wait3A_625 = arith.constant 0 : i32
        %dma_wait3A_626 = tpu.memref_slice %arg9[%dma_wait3A_624, %dma_wait3A_625] : memref<10240x64xbf16, #tpu.memory_space<vmem_shared>> -> memref<10240x64xbf16, #tpu.memory_space<vmem_shared>>
        tpu.wait_indirect_dma semaphore(%arg32 : memref<!tpu.dma_semaphore, #tpu.memory_space<semaphore_mem>>) src(%dma_wait3A_620 : memref<128x64xbf16, #tpu.memory_space<vmem>>) dst(%dma_wait3A_626 : memref<10240x64xbf16, #tpu.memory_space<vmem_shared>>)
      } else {
      }
      %lt3A_344 = arith.constant 84 : i32
      %lt3A_345 = arith.cmpi slt, %add3A_338, %lt3A_344 : i32
      %convert_element_type3A_346 = arith.extui %lt3A_345 : i1 to i32
      %cond3A_347 = arith.constant 0 : i32
      %cond3A_348 = arith.cmpi ne, %convert_element_type3A_346, %cond3A_347 : i32
      scf.if %cond3A_348 {
        %dma_start3A_615 = arith.constant 10 : i32
        %dma_start3A_616 = arith.constant 0 : i32
        %dma_start3A_617 = arith.constant 0 : i32
        %dma_start3A_618 = tpu.memref_slice %arg8[%dma_start3A_615, %dma_start3A_616, %dma_start3A_617] : memref<12x128x64xbf16, #tpu.memory_space<vmem>> -> memref<1x128x64xbf16, #tpu.memory_space<vmem>>
        %dma_start3A_619 = tpu.memref_squeeze %dma_start3A_618 : memref<1x128x64xbf16, #tpu.memory_space<vmem>> -> memref<128x64xbf16, #tpu.memory_space<vmem>>
        %dma_start3A_620 = arith.constant 0 : i32
        %dma_start3A_621 = tpu.memref_slice %arg6[%add3A_338, %dma_start3A_620] : memref<84x128xi32, #tpu.memory_space<vmem>> -> memref<1x128xi32, #tpu.memory_space<vmem>>
        %dma_start3A_622 = tpu.memref_squeeze %dma_start3A_621 : memref<1x128xi32, #tpu.memory_space<vmem>> -> memref<128xi32, #tpu.memory_space<vmem>>
        %dma_start3A_623 = arith.constant 0 : i32
        %dma_start3A_624 = arith.constant 0 : i32
        %dma_start3A_625 = tpu.memref_slice %arg2[%dma_start3A_623, %dma_start3A_624] : memref<10240x64xbf16, #tpu.memory_space<hbm>> -> memref<10240x64xbf16, #tpu.memory_space<hbm>>
        tpu.enqueue_indirect_dma source(%dma_start3A_625 : memref<10240x64xbf16, #tpu.memory_space<hbm>>) target(%dma_start3A_619 : memref<128x64xbf16, #tpu.memory_space<vmem>>) offsets(%dma_start3A_622 : memref<128xi32, #tpu.memory_space<vmem>>) semaphore(%arg20 : memref<!tpu.dma_semaphore, #tpu.memory_space<semaphore_mem>>)
      } else {
      }
      %mul3A_349 = arith.constant 12 : i32
      %mul3A_350 = arith.muli %mul3A_349, %scan3A_163 : i32
      %add3A_351 = arith.constant 5 : i32
      %add3A_352 = arith.addi %mul3A_350, %add3A_351 : i32
      %dma_wait3A_353 = arith.constant 5 : i32
      %dma_wait3A_354 = arith.constant 0 : i32
      %dma_wait3A_355 = arith.constant 0 : i32
      %dma_wait3A_356 = tpu.memref_slice %arg8[%dma_wait3A_353, %dma_wait3A_354, %dma_wait3A_355] : memref<12x128x64xbf16, #tpu.memory_space<vmem>> -> memref<1x128x64xbf16, #tpu.memory_space<vmem>>
      %dma_wait3A_357 = tpu.memref_squeeze %dma_wait3A_356 : memref<1x128x64xbf16, #tpu.memory_space<vmem>> -> memref<128x64xbf16, #tpu.memory_space<vmem>>
      %dma_wait3A_358 = arith.constant 0 : i32
      %dma_wait3A_359 = tpu.memref_slice %arg6[%add3A_352, %dma_wait3A_358] : memref<84x128xi32, #tpu.memory_space<vmem>> -> memref<1x128xi32, #tpu.memory_space<vmem>>
      %dma_wait3A_360 = tpu.memref_squeeze %dma_wait3A_359 : memref<1x128xi32, #tpu.memory_space<vmem>> -> memref<128xi32, #tpu.memory_space<vmem>>
      %dma_wait3A_361 = arith.constant 0 : i32
      %dma_wait3A_362 = arith.constant 0 : i32
      %dma_wait3A_363 = tpu.memref_slice %arg2[%dma_wait3A_361, %dma_wait3A_362] : memref<10240x64xbf16, #tpu.memory_space<hbm>> -> memref<10240x64xbf16, #tpu.memory_space<hbm>>
      tpu.wait_indirect_dma semaphore(%arg15 : memref<!tpu.dma_semaphore, #tpu.memory_space<semaphore_mem>>) src(%dma_wait3A_363 : memref<10240x64xbf16, #tpu.memory_space<hbm>>) dst(%dma_wait3A_357 : memref<128x64xbf16, #tpu.memory_space<vmem>>)
      %dma_start3A_364 = arith.constant 5 : i32
      %dma_start3A_365 = arith.constant 0 : i32
      %dma_start3A_366 = arith.constant 0 : i32
      %dma_start3A_367 = tpu.memref_slice %arg8[%dma_start3A_364, %dma_start3A_365, %dma_start3A_366] : memref<12x128x64xbf16, #tpu.memory_space<vmem>> -> memref<1x128x64xbf16, #tpu.memory_space<vmem>>
      %dma_start3A_368 = tpu.memref_squeeze %dma_start3A_367 : memref<1x128x64xbf16, #tpu.memory_space<vmem>> -> memref<128x64xbf16, #tpu.memory_space<vmem>>
      %dma_start3A_369 = arith.constant 0 : i32
      %dma_start3A_370 = tpu.memref_slice %arg7[%add3A_352, %dma_start3A_369] : memref<84x128xi32, #tpu.memory_space<vmem>> -> memref<1x128xi32, #tpu.memory_space<vmem>>
      %dma_start3A_371 = tpu.memref_squeeze %dma_start3A_370 : memref<1x128xi32, #tpu.memory_space<vmem>> -> memref<128xi32, #tpu.memory_space<vmem>>
      %dma_start3A_372 = arith.constant 0 : i32
      %dma_start3A_373 = arith.constant 0 : i32
      %dma_start3A_374 = tpu.memref_slice %arg9[%dma_start3A_372, %dma_start3A_373] : memref<10240x64xbf16, #tpu.memory_space<vmem_shared>> -> memref<10240x64xbf16, #tpu.memory_space<vmem_shared>>
      tpu.enqueue_indirect_dma source(%dma_start3A_368 : memref<128x64xbf16, #tpu.memory_space<vmem>>) target(%dma_start3A_374 : memref<10240x64xbf16, #tpu.memory_space<vmem_shared>>) offsets(%dma_start3A_371 : memref<128xi32, #tpu.memory_space<vmem>>) semaphore(%arg27 : memref<!tpu.dma_semaphore, #tpu.memory_space<semaphore_mem>>) {add = true}
      %add3A_375 = arith.constant 6 : i32
      %add3A_376 = arith.addi %add3A_352, %add3A_375 : i32
      %ge3A_377 = arith.constant 12 : i32
      %ge3A_378 = arith.cmpi sge, %add3A_376, %ge3A_377 : i32
      %convert_element_type3A_379 = arith.extui %ge3A_378 : i1 to i32
      %cond3A_380 = arith.constant 0 : i32
      %cond3A_381 = arith.cmpi ne, %convert_element_type3A_379, %cond3A_380 : i32
      scf.if %cond3A_381 {
        %sub3A = arith.constant 12 : i32
        %sub3A_615 = arith.subi %add3A_376, %sub3A : i32
        %dma_wait3A_616 = arith.constant 11 : i32
        %dma_wait3A_617 = arith.constant 0 : i32
        %dma_wait3A_618 = arith.constant 0 : i32
        %dma_wait3A_619 = tpu.memref_slice %arg8[%dma_wait3A_616, %dma_wait3A_617, %dma_wait3A_618] : memref<12x128x64xbf16, #tpu.memory_space<vmem>> -> memref<1x128x64xbf16, #tpu.memory_space<vmem>>
        %dma_wait3A_620 = tpu.memref_squeeze %dma_wait3A_619 : memref<1x128x64xbf16, #tpu.memory_space<vmem>> -> memref<128x64xbf16, #tpu.memory_space<vmem>>
        %dma_wait3A_621 = arith.constant 0 : i32
        %dma_wait3A_622 = tpu.memref_slice %arg7[%sub3A_615, %dma_wait3A_621] : memref<84x128xi32, #tpu.memory_space<vmem>> -> memref<1x128xi32, #tpu.memory_space<vmem>>
        %dma_wait3A_623 = tpu.memref_squeeze %dma_wait3A_622 : memref<1x128xi32, #tpu.memory_space<vmem>> -> memref<128xi32, #tpu.memory_space<vmem>>
        %dma_wait3A_624 = arith.constant 0 : i32
        %dma_wait3A_625 = arith.constant 0 : i32
        %dma_wait3A_626 = tpu.memref_slice %arg9[%dma_wait3A_624, %dma_wait3A_625] : memref<10240x64xbf16, #tpu.memory_space<vmem_shared>> -> memref<10240x64xbf16, #tpu.memory_space<vmem_shared>>
        tpu.wait_indirect_dma semaphore(%arg33 : memref<!tpu.dma_semaphore, #tpu.memory_space<semaphore_mem>>) src(%dma_wait3A_620 : memref<128x64xbf16, #tpu.memory_space<vmem>>) dst(%dma_wait3A_626 : memref<10240x64xbf16, #tpu.memory_space<vmem_shared>>)
      } else {
      }
      %lt3A_382 = arith.constant 84 : i32
      %lt3A_383 = arith.cmpi slt, %add3A_376, %lt3A_382 : i32
      %convert_element_type3A_384 = arith.extui %lt3A_383 : i1 to i32
      %cond3A_385 = arith.constant 0 : i32
      %cond3A_386 = arith.cmpi ne, %convert_element_type3A_384, %cond3A_385 : i32
      scf.if %cond3A_386 {
        %dma_start3A_615 = arith.constant 11 : i32
        %dma_start3A_616 = arith.constant 0 : i32
        %dma_start3A_617 = arith.constant 0 : i32
        %dma_start3A_618 = tpu.memref_slice %arg8[%dma_start3A_615, %dma_start3A_616, %dma_start3A_617] : memref<12x128x64xbf16, #tpu.memory_space<vmem>> -> memref<1x128x64xbf16, #tpu.memory_space<vmem>>
        %dma_start3A_619 = tpu.memref_squeeze %dma_start3A_618 : memref<1x128x64xbf16, #tpu.memory_space<vmem>> -> memref<128x64xbf16, #tpu.memory_space<vmem>>
        %dma_start3A_620 = arith.constant 0 : i32
        %dma_start3A_621 = tpu.memref_slice %arg6[%add3A_376, %dma_start3A_620] : memref<84x128xi32, #tpu.memory_space<vmem>> -> memref<1x128xi32, #tpu.memory_space<vmem>>
        %dma_start3A_622 = tpu.memref_squeeze %dma_start3A_621 : memref<1x128xi32, #tpu.memory_space<vmem>> -> memref<128xi32, #tpu.memory_space<vmem>>
        %dma_start3A_623 = arith.constant 0 : i32
        %dma_start3A_624 = arith.constant 0 : i32
        %dma_start3A_625 = tpu.memref_slice %arg2[%dma_start3A_623, %dma_start3A_624] : memref<10240x64xbf16, #tpu.memory_space<hbm>> -> memref<10240x64xbf16, #tpu.memory_space<hbm>>
        tpu.enqueue_indirect_dma source(%dma_start3A_625 : memref<10240x64xbf16, #tpu.memory_space<hbm>>) target(%dma_start3A_619 : memref<128x64xbf16, #tpu.memory_space<vmem>>) offsets(%dma_start3A_622 : memref<128xi32, #tpu.memory_space<vmem>>) semaphore(%arg21 : memref<!tpu.dma_semaphore, #tpu.memory_space<semaphore_mem>>)
      } else {
      }
      %mul3A_387 = arith.constant 12 : i32
      %mul3A_388 = arith.muli %mul3A_387, %scan3A_163 : i32
      %add3A_389 = arith.constant 6 : i32
      %add3A_390 = arith.addi %mul3A_388, %add3A_389 : i32
      %dma_wait3A_391 = arith.constant 6 : i32
      %dma_wait3A_392 = arith.constant 0 : i32
      %dma_wait3A_393 = arith.constant 0 : i32
      %dma_wait3A_394 = tpu.memref_slice %arg8[%dma_wait3A_391, %dma_wait3A_392, %dma_wait3A_393] : memref<12x128x64xbf16, #tpu.memory_space<vmem>> -> memref<1x128x64xbf16, #tpu.memory_space<vmem>>
      %dma_wait3A_395 = tpu.memref_squeeze %dma_wait3A_394 : memref<1x128x64xbf16, #tpu.memory_space<vmem>> -> memref<128x64xbf16, #tpu.memory_space<vmem>>
      %dma_wait3A_396 = arith.constant 0 : i32
      %dma_wait3A_397 = tpu.memref_slice %arg6[%add3A_390, %dma_wait3A_396] : memref<84x128xi32, #tpu.memory_space<vmem>> -> memref<1x128xi32, #tpu.memory_space<vmem>>
      %dma_wait3A_398 = tpu.memref_squeeze %dma_wait3A_397 : memref<1x128xi32, #tpu.memory_space<vmem>> -> memref<128xi32, #tpu.memory_space<vmem>>
      %dma_wait3A_399 = arith.constant 0 : i32
      %dma_wait3A_400 = arith.constant 0 : i32
      %dma_wait3A_401 = tpu.memref_slice %arg2[%dma_wait3A_399, %dma_wait3A_400] : memref<10240x64xbf16, #tpu.memory_space<hbm>> -> memref<10240x64xbf16, #tpu.memory_space<hbm>>
      tpu.wait_indirect_dma semaphore(%arg16 : memref<!tpu.dma_semaphore, #tpu.memory_space<semaphore_mem>>) src(%dma_wait3A_401 : memref<10240x64xbf16, #tpu.memory_space<hbm>>) dst(%dma_wait3A_395 : memref<128x64xbf16, #tpu.memory_space<vmem>>)
      %dma_start3A_402 = arith.constant 6 : i32
      %dma_start3A_403 = arith.constant 0 : i32
      %dma_start3A_404 = arith.constant 0 : i32
      %dma_start3A_405 = tpu.memref_slice %arg8[%dma_start3A_402, %dma_start3A_403, %dma_start3A_404] : memref<12x128x64xbf16, #tpu.memory_space<vmem>> -> memref<1x128x64xbf16, #tpu.memory_space<vmem>>
      %dma_start3A_406 = tpu.memref_squeeze %dma_start3A_405 : memref<1x128x64xbf16, #tpu.memory_space<vmem>> -> memref<128x64xbf16, #tpu.memory_space<vmem>>
      %dma_start3A_407 = arith.constant 0 : i32
      %dma_start3A_408 = tpu.memref_slice %arg7[%add3A_390, %dma_start3A_407] : memref<84x128xi32, #tpu.memory_space<vmem>> -> memref<1x128xi32, #tpu.memory_space<vmem>>
      %dma_start3A_409 = tpu.memref_squeeze %dma_start3A_408 : memref<1x128xi32, #tpu.memory_space<vmem>> -> memref<128xi32, #tpu.memory_space<vmem>>
      %dma_start3A_410 = arith.constant 0 : i32
      %dma_start3A_411 = arith.constant 0 : i32
      %dma_start3A_412 = tpu.memref_slice %arg9[%dma_start3A_410, %dma_start3A_411] : memref<10240x64xbf16, #tpu.memory_space<vmem_shared>> -> memref<10240x64xbf16, #tpu.memory_space<vmem_shared>>
      tpu.enqueue_indirect_dma source(%dma_start3A_406 : memref<128x64xbf16, #tpu.memory_space<vmem>>) target(%dma_start3A_412 : memref<10240x64xbf16, #tpu.memory_space<vmem_shared>>) offsets(%dma_start3A_409 : memref<128xi32, #tpu.memory_space<vmem>>) semaphore(%arg28 : memref<!tpu.dma_semaphore, #tpu.memory_space<semaphore_mem>>) {add = true}
      %add3A_413 = arith.constant 6 : i32
      %add3A_414 = arith.addi %add3A_390, %add3A_413 : i32
      %ge3A_415 = arith.constant 12 : i32
      %ge3A_416 = arith.cmpi sge, %add3A_414, %ge3A_415 : i32
      %convert_element_type3A_417 = arith.extui %ge3A_416 : i1 to i32
      %cond3A_418 = arith.constant 0 : i32
      %cond3A_419 = arith.cmpi ne, %convert_element_type3A_417, %cond3A_418 : i32
      scf.if %cond3A_419 {
        %sub3A = arith.constant 12 : i32
        %sub3A_615 = arith.subi %add3A_414, %sub3A : i32
        %dma_wait3A_616 = arith.constant 0 : i32
        %dma_wait3A_617 = arith.constant 0 : i32
        %dma_wait3A_618 = arith.constant 0 : i32
        %dma_wait3A_619 = tpu.memref_slice %arg8[%dma_wait3A_616, %dma_wait3A_617, %dma_wait3A_618] : memref<12x128x64xbf16, #tpu.memory_space<vmem>> -> memref<1x128x64xbf16, #tpu.memory_space<vmem>>
        %dma_wait3A_620 = tpu.memref_squeeze %dma_wait3A_619 : memref<1x128x64xbf16, #tpu.memory_space<vmem>> -> memref<128x64xbf16, #tpu.memory_space<vmem>>
        %dma_wait3A_621 = arith.constant 0 : i32
        %dma_wait3A_622 = tpu.memref_slice %arg7[%sub3A_615, %dma_wait3A_621] : memref<84x128xi32, #tpu.memory_space<vmem>> -> memref<1x128xi32, #tpu.memory_space<vmem>>
        %dma_wait3A_623 = tpu.memref_squeeze %dma_wait3A_622 : memref<1x128xi32, #tpu.memory_space<vmem>> -> memref<128xi32, #tpu.memory_space<vmem>>
        %dma_wait3A_624 = arith.constant 0 : i32
        %dma_wait3A_625 = arith.constant 0 : i32
        %dma_wait3A_626 = tpu.memref_slice %arg9[%dma_wait3A_624, %dma_wait3A_625] : memref<10240x64xbf16, #tpu.memory_space<vmem_shared>> -> memref<10240x64xbf16, #tpu.memory_space<vmem_shared>>
        tpu.wait_indirect_dma semaphore(%arg22 : memref<!tpu.dma_semaphore, #tpu.memory_space<semaphore_mem>>) src(%dma_wait3A_620 : memref<128x64xbf16, #tpu.memory_space<vmem>>) dst(%dma_wait3A_626 : memref<10240x64xbf16, #tpu.memory_space<vmem_shared>>)
      } else {
      }
      %lt3A_420 = arith.constant 84 : i32
      %lt3A_421 = arith.cmpi slt, %add3A_414, %lt3A_420 : i32
      %convert_element_type3A_422 = arith.extui %lt3A_421 : i1 to i32
      %cond3A_423 = arith.constant 0 : i32
      %cond3A_424 = arith.cmpi ne, %convert_element_type3A_422, %cond3A_423 : i32
      scf.if %cond3A_424 {
        %dma_start3A_615 = arith.constant 0 : i32
        %dma_start3A_616 = arith.constant 0 : i32
        %dma_start3A_617 = arith.constant 0 : i32
        %dma_start3A_618 = tpu.memref_slice %arg8[%dma_start3A_615, %dma_start3A_616, %dma_start3A_617] : memref<12x128x64xbf16, #tpu.memory_space<vmem>> -> memref<1x128x64xbf16, #tpu.memory_space<vmem>>
        %dma_start3A_619 = tpu.memref_squeeze %dma_start3A_618 : memref<1x128x64xbf16, #tpu.memory_space<vmem>> -> memref<128x64xbf16, #tpu.memory_space<vmem>>
        %dma_start3A_620 = arith.constant 0 : i32
        %dma_start3A_621 = tpu.memref_slice %arg6[%add3A_414, %dma_start3A_620] : memref<84x128xi32, #tpu.memory_space<vmem>> -> memref<1x128xi32, #tpu.memory_space<vmem>>
        %dma_start3A_622 = tpu.memref_squeeze %dma_start3A_621 : memref<1x128xi32, #tpu.memory_space<vmem>> -> memref<128xi32, #tpu.memory_space<vmem>>
        %dma_start3A_623 = arith.constant 0 : i32
        %dma_start3A_624 = arith.constant 0 : i32
        %dma_start3A_625 = tpu.memref_slice %arg2[%dma_start3A_623, %dma_start3A_624] : memref<10240x64xbf16, #tpu.memory_space<hbm>> -> memref<10240x64xbf16, #tpu.memory_space<hbm>>
        tpu.enqueue_indirect_dma source(%dma_start3A_625 : memref<10240x64xbf16, #tpu.memory_space<hbm>>) target(%dma_start3A_619 : memref<128x64xbf16, #tpu.memory_space<vmem>>) offsets(%dma_start3A_622 : memref<128xi32, #tpu.memory_space<vmem>>) semaphore(%arg10 : memref<!tpu.dma_semaphore, #tpu.memory_space<semaphore_mem>>)
      } else {
      }
      %mul3A_425 = arith.constant 12 : i32
      %mul3A_426 = arith.muli %mul3A_425, %scan3A_163 : i32
      %add3A_427 = arith.constant 7 : i32
      %add3A_428 = arith.addi %mul3A_426, %add3A_427 : i32
      %dma_wait3A_429 = arith.constant 7 : i32
      %dma_wait3A_430 = arith.constant 0 : i32
      %dma_wait3A_431 = arith.constant 0 : i32
      %dma_wait3A_432 = tpu.memref_slice %arg8[%dma_wait3A_429, %dma_wait3A_430, %dma_wait3A_431] : memref<12x128x64xbf16, #tpu.memory_space<vmem>> -> memref<1x128x64xbf16, #tpu.memory_space<vmem>>
      %dma_wait3A_433 = tpu.memref_squeeze %dma_wait3A_432 : memref<1x128x64xbf16, #tpu.memory_space<vmem>> -> memref<128x64xbf16, #tpu.memory_space<vmem>>
      %dma_wait3A_434 = arith.constant 0 : i32
      %dma_wait3A_435 = tpu.memref_slice %arg6[%add3A_428, %dma_wait3A_434] : memref<84x128xi32, #tpu.memory_space<vmem>> -> memref<1x128xi32, #tpu.memory_space<vmem>>
      %dma_wait3A_436 = tpu.memref_squeeze %dma_wait3A_435 : memref<1x128xi32, #tpu.memory_space<vmem>> -> memref<128xi32, #tpu.memory_space<vmem>>
      %dma_wait3A_437 = arith.constant 0 : i32
      %dma_wait3A_438 = arith.constant 0 : i32
      %dma_wait3A_439 = tpu.memref_slice %arg2[%dma_wait3A_437, %dma_wait3A_438] : memref<10240x64xbf16, #tpu.memory_space<hbm>> -> memref<10240x64xbf16, #tpu.memory_space<hbm>>
      tpu.wait_indirect_dma semaphore(%arg17 : memref<!tpu.dma_semaphore, #tpu.memory_space<semaphore_mem>>) src(%dma_wait3A_439 : memref<10240x64xbf16, #tpu.memory_space<hbm>>) dst(%dma_wait3A_433 : memref<128x64xbf16, #tpu.memory_space<vmem>>)
      %dma_start3A_440 = arith.constant 7 : i32
      %dma_start3A_441 = arith.constant 0 : i32
      %dma_start3A_442 = arith.constant 0 : i32
      %dma_start3A_443 = tpu.memref_slice %arg8[%dma_start3A_440, %dma_start3A_441, %dma_start3A_442] : memref<12x128x64xbf16, #tpu.memory_space<vmem>> -> memref<1x128x64xbf16, #tpu.memory_space<vmem>>
      %dma_start3A_444 = tpu.memref_squeeze %dma_start3A_443 : memref<1x128x64xbf16, #tpu.memory_space<vmem>> -> memref<128x64xbf16, #tpu.memory_space<vmem>>
      %dma_start3A_445 = arith.constant 0 : i32
      %dma_start3A_446 = tpu.memref_slice %arg7[%add3A_428, %dma_start3A_445] : memref<84x128xi32, #tpu.memory_space<vmem>> -> memref<1x128xi32, #tpu.memory_space<vmem>>
      %dma_start3A_447 = tpu.memref_squeeze %dma_start3A_446 : memref<1x128xi32, #tpu.memory_space<vmem>> -> memref<128xi32, #tpu.memory_space<vmem>>
      %dma_start3A_448 = arith.constant 0 : i32
      %dma_start3A_449 = arith.constant 0 : i32
      %dma_start3A_450 = tpu.memref_slice %arg9[%dma_start3A_448, %dma_start3A_449] : memref<10240x64xbf16, #tpu.memory_space<vmem_shared>> -> memref<10240x64xbf16, #tpu.memory_space<vmem_shared>>
      tpu.enqueue_indirect_dma source(%dma_start3A_444 : memref<128x64xbf16, #tpu.memory_space<vmem>>) target(%dma_start3A_450 : memref<10240x64xbf16, #tpu.memory_space<vmem_shared>>) offsets(%dma_start3A_447 : memref<128xi32, #tpu.memory_space<vmem>>) semaphore(%arg29 : memref<!tpu.dma_semaphore, #tpu.memory_space<semaphore_mem>>) {add = true}
      %add3A_451 = arith.constant 6 : i32
      %add3A_452 = arith.addi %add3A_428, %add3A_451 : i32
      %ge3A_453 = arith.constant 12 : i32
      %ge3A_454 = arith.cmpi sge, %add3A_452, %ge3A_453 : i32
      %convert_element_type3A_455 = arith.extui %ge3A_454 : i1 to i32
      %cond3A_456 = arith.constant 0 : i32
      %cond3A_457 = arith.cmpi ne, %convert_element_type3A_455, %cond3A_456 : i32
      scf.if %cond3A_457 {
        %sub3A = arith.constant 12 : i32
        %sub3A_615 = arith.subi %add3A_452, %sub3A : i32
        %dma_wait3A_616 = arith.constant 1 : i32
        %dma_wait3A_617 = arith.constant 0 : i32
        %dma_wait3A_618 = arith.constant 0 : i32
        %dma_wait3A_619 = tpu.memref_slice %arg8[%dma_wait3A_616, %dma_wait3A_617, %dma_wait3A_618] : memref<12x128x64xbf16, #tpu.memory_space<vmem>> -> memref<1x128x64xbf16, #tpu.memory_space<vmem>>
        %dma_wait3A_620 = tpu.memref_squeeze %dma_wait3A_619 : memref<1x128x64xbf16, #tpu.memory_space<vmem>> -> memref<128x64xbf16, #tpu.memory_space<vmem>>
        %dma_wait3A_621 = arith.constant 0 : i32
        %dma_wait3A_622 = tpu.memref_slice %arg7[%sub3A_615, %dma_wait3A_621] : memref<84x128xi32, #tpu.memory_space<vmem>> -> memref<1x128xi32, #tpu.memory_space<vmem>>
        %dma_wait3A_623 = tpu.memref_squeeze %dma_wait3A_622 : memref<1x128xi32, #tpu.memory_space<vmem>> -> memref<128xi32, #tpu.memory_space<vmem>>
        %dma_wait3A_624 = arith.constant 0 : i32
        %dma_wait3A_625 = arith.constant 0 : i32
        %dma_wait3A_626 = tpu.memref_slice %arg9[%dma_wait3A_624, %dma_wait3A_625] : memref<10240x64xbf16, #tpu.memory_space<vmem_shared>> -> memref<10240x64xbf16, #tpu.memory_space<vmem_shared>>
        tpu.wait_indirect_dma semaphore(%arg23 : memref<!tpu.dma_semaphore, #tpu.memory_space<semaphore_mem>>) src(%dma_wait3A_620 : memref<128x64xbf16, #tpu.memory_space<vmem>>) dst(%dma_wait3A_626 : memref<10240x64xbf16, #tpu.memory_space<vmem_shared>>)
      } else {
      }
      %lt3A_458 = arith.constant 84 : i32
      %lt3A_459 = arith.cmpi slt, %add3A_452, %lt3A_458 : i32
      %convert_element_type3A_460 = arith.extui %lt3A_459 : i1 to i32
      %cond3A_461 = arith.constant 0 : i32
      %cond3A_462 = arith.cmpi ne, %convert_element_type3A_460, %cond3A_461 : i32
      scf.if %cond3A_462 {
        %dma_start3A_615 = arith.constant 1 : i32
        %dma_start3A_616 = arith.constant 0 : i32
        %dma_start3A_617 = arith.constant 0 : i32
        %dma_start3A_618 = tpu.memref_slice %arg8[%dma_start3A_615, %dma_start3A_616, %dma_start3A_617] : memref<12x128x64xbf16, #tpu.memory_space<vmem>> -> memref<1x128x64xbf16, #tpu.memory_space<vmem>>
        %dma_start3A_619 = tpu.memref_squeeze %dma_start3A_618 : memref<1x128x64xbf16, #tpu.memory_space<vmem>> -> memref<128x64xbf16, #tpu.memory_space<vmem>>
        %dma_start3A_620 = arith.constant 0 : i32
        %dma_start3A_621 = tpu.memref_slice %arg6[%add3A_452, %dma_start3A_620] : memref<84x128xi32, #tpu.memory_space<vmem>> -> memref<1x128xi32, #tpu.memory_space<vmem>>
        %dma_start3A_622 = tpu.memref_squeeze %dma_start3A_621 : memref<1x128xi32, #tpu.memory_space<vmem>> -> memref<128xi32, #tpu.memory_space<vmem>>
        %dma_start3A_623 = arith.constant 0 : i32
        %dma_start3A_624 = arith.constant 0 : i32
        %dma_start3A_625 = tpu.memref_slice %arg2[%dma_start3A_623, %dma_start3A_624] : memref<10240x64xbf16, #tpu.memory_space<hbm>> -> memref<10240x64xbf16, #tpu.memory_space<hbm>>
        tpu.enqueue_indirect_dma source(%dma_start3A_625 : memref<10240x64xbf16, #tpu.memory_space<hbm>>) target(%dma_start3A_619 : memref<128x64xbf16, #tpu.memory_space<vmem>>) offsets(%dma_start3A_622 : memref<128xi32, #tpu.memory_space<vmem>>) semaphore(%arg11 : memref<!tpu.dma_semaphore, #tpu.memory_space<semaphore_mem>>)
      } else {
      }
      %mul3A_463 = arith.constant 12 : i32
      %mul3A_464 = arith.muli %mul3A_463, %scan3A_163 : i32
      %add3A_465 = arith.constant 8 : i32
      %add3A_466 = arith.addi %mul3A_464, %add3A_465 : i32
      %dma_wait3A_467 = arith.constant 8 : i32
      %dma_wait3A_468 = arith.constant 0 : i32
      %dma_wait3A_469 = arith.constant 0 : i32
      %dma_wait3A_470 = tpu.memref_slice %arg8[%dma_wait3A_467, %dma_wait3A_468, %dma_wait3A_469] : memref<12x128x64xbf16, #tpu.memory_space<vmem>> -> memref<1x128x64xbf16, #tpu.memory_space<vmem>>
      %dma_wait3A_471 = tpu.memref_squeeze %dma_wait3A_470 : memref<1x128x64xbf16, #tpu.memory_space<vmem>> -> memref<128x64xbf16, #tpu.memory_space<vmem>>
      %dma_wait3A_472 = arith.constant 0 : i32
      %dma_wait3A_473 = tpu.memref_slice %arg6[%add3A_466, %dma_wait3A_472] : memref<84x128xi32, #tpu.memory_space<vmem>> -> memref<1x128xi32, #tpu.memory_space<vmem>>
      %dma_wait3A_474 = tpu.memref_squeeze %dma_wait3A_473 : memref<1x128xi32, #tpu.memory_space<vmem>> -> memref<128xi32, #tpu.memory_space<vmem>>
      %dma_wait3A_475 = arith.constant 0 : i32
      %dma_wait3A_476 = arith.constant 0 : i32
      %dma_wait3A_477 = tpu.memref_slice %arg2[%dma_wait3A_475, %dma_wait3A_476] : memref<10240x64xbf16, #tpu.memory_space<hbm>> -> memref<10240x64xbf16, #tpu.memory_space<hbm>>
      tpu.wait_indirect_dma semaphore(%arg18 : memref<!tpu.dma_semaphore, #tpu.memory_space<semaphore_mem>>) src(%dma_wait3A_477 : memref<10240x64xbf16, #tpu.memory_space<hbm>>) dst(%dma_wait3A_471 : memref<128x64xbf16, #tpu.memory_space<vmem>>)
      %dma_start3A_478 = arith.constant 8 : i32
      %dma_start3A_479 = arith.constant 0 : i32
      %dma_start3A_480 = arith.constant 0 : i32
      %dma_start3A_481 = tpu.memref_slice %arg8[%dma_start3A_478, %dma_start3A_479, %dma_start3A_480] : memref<12x128x64xbf16, #tpu.memory_space<vmem>> -> memref<1x128x64xbf16, #tpu.memory_space<vmem>>
      %dma_start3A_482 = tpu.memref_squeeze %dma_start3A_481 : memref<1x128x64xbf16, #tpu.memory_space<vmem>> -> memref<128x64xbf16, #tpu.memory_space<vmem>>
      %dma_start3A_483 = arith.constant 0 : i32
      %dma_start3A_484 = tpu.memref_slice %arg7[%add3A_466, %dma_start3A_483] : memref<84x128xi32, #tpu.memory_space<vmem>> -> memref<1x128xi32, #tpu.memory_space<vmem>>
      %dma_start3A_485 = tpu.memref_squeeze %dma_start3A_484 : memref<1x128xi32, #tpu.memory_space<vmem>> -> memref<128xi32, #tpu.memory_space<vmem>>
      %dma_start3A_486 = arith.constant 0 : i32
      %dma_start3A_487 = arith.constant 0 : i32
      %dma_start3A_488 = tpu.memref_slice %arg9[%dma_start3A_486, %dma_start3A_487] : memref<10240x64xbf16, #tpu.memory_space<vmem_shared>> -> memref<10240x64xbf16, #tpu.memory_space<vmem_shared>>
      tpu.enqueue_indirect_dma source(%dma_start3A_482 : memref<128x64xbf16, #tpu.memory_space<vmem>>) target(%dma_start3A_488 : memref<10240x64xbf16, #tpu.memory_space<vmem_shared>>) offsets(%dma_start3A_485 : memref<128xi32, #tpu.memory_space<vmem>>) semaphore(%arg30 : memref<!tpu.dma_semaphore, #tpu.memory_space<semaphore_mem>>) {add = true}
      %add3A_489 = arith.constant 6 : i32
      %add3A_490 = arith.addi %add3A_466, %add3A_489 : i32
      %ge3A_491 = arith.constant 12 : i32
      %ge3A_492 = arith.cmpi sge, %add3A_490, %ge3A_491 : i32
      %convert_element_type3A_493 = arith.extui %ge3A_492 : i1 to i32
      %cond3A_494 = arith.constant 0 : i32
      %cond3A_495 = arith.cmpi ne, %convert_element_type3A_493, %cond3A_494 : i32
      scf.if %cond3A_495 {
        %sub3A = arith.constant 12 : i32
        %sub3A_615 = arith.subi %add3A_490, %sub3A : i32
        %dma_wait3A_616 = arith.constant 2 : i32
        %dma_wait3A_617 = arith.constant 0 : i32
        %dma_wait3A_618 = arith.constant 0 : i32
        %dma_wait3A_619 = tpu.memref_slice %arg8[%dma_wait3A_616, %dma_wait3A_617, %dma_wait3A_618] : memref<12x128x64xbf16, #tpu.memory_space<vmem>> -> memref<1x128x64xbf16, #tpu.memory_space<vmem>>
        %dma_wait3A_620 = tpu.memref_squeeze %dma_wait3A_619 : memref<1x128x64xbf16, #tpu.memory_space<vmem>> -> memref<128x64xbf16, #tpu.memory_space<vmem>>
        %dma_wait3A_621 = arith.constant 0 : i32
        %dma_wait3A_622 = tpu.memref_slice %arg7[%sub3A_615, %dma_wait3A_621] : memref<84x128xi32, #tpu.memory_space<vmem>> -> memref<1x128xi32, #tpu.memory_space<vmem>>
        %dma_wait3A_623 = tpu.memref_squeeze %dma_wait3A_622 : memref<1x128xi32, #tpu.memory_space<vmem>> -> memref<128xi32, #tpu.memory_space<vmem>>
        %dma_wait3A_624 = arith.constant 0 : i32
        %dma_wait3A_625 = arith.constant 0 : i32
        %dma_wait3A_626 = tpu.memref_slice %arg9[%dma_wait3A_624, %dma_wait3A_625] : memref<10240x64xbf16, #tpu.memory_space<vmem_shared>> -> memref<10240x64xbf16, #tpu.memory_space<vmem_shared>>
        tpu.wait_indirect_dma semaphore(%arg24 : memref<!tpu.dma_semaphore, #tpu.memory_space<semaphore_mem>>) src(%dma_wait3A_620 : memref<128x64xbf16, #tpu.memory_space<vmem>>) dst(%dma_wait3A_626 : memref<10240x64xbf16, #tpu.memory_space<vmem_shared>>)
      } else {
      }
      %lt3A_496 = arith.constant 84 : i32
      %lt3A_497 = arith.cmpi slt, %add3A_490, %lt3A_496 : i32
      %convert_element_type3A_498 = arith.extui %lt3A_497 : i1 to i32
      %cond3A_499 = arith.constant 0 : i32
      %cond3A_500 = arith.cmpi ne, %convert_element_type3A_498, %cond3A_499 : i32
      scf.if %cond3A_500 {
        %dma_start3A_615 = arith.constant 2 : i32
        %dma_start3A_616 = arith.constant 0 : i32
        %dma_start3A_617 = arith.constant 0 : i32
        %dma_start3A_618 = tpu.memref_slice %arg8[%dma_start3A_615, %dma_start3A_616, %dma_start3A_617] : memref<12x128x64xbf16, #tpu.memory_space<vmem>> -> memref<1x128x64xbf16, #tpu.memory_space<vmem>>
        %dma_start3A_619 = tpu.memref_squeeze %dma_start3A_618 : memref<1x128x64xbf16, #tpu.memory_space<vmem>> -> memref<128x64xbf16, #tpu.memory_space<vmem>>
        %dma_start3A_620 = arith.constant 0 : i32
        %dma_start3A_621 = tpu.memref_slice %arg6[%add3A_490, %dma_start3A_620] : memref<84x128xi32, #tpu.memory_space<vmem>> -> memref<1x128xi32, #tpu.memory_space<vmem>>
        %dma_start3A_622 = tpu.memref_squeeze %dma_start3A_621 : memref<1x128xi32, #tpu.memory_space<vmem>> -> memref<128xi32, #tpu.memory_space<vmem>>
        %dma_start3A_623 = arith.constant 0 : i32
        %dma_start3A_624 = arith.constant 0 : i32
        %dma_start3A_625 = tpu.memref_slice %arg2[%dma_start3A_623, %dma_start3A_624] : memref<10240x64xbf16, #tpu.memory_space<hbm>> -> memref<10240x64xbf16, #tpu.memory_space<hbm>>
        tpu.enqueue_indirect_dma source(%dma_start3A_625 : memref<10240x64xbf16, #tpu.memory_space<hbm>>) target(%dma_start3A_619 : memref<128x64xbf16, #tpu.memory_space<vmem>>) offsets(%dma_start3A_622 : memref<128xi32, #tpu.memory_space<vmem>>) semaphore(%arg12 : memref<!tpu.dma_semaphore, #tpu.memory_space<semaphore_mem>>)
      } else {
      }
      %mul3A_501 = arith.constant 12 : i32
      %mul3A_502 = arith.muli %mul3A_501, %scan3A_163 : i32
      %add3A_503 = arith.constant 9 : i32
      %add3A_504 = arith.addi %mul3A_502, %add3A_503 : i32
      %dma_wait3A_505 = arith.constant 9 : i32
      %dma_wait3A_506 = arith.constant 0 : i32
      %dma_wait3A_507 = arith.constant 0 : i32
      %dma_wait3A_508 = tpu.memref_slice %arg8[%dma_wait3A_505, %dma_wait3A_506, %dma_wait3A_507] : memref<12x128x64xbf16, #tpu.memory_space<vmem>> -> memref<1x128x64xbf16, #tpu.memory_space<vmem>>
      %dma_wait3A_509 = tpu.memref_squeeze %dma_wait3A_508 : memref<1x128x64xbf16, #tpu.memory_space<vmem>> -> memref<128x64xbf16, #tpu.memory_space<vmem>>
      %dma_wait3A_510 = arith.constant 0 : i32
      %dma_wait3A_511 = tpu.memref_slice %arg6[%add3A_504, %dma_wait3A_510] : memref<84x128xi32, #tpu.memory_space<vmem>> -> memref<1x128xi32, #tpu.memory_space<vmem>>
      %dma_wait3A_512 = tpu.memref_squeeze %dma_wait3A_511 : memref<1x128xi32, #tpu.memory_space<vmem>> -> memref<128xi32, #tpu.memory_space<vmem>>
      %dma_wait3A_513 = arith.constant 0 : i32
      %dma_wait3A_514 = arith.constant 0 : i32
      %dma_wait3A_515 = tpu.memref_slice %arg2[%dma_wait3A_513, %dma_wait3A_514] : memref<10240x64xbf16, #tpu.memory_space<hbm>> -> memref<10240x64xbf16, #tpu.memory_space<hbm>>
      tpu.wait_indirect_dma semaphore(%arg19 : memref<!tpu.dma_semaphore, #tpu.memory_space<semaphore_mem>>) src(%dma_wait3A_515 : memref<10240x64xbf16, #tpu.memory_space<hbm>>) dst(%dma_wait3A_509 : memref<128x64xbf16, #tpu.memory_space<vmem>>)
      %dma_start3A_516 = arith.constant 9 : i32
      %dma_start3A_517 = arith.constant 0 : i32
      %dma_start3A_518 = arith.constant 0 : i32
      %dma_start3A_519 = tpu.memref_slice %arg8[%dma_start3A_516, %dma_start3A_517, %dma_start3A_518] : memref<12x128x64xbf16, #tpu.memory_space<vmem>> -> memref<1x128x64xbf16, #tpu.memory_space<vmem>>
      %dma_start3A_520 = tpu.memref_squeeze %dma_start3A_519 : memref<1x128x64xbf16, #tpu.memory_space<vmem>> -> memref<128x64xbf16, #tpu.memory_space<vmem>>
      %dma_start3A_521 = arith.constant 0 : i32
      %dma_start3A_522 = tpu.memref_slice %arg7[%add3A_504, %dma_start3A_521] : memref<84x128xi32, #tpu.memory_space<vmem>> -> memref<1x128xi32, #tpu.memory_space<vmem>>
      %dma_start3A_523 = tpu.memref_squeeze %dma_start3A_522 : memref<1x128xi32, #tpu.memory_space<vmem>> -> memref<128xi32, #tpu.memory_space<vmem>>
      %dma_start3A_524 = arith.constant 0 : i32
      %dma_start3A_525 = arith.constant 0 : i32
      %dma_start3A_526 = tpu.memref_slice %arg9[%dma_start3A_524, %dma_start3A_525] : memref<10240x64xbf16, #tpu.memory_space<vmem_shared>> -> memref<10240x64xbf16, #tpu.memory_space<vmem_shared>>
      tpu.enqueue_indirect_dma source(%dma_start3A_520 : memref<128x64xbf16, #tpu.memory_space<vmem>>) target(%dma_start3A_526 : memref<10240x64xbf16, #tpu.memory_space<vmem_shared>>) offsets(%dma_start3A_523 : memref<128xi32, #tpu.memory_space<vmem>>) semaphore(%arg31 : memref<!tpu.dma_semaphore, #tpu.memory_space<semaphore_mem>>) {add = true}
      %add3A_527 = arith.constant 6 : i32
      %add3A_528 = arith.addi %add3A_504, %add3A_527 : i32
      %ge3A_529 = arith.constant 12 : i32
      %ge3A_530 = arith.cmpi sge, %add3A_528, %ge3A_529 : i32
      %convert_element_type3A_531 = arith.extui %ge3A_530 : i1 to i32
      %cond3A_532 = arith.constant 0 : i32
      %cond3A_533 = arith.cmpi ne, %convert_element_type3A_531, %cond3A_532 : i32
      scf.if %cond3A_533 {
        %sub3A = arith.constant 12 : i32
        %sub3A_615 = arith.subi %add3A_528, %sub3A : i32
        %dma_wait3A_616 = arith.constant 3 : i32
        %dma_wait3A_617 = arith.constant 0 : i32
        %dma_wait3A_618 = arith.constant 0 : i32
        %dma_wait3A_619 = tpu.memref_slice %arg8[%dma_wait3A_616, %dma_wait3A_617, %dma_wait3A_618] : memref<12x128x64xbf16, #tpu.memory_space<vmem>> -> memref<1x128x64xbf16, #tpu.memory_space<vmem>>
        %dma_wait3A_620 = tpu.memref_squeeze %dma_wait3A_619 : memref<1x128x64xbf16, #tpu.memory_space<vmem>> -> memref<128x64xbf16, #tpu.memory_space<vmem>>
        %dma_wait3A_621 = arith.constant 0 : i32
        %dma_wait3A_622 = tpu.memref_slice %arg7[%sub3A_615, %dma_wait3A_621] : memref<84x128xi32, #tpu.memory_space<vmem>> -> memref<1x128xi32, #tpu.memory_space<vmem>>
        %dma_wait3A_623 = tpu.memref_squeeze %dma_wait3A_622 : memref<1x128xi32, #tpu.memory_space<vmem>> -> memref<128xi32, #tpu.memory_space<vmem>>
        %dma_wait3A_624 = arith.constant 0 : i32
        %dma_wait3A_625 = arith.constant 0 : i32
        %dma_wait3A_626 = tpu.memref_slice %arg9[%dma_wait3A_624, %dma_wait3A_625] : memref<10240x64xbf16, #tpu.memory_space<vmem_shared>> -> memref<10240x64xbf16, #tpu.memory_space<vmem_shared>>
        tpu.wait_indirect_dma semaphore(%arg25 : memref<!tpu.dma_semaphore, #tpu.memory_space<semaphore_mem>>) src(%dma_wait3A_620 : memref<128x64xbf16, #tpu.memory_space<vmem>>) dst(%dma_wait3A_626 : memref<10240x64xbf16, #tpu.memory_space<vmem_shared>>)
      } else {
      }
      %lt3A_534 = arith.constant 84 : i32
      %lt3A_535 = arith.cmpi slt, %add3A_528, %lt3A_534 : i32
      %convert_element_type3A_536 = arith.extui %lt3A_535 : i1 to i32
      %cond3A_537 = arith.constant 0 : i32
      %cond3A_538 = arith.cmpi ne, %convert_element_type3A_536, %cond3A_537 : i32
      scf.if %cond3A_538 {
        %dma_start3A_615 = arith.constant 3 : i32
        %dma_start3A_616 = arith.constant 0 : i32
        %dma_start3A_617 = arith.constant 0 : i32
        %dma_start3A_618 = tpu.memref_slice %arg8[%dma_start3A_615, %dma_start3A_616, %dma_start3A_617] : memref<12x128x64xbf16, #tpu.memory_space<vmem>> -> memref<1x128x64xbf16, #tpu.memory_space<vmem>>
        %dma_start3A_619 = tpu.memref_squeeze %dma_start3A_618 : memref<1x128x64xbf16, #tpu.memory_space<vmem>> -> memref<128x64xbf16, #tpu.memory_space<vmem>>
        %dma_start3A_620 = arith.constant 0 : i32
        %dma_start3A_621 = tpu.memref_slice %arg6[%add3A_528, %dma_start3A_620] : memref<84x128xi32, #tpu.memory_space<vmem>> -> memref<1x128xi32, #tpu.memory_space<vmem>>
        %dma_start3A_622 = tpu.memref_squeeze %dma_start3A_621 : memref<1x128xi32, #tpu.memory_space<vmem>> -> memref<128xi32, #tpu.memory_space<vmem>>
        %dma_start3A_623 = arith.constant 0 : i32
        %dma_start3A_624 = arith.constant 0 : i32
        %dma_start3A_625 = tpu.memref_slice %arg2[%dma_start3A_623, %dma_start3A_624] : memref<10240x64xbf16, #tpu.memory_space<hbm>> -> memref<10240x64xbf16, #tpu.memory_space<hbm>>
        tpu.enqueue_indirect_dma source(%dma_start3A_625 : memref<10240x64xbf16, #tpu.memory_space<hbm>>) target(%dma_start3A_619 : memref<128x64xbf16, #tpu.memory_space<vmem>>) offsets(%dma_start3A_622 : memref<128xi32, #tpu.memory_space<vmem>>) semaphore(%arg13 : memref<!tpu.dma_semaphore, #tpu.memory_space<semaphore_mem>>)
      } else {
      }
      %mul3A_539 = arith.constant 12 : i32
      %mul3A_540 = arith.muli %mul3A_539, %scan3A_163 : i32
      %add3A_541 = arith.constant 10 : i32
      %add3A_542 = arith.addi %mul3A_540, %add3A_541 : i32
      %dma_wait3A_543 = arith.constant 10 : i32
      %dma_wait3A_544 = arith.constant 0 : i32
      %dma_wait3A_545 = arith.constant 0 : i32
      %dma_wait3A_546 = tpu.memref_slice %arg8[%dma_wait3A_543, %dma_wait3A_544, %dma_wait3A_545] : memref<12x128x64xbf16, #tpu.memory_space<vmem>> -> memref<1x128x64xbf16, #tpu.memory_space<vmem>>
      %dma_wait3A_547 = tpu.memref_squeeze %dma_wait3A_546 : memref<1x128x64xbf16, #tpu.memory_space<vmem>> -> memref<128x64xbf16, #tpu.memory_space<vmem>>
      %dma_wait3A_548 = arith.constant 0 : i32
      %dma_wait3A_549 = tpu.memref_slice %arg6[%add3A_542, %dma_wait3A_548] : memref<84x128xi32, #tpu.memory_space<vmem>> -> memref<1x128xi32, #tpu.memory_space<vmem>>
      %dma_wait3A_550 = tpu.memref_squeeze %dma_wait3A_549 : memref<1x128xi32, #tpu.memory_space<vmem>> -> memref<128xi32, #tpu.memory_space<vmem>>
      %dma_wait3A_551 = arith.constant 0 : i32
      %dma_wait3A_552 = arith.constant 0 : i32
      %dma_wait3A_553 = tpu.memref_slice %arg2[%dma_wait3A_551, %dma_wait3A_552] : memref<10240x64xbf16, #tpu.memory_space<hbm>> -> memref<10240x64xbf16, #tpu.memory_space<hbm>>
      tpu.wait_indirect_dma semaphore(%arg20 : memref<!tpu.dma_semaphore, #tpu.memory_space<semaphore_mem>>) src(%dma_wait3A_553 : memref<10240x64xbf16, #tpu.memory_space<hbm>>) dst(%dma_wait3A_547 : memref<128x64xbf16, #tpu.memory_space<vmem>>)
      %dma_start3A_554 = arith.constant 10 : i32
      %dma_start3A_555 = arith.constant 0 : i32
      %dma_start3A_556 = arith.constant 0 : i32
      %dma_start3A_557 = tpu.memref_slice %arg8[%dma_start3A_554, %dma_start3A_555, %dma_start3A_556] : memref<12x128x64xbf16, #tpu.memory_space<vmem>> -> memref<1x128x64xbf16, #tpu.memory_space<vmem>>
      %dma_start3A_558 = tpu.memref_squeeze %dma_start3A_557 : memref<1x128x64xbf16, #tpu.memory_space<vmem>> -> memref<128x64xbf16, #tpu.memory_space<vmem>>
      %dma_start3A_559 = arith.constant 0 : i32
      %dma_start3A_560 = tpu.memref_slice %arg7[%add3A_542, %dma_start3A_559] : memref<84x128xi32, #tpu.memory_space<vmem>> -> memref<1x128xi32, #tpu.memory_space<vmem>>
      %dma_start3A_561 = tpu.memref_squeeze %dma_start3A_560 : memref<1x128xi32, #tpu.memory_space<vmem>> -> memref<128xi32, #tpu.memory_space<vmem>>
      %dma_start3A_562 = arith.constant 0 : i32
      %dma_start3A_563 = arith.constant 0 : i32
      %dma_start3A_564 = tpu.memref_slice %arg9[%dma_start3A_562, %dma_start3A_563] : memref<10240x64xbf16, #tpu.memory_space<vmem_shared>> -> memref<10240x64xbf16, #tpu.memory_space<vmem_shared>>
      tpu.enqueue_indirect_dma source(%dma_start3A_558 : memref<128x64xbf16, #tpu.memory_space<vmem>>) target(%dma_start3A_564 : memref<10240x64xbf16, #tpu.memory_space<vmem_shared>>) offsets(%dma_start3A_561 : memref<128xi32, #tpu.memory_space<vmem>>) semaphore(%arg32 : memref<!tpu.dma_semaphore, #tpu.memory_space<semaphore_mem>>) {add = true}
      %add3A_565 = arith.constant 6 : i32
      %add3A_566 = arith.addi %add3A_542, %add3A_565 : i32
      %ge3A_567 = arith.constant 12 : i32
      %ge3A_568 = arith.cmpi sge, %add3A_566, %ge3A_567 : i32
      %convert_element_type3A_569 = arith.extui %ge3A_568 : i1 to i32
      %cond3A_570 = arith.constant 0 : i32
      %cond3A_571 = arith.cmpi ne, %convert_element_type3A_569, %cond3A_570 : i32
      scf.if %cond3A_571 {
        %sub3A = arith.constant 12 : i32
        %sub3A_615 = arith.subi %add3A_566, %sub3A : i32
        %dma_wait3A_616 = arith.constant 4 : i32
        %dma_wait3A_617 = arith.constant 0 : i32
        %dma_wait3A_618 = arith.constant 0 : i32
        %dma_wait3A_619 = tpu.memref_slice %arg8[%dma_wait3A_616, %dma_wait3A_617, %dma_wait3A_618] : memref<12x128x64xbf16, #tpu.memory_space<vmem>> -> memref<1x128x64xbf16, #tpu.memory_space<vmem>>
        %dma_wait3A_620 = tpu.memref_squeeze %dma_wait3A_619 : memref<1x128x64xbf16, #tpu.memory_space<vmem>> -> memref<128x64xbf16, #tpu.memory_space<vmem>>
        %dma_wait3A_621 = arith.constant 0 : i32
        %dma_wait3A_622 = tpu.memref_slice %arg7[%sub3A_615, %dma_wait3A_621] : memref<84x128xi32, #tpu.memory_space<vmem>> -> memref<1x128xi32, #tpu.memory_space<vmem>>
        %dma_wait3A_623 = tpu.memref_squeeze %dma_wait3A_622 : memref<1x128xi32, #tpu.memory_space<vmem>> -> memref<128xi32, #tpu.memory_space<vmem>>
        %dma_wait3A_624 = arith.constant 0 : i32
        %dma_wait3A_625 = arith.constant 0 : i32
        %dma_wait3A_626 = tpu.memref_slice %arg9[%dma_wait3A_624, %dma_wait3A_625] : memref<10240x64xbf16, #tpu.memory_space<vmem_shared>> -> memref<10240x64xbf16, #tpu.memory_space<vmem_shared>>
        tpu.wait_indirect_dma semaphore(%arg26 : memref<!tpu.dma_semaphore, #tpu.memory_space<semaphore_mem>>) src(%dma_wait3A_620 : memref<128x64xbf16, #tpu.memory_space<vmem>>) dst(%dma_wait3A_626 : memref<10240x64xbf16, #tpu.memory_space<vmem_shared>>)
      } else {
      }
      %lt3A_572 = arith.constant 84 : i32
      %lt3A_573 = arith.cmpi slt, %add3A_566, %lt3A_572 : i32
      %convert_element_type3A_574 = arith.extui %lt3A_573 : i1 to i32
      %cond3A_575 = arith.constant 0 : i32
      %cond3A_576 = arith.cmpi ne, %convert_element_type3A_574, %cond3A_575 : i32
      scf.if %cond3A_576 {
        %dma_start3A_615 = arith.constant 4 : i32
        %dma_start3A_616 = arith.constant 0 : i32
        %dma_start3A_617 = arith.constant 0 : i32
        %dma_start3A_618 = tpu.memref_slice %arg8[%dma_start3A_615, %dma_start3A_616, %dma_start3A_617] : memref<12x128x64xbf16, #tpu.memory_space<vmem>> -> memref<1x128x64xbf16, #tpu.memory_space<vmem>>
        %dma_start3A_619 = tpu.memref_squeeze %dma_start3A_618 : memref<1x128x64xbf16, #tpu.memory_space<vmem>> -> memref<128x64xbf16, #tpu.memory_space<vmem>>
        %dma_start3A_620 = arith.constant 0 : i32
        %dma_start3A_621 = tpu.memref_slice %arg6[%add3A_566, %dma_start3A_620] : memref<84x128xi32, #tpu.memory_space<vmem>> -> memref<1x128xi32, #tpu.memory_space<vmem>>
        %dma_start3A_622 = tpu.memref_squeeze %dma_start3A_621 : memref<1x128xi32, #tpu.memory_space<vmem>> -> memref<128xi32, #tpu.memory_space<vmem>>
        %dma_start3A_623 = arith.constant 0 : i32
        %dma_start3A_624 = arith.constant 0 : i32
        %dma_start3A_625 = tpu.memref_slice %arg2[%dma_start3A_623, %dma_start3A_624] : memref<10240x64xbf16, #tpu.memory_space<hbm>> -> memref<10240x64xbf16, #tpu.memory_space<hbm>>
        tpu.enqueue_indirect_dma source(%dma_start3A_625 : memref<10240x64xbf16, #tpu.memory_space<hbm>>) target(%dma_start3A_619 : memref<128x64xbf16, #tpu.memory_space<vmem>>) offsets(%dma_start3A_622 : memref<128xi32, #tpu.memory_space<vmem>>) semaphore(%arg14 : memref<!tpu.dma_semaphore, #tpu.memory_space<semaphore_mem>>)
      } else {
      }
      %mul3A_577 = arith.constant 12 : i32
      %mul3A_578 = arith.muli %mul3A_577, %scan3A_163 : i32
      %add3A_579 = arith.constant 11 : i32
      %add3A_580 = arith.addi %mul3A_578, %add3A_579 : i32
      %dma_wait3A_581 = arith.constant 11 : i32
      %dma_wait3A_582 = arith.constant 0 : i32
      %dma_wait3A_583 = arith.constant 0 : i32
      %dma_wait3A_584 = tpu.memref_slice %arg8[%dma_wait3A_581, %dma_wait3A_582, %dma_wait3A_583] : memref<12x128x64xbf16, #tpu.memory_space<vmem>> -> memref<1x128x64xbf16, #tpu.memory_space<vmem>>
      %dma_wait3A_585 = tpu.memref_squeeze %dma_wait3A_584 : memref<1x128x64xbf16, #tpu.memory_space<vmem>> -> memref<128x64xbf16, #tpu.memory_space<vmem>>
      %dma_wait3A_586 = arith.constant 0 : i32
      %dma_wait3A_587 = tpu.memref_slice %arg6[%add3A_580, %dma_wait3A_586] : memref<84x128xi32, #tpu.memory_space<vmem>> -> memref<1x128xi32, #tpu.memory_space<vmem>>
      %dma_wait3A_588 = tpu.memref_squeeze %dma_wait3A_587 : memref<1x128xi32, #tpu.memory_space<vmem>> -> memref<128xi32, #tpu.memory_space<vmem>>
      %dma_wait3A_589 = arith.constant 0 : i32
      %dma_wait3A_590 = arith.constant 0 : i32
      %dma_wait3A_591 = tpu.memref_slice %arg2[%dma_wait3A_589, %dma_wait3A_590] : memref<10240x64xbf16, #tpu.memory_space<hbm>> -> memref<10240x64xbf16, #tpu.memory_space<hbm>>
      tpu.wait_indirect_dma semaphore(%arg21 : memref<!tpu.dma_semaphore, #tpu.memory_space<semaphore_mem>>) src(%dma_wait3A_591 : memref<10240x64xbf16, #tpu.memory_space<hbm>>) dst(%dma_wait3A_585 : memref<128x64xbf16, #tpu.memory_space<vmem>>)
      %dma_start3A_592 = arith.constant 11 : i32
      %dma_start3A_593 = arith.constant 0 : i32
      %dma_start3A_594 = arith.constant 0 : i32
      %dma_start3A_595 = tpu.memref_slice %arg8[%dma_start3A_592, %dma_start3A_593, %dma_start3A_594] : memref<12x128x64xbf16, #tpu.memory_space<vmem>> -> memref<1x128x64xbf16, #tpu.memory_space<vmem>>
      %dma_start3A_596 = tpu.memref_squeeze %dma_start3A_595 : memref<1x128x64xbf16, #tpu.memory_space<vmem>> -> memref<128x64xbf16, #tpu.memory_space<vmem>>
      %dma_start3A_597 = arith.constant 0 : i32
      %dma_start3A_598 = tpu.memref_slice %arg7[%add3A_580, %dma_start3A_597] : memref<84x128xi32, #tpu.memory_space<vmem>> -> memref<1x128xi32, #tpu.memory_space<vmem>>
      %dma_start3A_599 = tpu.memref_squeeze %dma_start3A_598 : memref<1x128xi32, #tpu.memory_space<vmem>> -> memref<128xi32, #tpu.memory_space<vmem>>
      %dma_start3A_600 = arith.constant 0 : i32
      %dma_start3A_601 = arith.constant 0 : i32
      %dma_start3A_602 = tpu.memref_slice %arg9[%dma_start3A_600, %dma_start3A_601] : memref<10240x64xbf16, #tpu.memory_space<vmem_shared>> -> memref<10240x64xbf16, #tpu.memory_space<vmem_shared>>
      tpu.enqueue_indirect_dma source(%dma_start3A_596 : memref<128x64xbf16, #tpu.memory_space<vmem>>) target(%dma_start3A_602 : memref<10240x64xbf16, #tpu.memory_space<vmem_shared>>) offsets(%dma_start3A_599 : memref<128xi32, #tpu.memory_space<vmem>>) semaphore(%arg33 : memref<!tpu.dma_semaphore, #tpu.memory_space<semaphore_mem>>) {add = true}
      %add3A_603 = arith.constant 6 : i32
      %add3A_604 = arith.addi %add3A_580, %add3A_603 : i32
      %ge3A_605 = arith.constant 12 : i32
      %ge3A_606 = arith.cmpi sge, %add3A_604, %ge3A_605 : i32
      %convert_element_type3A_607 = arith.extui %ge3A_606 : i1 to i32
      %cond3A_608 = arith.constant 0 : i32
      %cond3A_609 = arith.cmpi ne, %convert_element_type3A_607, %cond3A_608 : i32
      scf.if %cond3A_609 {
        %sub3A = arith.constant 12 : i32
        %sub3A_615 = arith.subi %add3A_604, %sub3A : i32
        %dma_wait3A_616 = arith.constant 5 : i32
        %dma_wait3A_617 = arith.constant 0 : i32
        %dma_wait3A_618 = arith.constant 0 : i32
        %dma_wait3A_619 = tpu.memref_slice %arg8[%dma_wait3A_616, %dma_wait3A_617, %dma_wait3A_618] : memref<12x128x64xbf16, #tpu.memory_space<vmem>> -> memref<1x128x64xbf16, #tpu.memory_space<vmem>>
        %dma_wait3A_620 = tpu.memref_squeeze %dma_wait3A_619 : memref<1x128x64xbf16, #tpu.memory_space<vmem>> -> memref<128x64xbf16, #tpu.memory_space<vmem>>
        %dma_wait3A_621 = arith.constant 0 : i32
        %dma_wait3A_622 = tpu.memref_slice %arg7[%sub3A_615, %dma_wait3A_621] : memref<84x128xi32, #tpu.memory_space<vmem>> -> memref<1x128xi32, #tpu.memory_space<vmem>>
        %dma_wait3A_623 = tpu.memref_squeeze %dma_wait3A_622 : memref<1x128xi32, #tpu.memory_space<vmem>> -> memref<128xi32, #tpu.memory_space<vmem>>
        %dma_wait3A_624 = arith.constant 0 : i32
        %dma_wait3A_625 = arith.constant 0 : i32
        %dma_wait3A_626 = tpu.memref_slice %arg9[%dma_wait3A_624, %dma_wait3A_625] : memref<10240x64xbf16, #tpu.memory_space<vmem_shared>> -> memref<10240x64xbf16, #tpu.memory_space<vmem_shared>>
        tpu.wait_indirect_dma semaphore(%arg27 : memref<!tpu.dma_semaphore, #tpu.memory_space<semaphore_mem>>) src(%dma_wait3A_620 : memref<128x64xbf16, #tpu.memory_space<vmem>>) dst(%dma_wait3A_626 : memref<10240x64xbf16, #tpu.memory_space<vmem_shared>>)
      } else {
      }
      %lt3A_610 = arith.constant 84 : i32
      %lt3A_611 = arith.cmpi slt, %add3A_604, %lt3A_610 : i32
      %convert_element_type3A_612 = arith.extui %lt3A_611 : i1 to i32
      %cond3A_613 = arith.constant 0 : i32
      %cond3A_614 = arith.cmpi ne, %convert_element_type3A_612, %cond3A_613 : i32
      scf.if %cond3A_614 {
        %dma_start3A_615 = arith.constant 5 : i32
        %dma_start3A_616 = arith.constant 0 : i32
        %dma_start3A_617 = arith.constant 0 : i32
        %dma_start3A_618 = tpu.memref_slice %arg8[%dma_start3A_615, %dma_start3A_616, %dma_start3A_617] : memref<12x128x64xbf16, #tpu.memory_space<vmem>> -> memref<1x128x64xbf16, #tpu.memory_space<vmem>>
        %dma_start3A_619 = tpu.memref_squeeze %dma_start3A_618 : memref<1x128x64xbf16, #tpu.memory_space<vmem>> -> memref<128x64xbf16, #tpu.memory_space<vmem>>
        %dma_start3A_620 = arith.constant 0 : i32
        %dma_start3A_621 = tpu.memref_slice %arg6[%add3A_604, %dma_start3A_620] : memref<84x128xi32, #tpu.memory_space<vmem>> -> memref<1x128xi32, #tpu.memory_space<vmem>>
        %dma_start3A_622 = tpu.memref_squeeze %dma_start3A_621 : memref<1x128xi32, #tpu.memory_space<vmem>> -> memref<128xi32, #tpu.memory_space<vmem>>
        %dma_start3A_623 = arith.constant 0 : i32
        %dma_start3A_624 = arith.constant 0 : i32
        %dma_start3A_625 = tpu.memref_slice %arg2[%dma_start3A_623, %dma_start3A_624] : memref<10240x64xbf16, #tpu.memory_space<hbm>> -> memref<10240x64xbf16, #tpu.memory_space<hbm>>
        tpu.enqueue_indirect_dma source(%dma_start3A_625 : memref<10240x64xbf16, #tpu.memory_space<hbm>>) target(%dma_start3A_619 : memref<128x64xbf16, #tpu.memory_space<vmem>>) offsets(%dma_start3A_622 : memref<128xi32, #tpu.memory_space<vmem>>) semaphore(%arg15 : memref<!tpu.dma_semaphore, #tpu.memory_space<semaphore_mem>>)
      } else {
      }
    }
    %scan3A_85 = arith.constant 7 : i32
    %dma_wait3A_86 = arith.constant 6 : i32
    %dma_wait3A_87 = arith.constant 78 : i32
    %dma_wait3A_88 = arith.constant 0 : i32
    %dma_wait3A_89 = arith.constant 0 : i32
    %dma_wait3A_90 = tpu.memref_slice %arg8[%dma_wait3A_86, %dma_wait3A_88, %dma_wait3A_89] : memref<12x128x64xbf16, #tpu.memory_space<vmem>> -> memref<1x128x64xbf16, #tpu.memory_space<vmem>>
    %dma_wait3A_91 = tpu.memref_squeeze %dma_wait3A_90 : memref<1x128x64xbf16, #tpu.memory_space<vmem>> -> memref<128x64xbf16, #tpu.memory_space<vmem>>
    %dma_wait3A_92 = arith.constant 0 : i32
    %dma_wait3A_93 = tpu.memref_slice %arg7[%dma_wait3A_87, %dma_wait3A_92] : memref<84x128xi32, #tpu.memory_space<vmem>> -> memref<1x128xi32, #tpu.memory_space<vmem>>
    %dma_wait3A_94 = tpu.memref_squeeze %dma_wait3A_93 : memref<1x128xi32, #tpu.memory_space<vmem>> -> memref<128xi32, #tpu.memory_space<vmem>>
    %dma_wait3A_95 = arith.constant 0 : i32
    %dma_wait3A_96 = arith.constant 0 : i32
    %dma_wait3A_97 = tpu.memref_slice %arg9[%dma_wait3A_95, %dma_wait3A_96] : memref<10240x64xbf16, #tpu.memory_space<vmem_shared>> -> memref<10240x64xbf16, #tpu.memory_space<vmem_shared>>
    tpu.wait_indirect_dma semaphore(%arg28 : memref<!tpu.dma_semaphore, #tpu.memory_space<semaphore_mem>>) src(%dma_wait3A_91 : memref<128x64xbf16, #tpu.memory_space<vmem>>) dst(%dma_wait3A_97 : memref<10240x64xbf16, #tpu.memory_space<vmem_shared>>)
    %dma_wait3A_98 = arith.constant 7 : i32
    %dma_wait3A_99 = arith.constant 79 : i32
    %dma_wait3A_100 = arith.constant 0 : i32
    %dma_wait3A_101 = arith.constant 0 : i32
    %dma_wait3A_102 = tpu.memref_slice %arg8[%dma_wait3A_98, %dma_wait3A_100, %dma_wait3A_101] : memref<12x128x64xbf16, #tpu.memory_space<vmem>> -> memref<1x128x64xbf16, #tpu.memory_space<vmem>>
    %dma_wait3A_103 = tpu.memref_squeeze %dma_wait3A_102 : memref<1x128x64xbf16, #tpu.memory_space<vmem>> -> memref<128x64xbf16, #tpu.memory_space<vmem>>
    %dma_wait3A_104 = arith.constant 0 : i32
    %dma_wait3A_105 = tpu.memref_slice %arg7[%dma_wait3A_99, %dma_wait3A_104] : memref<84x128xi32, #tpu.memory_space<vmem>> -> memref<1x128xi32, #tpu.memory_space<vmem>>
    %dma_wait3A_106 = tpu.memref_squeeze %dma_wait3A_105 : memref<1x128xi32, #tpu.memory_space<vmem>> -> memref<128xi32, #tpu.memory_space<vmem>>
    %dma_wait3A_107 = arith.constant 0 : i32
    %dma_wait3A_108 = arith.constant 0 : i32
    %dma_wait3A_109 = tpu.memref_slice %arg9[%dma_wait3A_107, %dma_wait3A_108] : memref<10240x64xbf16, #tpu.memory_space<vmem_shared>> -> memref<10240x64xbf16, #tpu.memory_space<vmem_shared>>
    tpu.wait_indirect_dma semaphore(%arg29 : memref<!tpu.dma_semaphore, #tpu.memory_space<semaphore_mem>>) src(%dma_wait3A_103 : memref<128x64xbf16, #tpu.memory_space<vmem>>) dst(%dma_wait3A_109 : memref<10240x64xbf16, #tpu.memory_space<vmem_shared>>)
    %dma_wait3A_110 = arith.constant 8 : i32
    %dma_wait3A_111 = arith.constant 80 : i32
    %dma_wait3A_112 = arith.constant 0 : i32
    %dma_wait3A_113 = arith.constant 0 : i32
    %dma_wait3A_114 = tpu.memref_slice %arg8[%dma_wait3A_110, %dma_wait3A_112, %dma_wait3A_113] : memref<12x128x64xbf16, #tpu.memory_space<vmem>> -> memref<1x128x64xbf16, #tpu.memory_space<vmem>>
    %dma_wait3A_115 = tpu.memref_squeeze %dma_wait3A_114 : memref<1x128x64xbf16, #tpu.memory_space<vmem>> -> memref<128x64xbf16, #tpu.memory_space<vmem>>
    %dma_wait3A_116 = arith.constant 0 : i32
    %dma_wait3A_117 = tpu.memref_slice %arg7[%dma_wait3A_111, %dma_wait3A_116] : memref<84x128xi32, #tpu.memory_space<vmem>> -> memref<1x128xi32, #tpu.memory_space<vmem>>
    %dma_wait3A_118 = tpu.memref_squeeze %dma_wait3A_117 : memref<1x128xi32, #tpu.memory_space<vmem>> -> memref<128xi32, #tpu.memory_space<vmem>>
    %dma_wait3A_119 = arith.constant 0 : i32
    %dma_wait3A_120 = arith.constant 0 : i32
    %dma_wait3A_121 = tpu.memref_slice %arg9[%dma_wait3A_119, %dma_wait3A_120] : memref<10240x64xbf16, #tpu.memory_space<vmem_shared>> -> memref<10240x64xbf16, #tpu.memory_space<vmem_shared>>
    tpu.wait_indirect_dma semaphore(%arg30 : memref<!tpu.dma_semaphore, #tpu.memory_space<semaphore_mem>>) src(%dma_wait3A_115 : memref<128x64xbf16, #tpu.memory_space<vmem>>) dst(%dma_wait3A_121 : memref<10240x64xbf16, #tpu.memory_space<vmem_shared>>)
    %dma_wait3A_122 = arith.constant 9 : i32
    %dma_wait3A_123 = arith.constant 81 : i32
    %dma_wait3A_124 = arith.constant 0 : i32
    %dma_wait3A_125 = arith.constant 0 : i32
    %dma_wait3A_126 = tpu.memref_slice %arg8[%dma_wait3A_122, %dma_wait3A_124, %dma_wait3A_125] : memref<12x128x64xbf16, #tpu.memory_space<vmem>> -> memref<1x128x64xbf16, #tpu.memory_space<vmem>>
    %dma_wait3A_127 = tpu.memref_squeeze %dma_wait3A_126 : memref<1x128x64xbf16, #tpu.memory_space<vmem>> -> memref<128x64xbf16, #tpu.memory_space<vmem>>
    %dma_wait3A_128 = arith.constant 0 : i32
    %dma_wait3A_129 = tpu.memref_slice %arg7[%dma_wait3A_123, %dma_wait3A_128] : memref<84x128xi32, #tpu.memory_space<vmem>> -> memref<1x128xi32, #tpu.memory_space<vmem>>
    %dma_wait3A_130 = tpu.memref_squeeze %dma_wait3A_129 : memref<1x128xi32, #tpu.memory_space<vmem>> -> memref<128xi32, #tpu.memory_space<vmem>>
    %dma_wait3A_131 = arith.constant 0 : i32
    %dma_wait3A_132 = arith.constant 0 : i32
    %dma_wait3A_133 = tpu.memref_slice %arg9[%dma_wait3A_131, %dma_wait3A_132] : memref<10240x64xbf16, #tpu.memory_space<vmem_shared>> -> memref<10240x64xbf16, #tpu.memory_space<vmem_shared>>
    tpu.wait_indirect_dma semaphore(%arg31 : memref<!tpu.dma_semaphore, #tpu.memory_space<semaphore_mem>>) src(%dma_wait3A_127 : memref<128x64xbf16, #tpu.memory_space<vmem>>) dst(%dma_wait3A_133 : memref<10240x64xbf16, #tpu.memory_space<vmem_shared>>)
    %dma_wait3A_134 = arith.constant 10 : i32
    %dma_wait3A_135 = arith.constant 82 : i32
    %dma_wait3A_136 = arith.constant 0 : i32
    %dma_wait3A_137 = arith.constant 0 : i32
    %dma_wait3A_138 = tpu.memref_slice %arg8[%dma_wait3A_134, %dma_wait3A_136, %dma_wait3A_137] : memref<12x128x64xbf16, #tpu.memory_space<vmem>> -> memref<1x128x64xbf16, #tpu.memory_space<vmem>>
    %dma_wait3A_139 = tpu.memref_squeeze %dma_wait3A_138 : memref<1x128x64xbf16, #tpu.memory_space<vmem>> -> memref<128x64xbf16, #tpu.memory_space<vmem>>
    %dma_wait3A_140 = arith.constant 0 : i32
    %dma_wait3A_141 = tpu.memref_slice %arg7[%dma_wait3A_135, %dma_wait3A_140] : memref<84x128xi32, #tpu.memory_space<vmem>> -> memref<1x128xi32, #tpu.memory_space<vmem>>
    %dma_wait3A_142 = tpu.memref_squeeze %dma_wait3A_141 : memref<1x128xi32, #tpu.memory_space<vmem>> -> memref<128xi32, #tpu.memory_space<vmem>>
    %dma_wait3A_143 = arith.constant 0 : i32
    %dma_wait3A_144 = arith.constant 0 : i32
    %dma_wait3A_145 = tpu.memref_slice %arg9[%dma_wait3A_143, %dma_wait3A_144] : memref<10240x64xbf16, #tpu.memory_space<vmem_shared>> -> memref<10240x64xbf16, #tpu.memory_space<vmem_shared>>
    tpu.wait_indirect_dma semaphore(%arg32 : memref<!tpu.dma_semaphore, #tpu.memory_space<semaphore_mem>>) src(%dma_wait3A_139 : memref<128x64xbf16, #tpu.memory_space<vmem>>) dst(%dma_wait3A_145 : memref<10240x64xbf16, #tpu.memory_space<vmem_shared>>)
    %dma_wait3A_146 = arith.constant 11 : i32
    %dma_wait3A_147 = arith.constant 83 : i32
    %dma_wait3A_148 = arith.constant 0 : i32
    %dma_wait3A_149 = arith.constant 0 : i32
    %dma_wait3A_150 = tpu.memref_slice %arg8[%dma_wait3A_146, %dma_wait3A_148, %dma_wait3A_149] : memref<12x128x64xbf16, #tpu.memory_space<vmem>> -> memref<1x128x64xbf16, #tpu.memory_space<vmem>>
    %dma_wait3A_151 = tpu.memref_squeeze %dma_wait3A_150 : memref<1x128x64xbf16, #tpu.memory_space<vmem>> -> memref<128x64xbf16, #tpu.memory_space<vmem>>
    %dma_wait3A_152 = arith.constant 0 : i32
    %dma_wait3A_153 = tpu.memref_slice %arg7[%dma_wait3A_147, %dma_wait3A_152] : memref<84x128xi32, #tpu.memory_space<vmem>> -> memref<1x128xi32, #tpu.memory_space<vmem>>
    %dma_wait3A_154 = tpu.memref_squeeze %dma_wait3A_153 : memref<1x128xi32, #tpu.memory_space<vmem>> -> memref<128xi32, #tpu.memory_space<vmem>>
    %dma_wait3A_155 = arith.constant 0 : i32
    %dma_wait3A_156 = arith.constant 0 : i32
    %dma_wait3A_157 = tpu.memref_slice %arg9[%dma_wait3A_155, %dma_wait3A_156] : memref<10240x64xbf16, #tpu.memory_space<vmem_shared>> -> memref<10240x64xbf16, #tpu.memory_space<vmem_shared>>
    tpu.wait_indirect_dma semaphore(%arg33 : memref<!tpu.dma_semaphore, #tpu.memory_space<semaphore_mem>>) src(%dma_wait3A_151 : memref<128x64xbf16, #tpu.memory_space<vmem>>) dst(%dma_wait3A_157 : memref<10240x64xbf16, #tpu.memory_space<vmem_shared>>)
    %barrier3A_158 = arith.constant 0 : index
    tpu.barrier barrier_id(%barrier3A_158)
    %mul3A_159 = arith.constant 640 : i32
    %mul3A_160 = arith.muli %arg1, %mul3A_159 : i32
    %mul3A_161 = arith.constant 640 : i32
    %mul3A_162 = arith.muli %arg1, %mul3A_161 : i32
    "tpu.region"() ({
      %run_scoped3A = tpu.sem_alloc : memref<!tpu.dma_semaphore, #tpu.memory_space<semaphore_mem>>
      %dma_start3A_163 = arith.constant 0 : i32
      %dma_start3A_164 = tpu.memref_slice %arg5[%arg0, %mul3A_162, %dma_start3A_163] : memref<2x10240x64xbf16, #tpu.memory_space<hbm>> -> memref<1x640x64xbf16, #tpu.memory_space<hbm>>
      %dma_start3A_165 = tpu.memref_squeeze %dma_start3A_164 : memref<1x640x64xbf16, #tpu.memory_space<hbm>> -> memref<640x64xbf16, #tpu.memory_space<hbm>>
      %dma_start3A_166 = arith.constant 0 : i32
      %dma_start3A_167 = tpu.memref_slice %arg9[%mul3A_160, %dma_start3A_166] : memref<10240x64xbf16, #tpu.memory_space<vmem_shared>> -> memref<640x64xbf16, #tpu.memory_space<vmem_shared>>
      tpu.enqueue_dma source(%dma_start3A_167 : memref<640x64xbf16, #tpu.memory_space<vmem_shared>>) target(%dma_start3A_165 : memref<640x64xbf16, #tpu.memory_space<hbm>>) target_semaphore(%run_scoped3A : memref<!tpu.dma_semaphore, #tpu.memory_space<semaphore_mem>>)
      %dma_wait3A_168 = arith.constant 0 : i32
      %dma_wait3A_169 = tpu.memref_slice %arg5[%arg0, %mul3A_162, %dma_wait3A_168] : memref<2x10240x64xbf16, #tpu.memory_space<hbm>> -> memref<1x640x64xbf16, #tpu.memory_space<hbm>>
      %dma_wait3A_170 = tpu.memref_squeeze %dma_wait3A_169 : memref<1x640x64xbf16, #tpu.memory_space<hbm>> -> memref<640x64xbf16, #tpu.memory_space<hbm>>
      %dma_wait3A_171 = arith.constant 0 : i32
      %dma_wait3A_172 = tpu.memref_slice %arg9[%mul3A_160, %dma_wait3A_171] : memref<10240x64xbf16, #tpu.memory_space<vmem_shared>> -> memref<640x64xbf16, #tpu.memory_space<vmem_shared>>
      tpu.wait_dma2 semaphore(%run_scoped3A : memref<!tpu.dma_semaphore, #tpu.memory_space<semaphore_mem>>) src(%dma_wait3A_172 : memref<640x64xbf16, #tpu.memory_space<vmem_shared>>) dst(%dma_wait3A_170 : memref<640x64xbf16, #tpu.memory_space<hbm>>)
      tpu.yield
    }) : () -> ()
    return
  }
}

module attributes {stable_mosaic.version = 14 : i64} {
  func.func @_prep_body(%arg0: i32, %arg1: memref<2048x128xf32, #tpu.memory_space<vmem>>, %arg2: memref<128x64xf32, #tpu.memory_space<vmem>>, %arg3: memref<2x2048xf32, #tpu.memory_space<vmem>>, %arg4: memref<2048x64xbf16, #tpu.memory_space<vmem>>, %arg5: memref<2048x1xf32, #tpu.memory_space<vmem>>) attributes {dimension_semantics = [#tpu.dimension_semantics<arbitrary>], iteration_bounds = array<i64: 5>, scalar_prefetch = 0 : i64, scratch_operands = 0 : i64, tpu.core_type = #tpu.core_type<tc>, window_params = [{transform_indices = @transform_0, window_bounds = array<i64: 2048, 128>}, {pipeline_mode = #tpu.pipeline_mode<synchronous>, transform_indices = @transform_1, window_bounds = array<i64: 128, 64>}, {transform_indices = @transform_2, window_bounds = array<i64: 2, 2048>}, {transform_indices = @transform_3, window_bounds = array<i64: 2048, 64>}, {transform_indices = @transform_4, window_bounds = array<i64: 2048, 1>}]} {
    %get3A = arith.constant 0 : index
    %get3A_0 = arith.constant 0 : index
    %get3A_1 = vector.load %arg3[%get3A, %get3A_0] : memref<2x2048xf32, #tpu.memory_space<vmem>>, vector<1x2048xf32>
    %get3A_2 = arith.constant 1 : index
    %get3A_3 = arith.constant 0 : index
    %get3A_4 = vector.load %arg3[%get3A_2, %get3A_3] : memref<2x2048xf32, #tpu.memory_space<vmem>>, vector<1x2048xf32>
    %add3A = arith.addf %get3A_1, %get3A_4 : vector<1x2048xf32>
    %add3A_5 = arith.constant 1.000000e+00 : f32
    %add3A_6 = vector.broadcast %add3A_5 : f32 to vector<1x2048xf32>
    %add3A_7 = arith.addf %add3A, %add3A_6 : vector<1x2048xf32>
    %reshape3A = vector.shape_cast %add3A_7 : vector<1x2048xf32> to vector<2048x1xf32>
    %rsqrt3A = math.rsqrt %reshape3A : vector<2048x1xf32>
    %get3A_8 = arith.constant 0 : index
    %get3A_9 = arith.constant 0 : index
    %get3A_10 = vector.load %arg1[%get3A_8, %get3A_9] : memref<2048x128xf32, #tpu.memory_space<vmem>>, vector<2048x128xf32>
    %get3A_11 = arith.constant 0 : index
    %get3A_12 = arith.constant 0 : index
    %get3A_13 = vector.load %arg2[%get3A_11, %get3A_12] : memref<128x64xf32, #tpu.memory_space<vmem>>, vector<128x64xf32>
    %dot_general3A = arith.constant dense<0.000000e+00> : vector<2048x64xf32>
    %dot_general3A_14 = tpu.matmul %get3A_10, %get3A_13, %dot_general3A {dimension_numbers = #tpu.dot_dimension_numbers<[1], [0], [0], [1], [0, 0, 1, 1], [], []>, transpose_lhs_hint = false} : vector<2048x128xf32>, vector<128x64xf32>, vector<2048x64xf32> -> vector<2048x64xf32>
    %mul3A = arith.constant 2048 : i32
    %mul3A_15 = arith.muli %arg0, %mul3A : i32
    %iota3A = tpu.iota {dimensions = array<i32: 0>} : vector<2048x1xi32>
    %add3A_16 = vector.broadcast %mul3A_15 : i32 to vector<2048x1xi32>
    %add3A_17 = arith.addi %add3A_16, %iota3A : vector<2048x1xi32>
    %lt3A = arith.constant 10000 : i32
    %lt3A_18 = vector.broadcast %lt3A : i32 to vector<2048x1xi32>
    %lt3A_19 = arith.cmpi slt, %add3A_17, %lt3A_18 : vector<2048x1xi32>
    %mul3A_20 = vector.broadcast %rsqrt3A : vector<2048x1xf32> to vector<2048x64xf32>
    %mul3A_21 = arith.mulf %mul3A_20, %dot_general3A_14 : vector<2048x64xf32>
    %jit3A = arith.constant 0.000000e+00 : f32
    %broadcast_in_dim3A = vector.shape_cast %lt3A_19 : vector<2048x1xi1> to vector<2048x1xi1>
    %broadcast_in_dim3A_22 = vector.broadcast %broadcast_in_dim3A : vector<2048x1xi1> to vector<2048x64xi1>
    %broadcast_in_dim3A_23 = vector.broadcast %jit3A : f32 to vector<2048x64xf32>
    %select_n3A = arith.select %broadcast_in_dim3A_22, %mul3A_21, %broadcast_in_dim3A_23 : vector<2048x64xi1>, vector<2048x64xf32>
    %convert_element_type3A = arith.truncf %select_n3A : vector<2048x64xf32> to vector<2048x64xbf16>
    %swap3A = arith.constant 0 : index
    %swap3A_24 = arith.constant 0 : index
    %swap3A_25 = vector.load %arg4[%swap3A, %swap3A_24] : memref<2048x64xbf16, #tpu.memory_space<vmem>>, vector<2048x64xbf16>
    tpu.vector_store %arg4[%swap3A, %swap3A_24], %convert_element_type3A {strides = array<i32>} : memref<2048x64xbf16, #tpu.memory_space<vmem>>, vector<2048x64xbf16>,
    %jit3A_26 = arith.constant 1.000000e+00 : f32
    %broadcast_in_dim3A_27 = vector.broadcast %jit3A_26 : f32 to vector<2048x1xf32>
    %select_n3A_28 = arith.select %lt3A_19, %rsqrt3A, %broadcast_in_dim3A_27 : vector<2048x1xi1>, vector<2048x1xf32>
    %swap3A_29 = arith.constant 0 : index
    %swap3A_30 = arith.constant 0 : index
    %swap3A_31 = vector.load %arg5[%swap3A_29, %swap3A_30] : memref<2048x1xf32, #tpu.memory_space<vmem>>, vector<2048x1xf32>
    tpu.vector_store %arg5[%swap3A_29, %swap3A_30], %select_n3A_28 {strides = array<i32>} : memref<2048x1xf32, #tpu.memory_space<vmem>>, vector<2048x1xf32>,
    return
  }
  func.func @transform_0(%arg0: i32) -> (i32, i32) {
    %c0_i32 = arith.constant 0 : i32
    %c0_i32_0 = arith.constant 0 : i32
    return %arg0, %c0_i32 : i32, i32
  }
  func.func @transform_1(%arg0: i32) -> (i32, i32) {
    %c0_i32 = arith.constant 0 : i32
    %c0_i32_0 = arith.constant 0 : i32
    %c0_i32_1 = arith.constant 0 : i32
    return %c0_i32, %c0_i32_0 : i32, i32
  }
  func.func @transform_2(%arg0: i32) -> (i32, i32) {
    %c0_i32 = arith.constant 0 : i32
    %c0_i32_0 = arith.constant 0 : i32
    return %c0_i32, %arg0 : i32, i32
  }
  func.func @transform_3(%arg0: i32) -> (i32, i32) {
    %c0_i32 = arith.constant 0 : i32
    %c0_i32_0 = arith.constant 0 : i32
    return %arg0, %c0_i32 : i32, i32
  }
  func.func @transform_4(%arg0: i32) -> (i32, i32) {
    %c0_i32 = arith.constant 0 : i32
    %c0_i32_0 = arith.constant 0 : i32
    return %arg0, %c0_i32 : i32, i32
  }
}

module attributes {stable_mosaic.version = 14 : i64} {
  func.func @_mid_body(%arg0: i32, %arg1: memref<2x2048x64xbf16, #tpu.memory_space<vmem>>, %arg2: memref<2048x64xbf16, #tpu.memory_space<vmem>>, %arg3: memref<2048x1xf32, #tpu.memory_space<vmem>>, %arg4: memref<1x64xf32, #tpu.memory_space<vmem>>, %arg5: memref<64x64xf32, #tpu.memory_space<vmem>>, %arg6: memref<2048x64xbf16, #tpu.memory_space<vmem>>) attributes {dimension_semantics = [#tpu.dimension_semantics<arbitrary>], iteration_bounds = array<i64: 5>, scalar_prefetch = 0 : i64, scratch_operands = 0 : i64, tpu.core_type = #tpu.core_type<tc>, window_params = [{transform_indices = @transform_0, window_bounds = array<i64: 2, 2048, 64>}, {transform_indices = @transform_1, window_bounds = array<i64: 2048, 64>}, {transform_indices = @transform_2, window_bounds = array<i64: 2048, 1>}, {pipeline_mode = #tpu.pipeline_mode<synchronous>, transform_indices = @transform_3, window_bounds = array<i64: 1, 64>}, {pipeline_mode = #tpu.pipeline_mode<synchronous>, transform_indices = @transform_4, window_bounds = array<i64: 64, 64>}, {transform_indices = @transform_5, window_bounds = array<i64: 2048, 64>}]} {
    %get3A = arith.constant 0 : index
    %get3A_0 = arith.constant 0 : index
    %get3A_1 = arith.constant 0 : index
    %get3A_2 = vector.load %arg1[%get3A, %get3A_0, %get3A_1] : memref<2x2048x64xbf16, #tpu.memory_space<vmem>>, vector<1x2048x64xbf16>
    %get3A_3 = vector.shape_cast %get3A_2 : vector<1x2048x64xbf16> to vector<2048x64xbf16>
    %convert_element_type3A = arith.extf %get3A_3 : vector<2048x64xbf16> to vector<2048x64xf32>
    %get3A_4 = arith.constant 1 : index
    %get3A_5 = arith.constant 0 : index
    %get3A_6 = arith.constant 0 : index
    %get3A_7 = vector.load %arg1[%get3A_4, %get3A_5, %get3A_6] : memref<2x2048x64xbf16, #tpu.memory_space<vmem>>, vector<1x2048x64xbf16>
    %get3A_8 = vector.shape_cast %get3A_7 : vector<1x2048x64xbf16> to vector<2048x64xbf16>
    %convert_element_type3A_9 = arith.extf %get3A_8 : vector<2048x64xbf16> to vector<2048x64xf32>
    %add3A = arith.addf %convert_element_type3A, %convert_element_type3A_9 : vector<2048x64xf32>
    %get3A_10 = arith.constant 0 : index
    %get3A_11 = arith.constant 0 : index
    %get3A_12 = vector.load %arg2[%get3A_10, %get3A_11] : memref<2048x64xbf16, #tpu.memory_space<vmem>>, vector<2048x64xbf16>
    %convert_element_type3A_13 = arith.extf %get3A_12 : vector<2048x64xbf16> to vector<2048x64xf32>
    %sub3A = arith.subf %add3A, %convert_element_type3A_13 : vector<2048x64xf32>
    %get3A_14 = arith.constant 0 : index
    %get3A_15 = arith.constant 0 : index
    %get3A_16 = vector.load %arg3[%get3A_14, %get3A_15] : memref<2048x1xf32, #tpu.memory_space<vmem>>, vector<2048x1xf32>
    %mul3A = vector.broadcast %get3A_16 : vector<2048x1xf32> to vector<2048x64xf32>
    %mul3A_17 = arith.mulf %mul3A, %sub3A : vector<2048x64xf32>
    %get3A_18 = arith.constant 0 : index
    %get3A_19 = arith.constant 0 : index
    %get3A_20 = vector.load %arg4[%get3A_18, %get3A_19] : memref<1x64xf32, #tpu.memory_space<vmem>>, vector<1x64xf32>
    %add3A_21 = vector.broadcast %get3A_20 : vector<1x64xf32> to vector<2048x64xf32>
    %add3A_22 = arith.addf %mul3A_17, %add3A_21 : vector<2048x64xf32>
    %max3A = arith.constant 0.000000e+00 : f32
    %max3A_23 = vector.broadcast %max3A : f32 to vector<2048x64xf32>
    %max3A_24 = arith.maximumf %add3A_22, %max3A_23 : vector<2048x64xf32>
    %get3A_25 = arith.constant 0 : index
    %get3A_26 = arith.constant 0 : index
    %get3A_27 = vector.load %arg5[%get3A_25, %get3A_26] : memref<64x64xf32, #tpu.memory_space<vmem>>, vector<64x64xf32>
    %dot_general3A = arith.constant dense<0.000000e+00> : vector<2048x64xf32>
    %dot_general3A_28 = tpu.matmul %max3A_24, %get3A_27, %dot_general3A {dimension_numbers = #tpu.dot_dimension_numbers<[1], [0], [0], [1], [0, 0, 1, 1], [], []>, transpose_lhs_hint = false} : vector<2048x64xf32>, vector<64x64xf32>, vector<2048x64xf32> -> vector<2048x64xf32>
    %mul3A_29 = arith.constant 2048 : i32
    %mul3A_30 = arith.muli %arg0, %mul3A_29 : i32
    %iota3A = tpu.iota {dimensions = array<i32: 0>} : vector<2048x1xi32>
    %add3A_31 = vector.broadcast %mul3A_30 : i32 to vector<2048x1xi32>
    %add3A_32 = arith.addi %add3A_31, %iota3A : vector<2048x1xi32>
    %lt3A = arith.constant 10000 : i32
    %lt3A_33 = vector.broadcast %lt3A : i32 to vector<2048x1xi32>
    %lt3A_34 = arith.cmpi slt, %add3A_32, %lt3A_33 : vector<2048x1xi32>
    %get3A_35 = arith.constant 0 : index
    %get3A_36 = arith.constant 0 : index
    %get3A_37 = vector.load %arg3[%get3A_35, %get3A_36] : memref<2048x1xf32, #tpu.memory_space<vmem>>, vector<2048x1xf32>
    %mul3A_38 = vector.broadcast %get3A_37 : vector<2048x1xf32> to vector<2048x64xf32>
    %mul3A_39 = arith.mulf %mul3A_38, %dot_general3A_28 : vector<2048x64xf32>
    %jit3A = arith.constant 0.000000e+00 : f32
    %broadcast_in_dim3A = vector.shape_cast %lt3A_34 : vector<2048x1xi1> to vector<2048x1xi1>
    %broadcast_in_dim3A_40 = vector.broadcast %broadcast_in_dim3A : vector<2048x1xi1> to vector<2048x64xi1>
    %broadcast_in_dim3A_41 = vector.broadcast %jit3A : f32 to vector<2048x64xf32>
    %select_n3A = arith.select %broadcast_in_dim3A_40, %mul3A_39, %broadcast_in_dim3A_41 : vector<2048x64xi1>, vector<2048x64xf32>
    %convert_element_type3A_42 = arith.truncf %select_n3A : vector<2048x64xf32> to vector<2048x64xbf16>
    %swap3A = arith.constant 0 : index
    %swap3A_43 = arith.constant 0 : index
    %swap3A_44 = vector.load %arg6[%swap3A, %swap3A_43] : memref<2048x64xbf16, #tpu.memory_space<vmem>>, vector<2048x64xbf16>
    tpu.vector_store %arg6[%swap3A, %swap3A_43], %convert_element_type3A_42 {strides = array<i32>} : memref<2048x64xbf16, #tpu.memory_space<vmem>>, vector<2048x64xbf16>,
    return
  }
  func.func @transform_0(%arg0: i32) -> (i32, i32, i32) {
    %c0_i32 = arith.constant 0 : i32
    %c0_i32_0 = arith.constant 0 : i32
    %c0_i32_1 = arith.constant 0 : i32
    return %c0_i32, %arg0, %c0_i32_0 : i32, i32, i32
  }
  func.func @transform_1(%arg0: i32) -> (i32, i32) {
    %c0_i32 = arith.constant 0 : i32
    %c0_i32_0 = arith.constant 0 : i32
    return %arg0, %c0_i32 : i32, i32
  }
  func.func @transform_2(%arg0: i32) -> (i32, i32) {
    %c0_i32 = arith.constant 0 : i32
    %c0_i32_0 = arith.constant 0 : i32
    return %arg0, %c0_i32 : i32, i32
  }
  func.func @transform_3(%arg0: i32) -> (i32, i32) {
    %c0_i32 = arith.constant 0 : i32
    %c0_i32_0 = arith.constant 0 : i32
    %c0_i32_1 = arith.constant 0 : i32
    return %c0_i32, %c0_i32_0 : i32, i32
  }
  func.func @transform_4(%arg0: i32) -> (i32, i32) {
    %c0_i32 = arith.constant 0 : i32
    %c0_i32_0 = arith.constant 0 : i32
    %c0_i32_1 = arith.constant 0 : i32
    return %c0_i32, %c0_i32_0 : i32, i32
  }
  func.func @transform_5(%arg0: i32) -> (i32, i32) {
    %c0_i32 = arith.constant 0 : i32
    %c0_i32_0 = arith.constant 0 : i32
    return %arg0, %c0_i32 : i32, i32
  }
}

module attributes {stable_mosaic.version = 14 : i64} {
  func.func @_final_body(%arg0: i32, %arg1: memref<2x2048x64xbf16, #tpu.memory_space<vmem>>, %arg2: memref<2048x64xbf16, #tpu.memory_space<vmem>>, %arg3: memref<2048x1xf32, #tpu.memory_space<vmem>>, %arg4: memref<1x64xf32, #tpu.memory_space<vmem>>, %arg5: memref<1x2048xi32, #tpu.memory_space<vmem>>, %arg6: memref<64x10xf32, #tpu.memory_space<vmem>>, %arg7: memref<1x10xf32, #tpu.memory_space<vmem>>, %arg8: memref<64x10xf32, #tpu.memory_space<vmem>>, %arg9: memref<64x64xf32, #tpu.memory_space<vmem>>, %arg10: memref<64x1xf32, #tpu.memory_space<vmem>>) attributes {dimension_semantics = [#tpu.dimension_semantics<arbitrary>], iteration_bounds = array<i64: 5>, scalar_prefetch = 0 : i64, scratch_operands = 2 : i64, tpu.core_type = #tpu.core_type<tc>, window_params = [{transform_indices = @transform_0, window_bounds = array<i64: 2, 2048, 64>}, {transform_indices = @transform_1, window_bounds = array<i64: 2048, 64>}, {transform_indices = @transform_2, window_bounds = array<i64: 2048, 1>}, {pipeline_mode = #tpu.pipeline_mode<synchronous>, transform_indices = @transform_3, window_bounds = array<i64: 1, 64>}, {transform_indices = @transform_4, window_bounds = array<i64: 1, 2048>}, {pipeline_mode = #tpu.pipeline_mode<synchronous>, transform_indices = @transform_5, window_bounds = array<i64: 64, 10>}, {pipeline_mode = #tpu.pipeline_mode<synchronous>, transform_indices = @transform_6, window_bounds = array<i64: 1, 10>}, {pipeline_mode = #tpu.pipeline_mode<synchronous>, transform_indices = @transform_7, window_bounds = array<i64: 64, 10>}]} {
    %eq3A = arith.constant 0 : i32
    %eq3A_0 = arith.cmpi eq, %arg0, %eq3A : i32
    %convert_element_type3A = arith.extui %eq3A_0 : i1 to i32
    %cond3A = arith.constant 0 : i32
    %cond3A_1 = arith.cmpi ne, %convert_element_type3A, %cond3A : i32
    scf.if %cond3A_1 {
      %broadcast_in_dim3A_60 = arith.constant 0.000000e+00 : f32
      %broadcast_in_dim3A_61 = vector.broadcast %broadcast_in_dim3A_60 : f32 to vector<64x64xf32>
      %swap3A_62 = arith.constant 0 : index
      %swap3A_63 = arith.constant 0 : index
      %swap3A_64 = vector.load %arg9[%swap3A_62, %swap3A_63] : memref<64x64xf32, #tpu.memory_space<vmem>>, vector<64x64xf32>
      tpu.vector_store %arg9[%swap3A_62, %swap3A_63], %broadcast_in_dim3A_61 {strides = array<i32>} : memref<64x64xf32, #tpu.memory_space<vmem>>, vector<64x64xf32>,
      %broadcast_in_dim3A_65 = arith.constant 0.000000e+00 : f32
      %broadcast_in_dim3A_66 = vector.broadcast %broadcast_in_dim3A_65 : f32 to vector<64x1xf32>
      %swap3A_67 = arith.constant 0 : index
      %swap3A_68 = arith.constant 0 : index
      %swap3A_69 = vector.load %arg10[%swap3A_67, %swap3A_68] : memref<64x1xf32, #tpu.memory_space<vmem>>, vector<64x1xf32>
      tpu.vector_store %arg10[%swap3A_67, %swap3A_68], %broadcast_in_dim3A_66 {strides = array<i32>} : memref<64x1xf32, #tpu.memory_space<vmem>>, vector<64x1xf32>,
    } else {
    }
    %get3A = arith.constant 0 : index
    %get3A_2 = arith.constant 0 : index
    %get3A_3 = arith.constant 0 : index
    %get3A_4 = vector.load %arg1[%get3A, %get3A_2, %get3A_3] : memref<2x2048x64xbf16, #tpu.memory_space<vmem>>, vector<1x2048x64xbf16>
    %get3A_5 = vector.shape_cast %get3A_4 : vector<1x2048x64xbf16> to vector<2048x64xbf16>
    %convert_element_type3A_6 = arith.extf %get3A_5 : vector<2048x64xbf16> to vector<2048x64xf32>
    %get3A_7 = arith.constant 1 : index
    %get3A_8 = arith.constant 0 : index
    %get3A_9 = arith.constant 0 : index
    %get3A_10 = vector.load %arg1[%get3A_7, %get3A_8, %get3A_9] : memref<2x2048x64xbf16, #tpu.memory_space<vmem>>, vector<1x2048x64xbf16>
    %get3A_11 = vector.shape_cast %get3A_10 : vector<1x2048x64xbf16> to vector<2048x64xbf16>
    %convert_element_type3A_12 = arith.extf %get3A_11 : vector<2048x64xbf16> to vector<2048x64xf32>
    %add3A = arith.addf %convert_element_type3A_6, %convert_element_type3A_12 : vector<2048x64xf32>
    %get3A_13 = arith.constant 0 : index
    %get3A_14 = arith.constant 0 : index
    %get3A_15 = vector.load %arg2[%get3A_13, %get3A_14] : memref<2048x64xbf16, #tpu.memory_space<vmem>>, vector<2048x64xbf16>
    %convert_element_type3A_16 = arith.extf %get3A_15 : vector<2048x64xbf16> to vector<2048x64xf32>
    %sub3A = arith.subf %add3A, %convert_element_type3A_16 : vector<2048x64xf32>
    %get3A_17 = arith.constant 0 : index
    %get3A_18 = arith.constant 0 : index
    %get3A_19 = vector.load %arg3[%get3A_17, %get3A_18] : memref<2048x1xf32, #tpu.memory_space<vmem>>, vector<2048x1xf32>
    %mul3A = vector.broadcast %get3A_19 : vector<2048x1xf32> to vector<2048x64xf32>
    %mul3A_20 = arith.mulf %mul3A, %sub3A : vector<2048x64xf32>
    %get3A_21 = arith.constant 0 : index
    %get3A_22 = arith.constant 0 : index
    %get3A_23 = vector.load %arg4[%get3A_21, %get3A_22] : memref<1x64xf32, #tpu.memory_space<vmem>>, vector<1x64xf32>
    %add3A_24 = vector.broadcast %get3A_23 : vector<1x64xf32> to vector<2048x64xf32>
    %add3A_25 = arith.addf %mul3A_20, %add3A_24 : vector<2048x64xf32>
    %iota3A = tpu.iota {dimensions = array<i32: 0>} : vector<64x2048xi32>
    %mul3A_26 = arith.constant 2048 : i32
    %mul3A_27 = arith.muli %arg0, %mul3A_26 : i32
    %iota3A_28 = tpu.iota {dimensions = array<i32: 1>} : vector<64x2048xi32>
    %add3A_29 = vector.broadcast %mul3A_27 : i32 to vector<64x2048xi32>
    %add3A_30 = arith.addi %add3A_29, %iota3A_28 : vector<64x2048xi32>
    %get3A_31 = arith.constant 0 : index
    %get3A_32 = arith.constant 0 : index
    %get3A_33 = vector.load %arg5[%get3A_31, %get3A_32] : memref<1x2048xi32, #tpu.memory_space<vmem>>, vector<1x2048xi32>
    %eq3A_34 = vector.broadcast %get3A_33 : vector<1x2048xi32> to vector<64x2048xi32>
    %eq3A_35 = arith.cmpi eq, %iota3A, %eq3A_34 : vector<64x2048xi32>
    %lt3A = arith.constant 10000 : i32
    %lt3A_36 = vector.broadcast %lt3A : i32 to vector<64x2048xi32>
    %lt3A_37 = arith.cmpi slt, %add3A_30, %lt3A_36 : vector<64x2048xi32>
    %and3A = arith.andi %eq3A_35, %lt3A_37 : vector<64x2048xi1>
    %convert_element_type3A_38 = arith.extui %and3A : vector<64x2048xi1> to vector<64x2048xi32>
    %convert_element_type3A_39 = arith.sitofp %convert_element_type3A_38 : vector<64x2048xi32> to vector<64x2048xf32>
    %get3A_40 = arith.constant 0 : index
    %get3A_41 = arith.constant 0 : index
    %get3A_42 = vector.load %arg9[%get3A_40, %get3A_41] : memref<64x64xf32, #tpu.memory_space<vmem>>, vector<64x64xf32>
    %dot_general3A = arith.constant dense<0.000000e+00> : vector<64x64xf32>
    %dot_general3A_43 = tpu.matmul %convert_element_type3A_39, %add3A_25, %dot_general3A {dimension_numbers = #tpu.dot_dimension_numbers<[1], [0], [0], [1], [0, 0, 1, 1], [], []>, transpose_lhs_hint = false} : vector<64x2048xf32>, vector<2048x64xf32>, vector<64x64xf32> -> vector<64x64xf32>
    %add3A_44 = arith.addf %get3A_42, %dot_general3A_43 : vector<64x64xf32>
    %swap3A = arith.constant 0 : index
    %swap3A_45 = arith.constant 0 : index
    %swap3A_46 = vector.load %arg9[%swap3A, %swap3A_45] : memref<64x64xf32, #tpu.memory_space<vmem>>, vector<64x64xf32>
    tpu.vector_store %arg9[%swap3A, %swap3A_45], %add3A_44 {strides = array<i32>} : memref<64x64xf32, #tpu.memory_space<vmem>>, vector<64x64xf32>,
    %get3A_47 = arith.constant 0 : index
    %get3A_48 = arith.constant 0 : index
    %get3A_49 = vector.load %arg10[%get3A_47, %get3A_48] : memref<64x1xf32, #tpu.memory_space<vmem>>, vector<64x1xf32>
    %reduce_sum3A = arith.constant dense<0.000000e+00> : vector<64xf32>
    %reduce_sum3A_50 = vector.multi_reduction <add>, %convert_element_type3A_39, %reduce_sum3A [1] : vector<64x2048xf32> to vector<64xf32>
    %broadcast_in_dim3A = vector.shape_cast %reduce_sum3A_50 : vector<64xf32> to vector<64x1xf32>
    %add3A_51 = arith.addf %get3A_49, %broadcast_in_dim3A : vector<64x1xf32>
    %swap3A_52 = arith.constant 0 : index
    %swap3A_53 = arith.constant 0 : index
    %swap3A_54 = vector.load %arg10[%swap3A_52, %swap3A_53] : memref<64x1xf32, #tpu.memory_space<vmem>>, vector<64x1xf32>
    tpu.vector_store %arg10[%swap3A_52, %swap3A_53], %add3A_51 {strides = array<i32>} : memref<64x1xf32, #tpu.memory_space<vmem>>, vector<64x1xf32>,
    %eq3A_55 = arith.constant 4 : i32
    %eq3A_56 = arith.cmpi eq, %arg0, %eq3A_55 : i32
    %convert_element_type3A_57 = arith.extui %eq3A_56 : i1 to i32
    %cond3A_58 = arith.constant 0 : i32
    %cond3A_59 = arith.cmpi ne, %convert_element_type3A_57, %cond3A_58 : i32
    scf.if %cond3A_59 {
      %get3A_60 = arith.constant 0 : index
      %get3A_61 = arith.constant 0 : index
      %get3A_62 = vector.load %arg9[%get3A_60, %get3A_61] : memref<64x64xf32, #tpu.memory_space<vmem>>, vector<64x64xf32>
      %get3A_63 = arith.constant 0 : index
      %get3A_64 = arith.constant 0 : index
      %get3A_65 = vector.load %arg10[%get3A_63, %get3A_64] : memref<64x1xf32, #tpu.memory_space<vmem>>, vector<64x1xf32>
      %max3A = arith.constant 1.000000e+00 : f32
      %max3A_66 = vector.broadcast %max3A : f32 to vector<64x1xf32>
      %max3A_67 = arith.maximumf %get3A_65, %max3A_66 : vector<64x1xf32>
      %div3A = vector.broadcast %max3A_67 : vector<64x1xf32> to vector<64x64xf32>
      %div3A_68 = arith.divf %get3A_62, %div3A : vector<64x64xf32>
      %get3A_69 = arith.constant 0 : index
      %get3A_70 = arith.constant 0 : index
      %get3A_71 = vector.load %arg6[%get3A_69, %get3A_70] : memref<64x10xf32, #tpu.memory_space<vmem>>, vector<64x10xf32>
      %dot_general3A_72 = arith.constant dense<0.000000e+00> : vector<64x10xf32>
      %dot_general3A_73 = tpu.matmul %div3A_68, %get3A_71, %dot_general3A_72 {dimension_numbers = #tpu.dot_dimension_numbers<[1], [0], [0], [1], [0, 0, 1, 1], [], []>, transpose_lhs_hint = false} : vector<64x64xf32>, vector<64x10xf32>, vector<64x10xf32> -> vector<64x10xf32>
      %get3A_74 = arith.constant 0 : index
      %get3A_75 = arith.constant 0 : index
      %get3A_76 = vector.load %arg7[%get3A_74, %get3A_75] : memref<1x10xf32, #tpu.memory_space<vmem>>, vector<1x10xf32>
      %add3A_77 = vector.broadcast %get3A_76 : vector<1x10xf32> to vector<64x10xf32>
      %add3A_78 = arith.addf %dot_general3A_73, %add3A_77 : vector<64x10xf32>
      %swap3A_79 = arith.constant 0 : index
      %swap3A_80 = arith.constant 0 : index
      %swap3A_81 = vector.load %arg8[%swap3A_79, %swap3A_80] : memref<64x10xf32, #tpu.memory_space<vmem>>, vector<64x10xf32>
      tpu.vector_store %arg8[%swap3A_79, %swap3A_80], %add3A_78 {strides = array<i32>} : memref<64x10xf32, #tpu.memory_space<vmem>>, vector<64x10xf32>,
    } else {
    }
    return
  }
  func.func @transform_0(%arg0: i32) -> (i32, i32, i32) {
    %c0_i32 = arith.constant 0 : i32
    %c0_i32_0 = arith.constant 0 : i32
    %c0_i32_1 = arith.constant 0 : i32
    return %c0_i32, %arg0, %c0_i32_0 : i32, i32, i32
  }
  func.func @transform_1(%arg0: i32) -> (i32, i32) {
    %c0_i32 = arith.constant 0 : i32
    %c0_i32_0 = arith.constant 0 : i32
    return %arg0, %c0_i32 : i32, i32
  }
  func.func @transform_2(%arg0: i32) -> (i32, i32) {
    %c0_i32 = arith.constant 0 : i32
    %c0_i32_0 = arith.constant 0 : i32
    return %arg0, %c0_i32 : i32, i32
  }
  func.func @transform_3(%arg0: i32) -> (i32, i32) {
    %c0_i32 = arith.constant 0 : i32
    %c0_i32_0 = arith.constant 0 : i32
    %c0_i32_1 = arith.constant 0 : i32
    return %c0_i32, %c0_i32_0 : i32, i32
  }
  func.func @transform_4(%arg0: i32) -> (i32, i32) {
    %c0_i32 = arith.constant 0 : i32
    %c0_i32_0 = arith.constant 0 : i32
    return %c0_i32, %arg0 : i32, i32
  }
  func.func @transform_5(%arg0: i32) -> (i32, i32) {
    %c0_i32 = arith.constant 0 : i32
    %c0_i32_0 = arith.constant 0 : i32
    %c0_i32_1 = arith.constant 0 : i32
    return %c0_i32, %c0_i32_0 : i32, i32
  }
  func.func @transform_6(%arg0: i32) -> (i32, i32) {
    %c0_i32 = arith.constant 0 : i32
    %c0_i32_0 = arith.constant 0 : i32
    %c0_i32_1 = arith.constant 0 : i32
    return %c0_i32, %c0_i32_0 : i32, i32
  }
  func.func @transform_7(%arg0: i32) -> (i32, i32) {
    %c0_i32 = arith.constant 0 : i32
    %c0_i32_0 = arith.constant 0 : i32
    %c0_i32_1 = arith.constant 0 : i32
    return %c0_i32, %c0_i32_0 : i32, i32
  }
}

</mosaic_0001>

<sc_bundles>
// kernel: kernel.10.cloned.1.call-start
scs
__scs_entry_jumppad:
0x0: {  	(pc) =	sbr.rel $0x88, $3  }
0x1: {  	(tag) =	ssettag $0x0;
	lr =	simm.s32 $0x1  }
0x2: {  	[smem:$0x3F96] =	sst lr;
	_ =	strace $0xD0000000  }
0x3: {  	_ = 	snop  }
0x4: {  	_ = 	snop  }
0x5: {  	_ = 	snop  }
0x6: {  	_ = 	snop  }
0x7: {  	_ = 	snop  }
__scs_overlays_trampoline_lowered:
0x8: {  	[smem:$0x3FA5] =	sst s0  }
0x9: {  	[smem:$0x3FA6] =	sst s1  }
0xa: {  	[smem:$0x3FA7] =	sst s2  }
0xb: {  	[smem:$0x3FA8] =	sst s3  }
0xc: {  	[smem:$0x3FA9] =	sst s4  }
0xd: {  	[smem:$0x3FAA] =	sst s5  }
0xe: {  	[smem:$0x3FAB] =	sst s6  }
0xf: {  	[smem:$0x3FAC] =	sst s7  }
0x10: {  	[smem:$0x3FAD] =	sst s8  }
0x11: {  	[smem:$0x3FAE] =	sst s9;
	s0 =	simm.s32 @!p0 $0x0  }
0x12: {  	s1 =	sld [smem:$0x3F94];
	s0 =	simm.s32 @p0 $0x1  }
0x13: {  	[smem:$0x3FAF] =	sst s0;
	s0 =	simm.s32 @!p1 $0x0  }
0x14: {  	s2 =	sld [smem:$0x3F93];
	s0 =	simm.s32 @p1 $0x1  }
0x15: {  	[smem:$0x3FB0] =	sst s0;
	s0 =	simm.s32 @!p2 $0x0  }
0x16: {  	s3 =	sld [smem:$0x3FDB];
	s0 =	simm.s32 @p2 $0x1  }
0x17: {  	s4 =	simm.s32 $0x1BF5;
	[smem:$0x3FB2] =	sst s0  }
0x18: {  	s0 =	sld [smem:$0x3F95];
	_ =	swait.ge [sflag:s4], $0x0  }
0x19: {  	s7 =	sld [smem:$0x3F96]  }
0x1a: {  	s8 =	sadd.s32 $0xFFFFE003, lr  }
0x1b: {  	s9 =	sadd.s32 $0xFFFFFEF7, lr;
	s5 =	simm.s32 $0xFFFFFFFF;
	p2 =	slt.u32 s8, $0xFFFFF086  }
0x1c: {  	p1 =	slt.u32 s9, $0xF7A;
	s5 =	simm.s32 @!p2 $0x0  }
0x1d: {  	s5 =	simm.s32 @p1 $0x1;
	p0 =	seq.s32 s7, s2  }
0x1e: {  	s7 =	smul.u32 @!p0 $0xF7A, s2;
	p2 =	seq.s32 @!p0 s5, $0x0  }
0x1f: {  	s9 =	smul.u32 $0xF7A, s1;
	s8 =	simm.s32 @!p0 $0x1BF5;
	p2 =	por !p2, p0  }
0x20: {  	[sflag:s8] =	ssyncset.s32 @!p0 $0xFFFFF086;
	s6 =	sadd.s32 @!p0 s3, s7;
	s7 =	simm.s32 @!p0 $0x108  }
0x21: {  	s3 =	sadd.s32 s3, s9;
	s6 =	sadd.s32 @!p0 $0x88, s6;
	s7 =	simm.s32 @p2 $0x1082  }
0x22: {  	[simem:s7], [sflag:s8] =	dma.local @!p0 [hbm:s6], $0xF7A  }
0x23: {  	s9 =	sor.u32 $0xD0000000, s2;
	s6 =	simm.s32 $0x108;
	_ =	swait.ge @!p0 [sflag:s8], $0x0  }
0x24: {  	s3 =	sadd.s32 $0x88, s3;
	s6 =	simm.s32 @!p1 $0x1082;
	[sflag:s4] =	ssyncset.s32 $0xFFFFF086  }
0x25: {  	[simem:s6], [sflag:s4] =	dma.local [hbm:s3], $0xF7A  }
0x26: {  	[smem:$0x3F96] =	sst s1;
	(tag) =	ssettag s2;
	_ =	strace s9  }
0x27: {  	s1 =	sld [smem:$0x3FA6]  }
0x28: {  	s2 =	sld [smem:$0x3FA7]  }
0x29: {  	s4 =	sld [smem:$0x3FA9]  }
0x2a: {  	p0 =	seq.s32 s5, $0x0;
	s5 =	sld [smem:$0x3FAA]  }
0x2b: {  	s6 =	sld [smem:$0x3FAB]  }
0x2c: {  	s7 =	sld [smem:$0x3FAC]  }
0x2d: {  	s3 =	simm.s32 $0x108;
	s8 =	sld [smem:$0x3FAD]  }
0x2e: {  	s3 =	simm.s32 @!p0 $0x1082;
	s9 =	sld [smem:$0x3FAE]  }
0x2f: {  	lr =	sadd.s32 s0, s3;
	s0 =	sld [smem:$0x3FA5]  }
0x30: {  	s3 =	sld [smem:$0x3FA8]  }
0x31: {  	[smem:$0x3FB1] =	sst s10  }
0x32: {  	s10 =	sld [smem:$0x3FAF];
	_ =	sdelay $0x3  }
0x33: {  	p0 =	seq.s32 s10, $0x1;
	s10 =	sld [smem:$0x3FB1];
	_ =	sdelay $0x3  }
0x34: {  	[smem:$0x3FB1] =	sst s10  }
0x35: {  	s10 =	sld [smem:$0x3FB0];
	_ =	sdelay $0x3  }
0x36: {  	p1 =	seq.s32 s10, $0x1;
	s10 =	sld [smem:$0x3FB1];
	_ =	sdelay $0x3  }
0x37: {  	[smem:$0x3FB1] =	sst s10  }
0x38: {  	s10 =	sld [smem:$0x3FB2]  }
0x39: {  	_ = 	snop;
	(pc) =	sbr.ind lr, $3  }
0x3a: {  	_ = 	snop  }
0x3b: {  	_ = 	snop  }
0x3c: {  	p2 =	seq.s32 s10, $0x1;
	s10 =	sld [smem:$0x3FB1]  }
0x3d: {  	_ =	shalt  }
0x3e: {  	_ =	shalt  }
0x3f: {  	_ =	shalt  }
0x40: {  	_ =	shalt  }
0x41: {  	_ =	shalt  }
0x42: {  	_ =	shalt  }
0x43: {  	_ =	shalt  }
0x44: {  	_ =	shalt  }
0x45: {  	_ =	shalt  }
0x46: {  	_ =	shalt  }
0x47: {  	_ =	shalt  }
0x48: {  	_ =	shalt  }
0x49: {  	_ =	shalt  }
0x4a: {  	_ =	shalt  }
0x4b: {  	_ =	shalt  }
0x4c: {  	_ =	shalt  }
0x4d: {  	_ =	shalt  }
0x4e: {  	_ =	shalt  }
0x4f: {  	_ =	shalt  }
0x50: {  	_ =	shalt  }
0x51: {  	_ =	shalt  }
0x52: {  	_ =	shalt  }
0x53: {  	_ =	shalt  }
0x54: {  	_ =	shalt  }
0x55: {  	_ =	shalt  }
0x56: {  	_ =	shalt  }
0x57: {  	_ =	shalt  }
0x58: {  	_ =	shalt  }
0x59: {  	_ =	shalt  }
0x5a: {  	_ =	shalt  }
0x5b: {  	_ =	shalt  }
0x5c: {  	_ =	shalt  }
0x5d: {  	_ =	shalt  }
0x5e: {  	_ =	shalt  }
0x5f: {  	_ =	shalt  }
0x60: {  	_ =	shalt  }
0x61: {  	_ =	shalt  }
0x62: {  	_ =	shalt  }
0x63: {  	_ =	shalt  }
0x64: {  	_ =	shalt  }
0x65: {  	_ =	shalt  }
0x66: {  	_ =	shalt  }
0x67: {  	_ =	shalt  }
0x68: {  	_ =	shalt  }
0x69: {  	_ =	shalt  }
0x6a: {  	_ =	shalt  }
0x6b: {  	_ =	shalt  }
0x6c: {  	_ =	shalt  }
0x6d: {  	_ =	shalt  }
0x6e: {  	_ =	shalt  }
0x6f: {  	_ =	shalt  }
0x70: {  	_ =	shalt  }
0x71: {  	_ =	shalt  }
0x72: {  	_ =	shalt  }
0x73: {  	_ =	shalt  }
0x74: {  	_ =	shalt  }
0x75: {  	_ =	shalt  }
0x76: {  	_ =	shalt  }
0x77: {  	_ =	shalt  }
0x78: {  	_ =	shalt  }
0x79: {  	_ =	shalt  }
0x7a: {  	_ =	shalt  }
0x7b: {  	_ =	shalt  }
0x7c: {  	_ =	shalt  }
0x7d: {  	_ =	shalt  }
0x7e: {  	_ =	shalt  }
0x7f: {  	_ =	shalt  }
0x80: {  	_ =	shalt  }
0x81: {  	_ =	shalt  }
0x82: {  	_ =	shalt  }
0x83: {  	_ =	shalt  }
0x84: {  	_ =	shalt  }
0x85: {  	_ =	shalt  }
0x86: {  	_ =	shalt  }
0x87: {  	_ =	shalt  }
.Lfunc_end0:
.L_simem_size_0:
called_computation_lowered:
.L_overlay_start_0:
0x88: {  	s2 =	sld [smem:$0x3FD9]  }
0x89: {  	s3 =	sld [smem:$0x3FFE];
	_ =	sdelay $0x1  }
0x8a: {  	s1 =	srdreg.scid  }
0x8b: {  	s0 =	sand.u32 $0x1, s1  }
0x8c: {  	s16 =	sshll.u32 s0, $0xA;
	s2 =	sadd.s32 s3, s2  }
0x8d: {  	s2 =	sadd.s32 s2, s16  }
0x8e: {  	[smem:$0x3FBD] =	sst s2  }
0x8f: {  	_ = 	snop  }
0x90: {  	(tm) =	ssettm $0x1  }
0x91: {  	s17 =	sld [smem:$0x3FFB];
	_ =	sdelay $0x3  }
0x92: {  	_ =	strace s17  }
0x93: {  	s2 =	sld [smem:$0x3FFC];
	_ =	sdelay $0x3  }
0x94: {  	_ =	strace s2  }
0x95: {  	s2 =	sld [smem:$0x3FFD];
	_ =	sdelay $0x3  }
0x96: {  	_ =	strace s2  }
0x97: {  	_ =	strace $0x8FFFFFFF  }
0x98: {  	s18 =	sld [smem:$0x3FDB];
	_ =	sdelay $0x1  }
0x99: {  	s19 =	simm.s32 $_scs_section_size  }
0x9a: {  	s4 =	simm.s32 $_size__tile_overlayer_lowered;
	s5 =	simm.s32 $_tile_overlayer_lowered  }
0x9b: {  	s22 =	simm.s32 $0x1BFF;
	s21 =	sshll.u32 s5, $0x1;
	s2 =	sadd.s32 s19, s18  }
0x9c: {  	s6 =	simm.s32 $0x0;
	s20 =	sshll.u32 s4, $0x1;
	s4 =	sadd.s32 s21, s2  }
0x9d: {  	[timem:s6], [sflag:s22] =	dma.local [hbm:s4], s20  }
0x9e: {  	_ =	swait.ge [sflag:s22], s20  }
0x9f: {  	s3 =	ssub.s32 $0x0, s20;
	[sflag:s22] =	ssyncset.done $0x0  }
0xa0: {  	[sflag:s22] =	ssyncadd.s32 s3;
	_ =	sdelay $0x1  }
0xa1: {  	s23 =	simm.s32 $0x1B8B  }
0xa2: {  	_ =	swait.ge [sflag:s23], $0x1  }
0xa3: {  	[sflag:s23] =	ssyncset.done $0x0  }
0xa4: {  	s25 =	simm.s32 $0x1B8E;
	s24 =	sld [smem:$0x3FFE];
	[sflag:s23] =	ssyncadd.s32 $0xFFFFFFFF  }
0xa5: {  	s26 =	simm.s32 $execute0_lowered;
	[smem:$0x3FD2] =	sst s25  }
0xa6: {  	s4 =	sshll.u32 s26, $0x1;
	_ =	strace $0x80000046;
	[dreg:$0x1] =	wrdreg $0xFFFFFFFF  }
0xa7: {  	s28 =	simm.s32 $_size_execute0_lowered;
	s2 =	sadd.s32 s2, s4;
	[dreg:$0x0] =	wrdreg $0x0  }
0xa8: {  	s4 =	sshll.u32 s28, $0x1;
	[dreg:$0x2] =	wrdreg s2  }
0xa9: {  	[dreg:$0x3] =	wrdreg s4  }
0xaa: {  	[dreg:$0x4] =	wrdreg $0xC0  }
0xab: {  	_ =	task [dreg:s6], $0x5FFFF  }
0xac: {  	[dreg:$0x1] =	wrdreg $0xFFFFFFFF  }
0xad: {  	[dreg:$0x0] =	wrdreg $0x60  }
0xae: {  	[dreg:$0x2] =	wrdreg s24  }
0xaf: {  	[dreg:$0x3] =	wrdreg $0x2D000  }
0xb0: {  	[dreg:$0x4] =	wrdreg $0x9  }
0xb1: {  	_ =	task.clear_ibuf [dreg:s6], $0x5FFFF;
	_ =	strace $0x90000046  }
0xb2: {  	s29 =	simm.s32 $0x9;
	_ =	strace $0x80000048  }
0xb3: {  	_ =	swait.ge [sflag:s29], $0x1  }
0xb4: {  	[sflag:s29] =	ssyncadd.s32 $0xFFFFFFFF  }
0xb5: {  	_ =	strace $0x90000048  }
0xb6: {  	_ =	sfence  }
0xb7: {  	s30 =	sld [smem:$0x0];
	_ =	sdelay $0x2  }
0xb8: {  	s31 =	sshll.u32 s1, $0xD;
	s1 =	sshrl.u32 s1, $0x2  }
0xb9: {  	s3 =	sand.u32 $0x4000, s31;
	s1 =	sadd.s32 s1, s30  }
0xba: {  	s0 =	sor.u32 s3, s0;
	s1 =	sshll.u32 s1, $0x11  }
0xbb: {  	s0 =	sor.u32 s1, s0  }
0xbc: {  	s0 =	sadd.s32 $0x8F2B, s0  }
0xbd: {  	[sflag:s0] =	ssyncadd.remote.s32 $0x1  }
0xbe: {  	_ =	sfence.sel $0xFFFF  }
0xbf: {  	[dreg:$0x0] =	wrdreg $0xFFFFFFFF;
	(pc) =	sbr.abs _section_cstart, $3  }
0xc0: {  	[dreg:$0x1] =	wrdreg $0xFFFFFFFF  }
0xc1: {  	_ =	task.clear_ibuf [dreg:s6], $0x2FFFF;
	_ =	strace $0x9FFFFFFF  }
0xc2: {  	(tm) =	ssettm $0x7FFFFFFF  }
0xc3: {  	_ =	shalt  }
tec
execute0_lowered:
.L_overlay_start_1:
0x0: {  	(tag) =	ssettag $0x1  }
0x1: {  	s4 =	rddreg [dreg:$0x0]  }
0x2: {  	s2 =	rddreg [dreg:$0x1]  }
0x3: {  	s0 =	srdreg.scid;
	s1 =	rddreg [dreg:$0x2]  }
0x4: {  	s3 =	simm.s32 $0x0;
	s10 =	simm.s32 $0x80;
	s11 =	simm.s32 $0x2A00  }
0x5: {  	s12 =	simm.s32 $0x100;
	s13 =	simm.s32 $0x180;
	s5 =	sand.u32 $0x1, s0  }
0x6: {  	s14 =	simm.s32 $0x1;
	s0 =	stileid.u32;
	s6 =	smul.u32 $0x2A000, s5  }
0x7: {  	s15 =	simm.s32 $0x2;
	s16 =	simm.s32 $0x3;
	s7 =	smul.u32 $0x2A00, s0  }
0x8: {  	s17 =	simm.s32 $0x4;
	s20 =	simm.s32 $0x0;
	s8 =	smul.u32 $0x280, s0  }
0x9: {  	[smem:$0x7FF] =	sst s3;
	s9 =	smul.u32 $0x2800, s5;
	s5 =	ssub.s32 $0x2, s5  }
0xa: {  	_ =	strace $0x80000047;
	s18 =	sshll.u32 s0, $0x6;
	s31 =	sshrl.u32 s5, $0x1  }
0xb: {  	s18 =	sor.u32 $0x1C05, s18;
	s6 =	sadd.s32 s7, s6;
	s30 =	sadd.s32 s8, s9  }
0xc: {  	s9 =	ssub.s32 s5, s31;
	s5 =	sadd.s32 s8, s2;
	s6 =	sshrl.u32 s6, $0x3  }
0xd: {  	s8 =	simm.s32 $0x5;
	s7 =	sshrl.u32 s30, $0x3;
	s6 =	sadd.s32 s6, s4  }
0xe: {  	s19 =	sshrl.u32 s5, $0x3;
	s7 =	sadd.s32 s7, s4;
	s4 =	sadd.s32 $0x2C00, s6  }
0xf: {  	v0 =	vimm.f32 $1.000000000e+00;
	v1 =	vimm.f32 $0.0e+00;
	s6 =	sadd.s32 $0xD400, s7;
	s7 =	smax.u32 s9, $0x1;
	s9 =	simm.s32 $0x2A80  }
.LBB2_1:
0x10: {  	[tilespmem:s3], [sflag:$0x5] =	stream.linear.gather [hbm4b:s4+s3], $0x2A00, $0x38;
	[tilespmem:$0x2F80] =	vst v63  }
0x11: {  	_ =	swait.ge [sflag:s8], $0x2A00  }
0x12: {  	[sflag:s8] =	ssyncset.done $0x0  }
0x13: {  	[sflag:s8] =	ssyncadd.s32 $0xFFFFD600  }
0x14: {  	[tilespmem:$0x2A00] =	vst v0  }
0x15: {  	[tilespmem:$0x2A10] =	vst v0  }
0x16: {  	[tilespmem:$0x2A20] =	vst v0  }
0x17: {  	[tilespmem:$0x2A30] =	vst v0  }
0x18: {  	[tilespmem:$0x2A40] =	vst v0  }
0x19: {  	[tilespmem:$0x2A50] =	vst v0  }
0x1a: {  	[tilespmem:$0x2A60] =	vst v0  }
0x1b: {  	[tilespmem:$0x2A70] =	vst v0  }
0x1c: {  	[tilespmem:$0x2A80] =	vst v1  }
0x1d: {  	[tilespmem:$0x2A90] =	vst v1  }
0x1e: {  	[tilespmem:$0x2AA0] =	vst v1  }
0x1f: {  	[tilespmem:$0x2AB0] =	vst v1  }
0x20: {  	[tilespmem:$0x2AC0] =	vst v1  }
0x21: {  	[tilespmem:$0x2AD0] =	vst v1  }
0x22: {  	[tilespmem:$0x2AE0] =	vst v1  }
0x23: {  	[tilespmem:$0x2AF0] =	vst v1  }
0x24: {  	[tilespmem:$0x2B00] =	vst v1  }
0x25: {  	[tilespmem:$0x2B10] =	vst v1  }
0x26: {  	[tilespmem:$0x2B20] =	vst v1  }
0x27: {  	[tilespmem:$0x2B30] =	vst v1  }
0x28: {  	[tilespmem:$0x2B40] =	vst v1  }
0x29: {  	[tilespmem:$0x2B50] =	vst v1  }
0x2a: {  	[tilespmem:$0x2B60] =	vst v1  }
0x2b: {  	[tilespmem:$0x2B70] =	vst v1  }
0x2c: {  	[tilespmem:$0x2B80] =	vst v1  }
0x2d: {  	[tilespmem:$0x2B90] =	vst v1  }
0x2e: {  	[tilespmem:$0x2BA0] =	vst v1  }
0x2f: {  	[tilespmem:$0x2BB0] =	vst v1  }
0x30: {  	[tilespmem:$0x2BC0] =	vst v1  }
0x31: {  	[tilespmem:$0x2BD0] =	vst v1  }
0x32: {  	[tilespmem:$0x2BE0] =	vst v1  }
0x33: {  	[tilespmem:$0x2BF0] =	vst v1  }
0x34: {  	[tilespmem:$0x2C00] =	vst v1  }
0x35: {  	[tilespmem:$0x2C10] =	vst v1  }
0x36: {  	[tilespmem:$0x2C20] =	vst v1  }
0x37: {  	[tilespmem:$0x2C30] =	vst v1  }
0x38: {  	[tilespmem:$0x2C40] =	vst v1  }
0x39: {  	[tilespmem:$0x2C50] =	vst v1  }
0x3a: {  	[tilespmem:$0x2C60] =	vst v1  }
0x3b: {  	[tilespmem:$0x2C70] =	vst v1  }
0x3c: {  	[tilespmem:$0x2C80] =	vst v1  }
0x3d: {  	[tilespmem:$0x2C90] =	vst v1  }
0x3e: {  	[tilespmem:$0x2CA0] =	vst v1  }
0x3f: {  	[tilespmem:$0x2CB0] =	vst v1  }
0x40: {  	[tilespmem:$0x2CC0] =	vst v1  }
0x41: {  	[tilespmem:$0x2CD0] =	vst v1  }
0x42: {  	[tilespmem:$0x2CE0] =	vst v1  }
0x43: {  	[tilespmem:$0x2CF0] =	vst v1  }
0x44: {  	[spmem:s5] =	stream.linear.scatter [tilespmem:s9], [sflag:$0x5], $0x280, $0x38;
	[tilespmem:$0x2F80] =	vst v63  }
0x45: {  	_ =	swait.ge [sflag:s8], $0x280  }
0x46: {  	[sflag:s8] =	ssyncset.done $0x0  }
0x47: {  	[sflag:s8] =	ssyncadd.s32 $0xFFFFFD80  }
0x48: {  	[bflag:$0x0] =	sbarrier.arrive $0xFFFF  }
0x49: {  	[spmem:s2] =	stream.indirect.scatter.add.f32 [tilespmem:s11], [sflag:$0x1], $0x1, s3, s10, $0xb8;
	[tilespmem:$0x2F80] =	vst v63  }
0x4a: {  	_ = 	snop  }
0x4b: {  	[spmem:s2] =	stream.indirect.scatter.add.f32 [tilespmem:s11], [sflag:$0x2], $0x1, s10, s10, $0xb8;
	[tilespmem:$0x2F80] =	vst v63  }
0x4c: {  	_ = 	snop  }
0x4d: {  	[spmem:s2] =	stream.indirect.scatter.add.f32 [tilespmem:s11], [sflag:$0x3], $0x1, s12, s10, $0xb8;
	[tilespmem:$0x2F80] =	vst v63  }
0x4e: {  	_ = 	snop  }
0x4f: {  	[spmem:s2] =	stream.indirect.scatter.add.f32 [tilespmem:s11], [sflag:$0x4], $0x1, s13, s10, $0xb8;
	[tilespmem:$0x2F80] =	vst v63  }
0x50: {  	s21 =	simm.s32 $0x200  }
0x51: {  	[spmem:s2] =	stream.indirect.scatter.add.f32 [tilespmem:s11], [sflag:$0x1], $0x1, s21, s10, $0xb8;
	[tilespmem:$0x2F80] =	vst v63  }
0x52: {  	_ =	swait.ge [sflag:s14], $0x80  }
0x53: {  	[sflag:s14] =	ssyncset.done $0x0  }
0x54: {  	s29 =	simm.s32 $0x280;
	[sflag:s14] =	ssyncadd.s32 $0xFFFFFF80  }
0x55: {  	[spmem:s2] =	stream.indirect.scatter.add.f32 [tilespmem:s11], [sflag:$0x2], $0x1, s29, s10, $0xb8;
	[tilespmem:$0x2F80] =	vst v63  }
0x56: {  	_ =	swait.ge [sflag:s15], $0x80  }
0x57: {  	[sflag:s15] =	ssyncset.done $0x0  }
0x58: {  	s30 =	simm.s32 $0x300;
	[sflag:s15] =	ssyncadd.s32 $0xFFFFFF80  }
0x59: {  	[spmem:s2] =	stream.indirect.scatter.add.f32 [tilespmem:s11], [sflag:$0x3], $0x1, s30, s10, $0xb8;
	[tilespmem:$0x2F80] =	vst v63  }
0x5a: {  	_ =	swait.ge [sflag:s16], $0x80  }
0x5b: {  	[sflag:s16] =	ssyncset.done $0x0  }
0x5c: {  	s31 =	simm.s32 $0x380;
	[sflag:s16] =	ssyncadd.s32 $0xFFFFFF80  }
0x5d: {  	[spmem:s2] =	stream.indirect.scatter.add.f32 [tilespmem:s11], [sflag:$0x4], $0x1, s31, s10, $0xb8;
	[tilespmem:$0x2F80] =	vst v63  }
0x5e: {  	_ =	swait.ge [sflag:s17], $0x80  }
0x5f: {  	s22 =	simm.s32 $0xFFFF7000;
	s21 =	simm.s32 $0xFFFFDA00;
	[sflag:s17] =	ssyncset.done $0x0  }
.LBB2_2:
0x60: {  	s23 =	sadd.s32 $0x2A00, s21  }
0x61: {  	[sflag:s17] =	ssyncadd.s32 $0xFFFFFF80;
	s24 =	smov.u32 s22;
	s25 =	sadd.s32 $0x800, s22  }
0x62: {  	[spmem:s2] =	stream.indirect.scatter.add.f32 [tilespmem:s11], [sflag:$0x1], $0x1, s23, s10, $0xb8;
	[tilespmem:$0x2F80] =	vst v63  }
0x63: {  	p0 =	sne.s32 s22, $0xFFFFF800;
	_ =	swait.ge [sflag:s14], $0x80  }
0x64: {  	[sflag:s14] =	ssyncset.done $0x0  }
0x65: {  	s22 =	sadd.s32 $0x2A80, s21;
	[sflag:s14] =	ssyncadd.s32 $0xFFFFFF80  }
0x66: {  	[spmem:s2] =	stream.indirect.scatter.add.f32 [tilespmem:s11], [sflag:$0x2], $0x1, s22, s10, $0xb8;
	[tilespmem:$0x2F80] =	vst v63  }
0x67: {  	_ =	swait.ge [sflag:s15], $0x80  }
0x68: {  	[sflag:s15] =	ssyncset.done $0x0  }
0x69: {  	s22 =	sadd.s32 $0x2B00, s21;
	[sflag:s15] =	ssyncadd.s32 $0xFFFFFF80  }
0x6a: {  	[spmem:s2] =	stream.indirect.scatter.add.f32 [tilespmem:s11], [sflag:$0x3], $0x1, s22, s10, $0xb8;
	[tilespmem:$0x2F80] =	vst v63  }
0x6b: {  	_ =	swait.ge [sflag:s16], $0x80  }
.Ltmp0:
0x6c: {  	[sflag:s16] =	ssyncset.done $0x0;
	(pc) =	sbr.rel @p0 .LBB2_2-.Ltmp0, $4  }
0x6d: {  	s21 =	sadd.s32 $0x2B80, s21;
	[sflag:s16] =	ssyncadd.s32 $0xFFFFFF80  }
0x6e: {  	[spmem:s2] =	stream.indirect.scatter.add.f32 [tilespmem:s11], [sflag:$0x4], $0x1, s21, s10, $0xb8;
	[tilespmem:$0x2F80] =	vst v63  }
0x6f: {  	_ =	swait.ge [sflag:s17], $0x80  }
0x70: {  	s22 =	smov.u32 s25;
	s21 =	sshra.s32 s24, $0x2;
	[sflag:s17] =	ssyncset.done $0x0  }
0x71: {  	s22 =	sadd.s32 $0x2A00, s21;
	[sflag:s17] =	ssyncadd.s32 $0xFFFFFF80  }
0x72: {  	[spmem:s2] =	stream.indirect.scatter.add.f32 [tilespmem:s11], [sflag:$0x1], $0x1, s22, s10, $0xb8;
	[tilespmem:$0x2F80] =	vst v63  }
0x73: {  	_ =	swait.ge [sflag:s14], $0x80  }
0x74: {  	[sflag:s14] =	ssyncset.done $0x0  }
0x75: {  	s29 =	sadd.s32 $0x2A80, s21;
	[sflag:s14] =	ssyncadd.s32 $0xFFFFFF80  }
0x76: {  	[spmem:s2] =	stream.indirect.scatter.add.f32 [tilespmem:s11], [sflag:$0x2], $0x1, s29, s10, $0xb8;
	[tilespmem:$0x2F80] =	vst v63  }
0x77: {  	_ =	swait.ge [sflag:s15], $0x80  }
0x78: {  	[sflag:s15] =	ssyncset.done $0x0  }
0x79: {  	s30 =	sadd.s32 $0x2B00, s21;
	[sflag:s15] =	ssyncadd.s32 $0xFFFFFF80  }
0x7a: {  	[spmem:s2] =	stream.indirect.scatter.add.f32 [tilespmem:s11], [sflag:$0x3], $0x1, s30, s10, $0xb8;
	[tilespmem:$0x2F80] =	vst v63  }
0x7b: {  	_ =	swait.ge [sflag:s16], $0x80  }
0x7c: {  	[sflag:s16] =	ssyncset.done $0x0  }
0x7d: {  	s31 =	sadd.s32 $0x2B80, s21;
	[sflag:s16] =	ssyncadd.s32 $0xFFFFFF80  }
0x7e: {  	[spmem:s2] =	stream.indirect.scatter.add.f32 [tilespmem:s11], [sflag:$0x4], $0x1, s31, s10, $0xb8;
	[tilespmem:$0x2F80] =	vst v63  }
0x7f: {  	_ =	swait.ge [sflag:s17], $0x80  }
0x80: {  	[sflag:s17] =	ssyncset.done $0x0  }
0x81: {  	[sflag:s17] =	ssyncadd.s32 $0xFFFFFF80  }
0x82: {  	_ =	swait.ge [sflag:s14], $0x80  }
0x83: {  	[sflag:s14] =	ssyncset.done $0x0  }
0x84: {  	[sflag:s14] =	ssyncadd.s32 $0xFFFFFF80  }
0x85: {  	_ =	swait.ge [sflag:s15], $0x80  }
0x86: {  	[sflag:s15] =	ssyncset.done $0x0  }
0x87: {  	[sflag:s15] =	ssyncadd.s32 $0xFFFFFF80  }
0x88: {  	_ =	swait.ge [sflag:s16], $0x80  }
0x89: {  	[sflag:s16] =	ssyncset.done $0x0  }
0x8a: {  	[sflag:s16] =	ssyncadd.s32 $0xFFFFFF80  }
0x8b: {  	_ =	swait.ge [sflag:s17], $0x80  }
0x8c: {  	s20 =	sadd.s32 $0x1, s20;
	[sflag:s17] =	ssyncset.done $0x0  }
0x8d: {  	p0 =	sne.s32 s20, s7;
	[sflag:s17] =	ssyncadd.s32 $0xFFFFFF80  }
.Ltmp1:
0x8e: {  	[bflag:$0x0] =	sbarrier.arrive $0xFFFF;
	(pc) =	sbr.rel @p0 .LBB2_1-.Ltmp1, $4  }
0x8f: {  	[hbm:s6], [sflag:s18] =	dma.local [spmem:s19], $0x50  }
0x90: {  	_ =	swait.ge [sflag:s8], $0x50  }
0x91: {  	[sflag:s8] =	ssyncset.done $0x0  }
0x92: {  	[sflag:s8] =	ssyncadd.s32 $0xFFFFFFB0  }
0x93: {  	_ =	sfence.sel $0x180000  }
0x94: {  	[bflag:$0x0] =	sbarrier.arrive $0xFFFF  }
0x95: {  	p0 =	sne.s32 s0, $0x0;
	_ =	strace $0x90000047  }
0x96: {  	s0 =	sadd.s32 @!p0 $0x100000, s1;
	[bflag:$0x2] =	sbarrier.arrive $0xFFFF  }
0x97: {  	[sflag:s0] =	ssyncadd.tile.s32 @!p0 $0x1;
	_ =	shalt  }
.Lfunc_end2:
_tile_overlayer_lowered:
.L_overlay_start_2:
0x98: {  	(tag) =	ssettag $0x2  }
0x99: {  	s0 =	rddreg [dreg:$0x0];
	s2 =	stileid.u32  }
0x9a: {  	s1 =	rddreg [dreg:$0x1];
	p0 =	sne.s32 s2, $0x0  }
0x9b: {  	s3 =	rddreg [dreg:$0x2];
	[bflag:$0x3] =	sbarrier.arrive $0xFFFF;
	s2 =	simm.s32 @!p0 $0x1C05  }
0x9c: {  	[timem:s3], [sflag:s2] =	dma.local @!p0 [hbm:s0], s1  }
0x9d: {  	s0 =	simm.s32 @!p0 $0x5  }
0x9e: {  	_ =	swait.ge @!p0 [sflag:s0], s1  }
0x9f: {  	s1 =	ssub.s32 @!p0 $0x0, s1;
	[sflag:s0] =	ssyncset.done @!p0 $0x0  }
0xa0: {  	[sflag:s0] =	ssyncadd.s32 @!p0 s1  }
0xa1: {  	[bflag:$0x3] =	sbarrier.arrive $0xFFFF  }
0xa2: {  	_ =	shalt  }

// kernel: kernel.13.cloned.1.call-start
scs
__scs_entry_jumppad:
0x0: {  	(pc) =	sbr.rel $0x88, $3  }
0x1: {  	(tag) =	ssettag $0x0;
	lr =	simm.s32 $0x1  }
0x2: {  	[smem:$0x3F96] =	sst lr;
	_ =	strace $0xD0000000  }
0x3: {  	_ = 	snop  }
0x4: {  	_ = 	snop  }
0x5: {  	_ = 	snop  }
0x6: {  	_ = 	snop  }
0x7: {  	_ = 	snop  }
__scs_overlays_trampoline_lowered:
0x8: {  	[smem:$0x3FA5] =	sst s0  }
0x9: {  	[smem:$0x3FA6] =	sst s1  }
0xa: {  	[smem:$0x3FA7] =	sst s2  }
0xb: {  	[smem:$0x3FA8] =	sst s3  }
0xc: {  	[smem:$0x3FA9] =	sst s4  }
0xd: {  	[smem:$0x3FAA] =	sst s5  }
0xe: {  	[smem:$0x3FAB] =	sst s6  }
0xf: {  	[smem:$0x3FAC] =	sst s7  }
0x10: {  	[smem:$0x3FAD] =	sst s8  }
0x11: {  	[smem:$0x3FAE] =	sst s9;
	s0 =	simm.s32 @!p0 $0x0  }
0x12: {  	s1 =	sld [smem:$0x3F94];
	s0 =	simm.s32 @p0 $0x1  }
0x13: {  	[smem:$0x3FAF] =	sst s0;
	s0 =	simm.s32 @!p1 $0x0  }
0x14: {  	s2 =	sld [smem:$0x3F93];
	s0 =	simm.s32 @p1 $0x1  }
0x15: {  	[smem:$0x3FB0] =	sst s0;
	s0 =	simm.s32 @!p2 $0x0  }
0x16: {  	s3 =	sld [smem:$0x3FDB];
	s0 =	simm.s32 @p2 $0x1  }
0x17: {  	s4 =	simm.s32 $0x1BF5;
	[smem:$0x3FB2] =	sst s0  }
0x18: {  	s0 =	sld [smem:$0x3F95];
	_ =	swait.ge [sflag:s4], $0x0  }
0x19: {  	s7 =	sld [smem:$0x3F96]  }
0x1a: {  	s8 =	sadd.s32 $0xFFFFE003, lr  }
0x1b: {  	s9 =	sadd.s32 $0xFFFFFEF7, lr;
	s5 =	simm.s32 $0xFFFFFFFF;
	p2 =	slt.u32 s8, $0xFFFFF086  }
0x1c: {  	p1 =	slt.u32 s9, $0xF7A;
	s5 =	simm.s32 @!p2 $0x0  }
0x1d: {  	s5 =	simm.s32 @p1 $0x1;
	p0 =	seq.s32 s7, s2  }
0x1e: {  	s7 =	smul.u32 @!p0 $0xF7A, s2;
	p2 =	seq.s32 @!p0 s5, $0x0  }
0x1f: {  	s9 =	smul.u32 $0xF7A, s1;
	s8 =	simm.s32 @!p0 $0x1BF5;
	p2 =	por !p2, p0  }
0x20: {  	[sflag:s8] =	ssyncset.s32 @!p0 $0xFFFFF086;
	s6 =	sadd.s32 @!p0 s3, s7;
	s7 =	simm.s32 @!p0 $0x108  }
0x21: {  	s3 =	sadd.s32 s3, s9;
	s6 =	sadd.s32 @!p0 $0x88, s6;
	s7 =	simm.s32 @p2 $0x1082  }
0x22: {  	[simem:s7], [sflag:s8] =	dma.local @!p0 [hbm:s6], $0xF7A  }
0x23: {  	s9 =	sor.u32 $0xD0000000, s2;
	s6 =	simm.s32 $0x108;
	_ =	swait.ge @!p0 [sflag:s8], $0x0  }
0x24: {  	s3 =	sadd.s32 $0x88, s3;
	s6 =	simm.s32 @!p1 $0x1082;
	[sflag:s4] =	ssyncset.s32 $0xFFFFF086  }
0x25: {  	[simem:s6], [sflag:s4] =	dma.local [hbm:s3], $0xF7A  }
0x26: {  	[smem:$0x3F96] =	sst s1;
	(tag) =	ssettag s2;
	_ =	strace s9  }
0x27: {  	s1 =	sld [smem:$0x3FA6]  }
0x28: {  	s2 =	sld [smem:$0x3FA7]  }
0x29: {  	s4 =	sld [smem:$0x3FA9]  }
0x2a: {  	p0 =	seq.s32 s5, $0x0;
	s5 =	sld [smem:$0x3FAA]  }
0x2b: {  	s6 =	sld [smem:$0x3FAB]  }
0x2c: {  	s7 =	sld [smem:$0x3FAC]  }
0x2d: {  	s3 =	simm.s32 $0x108;
	s8 =	sld [smem:$0x3FAD]  }
0x2e: {  	s3 =	simm.s32 @!p0 $0x1082;
	s9 =	sld [smem:$0x3FAE]  }
0x2f: {  	lr =	sadd.s32 s0, s3;
	s0 =	sld [smem:$0x3FA5]  }
0x30: {  	s3 =	sld [smem:$0x3FA8]  }
0x31: {  	[smem:$0x3FB1] =	sst s10  }
0x32: {  	s10 =	sld [smem:$0x3FAF];
	_ =	sdelay $0x3  }
0x33: {  	p0 =	seq.s32 s10, $0x1;
	s10 =	sld [smem:$0x3FB1];
	_ =	sdelay $0x3  }
0x34: {  	[smem:$0x3FB1] =	sst s10  }
0x35: {  	s10 =	sld [smem:$0x3FB0];
	_ =	sdelay $0x3  }
0x36: {  	p1 =	seq.s32 s10, $0x1;
	s10 =	sld [smem:$0x3FB1];
	_ =	sdelay $0x3  }
0x37: {  	[smem:$0x3FB1] =	sst s10  }
0x38: {  	s10 =	sld [smem:$0x3FB2]  }
0x39: {  	_ = 	snop;
	(pc) =	sbr.ind lr, $3  }
0x3a: {  	_ = 	snop  }
0x3b: {  	_ = 	snop  }
0x3c: {  	p2 =	seq.s32 s10, $0x1;
	s10 =	sld [smem:$0x3FB1]  }
0x3d: {  	_ =	shalt  }
0x3e: {  	_ =	shalt  }
0x3f: {  	_ =	shalt  }
0x40: {  	_ =	shalt  }
0x41: {  	_ =	shalt  }
0x42: {  	_ =	shalt  }
0x43: {  	_ =	shalt  }
0x44: {  	_ =	shalt  }
0x45: {  	_ =	shalt  }
0x46: {  	_ =	shalt  }
0x47: {  	_ =	shalt  }
0x48: {  	_ =	shalt  }
0x49: {  	_ =	shalt  }
0x4a: {  	_ =	shalt  }
0x4b: {  	_ =	shalt  }
0x4c: {  	_ =	shalt  }
0x4d: {  	_ =	shalt  }
0x4e: {  	_ =	shalt  }
0x4f: {  	_ =	shalt  }
0x50: {  	_ =	shalt  }
0x51: {  	_ =	shalt  }
0x52: {  	_ =	shalt  }
0x53: {  	_ =	shalt  }
0x54: {  	_ =	shalt  }
0x55: {  	_ =	shalt  }
0x56: {  	_ =	shalt  }
0x57: {  	_ =	shalt  }
0x58: {  	_ =	shalt  }
0x59: {  	_ =	shalt  }
0x5a: {  	_ =	shalt  }
0x5b: {  	_ =	shalt  }
0x5c: {  	_ =	shalt  }
0x5d: {  	_ =	shalt  }
0x5e: {  	_ =	shalt  }
0x5f: {  	_ =	shalt  }
0x60: {  	_ =	shalt  }
0x61: {  	_ =	shalt  }
0x62: {  	_ =	shalt  }
0x63: {  	_ =	shalt  }
0x64: {  	_ =	shalt  }
0x65: {  	_ =	shalt  }
0x66: {  	_ =	shalt  }
0x67: {  	_ =	shalt  }
0x68: {  	_ =	shalt  }
0x69: {  	_ =	shalt  }
0x6a: {  	_ =	shalt  }
0x6b: {  	_ =	shalt  }
0x6c: {  	_ =	shalt  }
0x6d: {  	_ =	shalt  }
0x6e: {  	_ =	shalt  }
0x6f: {  	_ =	shalt  }
0x70: {  	_ =	shalt  }
0x71: {  	_ =	shalt  }
0x72: {  	_ =	shalt  }
0x73: {  	_ =	shalt  }
0x74: {  	_ =	shalt  }
0x75: {  	_ =	shalt  }
0x76: {  	_ =	shalt  }
0x77: {  	_ =	shalt  }
0x78: {  	_ =	shalt  }
0x79: {  	_ =	shalt  }
0x7a: {  	_ =	shalt  }
0x7b: {  	_ =	shalt  }
0x7c: {  	_ =	shalt  }
0x7d: {  	_ =	shalt  }
0x7e: {  	_ =	shalt  }
0x7f: {  	_ =	shalt  }
0x80: {  	_ =	shalt  }
0x81: {  	_ =	shalt  }
0x82: {  	_ =	shalt  }
0x83: {  	_ =	shalt  }
0x84: {  	_ =	shalt  }
0x85: {  	_ =	shalt  }
0x86: {  	_ =	shalt  }
0x87: {  	_ =	shalt  }
.Lfunc_end0:
.L_simem_size_0:
called_computation.1_lowered:
.L_overlay_start_0:
0x88: {  	s2 =	sld [smem:$0x3FD9]  }
0x89: {  	s3 =	sld [smem:$0x3FFE];
	_ =	sdelay $0x1  }
0x8a: {  	s1 =	srdreg.scid  }
0x8b: {  	s0 =	sand.u32 $0x1, s1  }
0x8c: {  	s16 =	sshll.u32 s0, $0xA;
	s2 =	sadd.s32 s3, s2  }
0x8d: {  	s2 =	sadd.s32 s2, s16  }
0x8e: {  	[smem:$0x3FBD] =	sst s2  }
0x8f: {  	_ = 	snop  }
0x90: {  	(tm) =	ssettm $0x1  }
0x91: {  	s17 =	sld [smem:$0x3FFB];
	_ =	sdelay $0x3  }
0x92: {  	_ =	strace s17  }
0x93: {  	s2 =	sld [smem:$0x3FFC];
	_ =	sdelay $0x3  }
0x94: {  	_ =	strace s2  }
0x95: {  	s2 =	sld [smem:$0x3FFD];
	_ =	sdelay $0x3  }
0x96: {  	_ =	strace s2  }
0x97: {  	_ =	strace $0x8FFFFFFF  }
0x98: {  	s18 =	sld [smem:$0x3FDB];
	_ =	sdelay $0x1  }
0x99: {  	s19 =	simm.s32 $_scs_section_size  }
0x9a: {  	s4 =	simm.s32 $_size__tile_overlayer_lowered;
	s5 =	simm.s32 $_tile_overlayer_lowered  }
0x9b: {  	s22 =	simm.s32 $0x1BFF;
	s21 =	sshll.u32 s5, $0x1;
	s2 =	sadd.s32 s19, s18  }
0x9c: {  	s6 =	simm.s32 $0x0;
	s20 =	sshll.u32 s4, $0x1;
	s4 =	sadd.s32 s21, s2  }
0x9d: {  	[timem:s6], [sflag:s22] =	dma.local [hbm:s4], s20  }
0x9e: {  	_ =	swait.ge [sflag:s22], s20  }
0x9f: {  	s3 =	ssub.s32 $0x0, s20;
	[sflag:s22] =	ssyncset.done $0x0  }
0xa0: {  	[sflag:s22] =	ssyncadd.s32 s3;
	_ =	sdelay $0x1  }
0xa1: {  	s23 =	simm.s32 $0x1B8B  }
0xa2: {  	_ =	swait.ge [sflag:s23], $0x1  }
0xa3: {  	[sflag:s23] =	ssyncset.done $0x0  }
0xa4: {  	s25 =	simm.s32 $0x1B8E;
	s24 =	sld [smem:$0x3FFE];
	[sflag:s23] =	ssyncadd.s32 $0xFFFFFFFF  }
0xa5: {  	s26 =	simm.s32 $execute0_lowered;
	[smem:$0x3FD2] =	sst s25  }
0xa6: {  	s4 =	sshll.u32 s26, $0x1;
	_ =	strace $0x80000049;
	[dreg:$0x1] =	wrdreg $0xFFFFFFFF  }
0xa7: {  	s28 =	simm.s32 $_size_execute0_lowered;
	s2 =	sadd.s32 s2, s4;
	[dreg:$0x0] =	wrdreg $0x0  }
0xa8: {  	s4 =	sshll.u32 s28, $0x1;
	[dreg:$0x2] =	wrdreg s2  }
0xa9: {  	[dreg:$0x3] =	wrdreg s4  }
0xaa: {  	[dreg:$0x4] =	wrdreg $0xC0  }
0xab: {  	_ =	task [dreg:s6], $0x5FFFF  }
0xac: {  	[dreg:$0x1] =	wrdreg $0xFFFFFFFF  }
0xad: {  	[dreg:$0x0] =	wrdreg $0x60  }
0xae: {  	[dreg:$0x2] =	wrdreg s24  }
0xaf: {  	[dreg:$0x3] =	wrdreg $0x114000  }
0xb0: {  	[dreg:$0x4] =	wrdreg $0x9  }
0xb1: {  	_ =	task.clear_ibuf [dreg:s6], $0x5FFFF;
	_ =	strace $0x90000049  }
0xb2: {  	s29 =	simm.s32 $0x9;
	_ =	strace $0x8000004B  }
0xb3: {  	_ =	swait.ge [sflag:s29], $0x1  }
0xb4: {  	[sflag:s29] =	ssyncadd.s32 $0xFFFFFFFF  }
0xb5: {  	_ =	strace $0x9000004B  }
0xb6: {  	_ =	sfence  }
0xb7: {  	s30 =	sld [smem:$0x0];
	_ =	sdelay $0x2  }
0xb8: {  	s31 =	sshll.u32 s1, $0xD;
	s1 =	sshrl.u32 s1, $0x2  }
0xb9: {  	s3 =	sand.u32 $0x4000, s31;
	s1 =	sadd.s32 s1, s30  }
0xba: {  	s0 =	sor.u32 s3, s0;
	s1 =	sshll.u32 s1, $0x11  }
0xbb: {  	s0 =	sor.u32 s1, s0  }
0xbc: {  	s0 =	sadd.s32 $0x8F2B, s0  }
0xbd: {  	[sflag:s0] =	ssyncadd.remote.s32 $0x1  }
0xbe: {  	_ =	sfence.sel $0xFFFF  }
0xbf: {  	[dreg:$0x0] =	wrdreg $0xFFFFFFFF;
	(pc) =	sbr.abs _section_cstart, $3  }
0xc0: {  	[dreg:$0x1] =	wrdreg $0xFFFFFFFF  }
0xc1: {  	_ =	task.clear_ibuf [dreg:s6], $0x2FFFF;
	_ =	strace $0x9FFFFFFF  }
0xc2: {  	(tm) =	ssettm $0x7FFFFFFF  }
0xc3: {  	_ =	shalt  }
tec
execute0_lowered:
.L_overlay_start_1:
0x0: {  	(tag) =	ssettag $0x1  }
0x1: {  	s0 =	srdreg.scid;
	s1 =	rddreg [dreg:$0x0]  }
0x2: {  	s8 =	stileid.u32;
	s2 =	rddreg [dreg:$0x1];
	s4 =	simm.s32 $0x0  }
0x3: {  	s15 =	simm.s32 $0x1A;
	s14 =	simm.s32 $0x80;
	s22 =	simm.s32 $0x9400  }
0x4: {  	s28 =	simm.s32 $0x1;
	s29 =	simm.s32 $0xB400;
	s30 =	simm.s32 $0x2  }
0x5: {  	s17 =	simm.s32 $0x4;
	s21 =	simm.s32 $0x5;
	s9 =	simm.s32 $0xF  }
0x6: {  	s12 =	simm.s32 $0xB;
	s11 =	simm.s32 $0x11;
	s5 =	smul.u32 $0x2A00, s8  }
0x7: {  	s13 =	simm.s32 $0x0;
	s0 =	sand.u32 $0x1, s0;
	s6 =	smul.u32 $0xA000, s8  }
0x8: {  	[smem:$0x7FF] =	sst s4;
	s4 =	sadd.s32 $0x18600, s1;
	s3 =	smul.u32 $0x2A000, s0  }
0x9: {  	s31 =	sshll.u32 s8, $0x6;
	s8 =	simm.s32 $0x9;
	s7 =	smul.u32 $0xA0000, s0  }
0xa: {  	_ =	strace $0x8000004A;
	s0 =	ssub.s32 $0x2, s0;
	[dreg:$0x8] =	wrdreg s31  }
0xb: {  	s24 =	sshrl.u32 s0, $0x1;
	s25 =	sshrl.u32 s6, $0x1;
	s3 =	sadd.s32 s5, s3  }
0xc: {  	s23 =	sadd.s32 s6, s7;
	s0 =	ssub.s32 s0, s24;
	s6 =	sshrl.u32 s6, $0x4  }
0xd: {  	s24 =	simm.s32 $0xA400;
	s7 =	simm.s32 $0xD;
	s3 =	sshrl.u32 s3, $0x3  }
0xe: {  	s5 =	sshrl.u32 s23, $0x4;
	s6 =	sadd.s32 s4, s6;
	s0 =	smax.u32 s0, $0x1  }
0xf: {  	s23 =	simm.s32 $0xF400;
	s3 =	sadd.s32 s3, s1;
	[dreg:$0x4] =	wrdreg s6  }
0x10: {  	s1 =	sadd.s32 s5, s1;
	s5 =	sadd.s32 s25, s2;
	[dreg:$0x7] =	wrdreg s0  }
0x11: {  	s0 =	sor.u32 $0x1C19, s31;
	s25 =	simm.s32 $0x6;
	s6 =	simm.s32 $0x7  }
.Ltmp0:
0x12: {  	s26 =	sadd.s32 $0xDE00, s3;
	[dreg:$0x9] =	wrdreg s0;
	(pc) =	sbr.rel .LBB2_1-.Ltmp0, $4  }
0x13: {  	s3 =	sadd.s32 $0x2C00, s3;
	s1 =	sadd.s32 $0x22600, s1;
	[dreg:$0x3] =	wrdreg s26  }
0x14: {  	s18 =	sshrl.u32 s5, $0x3;
	s0 =	simm.s32 $0xD400;
	[dreg:$0x5] =	wrdreg s3  }
0x15: {  	s5 =	simm.s32 $0x10400;
	[dreg:$0x6] =	wrdreg s1;
	s1 =	simm.s32 $0x3  }
0x16: {  	s3 =	simm.s32 $0xC;
	s26 =	simm.s32 $0x12;
	[dreg:$0xa] =	wrdreg s18  }
.LBB2_4:
0x17: {  	_ =	swait.ge [sflag:s3], $0x1000  }
0x18: {  	[sflag:s3] =	ssyncset.done $0x0  }
0x19: {  	[sflag:s3] =	ssyncadd.s32 $0xFFFFF000  }
0x1a: {  	[spmem:s2] =	stream.indirect.scatter.add.bf16 [tilespmem:s5], [sflag:$0x18], $0x20, s15, s14, $0xb8;
	[tilespmem:$0x16400] =	vst v63  }
0x1b: {  	_ =	swait.ge [sflag:s26], $0x1000  }
0x1c: {  	[sflag:s26] =	ssyncset.done $0x0  }
0x1d: {  	s10 =	simm.s32 $0x13;
	[sflag:s26] =	ssyncadd.s32 $0xFFFFF000  }
0x1e: {  	_ =	swait.ge [sflag:s10], $0x1000  }
0x1f: {  	[sflag:s10] =	ssyncset.done $0x0  }
0x20: {  	s31 =	simm.s32 $0x14;
	[sflag:s10] =	ssyncadd.s32 $0xFFFFF000  }
0x21: {  	_ =	swait.ge [sflag:s31], $0x1000  }
0x22: {  	[sflag:s31] =	ssyncset.done $0x0  }
0x23: {  	s13 =	simm.s32 $0x15;
	[sflag:s31] =	ssyncadd.s32 $0xFFFFF000  }
0x24: {  	_ =	swait.ge [sflag:s13], $0x1000  }
0x25: {  	[sflag:s13] =	ssyncset.done $0x0  }
0x26: {  	s15 =	simm.s32 $0x16;
	[sflag:s13] =	ssyncadd.s32 $0xFFFFF000  }
0x27: {  	_ =	swait.ge [sflag:s15], $0x1000  }
0x28: {  	[sflag:s15] =	ssyncset.done $0x0  }
0x29: {  	s16 =	simm.s32 $0x17;
	[sflag:s15] =	ssyncadd.s32 $0xFFFFF000  }
0x2a: {  	_ =	swait.ge [sflag:s16], $0x1000  }
0x2b: {  	[sflag:s16] =	ssyncset.done $0x0  }
0x2c: {  	s18 =	simm.s32 $0x18;
	[sflag:s16] =	ssyncadd.s32 $0xFFFFF000  }
0x2d: {  	_ =	swait.ge [sflag:s18], $0x1000  }
0x2e: {  	[sflag:s18] =	ssyncset.done $0x0  }
0x2f: {  	[sflag:s18] =	ssyncadd.s32 $0xFFFFF000  }
0x30: {  	[bflag:$0x0] =	sbarrier.arrive $0xFFFF  }
0x31: {  	s19 =	rddreg [dreg:$0x8]  }
0x32: {  	s13 =	rddreg [dreg:$0x6]  }
0x33: {  	s15 =	simm.s32 $0x1A;
	s18 =	rddreg [dreg:$0xa];
	s10 =	sor.u32 $0x1C1A, s19  }
0x34: {  	[hbm:s13], [sflag:s10] =	dma.local [spmem:s18], $0xA00  }
0x35: {  	_ =	swait.ge [sflag:s15], $0xA00  }
0x36: {  	s20 =	rddreg [dreg:$0xb]  }
0x37: {  	s31 =	rddreg [dreg:$0x7];
	s13 =	sadd.s32 $0x1, s20  }
0x38: {  	p0 =	sne.s32 s13, s31  }
.Ltmp1:
0x39: {  	_ = 	snop;
	(pc) =	sbr.rel @!p0 .LBB2_5-.Ltmp1, $3  }
0x3a: {  	_ =	sdelay $0x1  }
0x3b: {  	[sflag:s15] =	ssyncset.done $0x0  }
0x3c: {  	[sflag:s15] =	ssyncadd.s32 $0xFFFFF600  }
.LBB2_1:
0x3d: {  	[dreg:$0xb] =	wrdreg s13  }
0x3e: {  	s10 =	simm.s32 $0x0;
	s19 =	rddreg [dreg:$0x3]  }
0x3f: {  	[tilespmem:s10], [sflag:$0x1A] =	stream.linear.gather [hbm4b:s19+s10], $0x2A00, $0x38;
	[tilespmem:$0x16400] =	vst v63  }
0x40: {  	_ =	swait.ge [sflag:s15], $0x2A00  }
0x41: {  	[sflag:s15] =	ssyncset.done $0x0;
	s20 =	rddreg [dreg:$0x4]  }
0x42: {  	s31 =	simm.s32 $0x5400;
	s16 =	rddreg [dreg:$0x9];
	[sflag:s15] =	ssyncadd.s32 $0xFFFFD600  }
0x43: {  	[spmem:s18], [sflag:s16] =	dma.local [hbm:s20], $0xA00  }
0x44: {  	[tilespmem:s31], [sflag:$0x1] =	stream.indirect.gather [hbm4b:s4+s14], $0x20, s10, s14, $0xb8;
	[tilespmem:$0x16400] =	vst v63  }
0x45: {  	s16 =	simm.s32 $0x6400  }
0x46: {  	[tilespmem:s16], [sflag:$0x2] =	stream.indirect.gather [hbm4b:s4+s14], $0x20, s14, s14, $0xb8;
	[tilespmem:$0x16400] =	vst v63  }
0x47: {  	s19 =	simm.s32 $0x7400;
	s18 =	simm.s32 $0x100  }
0x48: {  	[tilespmem:s19], [sflag:$0x3] =	stream.indirect.gather [hbm4b:s4+s14], $0x20, s18, s14, $0xb8;
	[tilespmem:$0x16400] =	vst v63  }
0x49: {  	s20 =	simm.s32 $0x180;
	s31 =	simm.s32 $0x8400  }
0x4a: {  	[tilespmem:s31], [sflag:$0x4] =	stream.indirect.gather [hbm4b:s4+s14], $0x20, s20, s14, $0xb8;
	[tilespmem:$0x16400] =	vst v63  }
0x4b: {  	s16 =	simm.s32 $0x200  }
0x4c: {  	[tilespmem:s22], [sflag:$0x5] =	stream.indirect.gather [hbm4b:s4+s14], $0x20, s16, s14, $0xb8;
	[tilespmem:$0x16400] =	vst v63  }
0x4d: {  	s18 =	simm.s32 $0x280  }
0x4e: {  	[tilespmem:s24], [sflag:$0x6] =	stream.indirect.gather [hbm4b:s4+s14], $0x20, s18, s14, $0xb8;
	[tilespmem:$0x16400] =	vst v63  }
0x4f: {  	s19 =	rddreg [dreg:$0x5];
	s20 =	simm.s32 $0x2A00  }
0x50: {  	[tilespmem:s20], [sflag:$0x1A] =	stream.linear.gather [hbm4b:s19+s10], $0x2A00, $0x38;
	[tilespmem:$0x16400] =	vst v63  }
0x51: {  	_ =	swait.ge [sflag:s15], $0x2A00  }
0x52: {  	[sflag:s15] =	ssyncset.done $0x0  }
0x53: {  	s31 =	simm.s32 $0x19;
	[sflag:s15] =	ssyncadd.s32 $0xFFFFD600  }
0x54: {  	_ =	swait.ge [sflag:s31], $0xA00  }
0x55: {  	[sflag:s31] =	ssyncset.done $0x0  }
0x56: {  	[sflag:s31] =	ssyncadd.s32 $0xFFFFF600  }
0x57: {  	s10 =	simm.s32 $0x0;
	[bflag:$0x0] =	sbarrier.arrive $0xFFFF  }
.LBB2_2:
0x58: {  	_ =	swait.ge [sflag:s28], $0x1000  }
0x59: {  	s13 =	sshra.s32 s10, $0x2;
	s16 =	simm.s32 $0x5400;
	[sflag:s28] =	ssyncset.done $0x0  }
0x5a: {  	p0 =	seq.s32 s10, $0x0;
	s15 =	sadd.s32 $0x2A00, s13;
	[sflag:s28] =	ssyncadd.s32 $0xFFFFF000  }
0x5b: {  	[spmem:s2] =	stream.indirect.scatter.add.bf16 [tilespmem:s16], [sflag:$0xD], $0x20, s15, s14, $0xb8;
	[tilespmem:$0x16400] =	vst v63  }
0x5c: {  	s15 =	simm.s32 @!p0 $0x13  }
0x5d: {  	_ =	swait.ge @!p0 [sflag:s15], $0x1000  }
0x5e: {  	[sflag:s15] =	ssyncset.done @!p0 $0x0  }
0x5f: {  	s16 =	sadd.s32 $0x300, s13;
	[sflag:s15] =	ssyncadd.s32 @!p0 $0xFFFFF000  }
0x60: {  	[tilespmem:s29], [sflag:$0x7] =	stream.indirect.gather [hbm4b:s4+s14], $0x20, s16, s14, $0xb8;
	[tilespmem:$0x16400] =	vst v63  }
0x61: {  	_ =	swait.ge [sflag:s30], $0x1000  }
0x62: {  	s19 =	simm.s32 $0x6400;
	[sflag:s30] =	ssyncset.done $0x0  }
0x63: {  	s18 =	sadd.s32 $0x2A80, s13;
	s15 =	simm.s32 @!p0 $0x14;
	[sflag:s30] =	ssyncadd.s32 $0xFFFFF000  }
0x64: {  	[spmem:s2] =	stream.indirect.scatter.add.bf16 [tilespmem:s19], [sflag:$0xE], $0x20, s18, s14, $0xb8;
	[tilespmem:$0x16400] =	vst v63  }
0x65: {  	_ =	swait.ge @!p0 [sflag:s15], $0x1000  }
0x66: {  	[sflag:s15] =	ssyncset.done @!p0 $0x0  }
0x67: {  	s31 =	simm.s32 $0xC400;
	s20 =	sadd.s32 $0x380, s13;
	[sflag:s15] =	ssyncadd.s32 @!p0 $0xFFFFF000  }
0x68: {  	[tilespmem:s31], [sflag:$0x8] =	stream.indirect.gather [hbm4b:s4+s14], $0x20, s20, s14, $0xb8;
	[tilespmem:$0x16400] =	vst v63  }
0x69: {  	_ =	swait.ge [sflag:s1], $0x1000  }
0x6a: {  	s16 =	sadd.s32 $0x2B00, s13;
	[sflag:s1] =	ssyncset.done $0x0  }
0x6b: {  	s18 =	simm.s32 $0x7400;
	s15 =	simm.s32 @!p0 $0x15;
	[sflag:s1] =	ssyncadd.s32 $0xFFFFF000  }
0x6c: {  	[spmem:s2] =	stream.indirect.scatter.add.bf16 [tilespmem:s18], [sflag:$0xF], $0x20, s16, s14, $0xb8;
	[tilespmem:$0x16400] =	vst v63  }
0x6d: {  	_ =	swait.ge @!p0 [sflag:s15], $0x1000  }
0x6e: {  	[sflag:s15] =	ssyncset.done @!p0 $0x0  }
0x6f: {  	s19 =	sadd.s32 $0x400, s13;
	[sflag:s15] =	ssyncadd.s32 @!p0 $0xFFFFF000  }
0x70: {  	[tilespmem:s0], [sflag:$0x9] =	stream.indirect.gather [hbm4b:s4+s14], $0x20, s19, s14, $0xb8;
	[tilespmem:$0x16400] =	vst v63  }
0x71: {  	_ =	swait.ge [sflag:s17], $0x1000  }
0x72: {  	s20 =	sadd.s32 $0x2B80, s13;
	[sflag:s17] =	ssyncset.done $0x0  }
0x73: {  	s31 =	simm.s32 $0x8400;
	s15 =	simm.s32 @!p0 $0x16;
	[sflag:s17] =	ssyncadd.s32 $0xFFFFF000  }
0x74: {  	[spmem:s2] =	stream.indirect.scatter.add.bf16 [tilespmem:s31], [sflag:$0x10], $0x20, s20, s14, $0xb8;
	[tilespmem:$0x16400] =	vst v63  }
0x75: {  	_ =	swait.ge @!p0 [sflag:s15], $0x1000  }
0x76: {  	[sflag:s15] =	ssyncset.done @!p0 $0x0  }
0x77: {  	s18 =	sadd.s32 $0x480, s13;
	s19 =	simm.s32 $0xE400;
	[sflag:s15] =	ssyncadd.s32 @!p0 $0xFFFFF000  }
0x78: {  	[tilespmem:s19], [sflag:$0xA] =	stream.indirect.gather [hbm4b:s4+s14], $0x20, s18, s14, $0xb8;
	[tilespmem:$0x16400] =	vst v63  }
0x79: {  	_ =	swait.ge [sflag:s21], $0x1000  }
0x7a: {  	[sflag:s21] =	ssyncset.done $0x0  }
0x7b: {  	s20 =	sadd.s32 $0x2C00, s13;
	s15 =	simm.s32 @!p0 $0x17;
	[sflag:s21] =	ssyncadd.s32 $0xFFFFF000  }
0x7c: {  	[spmem:s2] =	stream.indirect.scatter.add.bf16 [tilespmem:s22], [sflag:$0x11], $0x20, s20, s14, $0xb8;
	[tilespmem:$0x16400] =	vst v63  }
0x7d: {  	_ =	swait.ge @!p0 [sflag:s15], $0x1000  }
0x7e: {  	[sflag:s15] =	ssyncset.done @!p0 $0x0  }
0x7f: {  	s31 =	sadd.s32 $0x500, s13;
	[sflag:s15] =	ssyncadd.s32 @!p0 $0xFFFFF000  }
0x80: {  	[tilespmem:s23], [sflag:$0xB] =	stream.indirect.gather [hbm4b:s4+s14], $0x20, s31, s14, $0xb8;
	[tilespmem:$0x16400] =	vst v63  }
0x81: {  	_ =	swait.ge [sflag:s25], $0x1000  }
0x82: {  	[sflag:s25] =	ssyncset.done $0x0  }
0x83: {  	s16 =	sadd.s32 $0x2C80, s13;
	s15 =	simm.s32 @!p0 $0x18;
	[sflag:s25] =	ssyncadd.s32 $0xFFFFF000  }
0x84: {  	[spmem:s2] =	stream.indirect.scatter.add.bf16 [tilespmem:s24], [sflag:$0x12], $0x20, s16, s14, $0xb8;
	[tilespmem:$0x16400] =	vst v63  }
0x85: {  	_ =	swait.ge @!p0 [sflag:s15], $0x1000  }
0x86: {  	[sflag:s15] =	ssyncset.done @!p0 $0x0  }
0x87: {  	s18 =	sadd.s32 $0x580, s13;
	[sflag:s15] =	ssyncadd.s32 @!p0 $0xFFFFF000  }
0x88: {  	[tilespmem:s5], [sflag:$0xC] =	stream.indirect.gather [hbm4b:s4+s14], $0x20, s18, s14, $0xb8;
	[tilespmem:$0x16400] =	vst v63  }
0x89: {  	_ =	swait.ge [sflag:s6], $0x1000  }
0x8a: {  	[sflag:s6] =	ssyncset.done $0x0  }
0x8b: {  	s19 =	sadd.s32 $0x2D00, s13;
	[sflag:s6] =	ssyncadd.s32 $0xFFFFF000  }
0x8c: {  	[spmem:s2] =	stream.indirect.scatter.add.bf16 [tilespmem:s29], [sflag:$0x13], $0x20, s19, s14, $0xb8;
	[tilespmem:$0x16400] =	vst v63  }
0x8d: {  	_ =	swait.ge [sflag:s7], $0x1000  }
0x8e: {  	p0 =	seq.s32 s10, $0x9000;
	[sflag:s7] =	ssyncset.done $0x0  }
0x8f: {  	s15 =	simm.s32 @p0 $0x8;
	[sflag:s7] =	ssyncadd.s32 $0xFFFFF000  }
0x90: {  	_ =	swait.ge @p0 [sflag:s15], $0x1000  }
0x91: {  	[sflag:s15] =	ssyncset.done @p0 $0x0  }
0x92: {  	[sflag:s15] =	ssyncadd.s32 @p0 $0xFFFFF000;
	s15 =	sshra.s32 @p0 s10, $0x2  }
0x93: {  	s18 =	simm.s32 @p0 $0x80;
	s20 =	simm.s32 @p0 $0xC400;
	s16 =	sadd.s32 @p0 $0x2D80, s15  }
0x94: {  	[spmem:s2] =	stream.indirect.scatter.add.bf16 @p0 [tilespmem:s20], [sflag:$0x14], $0x20, s16, s18, $0xb8;
	[tilespmem:$0x16400] =	vst v63  }
0x95: {  	s16 =	simm.s32 @p0 $0xE  }
0x96: {  	_ =	swait.ge @p0 [sflag:s16], $0x1000  }
0x97: {  	[sflag:s16] =	ssyncset.done @p0 $0x0  }
0x98: {  	[sflag:s16] =	ssyncadd.s32 @p0 $0xFFFFF000;
	s16 =	sshra.s32 @!p0 s10, $0x2  }
0x99: {  	s31 =	simm.s32 @!p0 $0x80;
	s19 =	simm.s32 @!p0 $0x5400;
	s20 =	sadd.s32 @!p0 $0x600, s16  }
0x9a: {  	[tilespmem:s19], [sflag:$0x1] =	stream.indirect.gather @!p0 [hbm4b:s4+s31], $0x20, s20, s31, $0xb8;
	[tilespmem:$0x16400] =	vst v63  }
0x9b: {  	s19 =	simm.s32 @!p0 $0x8  }
0x9c: {  	_ =	swait.ge @!p0 [sflag:s19], $0x1000  }
0x9d: {  	[sflag:s19] =	ssyncset.done @!p0 $0x0  }
0x9e: {  	s20 =	simm.s32 @!p0 $0xC400;
	[sflag:s19] =	ssyncadd.s32 @!p0 $0xFFFFF000;
	s19 =	sadd.s32 @!p0 $0x2D80, s16  }
0x9f: {  	[spmem:s2] =	stream.indirect.scatter.add.bf16 @!p0 [tilespmem:s20], [sflag:$0x14], $0x20, s19, s31, $0xb8;
	[tilespmem:$0x16400] =	vst v63  }
0xa0: {  	s19 =	simm.s32 @!p0 $0xE  }
0xa1: {  	_ =	swait.ge @!p0 [sflag:s19], $0x1000  }
0xa2: {  	[sflag:s19] =	ssyncset.done @!p0 $0x0  }
0xa3: {  	s20 =	simm.s32 @!p0 $0x6400;
	[sflag:s19] =	ssyncadd.s32 @!p0 $0xFFFFF000;
	s19 =	sadd.s32 @!p0 $0x680, s16  }
0xa4: {  	[tilespmem:s20], [sflag:$0x2] =	stream.indirect.gather @!p0 [hbm4b:s4+s31], $0x20, s19, s31, $0xb8;
	[tilespmem:$0x16400] =	vst v63  }
0xa5: {  	_ =	swait.ge [sflag:s8], $0x1000  }
0xa6: {  	[sflag:s8] =	ssyncset.done $0x0  }
0xa7: {  	s20 =	sadd.s32 $0x2E00, s13;
	[sflag:s8] =	ssyncadd.s32 $0xFFFFF000  }
0xa8: {  	[spmem:s2] =	stream.indirect.scatter.add.bf16 [tilespmem:s0], [sflag:$0x15], $0x20, s20, s14, $0xb8;
	[tilespmem:$0x16400] =	vst v63  }
0xa9: {  	_ =	swait.ge [sflag:s9], $0x1000  }
0xaa: {  	[sflag:s9] =	ssyncset.done $0x0  }
0xab: {  	s19 =	simm.s32 @p0 $0xA;
	[sflag:s9] =	ssyncadd.s32 $0xFFFFF000  }
0xac: {  	_ =	swait.ge @p0 [sflag:s19], $0x1000  }
0xad: {  	[sflag:s19] =	ssyncset.done @p0 $0x0  }
0xae: {  	s15 =	sadd.s32 @p0 $0x2E80, s15;
	[sflag:s19] =	ssyncadd.s32 @p0 $0xFFFFF000;
	s19 =	simm.s32 @p0 $0xE400  }
0xaf: {  	[spmem:s2] =	stream.indirect.scatter.add.bf16 @p0 [tilespmem:s19], [sflag:$0x16], $0x20, s15, s18, $0xb8;
	[tilespmem:$0x16400] =	vst v63  }
0xb0: {  	s15 =	simm.s32 @p0 $0x10  }
0xb1: {  	_ =	swait.ge @p0 [sflag:s15], $0x1000  }
0xb2: {  	[sflag:s15] =	ssyncset.done @p0 $0x0  }
0xb3: {  	s18 =	simm.s32 @!p0 $0x7400;
	[sflag:s15] =	ssyncadd.s32 @p0 $0xFFFFF000;
	s15 =	sadd.s32 @!p0 $0x700, s16  }
0xb4: {  	[tilespmem:s18], [sflag:$0x3] =	stream.indirect.gather @!p0 [hbm4b:s4+s31], $0x20, s15, s31, $0xb8;
	[tilespmem:$0x16400] =	vst v63  }
0xb5: {  	s15 =	simm.s32 @!p0 $0xA  }
0xb6: {  	_ =	swait.ge @!p0 [sflag:s15], $0x1000  }
0xb7: {  	[sflag:s15] =	ssyncset.done @!p0 $0x0  }
0xb8: {  	s18 =	simm.s32 @!p0 $0xE400;
	[sflag:s15] =	ssyncadd.s32 @!p0 $0xFFFFF000;
	s15 =	sadd.s32 @!p0 $0x2E80, s16  }
0xb9: {  	[spmem:s2] =	stream.indirect.scatter.add.bf16 @!p0 [tilespmem:s18], [sflag:$0x16], $0x20, s15, s31, $0xb8;
	[tilespmem:$0x16400] =	vst v63  }
0xba: {  	s15 =	simm.s32 @!p0 $0x10  }
0xbb: {  	_ =	swait.ge @!p0 [sflag:s15], $0x1000  }
0xbc: {  	[sflag:s15] =	ssyncset.done @!p0 $0x0  }
0xbd: {  	[sflag:s15] =	ssyncadd.s32 @!p0 $0xFFFFF000;
	s15 =	sadd.s32 @!p0 $0x780, s16;
	s16 =	simm.s32 @!p0 $0x8400  }
0xbe: {  	[tilespmem:s16], [sflag:$0x4] =	stream.indirect.gather @!p0 [hbm4b:s4+s31], $0x20, s15, s31, $0xb8;
	[tilespmem:$0x16400] =	vst v63  }
0xbf: {  	_ =	swait.ge [sflag:s12], $0x1000  }
0xc0: {  	[sflag:s12] =	ssyncset.done $0x0  }
.Ltmp2:
0xc1: {  	s31 =	sadd.s32 $0x2F00, s13;
	[sflag:s12] =	ssyncadd.s32 $0xFFFFF000;
	(pc) =	sbr.rel @p0 .LBB2_4-.Ltmp2, $4  }
0xc2: {  	[spmem:s2] =	stream.indirect.scatter.add.bf16 [tilespmem:s23], [sflag:$0x17], $0x20, s31, s14, $0xb8;
	[tilespmem:$0x16400] =	vst v63  }
0xc3: {  	_ =	swait.ge [sflag:s11], $0x1000  }
0xc4: {  	[sflag:s11] =	ssyncset.done $0x0  }
0xc5: {  	s15 =	sadd.s32 $0x2F80, s13;
	[sflag:s11] =	ssyncadd.s32 $0xFFFFF000  }
0xc6: {  	s16 =	sadd.s32 $0x800, s13  }
0xc7: {  	[tilespmem:s22], [sflag:$0x5] =	stream.indirect.gather [hbm4b:s4+s14], $0x20, s16, s14, $0xb8;
	[tilespmem:$0x16400] =	vst v63  }
0xc8: {  	_ =	swait.ge [sflag:s3], $0x1000  }
0xc9: {  	[sflag:s3] =	ssyncset.done $0x0  }
0xca: {  	[sflag:s3] =	ssyncadd.s32 $0xFFFFF000  }
0xcb: {  	[spmem:s2] =	stream.indirect.scatter.add.bf16 [tilespmem:s5], [sflag:$0x18], $0x20, s15, s14, $0xb8;
	[tilespmem:$0x16400] =	vst v63  }
.Ltmp3:
0xcc: {  	_ = 	snop;
	(pc) =	sbr.rel .LBB2_2-.Ltmp3, $4  }
0xcd: {  	_ =	swait.ge [sflag:s26], $0x1000  }
0xce: {  	[sflag:s26] =	ssyncset.done $0x0  }
0xcf: {  	s31 =	sadd.s32 $0x880, s13;
	s10 =	sadd.s32 $0x1800, s10;
	[sflag:s26] =	ssyncadd.s32 $0xFFFFF000  }
0xd0: {  	[tilespmem:s24], [sflag:$0x6] =	stream.indirect.gather [hbm4b:s4+s14], $0x20, s31, s14, $0xb8;
	[tilespmem:$0x16400] =	vst v63  }
.LBB2_5:
0xd1: {  	_ =	sfence.sel $0x180000  }
0xd2: {  	[bflag:$0x0] =	sbarrier.arrive $0xFFFF  }
0xd3: {  	_ =	strace $0x9000004A  }
0xd4: {  	s0 =	stileid.u32;
	[bflag:$0x2] =	sbarrier.arrive $0xFFFF  }
0xd5: {  	p0 =	sne.s32 s0, $0x0;
	s0 =	rddreg [dreg:$0x2]  }
0xd6: {  	s0 =	sadd.s32 @!p0 $0x100000, s0  }
0xd7: {  	[sflag:s0] =	ssyncadd.tile.s32 @!p0 $0x1;
	_ =	shalt  }
.Lfunc_end2:
_tile_overlayer_lowered:
.L_overlay_start_2:
0xd8: {  	(tag) =	ssettag $0x2  }
0xd9: {  	s0 =	rddreg [dreg:$0x0];
	s2 =	stileid.u32  }
0xda: {  	s1 =	rddreg [dreg:$0x1];
	p0 =	sne.s32 s2, $0x0  }
0xdb: {  	s3 =	rddreg [dreg:$0x2];
	[bflag:$0x3] =	sbarrier.arrive $0xFFFF;
	s2 =	simm.s32 @!p0 $0x1C1A  }
0xdc: {  	[timem:s3], [sflag:s2] =	dma.local @!p0 [hbm:s0], s1  }
0xdd: {  	s0 =	simm.s32 @!p0 $0x1A  }
0xde: {  	_ =	swait.ge @!p0 [sflag:s0], s1  }
0xdf: {  	s1 =	ssub.s32 @!p0 $0x0, s1;
	[sflag:s0] =	ssyncset.done @!p0 $0x0  }
0xe0: {  	[sflag:s0] =	ssyncadd.s32 @!p0 s1  }
0xe1: {  	[bflag:$0x3] =	sbarrier.arrive $0xFFFF  }
0xe2: {  	_ =	shalt  }

// kernel: kernel.16.cloned.1.call-start
scs
__scs_entry_jumppad:
0x0: {  	(pc) =	sbr.rel $0x88, $3  }
0x1: {  	(tag) =	ssettag $0x0;
	lr =	simm.s32 $0x1  }
0x2: {  	[smem:$0x3F96] =	sst lr;
	_ =	strace $0xD0000000  }
0x3: {  	_ = 	snop  }
0x4: {  	_ = 	snop  }
0x5: {  	_ = 	snop  }
0x6: {  	_ = 	snop  }
0x7: {  	_ = 	snop  }
__scs_overlays_trampoline_lowered:
0x8: {  	[smem:$0x3FA5] =	sst s0  }
0x9: {  	[smem:$0x3FA6] =	sst s1  }
0xa: {  	[smem:$0x3FA7] =	sst s2  }
0xb: {  	[smem:$0x3FA8] =	sst s3  }
0xc: {  	[smem:$0x3FA9] =	sst s4  }
0xd: {  	[smem:$0x3FAA] =	sst s5  }
0xe: {  	[smem:$0x3FAB] =	sst s6  }
0xf: {  	[smem:$0x3FAC] =	sst s7  }
0x10: {  	[smem:$0x3FAD] =	sst s8  }
0x11: {  	[smem:$0x3FAE] =	sst s9;
	s0 =	simm.s32 @!p0 $0x0  }
0x12: {  	s1 =	sld [smem:$0x3F94];
	s0 =	simm.s32 @p0 $0x1  }
0x13: {  	[smem:$0x3FAF] =	sst s0;
	s0 =	simm.s32 @!p1 $0x0  }
0x14: {  	s2 =	sld [smem:$0x3F93];
	s0 =	simm.s32 @p1 $0x1  }
0x15: {  	[smem:$0x3FB0] =	sst s0;
	s0 =	simm.s32 @!p2 $0x0  }
0x16: {  	s3 =	sld [smem:$0x3FDB];
	s0 =	simm.s32 @p2 $0x1  }
0x17: {  	s4 =	simm.s32 $0x1BF5;
	[smem:$0x3FB2] =	sst s0  }
0x18: {  	s0 =	sld [smem:$0x3F95];
	_ =	swait.ge [sflag:s4], $0x0  }
0x19: {  	s7 =	sld [smem:$0x3F96]  }
0x1a: {  	s8 =	sadd.s32 $0xFFFFE003, lr  }
0x1b: {  	s9 =	sadd.s32 $0xFFFFFEF7, lr;
	s5 =	simm.s32 $0xFFFFFFFF;
	p2 =	slt.u32 s8, $0xFFFFF086  }
0x1c: {  	p1 =	slt.u32 s9, $0xF7A;
	s5 =	simm.s32 @!p2 $0x0  }
0x1d: {  	s5 =	simm.s32 @p1 $0x1;
	p0 =	seq.s32 s7, s2  }
0x1e: {  	s7 =	smul.u32 @!p0 $0xF7A, s2;
	p2 =	seq.s32 @!p0 s5, $0x0  }
0x1f: {  	s9 =	smul.u32 $0xF7A, s1;
	s8 =	simm.s32 @!p0 $0x1BF5;
	p2 =	por !p2, p0  }
0x20: {  	[sflag:s8] =	ssyncset.s32 @!p0 $0xFFFFF086;
	s6 =	sadd.s32 @!p0 s3, s7;
	s7 =	simm.s32 @!p0 $0x108  }
0x21: {  	s3 =	sadd.s32 s3, s9;
	s6 =	sadd.s32 @!p0 $0x88, s6;
	s7 =	simm.s32 @p2 $0x1082  }
0x22: {  	[simem:s7], [sflag:s8] =	dma.local @!p0 [hbm:s6], $0xF7A  }
0x23: {  	s9 =	sor.u32 $0xD0000000, s2;
	s6 =	simm.s32 $0x108;
	_ =	swait.ge @!p0 [sflag:s8], $0x0  }
0x24: {  	s3 =	sadd.s32 $0x88, s3;
	s6 =	simm.s32 @!p1 $0x1082;
	[sflag:s4] =	ssyncset.s32 $0xFFFFF086  }
0x25: {  	[simem:s6], [sflag:s4] =	dma.local [hbm:s3], $0xF7A  }
0x26: {  	[smem:$0x3F96] =	sst s1;
	(tag) =	ssettag s2;
	_ =	strace s9  }
0x27: {  	s1 =	sld [smem:$0x3FA6]  }
0x28: {  	s2 =	sld [smem:$0x3FA7]  }
0x29: {  	s4 =	sld [smem:$0x3FA9]  }
0x2a: {  	p0 =	seq.s32 s5, $0x0;
	s5 =	sld [smem:$0x3FAA]  }
0x2b: {  	s6 =	sld [smem:$0x3FAB]  }
0x2c: {  	s7 =	sld [smem:$0x3FAC]  }
0x2d: {  	s3 =	simm.s32 $0x108;
	s8 =	sld [smem:$0x3FAD]  }
0x2e: {  	s3 =	simm.s32 @!p0 $0x1082;
	s9 =	sld [smem:$0x3FAE]  }
0x2f: {  	lr =	sadd.s32 s0, s3;
	s0 =	sld [smem:$0x3FA5]  }
0x30: {  	s3 =	sld [smem:$0x3FA8]  }
0x31: {  	[smem:$0x3FB1] =	sst s10  }
0x32: {  	s10 =	sld [smem:$0x3FAF];
	_ =	sdelay $0x3  }
0x33: {  	p0 =	seq.s32 s10, $0x1;
	s10 =	sld [smem:$0x3FB1];
	_ =	sdelay $0x3  }
0x34: {  	[smem:$0x3FB1] =	sst s10  }
0x35: {  	s10 =	sld [smem:$0x3FB0];
	_ =	sdelay $0x3  }
0x36: {  	p1 =	seq.s32 s10, $0x1;
	s10 =	sld [smem:$0x3FB1];
	_ =	sdelay $0x3  }
0x37: {  	[smem:$0x3FB1] =	sst s10  }
0x38: {  	s10 =	sld [smem:$0x3FB2]  }
0x39: {  	_ = 	snop;
	(pc) =	sbr.ind lr, $3  }
0x3a: {  	_ = 	snop  }
0x3b: {  	_ = 	snop  }
0x3c: {  	p2 =	seq.s32 s10, $0x1;
	s10 =	sld [smem:$0x3FB1]  }
0x3d: {  	_ =	shalt  }
0x3e: {  	_ =	shalt  }
0x3f: {  	_ =	shalt  }
0x40: {  	_ =	shalt  }
0x41: {  	_ =	shalt  }
0x42: {  	_ =	shalt  }
0x43: {  	_ =	shalt  }
0x44: {  	_ =	shalt  }
0x45: {  	_ =	shalt  }
0x46: {  	_ =	shalt  }
0x47: {  	_ =	shalt  }
0x48: {  	_ =	shalt  }
0x49: {  	_ =	shalt  }
0x4a: {  	_ =	shalt  }
0x4b: {  	_ =	shalt  }
0x4c: {  	_ =	shalt  }
0x4d: {  	_ =	shalt  }
0x4e: {  	_ =	shalt  }
0x4f: {  	_ =	shalt  }
0x50: {  	_ =	shalt  }
0x51: {  	_ =	shalt  }
0x52: {  	_ =	shalt  }
0x53: {  	_ =	shalt  }
0x54: {  	_ =	shalt  }
0x55: {  	_ =	shalt  }
0x56: {  	_ =	shalt  }
0x57: {  	_ =	shalt  }
0x58: {  	_ =	shalt  }
0x59: {  	_ =	shalt  }
0x5a: {  	_ =	shalt  }
0x5b: {  	_ =	shalt  }
0x5c: {  	_ =	shalt  }
0x5d: {  	_ =	shalt  }
0x5e: {  	_ =	shalt  }
0x5f: {  	_ =	shalt  }
0x60: {  	_ =	shalt  }
0x61: {  	_ =	shalt  }
0x62: {  	_ =	shalt  }
0x63: {  	_ =	shalt  }
0x64: {  	_ =	shalt  }
0x65: {  	_ =	shalt  }
0x66: {  	_ =	shalt  }
0x67: {  	_ =	shalt  }
0x68: {  	_ =	shalt  }
0x69: {  	_ =	shalt  }
0x6a: {  	_ =	shalt  }
0x6b: {  	_ =	shalt  }
0x6c: {  	_ =	shalt  }
0x6d: {  	_ =	shalt  }
0x6e: {  	_ =	shalt  }
0x6f: {  	_ =	shalt  }
0x70: {  	_ =	shalt  }
0x71: {  	_ =	shalt  }
0x72: {  	_ =	shalt  }
0x73: {  	_ =	shalt  }
0x74: {  	_ =	shalt  }
0x75: {  	_ =	shalt  }
0x76: {  	_ =	shalt  }
0x77: {  	_ =	shalt  }
0x78: {  	_ =	shalt  }
0x79: {  	_ =	shalt  }
0x7a: {  	_ =	shalt  }
0x7b: {  	_ =	shalt  }
0x7c: {  	_ =	shalt  }
0x7d: {  	_ =	shalt  }
0x7e: {  	_ =	shalt  }
0x7f: {  	_ =	shalt  }
0x80: {  	_ =	shalt  }
0x81: {  	_ =	shalt  }
0x82: {  	_ =	shalt  }
0x83: {  	_ =	shalt  }
0x84: {  	_ =	shalt  }
0x85: {  	_ =	shalt  }
0x86: {  	_ =	shalt  }
0x87: {  	_ =	shalt  }
.Lfunc_end0:
.L_simem_size_0:
called_computation.2_lowered:
.L_overlay_start_0:
0x88: {  	s2 =	sld [smem:$0x3FD9]  }
0x89: {  	s3 =	sld [smem:$0x3FFE];
	_ =	sdelay $0x1  }
0x8a: {  	s1 =	srdreg.scid  }
0x8b: {  	s0 =	sand.u32 $0x1, s1  }
0x8c: {  	s16 =	sshll.u32 s0, $0xA;
	s2 =	sadd.s32 s3, s2  }
0x8d: {  	s2 =	sadd.s32 s2, s16  }
0x8e: {  	[smem:$0x3FBD] =	sst s2  }
0x8f: {  	_ = 	snop  }
0x90: {  	(tm) =	ssettm $0x1  }
0x91: {  	s17 =	sld [smem:$0x3FFB];
	_ =	sdelay $0x3  }
0x92: {  	_ =	strace s17  }
0x93: {  	s2 =	sld [smem:$0x3FFC];
	_ =	sdelay $0x3  }
0x94: {  	_ =	strace s2  }
0x95: {  	s2 =	sld [smem:$0x3FFD];
	_ =	sdelay $0x3  }
0x96: {  	_ =	strace s2  }
0x97: {  	_ =	strace $0x8FFFFFFF  }
0x98: {  	s18 =	sld [smem:$0x3FDB];
	_ =	sdelay $0x1  }
0x99: {  	s19 =	simm.s32 $_scs_section_size  }
0x9a: {  	s4 =	simm.s32 $_size__tile_overlayer_lowered;
	s5 =	simm.s32 $_tile_overlayer_lowered  }
0x9b: {  	s22 =	simm.s32 $0x1BFF;
	s21 =	sshll.u32 s5, $0x1;
	s2 =	sadd.s32 s19, s18  }
0x9c: {  	s6 =	simm.s32 $0x0;
	s20 =	sshll.u32 s4, $0x1;
	s4 =	sadd.s32 s21, s2  }
0x9d: {  	[timem:s6], [sflag:s22] =	dma.local [hbm:s4], s20  }
0x9e: {  	_ =	swait.ge [sflag:s22], s20  }
0x9f: {  	s3 =	ssub.s32 $0x0, s20;
	[sflag:s22] =	ssyncset.done $0x0  }
0xa0: {  	[sflag:s22] =	ssyncadd.s32 s3;
	_ =	sdelay $0x1  }
0xa1: {  	s23 =	simm.s32 $0x1B8B  }
0xa2: {  	_ =	swait.ge [sflag:s23], $0x1  }
0xa3: {  	[sflag:s23] =	ssyncset.done $0x0  }
0xa4: {  	s25 =	simm.s32 $0x1B8E;
	s24 =	sld [smem:$0x3FFE];
	[sflag:s23] =	ssyncadd.s32 $0xFFFFFFFF  }
0xa5: {  	s26 =	simm.s32 $execute0_lowered;
	[smem:$0x3FD2] =	sst s25  }
0xa6: {  	s4 =	sshll.u32 s26, $0x1;
	_ =	strace $0x8000004C;
	[dreg:$0x1] =	wrdreg $0xFFFFFFFF  }
0xa7: {  	s28 =	simm.s32 $_size_execute0_lowered;
	s2 =	sadd.s32 s2, s4;
	[dreg:$0x0] =	wrdreg $0x0  }
0xa8: {  	s4 =	sshll.u32 s28, $0x1;
	[dreg:$0x2] =	wrdreg s2  }
0xa9: {  	[dreg:$0x3] =	wrdreg s4  }
0xaa: {  	[dreg:$0x4] =	wrdreg $0xC0  }
0xab: {  	_ =	task [dreg:s6], $0x5FFFF  }
0xac: {  	[dreg:$0x1] =	wrdreg $0xFFFFFFFF  }
0xad: {  	[dreg:$0x0] =	wrdreg $0x60  }
0xae: {  	[dreg:$0x2] =	wrdreg s24  }
0xaf: {  	[dreg:$0x3] =	wrdreg $0x114000  }
0xb0: {  	[dreg:$0x4] =	wrdreg $0x9  }
0xb1: {  	_ =	task.clear_ibuf [dreg:s6], $0x5FFFF;
	_ =	strace $0x9000004C  }
0xb2: {  	s29 =	simm.s32 $0x9;
	_ =	strace $0x8000004E  }
0xb3: {  	_ =	swait.ge [sflag:s29], $0x1  }
0xb4: {  	[sflag:s29] =	ssyncadd.s32 $0xFFFFFFFF  }
0xb5: {  	_ =	strace $0x9000004E  }
0xb6: {  	_ =	sfence  }
0xb7: {  	s30 =	sld [smem:$0x0];
	_ =	sdelay $0x2  }
0xb8: {  	s31 =	sshll.u32 s1, $0xD;
	s1 =	sshrl.u32 s1, $0x2  }
0xb9: {  	s3 =	sand.u32 $0x4000, s31;
	s1 =	sadd.s32 s1, s30  }
0xba: {  	s0 =	sor.u32 s3, s0;
	s1 =	sshll.u32 s1, $0x11  }
0xbb: {  	s0 =	sor.u32 s1, s0  }
0xbc: {  	s0 =	sadd.s32 $0x8F2B, s0  }
0xbd: {  	[sflag:s0] =	ssyncadd.remote.s32 $0x1  }
0xbe: {  	_ =	sfence.sel $0xFFFF  }
0xbf: {  	[dreg:$0x0] =	wrdreg $0xFFFFFFFF;
	(pc) =	sbr.abs _section_cstart, $3  }
0xc0: {  	[dreg:$0x1] =	wrdreg $0xFFFFFFFF  }
0xc1: {  	_ =	task.clear_ibuf [dreg:s6], $0x2FFFF;
	_ =	strace $0x9FFFFFFF  }
0xc2: {  	(tm) =	ssettm $0x7FFFFFFF  }
0xc3: {  	_ =	shalt  }
tec
execute0_lowered:
.L_overlay_start_1:
0x0: {  	(tag) =	ssettag $0x1  }
0x1: {  	s0 =	srdreg.scid;
	s1 =	rddreg [dreg:$0x0]  }
0x2: {  	s8 =	stileid.u32;
	s2 =	rddreg [dreg:$0x1];
	s4 =	simm.s32 $0x0  }
0x3: {  	s15 =	simm.s32 $0x1A;
	s14 =	simm.s32 $0x80;
	s22 =	simm.s32 $0x9400  }
0x4: {  	s28 =	simm.s32 $0x1;
	s29 =	simm.s32 $0xB400;
	s30 =	simm.s32 $0x2  }
0x5: {  	s17 =	simm.s32 $0x4;
	s21 =	simm.s32 $0x5;
	s9 =	simm.s32 $0xF  }
0x6: {  	s12 =	simm.s32 $0xB;
	s11 =	simm.s32 $0x11;
	s5 =	smul.u32 $0x2A00, s8  }
0x7: {  	s13 =	simm.s32 $0x0;
	s0 =	sand.u32 $0x1, s0;
	s6 =	smul.u32 $0xA000, s8  }
0x8: {  	[smem:$0x7FF] =	sst s4;
	s4 =	sadd.s32 $0x18600, s1;
	s3 =	smul.u32 $0x2A000, s0  }
0x9: {  	s31 =	sshll.u32 s8, $0x6;
	s8 =	simm.s32 $0x9;
	s7 =	smul.u32 $0xA0000, s0  }
0xa: {  	_ =	strace $0x8000004D;
	s0 =	ssub.s32 $0x2, s0;
	[dreg:$0x8] =	wrdreg s31  }
0xb: {  	s24 =	sshrl.u32 s0, $0x1;
	s25 =	sshrl.u32 s6, $0x1;
	s3 =	sadd.s32 s5, s3  }
0xc: {  	s23 =	sadd.s32 s6, s7;
	s0 =	ssub.s32 s0, s24;
	s6 =	sshrl.u32 s6, $0x4  }
0xd: {  	s24 =	simm.s32 $0xA400;
	s7 =	simm.s32 $0xD;
	s3 =	sshrl.u32 s3, $0x3  }
0xe: {  	s5 =	sshrl.u32 s23, $0x4;
	s6 =	sadd.s32 s4, s6;
	s0 =	smax.u32 s0, $0x1  }
0xf: {  	s23 =	simm.s32 $0xF400;
	s3 =	sadd.s32 s3, s1;
	[dreg:$0x4] =	wrdreg s6  }
0x10: {  	s1 =	sadd.s32 s5, s1;
	s5 =	sadd.s32 s25, s2;
	[dreg:$0x7] =	wrdreg s0  }
0x11: {  	s0 =	sor.u32 $0x1C19, s31;
	s25 =	simm.s32 $0x6;
	s6 =	simm.s32 $0x7  }
.Ltmp0:
0x12: {  	s26 =	sadd.s32 $0xDE00, s3;
	[dreg:$0x9] =	wrdreg s0;
	(pc) =	sbr.rel .LBB2_1-.Ltmp0, $4  }
0x13: {  	s3 =	sadd.s32 $0x2C00, s3;
	s1 =	sadd.s32 $0x22600, s1;
	[dreg:$0x3] =	wrdreg s26  }
0x14: {  	s18 =	sshrl.u32 s5, $0x3;
	s0 =	simm.s32 $0xD400;
	[dreg:$0x5] =	wrdreg s3  }
0x15: {  	s5 =	simm.s32 $0x10400;
	[dreg:$0x6] =	wrdreg s1;
	s1 =	simm.s32 $0x3  }
0x16: {  	s3 =	simm.s32 $0xC;
	s26 =	simm.s32 $0x12;
	[dreg:$0xa] =	wrdreg s18  }
.LBB2_4:
0x17: {  	_ =	swait.ge [sflag:s3], $0x1000  }
0x18: {  	[sflag:s3] =	ssyncset.done $0x0  }
0x19: {  	[sflag:s3] =	ssyncadd.s32 $0xFFFFF000  }
0x1a: {  	[spmem:s2] =	stream.indirect.scatter.add.bf16 [tilespmem:s5], [sflag:$0x18], $0x20, s15, s14, $0xb8;
	[tilespmem:$0x16400] =	vst v63  }
0x1b: {  	_ =	swait.ge [sflag:s26], $0x1000  }
0x1c: {  	[sflag:s26] =	ssyncset.done $0x0  }
0x1d: {  	s10 =	simm.s32 $0x13;
	[sflag:s26] =	ssyncadd.s32 $0xFFFFF000  }
0x1e: {  	_ =	swait.ge [sflag:s10], $0x1000  }
0x1f: {  	[sflag:s10] =	ssyncset.done $0x0  }
0x20: {  	s31 =	simm.s32 $0x14;
	[sflag:s10] =	ssyncadd.s32 $0xFFFFF000  }
0x21: {  	_ =	swait.ge [sflag:s31], $0x1000  }
0x22: {  	[sflag:s31] =	ssyncset.done $0x0  }
0x23: {  	s13 =	simm.s32 $0x15;
	[sflag:s31] =	ssyncadd.s32 $0xFFFFF000  }
0x24: {  	_ =	swait.ge [sflag:s13], $0x1000  }
0x25: {  	[sflag:s13] =	ssyncset.done $0x0  }
0x26: {  	s15 =	simm.s32 $0x16;
	[sflag:s13] =	ssyncadd.s32 $0xFFFFF000  }
0x27: {  	_ =	swait.ge [sflag:s15], $0x1000  }
0x28: {  	[sflag:s15] =	ssyncset.done $0x0  }
0x29: {  	s16 =	simm.s32 $0x17;
	[sflag:s15] =	ssyncadd.s32 $0xFFFFF000  }
0x2a: {  	_ =	swait.ge [sflag:s16], $0x1000  }
0x2b: {  	[sflag:s16] =	ssyncset.done $0x0  }
0x2c: {  	s18 =	simm.s32 $0x18;
	[sflag:s16] =	ssyncadd.s32 $0xFFFFF000  }
0x2d: {  	_ =	swait.ge [sflag:s18], $0x1000  }
0x2e: {  	[sflag:s18] =	ssyncset.done $0x0  }
0x2f: {  	[sflag:s18] =	ssyncadd.s32 $0xFFFFF000  }
0x30: {  	[bflag:$0x0] =	sbarrier.arrive $0xFFFF  }
0x31: {  	s19 =	rddreg [dreg:$0x8]  }
0x32: {  	s13 =	rddreg [dreg:$0x6]  }
0x33: {  	s15 =	simm.s32 $0x1A;
	s18 =	rddreg [dreg:$0xa];
	s10 =	sor.u32 $0x1C1A, s19  }
0x34: {  	[hbm:s13], [sflag:s10] =	dma.local [spmem:s18], $0xA00  }
0x35: {  	_ =	swait.ge [sflag:s15], $0xA00  }
0x36: {  	s20 =	rddreg [dreg:$0xb]  }
0x37: {  	s31 =	rddreg [dreg:$0x7];
	s13 =	sadd.s32 $0x1, s20  }
0x38: {  	p0 =	sne.s32 s13, s31  }
.Ltmp1:
0x39: {  	_ = 	snop;
	(pc) =	sbr.rel @!p0 .LBB2_5-.Ltmp1, $3  }
0x3a: {  	_ =	sdelay $0x1  }
0x3b: {  	[sflag:s15] =	ssyncset.done $0x0  }
0x3c: {  	[sflag:s15] =	ssyncadd.s32 $0xFFFFF600  }
.LBB2_1:
0x3d: {  	[dreg:$0xb] =	wrdreg s13  }
0x3e: {  	s10 =	simm.s32 $0x0;
	s19 =	rddreg [dreg:$0x3]  }
0x3f: {  	[tilespmem:s10], [sflag:$0x1A] =	stream.linear.gather [hbm4b:s19+s10], $0x2A00, $0x38;
	[tilespmem:$0x16400] =	vst v63  }
0x40: {  	_ =	swait.ge [sflag:s15], $0x2A00  }
0x41: {  	[sflag:s15] =	ssyncset.done $0x0;
	s20 =	rddreg [dreg:$0x4]  }
0x42: {  	s31 =	simm.s32 $0x5400;
	s16 =	rddreg [dreg:$0x9];
	[sflag:s15] =	ssyncadd.s32 $0xFFFFD600  }
0x43: {  	[spmem:s18], [sflag:s16] =	dma.local [hbm:s20], $0xA00  }
0x44: {  	[tilespmem:s31], [sflag:$0x1] =	stream.indirect.gather [hbm4b:s4+s14], $0x20, s10, s14, $0xb8;
	[tilespmem:$0x16400] =	vst v63  }
0x45: {  	s16 =	simm.s32 $0x6400  }
0x46: {  	[tilespmem:s16], [sflag:$0x2] =	stream.indirect.gather [hbm4b:s4+s14], $0x20, s14, s14, $0xb8;
	[tilespmem:$0x16400] =	vst v63  }
0x47: {  	s19 =	simm.s32 $0x7400;
	s18 =	simm.s32 $0x100  }
0x48: {  	[tilespmem:s19], [sflag:$0x3] =	stream.indirect.gather [hbm4b:s4+s14], $0x20, s18, s14, $0xb8;
	[tilespmem:$0x16400] =	vst v63  }
0x49: {  	s20 =	simm.s32 $0x180;
	s31 =	simm.s32 $0x8400  }
0x4a: {  	[tilespmem:s31], [sflag:$0x4] =	stream.indirect.gather [hbm4b:s4+s14], $0x20, s20, s14, $0xb8;
	[tilespmem:$0x16400] =	vst v63  }
0x4b: {  	s16 =	simm.s32 $0x200  }
0x4c: {  	[tilespmem:s22], [sflag:$0x5] =	stream.indirect.gather [hbm4b:s4+s14], $0x20, s16, s14, $0xb8;
	[tilespmem:$0x16400] =	vst v63  }
0x4d: {  	s18 =	simm.s32 $0x280  }
0x4e: {  	[tilespmem:s24], [sflag:$0x6] =	stream.indirect.gather [hbm4b:s4+s14], $0x20, s18, s14, $0xb8;
	[tilespmem:$0x16400] =	vst v63  }
0x4f: {  	s19 =	rddreg [dreg:$0x5];
	s20 =	simm.s32 $0x2A00  }
0x50: {  	[tilespmem:s20], [sflag:$0x1A] =	stream.linear.gather [hbm4b:s19+s10], $0x2A00, $0x38;
	[tilespmem:$0x16400] =	vst v63  }
0x51: {  	_ =	swait.ge [sflag:s15], $0x2A00  }
0x52: {  	[sflag:s15] =	ssyncset.done $0x0  }
0x53: {  	s31 =	simm.s32 $0x19;
	[sflag:s15] =	ssyncadd.s32 $0xFFFFD600  }
0x54: {  	_ =	swait.ge [sflag:s31], $0xA00  }
0x55: {  	[sflag:s31] =	ssyncset.done $0x0  }
0x56: {  	[sflag:s31] =	ssyncadd.s32 $0xFFFFF600  }
0x57: {  	s10 =	simm.s32 $0x0;
	[bflag:$0x0] =	sbarrier.arrive $0xFFFF  }
.LBB2_2:
0x58: {  	_ =	swait.ge [sflag:s28], $0x1000  }
0x59: {  	s13 =	sshra.s32 s10, $0x2;
	s16 =	simm.s32 $0x5400;
	[sflag:s28] =	ssyncset.done $0x0  }
0x5a: {  	p0 =	seq.s32 s10, $0x0;
	s15 =	sadd.s32 $0x2A00, s13;
	[sflag:s28] =	ssyncadd.s32 $0xFFFFF000  }
0x5b: {  	[spmem:s2] =	stream.indirect.scatter.add.bf16 [tilespmem:s16], [sflag:$0xD], $0x20, s15, s14, $0xb8;
	[tilespmem:$0x16400] =	vst v63  }
0x5c: {  	s15 =	simm.s32 @!p0 $0x13  }
0x5d: {  	_ =	swait.ge @!p0 [sflag:s15], $0x1000  }
0x5e: {  	[sflag:s15] =	ssyncset.done @!p0 $0x0  }
0x5f: {  	s16 =	sadd.s32 $0x300, s13;
	[sflag:s15] =	ssyncadd.s32 @!p0 $0xFFFFF000  }
0x60: {  	[tilespmem:s29], [sflag:$0x7] =	stream.indirect.gather [hbm4b:s4+s14], $0x20, s16, s14, $0xb8;
	[tilespmem:$0x16400] =	vst v63  }
0x61: {  	_ =	swait.ge [sflag:s30], $0x1000  }
0x62: {  	s19 =	simm.s32 $0x6400;
	[sflag:s30] =	ssyncset.done $0x0  }
0x63: {  	s18 =	sadd.s32 $0x2A80, s13;
	s15 =	simm.s32 @!p0 $0x14;
	[sflag:s30] =	ssyncadd.s32 $0xFFFFF000  }
0x64: {  	[spmem:s2] =	stream.indirect.scatter.add.bf16 [tilespmem:s19], [sflag:$0xE], $0x20, s18, s14, $0xb8;
	[tilespmem:$0x16400] =	vst v63  }
0x65: {  	_ =	swait.ge @!p0 [sflag:s15], $0x1000  }
0x66: {  	[sflag:s15] =	ssyncset.done @!p0 $0x0  }
0x67: {  	s31 =	simm.s32 $0xC400;
	s20 =	sadd.s32 $0x380, s13;
	[sflag:s15] =	ssyncadd.s32 @!p0 $0xFFFFF000  }
0x68: {  	[tilespmem:s31], [sflag:$0x8] =	stream.indirect.gather [hbm4b:s4+s14], $0x20, s20, s14, $0xb8;
	[tilespmem:$0x16400] =	vst v63  }
0x69: {  	_ =	swait.ge [sflag:s1], $0x1000  }
0x6a: {  	s16 =	sadd.s32 $0x2B00, s13;
	[sflag:s1] =	ssyncset.done $0x0  }
0x6b: {  	s18 =	simm.s32 $0x7400;
	s15 =	simm.s32 @!p0 $0x15;
	[sflag:s1] =	ssyncadd.s32 $0xFFFFF000  }
0x6c: {  	[spmem:s2] =	stream.indirect.scatter.add.bf16 [tilespmem:s18], [sflag:$0xF], $0x20, s16, s14, $0xb8;
	[tilespmem:$0x16400] =	vst v63  }
0x6d: {  	_ =	swait.ge @!p0 [sflag:s15], $0x1000  }
0x6e: {  	[sflag:s15] =	ssyncset.done @!p0 $0x0  }
0x6f: {  	s19 =	sadd.s32 $0x400, s13;
	[sflag:s15] =	ssyncadd.s32 @!p0 $0xFFFFF000  }
0x70: {  	[tilespmem:s0], [sflag:$0x9] =	stream.indirect.gather [hbm4b:s4+s14], $0x20, s19, s14, $0xb8;
	[tilespmem:$0x16400] =	vst v63  }
0x71: {  	_ =	swait.ge [sflag:s17], $0x1000  }
0x72: {  	s20 =	sadd.s32 $0x2B80, s13;
	[sflag:s17] =	ssyncset.done $0x0  }
0x73: {  	s31 =	simm.s32 $0x8400;
	s15 =	simm.s32 @!p0 $0x16;
	[sflag:s17] =	ssyncadd.s32 $0xFFFFF000  }
0x74: {  	[spmem:s2] =	stream.indirect.scatter.add.bf16 [tilespmem:s31], [sflag:$0x10], $0x20, s20, s14, $0xb8;
	[tilespmem:$0x16400] =	vst v63  }
0x75: {  	_ =	swait.ge @!p0 [sflag:s15], $0x1000  }
0x76: {  	[sflag:s15] =	ssyncset.done @!p0 $0x0  }
0x77: {  	s18 =	sadd.s32 $0x480, s13;
	s19 =	simm.s32 $0xE400;
	[sflag:s15] =	ssyncadd.s32 @!p0 $0xFFFFF000  }
0x78: {  	[tilespmem:s19], [sflag:$0xA] =	stream.indirect.gather [hbm4b:s4+s14], $0x20, s18, s14, $0xb8;
	[tilespmem:$0x16400] =	vst v63  }
0x79: {  	_ =	swait.ge [sflag:s21], $0x1000  }
0x7a: {  	[sflag:s21] =	ssyncset.done $0x0  }
0x7b: {  	s20 =	sadd.s32 $0x2C00, s13;
	s15 =	simm.s32 @!p0 $0x17;
	[sflag:s21] =	ssyncadd.s32 $0xFFFFF000  }
0x7c: {  	[spmem:s2] =	stream.indirect.scatter.add.bf16 [tilespmem:s22], [sflag:$0x11], $0x20, s20, s14, $0xb8;
	[tilespmem:$0x16400] =	vst v63  }
0x7d: {  	_ =	swait.ge @!p0 [sflag:s15], $0x1000  }
0x7e: {  	[sflag:s15] =	ssyncset.done @!p0 $0x0  }
0x7f: {  	s31 =	sadd.s32 $0x500, s13;
	[sflag:s15] =	ssyncadd.s32 @!p0 $0xFFFFF000  }
0x80: {  	[tilespmem:s23], [sflag:$0xB] =	stream.indirect.gather [hbm4b:s4+s14], $0x20, s31, s14, $0xb8;
	[tilespmem:$0x16400] =	vst v63  }
0x81: {  	_ =	swait.ge [sflag:s25], $0x1000  }
0x82: {  	[sflag:s25] =	ssyncset.done $0x0  }
0x83: {  	s16 =	sadd.s32 $0x2C80, s13;
	s15 =	simm.s32 @!p0 $0x18;
	[sflag:s25] =	ssyncadd.s32 $0xFFFFF000  }
0x84: {  	[spmem:s2] =	stream.indirect.scatter.add.bf16 [tilespmem:s24], [sflag:$0x12], $0x20, s16, s14, $0xb8;
	[tilespmem:$0x16400] =	vst v63  }
0x85: {  	_ =	swait.ge @!p0 [sflag:s15], $0x1000  }
0x86: {  	[sflag:s15] =	ssyncset.done @!p0 $0x0  }
0x87: {  	s18 =	sadd.s32 $0x580, s13;
	[sflag:s15] =	ssyncadd.s32 @!p0 $0xFFFFF000  }
0x88: {  	[tilespmem:s5], [sflag:$0xC] =	stream.indirect.gather [hbm4b:s4+s14], $0x20, s18, s14, $0xb8;
	[tilespmem:$0x16400] =	vst v63  }
0x89: {  	_ =	swait.ge [sflag:s6], $0x1000  }
0x8a: {  	[sflag:s6] =	ssyncset.done $0x0  }
0x8b: {  	s19 =	sadd.s32 $0x2D00, s13;
	[sflag:s6] =	ssyncadd.s32 $0xFFFFF000  }
0x8c: {  	[spmem:s2] =	stream.indirect.scatter.add.bf16 [tilespmem:s29], [sflag:$0x13], $0x20, s19, s14, $0xb8;
	[tilespmem:$0x16400] =	vst v63  }
0x8d: {  	_ =	swait.ge [sflag:s7], $0x1000  }
0x8e: {  	p0 =	seq.s32 s10, $0x9000;
	[sflag:s7] =	ssyncset.done $0x0  }
0x8f: {  	s15 =	simm.s32 @p0 $0x8;
	[sflag:s7] =	ssyncadd.s32 $0xFFFFF000  }
0x90: {  	_ =	swait.ge @p0 [sflag:s15], $0x1000  }
0x91: {  	[sflag:s15] =	ssyncset.done @p0 $0x0  }
0x92: {  	[sflag:s15] =	ssyncadd.s32 @p0 $0xFFFFF000;
	s15 =	sshra.s32 @p0 s10, $0x2  }
0x93: {  	s18 =	simm.s32 @p0 $0x80;
	s20 =	simm.s32 @p0 $0xC400;
	s16 =	sadd.s32 @p0 $0x2D80, s15  }
0x94: {  	[spmem:s2] =	stream.indirect.scatter.add.bf16 @p0 [tilespmem:s20], [sflag:$0x14], $0x20, s16, s18, $0xb8;
	[tilespmem:$0x16400] =	vst v63  }
0x95: {  	s16 =	simm.s32 @p0 $0xE  }
0x96: {  	_ =	swait.ge @p0 [sflag:s16], $0x1000  }
0x97: {  	[sflag:s16] =	ssyncset.done @p0 $0x0  }
0x98: {  	[sflag:s16] =	ssyncadd.s32 @p0 $0xFFFFF000;
	s16 =	sshra.s32 @!p0 s10, $0x2  }
0x99: {  	s31 =	simm.s32 @!p0 $0x80;
	s19 =	simm.s32 @!p0 $0x5400;
	s20 =	sadd.s32 @!p0 $0x600, s16  }
0x9a: {  	[tilespmem:s19], [sflag:$0x1] =	stream.indirect.gather @!p0 [hbm4b:s4+s31], $0x20, s20, s31, $0xb8;
	[tilespmem:$0x16400] =	vst v63  }
0x9b: {  	s19 =	simm.s32 @!p0 $0x8  }
0x9c: {  	_ =	swait.ge @!p0 [sflag:s19], $0x1000  }
0x9d: {  	[sflag:s19] =	ssyncset.done @!p0 $0x0  }
0x9e: {  	s20 =	simm.s32 @!p0 $0xC400;
	[sflag:s19] =	ssyncadd.s32 @!p0 $0xFFFFF000;
	s19 =	sadd.s32 @!p0 $0x2D80, s16  }
0x9f: {  	[spmem:s2] =	stream.indirect.scatter.add.bf16 @!p0 [tilespmem:s20], [sflag:$0x14], $0x20, s19, s31, $0xb8;
	[tilespmem:$0x16400] =	vst v63  }
0xa0: {  	s19 =	simm.s32 @!p0 $0xE  }
0xa1: {  	_ =	swait.ge @!p0 [sflag:s19], $0x1000  }
0xa2: {  	[sflag:s19] =	ssyncset.done @!p0 $0x0  }
0xa3: {  	s20 =	simm.s32 @!p0 $0x6400;
	[sflag:s19] =	ssyncadd.s32 @!p0 $0xFFFFF000;
	s19 =	sadd.s32 @!p0 $0x680, s16  }
0xa4: {  	[tilespmem:s20], [sflag:$0x2] =	stream.indirect.gather @!p0 [hbm4b:s4+s31], $0x20, s19, s31, $0xb8;
	[tilespmem:$0x16400] =	vst v63  }
0xa5: {  	_ =	swait.ge [sflag:s8], $0x1000  }
0xa6: {  	[sflag:s8] =	ssyncset.done $0x0  }
0xa7: {  	s20 =	sadd.s32 $0x2E00, s13;
	[sflag:s8] =	ssyncadd.s32 $0xFFFFF000  }
0xa8: {  	[spmem:s2] =	stream.indirect.scatter.add.bf16 [tilespmem:s0], [sflag:$0x15], $0x20, s20, s14, $0xb8;
	[tilespmem:$0x16400] =	vst v63  }
0xa9: {  	_ =	swait.ge [sflag:s9], $0x1000  }
0xaa: {  	[sflag:s9] =	ssyncset.done $0x0  }
0xab: {  	s19 =	simm.s32 @p0 $0xA;
	[sflag:s9] =	ssyncadd.s32 $0xFFFFF000  }
0xac: {  	_ =	swait.ge @p0 [sflag:s19], $0x1000  }
0xad: {  	[sflag:s19] =	ssyncset.done @p0 $0x0  }
0xae: {  	s15 =	sadd.s32 @p0 $0x2E80, s15;
	[sflag:s19] =	ssyncadd.s32 @p0 $0xFFFFF000;
	s19 =	simm.s32 @p0 $0xE400  }
0xaf: {  	[spmem:s2] =	stream.indirect.scatter.add.bf16 @p0 [tilespmem:s19], [sflag:$0x16], $0x20, s15, s18, $0xb8;
	[tilespmem:$0x16400] =	vst v63  }
0xb0: {  	s15 =	simm.s32 @p0 $0x10  }
0xb1: {  	_ =	swait.ge @p0 [sflag:s15], $0x1000  }
0xb2: {  	[sflag:s15] =	ssyncset.done @p0 $0x0  }
0xb3: {  	s18 =	simm.s32 @!p0 $0x7400;
	[sflag:s15] =	ssyncadd.s32 @p0 $0xFFFFF000;
	s15 =	sadd.s32 @!p0 $0x700, s16  }
0xb4: {  	[tilespmem:s18], [sflag:$0x3] =	stream.indirect.gather @!p0 [hbm4b:s4+s31], $0x20, s15, s31, $0xb8;
	[tilespmem:$0x16400] =	vst v63  }
0xb5: {  	s15 =	simm.s32 @!p0 $0xA  }
0xb6: {  	_ =	swait.ge @!p0 [sflag:s15], $0x1000  }
0xb7: {  	[sflag:s15] =	ssyncset.done @!p0 $0x0  }
0xb8: {  	s18 =	simm.s32 @!p0 $0xE400;
	[sflag:s15] =	ssyncadd.s32 @!p0 $0xFFFFF000;
	s15 =	sadd.s32 @!p0 $0x2E80, s16  }
0xb9: {  	[spmem:s2] =	stream.indirect.scatter.add.bf16 @!p0 [tilespmem:s18], [sflag:$0x16], $0x20, s15, s31, $0xb8;
	[tilespmem:$0x16400] =	vst v63  }
0xba: {  	s15 =	simm.s32 @!p0 $0x10  }
0xbb: {  	_ =	swait.ge @!p0 [sflag:s15], $0x1000  }
0xbc: {  	[sflag:s15] =	ssyncset.done @!p0 $0x0  }
0xbd: {  	[sflag:s15] =	ssyncadd.s32 @!p0 $0xFFFFF000;
	s15 =	sadd.s32 @!p0 $0x780, s16;
	s16 =	simm.s32 @!p0 $0x8400  }
0xbe: {  	[tilespmem:s16], [sflag:$0x4] =	stream.indirect.gather @!p0 [hbm4b:s4+s31], $0x20, s15, s31, $0xb8;
	[tilespmem:$0x16400] =	vst v63  }
0xbf: {  	_ =	swait.ge [sflag:s12], $0x1000  }
0xc0: {  	[sflag:s12] =	ssyncset.done $0x0  }
.Ltmp2:
0xc1: {  	s31 =	sadd.s32 $0x2F00, s13;
	[sflag:s12] =	ssyncadd.s32 $0xFFFFF000;
	(pc) =	sbr.rel @p0 .LBB2_4-.Ltmp2, $4  }
0xc2: {  	[spmem:s2] =	stream.indirect.scatter.add.bf16 [tilespmem:s23], [sflag:$0x17], $0x20, s31, s14, $0xb8;
	[tilespmem:$0x16400] =	vst v63  }
0xc3: {  	_ =	swait.ge [sflag:s11], $0x1000  }
0xc4: {  	[sflag:s11] =	ssyncset.done $0x0  }
0xc5: {  	s15 =	sadd.s32 $0x2F80, s13;
	[sflag:s11] =	ssyncadd.s32 $0xFFFFF000  }
0xc6: {  	s16 =	sadd.s32 $0x800, s13  }
0xc7: {  	[tilespmem:s22], [sflag:$0x5] =	stream.indirect.gather [hbm4b:s4+s14], $0x20, s16, s14, $0xb8;
	[tilespmem:$0x16400] =	vst v63  }
0xc8: {  	_ =	swait.ge [sflag:s3], $0x1000  }
0xc9: {  	[sflag:s3] =	ssyncset.done $0x0  }
0xca: {  	[sflag:s3] =	ssyncadd.s32 $0xFFFFF000  }
0xcb: {  	[spmem:s2] =	stream.indirect.scatter.add.bf16 [tilespmem:s5], [sflag:$0x18], $0x20, s15, s14, $0xb8;
	[tilespmem:$0x16400] =	vst v63  }
.Ltmp3:
0xcc: {  	_ = 	snop;
	(pc) =	sbr.rel .LBB2_2-.Ltmp3, $4  }
0xcd: {  	_ =	swait.ge [sflag:s26], $0x1000  }
0xce: {  	[sflag:s26] =	ssyncset.done $0x0  }
0xcf: {  	s31 =	sadd.s32 $0x880, s13;
	s10 =	sadd.s32 $0x1800, s10;
	[sflag:s26] =	ssyncadd.s32 $0xFFFFF000  }
0xd0: {  	[tilespmem:s24], [sflag:$0x6] =	stream.indirect.gather [hbm4b:s4+s14], $0x20, s31, s14, $0xb8;
	[tilespmem:$0x16400] =	vst v63  }
.LBB2_5:
0xd1: {  	_ =	sfence.sel $0x180000  }
0xd2: {  	[bflag:$0x0] =	sbarrier.arrive $0xFFFF  }
0xd3: {  	_ =	strace $0x9000004D  }
0xd4: {  	s0 =	stileid.u32;
	[bflag:$0x2] =	sbarrier.arrive $0xFFFF  }
0xd5: {  	p0 =	sne.s32 s0, $0x0;
	s0 =	rddreg [dreg:$0x2]  }
0xd6: {  	s0 =	sadd.s32 @!p0 $0x100000, s0  }
0xd7: {  	[sflag:s0] =	ssyncadd.tile.s32 @!p0 $0x1;
	_ =	shalt  }
.Lfunc_end2:
_tile_overlayer_lowered:
.L_overlay_start_2:
0xd8: {  	(tag) =	ssettag $0x2  }
0xd9: {  	s0 =	rddreg [dreg:$0x0];
	s2 =	stileid.u32  }
0xda: {  	s1 =	rddreg [dreg:$0x1];
	p0 =	sne.s32 s2, $0x0  }
0xdb: {  	s3 =	rddreg [dreg:$0x2];
	[bflag:$0x3] =	sbarrier.arrive $0xFFFF;
	s2 =	simm.s32 @!p0 $0x1C1A  }
0xdc: {  	[timem:s3], [sflag:s2] =	dma.local @!p0 [hbm:s0], s1  }
0xdd: {  	s0 =	simm.s32 @!p0 $0x1A  }
0xde: {  	_ =	swait.ge @!p0 [sflag:s0], s1  }
0xdf: {  	s1 =	ssub.s32 @!p0 $0x0, s1;
	[sflag:s0] =	ssyncset.done @!p0 $0x0  }
0xe0: {  	[sflag:s0] =	ssyncadd.s32 @!p0 s1  }
0xe1: {  	[bflag:$0x3] =	sbarrier.arrive $0xFFFF  }
0xe2: {  	_ =	shalt  }

// kernel: kernel.19.cloned.1.call-start
scs
__scs_entry_jumppad:
0x0: {  	(pc) =	sbr.rel $0x88, $3  }
0x1: {  	(tag) =	ssettag $0x0;
	lr =	simm.s32 $0x1  }
0x2: {  	[smem:$0x3F96] =	sst lr;
	_ =	strace $0xD0000000  }
0x3: {  	_ = 	snop  }
0x4: {  	_ = 	snop  }
0x5: {  	_ = 	snop  }
0x6: {  	_ = 	snop  }
0x7: {  	_ = 	snop  }
__scs_overlays_trampoline_lowered:
0x8: {  	[smem:$0x3FA5] =	sst s0  }
0x9: {  	[smem:$0x3FA6] =	sst s1  }
0xa: {  	[smem:$0x3FA7] =	sst s2  }
0xb: {  	[smem:$0x3FA8] =	sst s3  }
0xc: {  	[smem:$0x3FA9] =	sst s4  }
0xd: {  	[smem:$0x3FAA] =	sst s5  }
0xe: {  	[smem:$0x3FAB] =	sst s6  }
0xf: {  	[smem:$0x3FAC] =	sst s7  }
0x10: {  	[smem:$0x3FAD] =	sst s8  }
0x11: {  	[smem:$0x3FAE] =	sst s9;
	s0 =	simm.s32 @!p0 $0x0  }
0x12: {  	s1 =	sld [smem:$0x3F94];
	s0 =	simm.s32 @p0 $0x1  }
0x13: {  	[smem:$0x3FAF] =	sst s0;
	s0 =	simm.s32 @!p1 $0x0  }
0x14: {  	s2 =	sld [smem:$0x3F93];
	s0 =	simm.s32 @p1 $0x1  }
0x15: {  	[smem:$0x3FB0] =	sst s0;
	s0 =	simm.s32 @!p2 $0x0  }
0x16: {  	s3 =	sld [smem:$0x3FDB];
	s0 =	simm.s32 @p2 $0x1  }
0x17: {  	s4 =	simm.s32 $0x1BF5;
	[smem:$0x3FB2] =	sst s0  }
0x18: {  	s0 =	sld [smem:$0x3F95];
	_ =	swait.ge [sflag:s4], $0x0  }
0x19: {  	s7 =	sld [smem:$0x3F96]  }
0x1a: {  	s8 =	sadd.s32 $0xFFFFE003, lr  }
0x1b: {  	s9 =	sadd.s32 $0xFFFFFEF7, lr;
	s5 =	simm.s32 $0xFFFFFFFF;
	p2 =	slt.u32 s8, $0xFFFFF086  }
0x1c: {  	p1 =	slt.u32 s9, $0xF7A;
	s5 =	simm.s32 @!p2 $0x0  }
0x1d: {  	s5 =	simm.s32 @p1 $0x1;
	p0 =	seq.s32 s7, s2  }
0x1e: {  	s7 =	smul.u32 @!p0 $0xF7A, s2;
	p2 =	seq.s32 @!p0 s5, $0x0  }
0x1f: {  	s9 =	smul.u32 $0xF7A, s1;
	s8 =	simm.s32 @!p0 $0x1BF5;
	p2 =	por !p2, p0  }
0x20: {  	[sflag:s8] =	ssyncset.s32 @!p0 $0xFFFFF086;
	s6 =	sadd.s32 @!p0 s3, s7;
	s7 =	simm.s32 @!p0 $0x108  }
0x21: {  	s3 =	sadd.s32 s3, s9;
	s6 =	sadd.s32 @!p0 $0x88, s6;
	s7 =	simm.s32 @p2 $0x1082  }
0x22: {  	[simem:s7], [sflag:s8] =	dma.local @!p0 [hbm:s6], $0xF7A  }
0x23: {  	s9 =	sor.u32 $0xD0000000, s2;
	s6 =	simm.s32 $0x108;
	_ =	swait.ge @!p0 [sflag:s8], $0x0  }
0x24: {  	s3 =	sadd.s32 $0x88, s3;
	s6 =	simm.s32 @!p1 $0x1082;
	[sflag:s4] =	ssyncset.s32 $0xFFFFF086  }
0x25: {  	[simem:s6], [sflag:s4] =	dma.local [hbm:s3], $0xF7A  }
0x26: {  	[smem:$0x3F96] =	sst s1;
	(tag) =	ssettag s2;
	_ =	strace s9  }
0x27: {  	s1 =	sld [smem:$0x3FA6]  }
0x28: {  	s2 =	sld [smem:$0x3FA7]  }
0x29: {  	s4 =	sld [smem:$0x3FA9]  }
0x2a: {  	p0 =	seq.s32 s5, $0x0;
	s5 =	sld [smem:$0x3FAA]  }
0x2b: {  	s6 =	sld [smem:$0x3FAB]  }
0x2c: {  	s7 =	sld [smem:$0x3FAC]  }
0x2d: {  	s3 =	simm.s32 $0x108;
	s8 =	sld [smem:$0x3FAD]  }
0x2e: {  	s3 =	simm.s32 @!p0 $0x1082;
	s9 =	sld [smem:$0x3FAE]  }
0x2f: {  	lr =	sadd.s32 s0, s3;
	s0 =	sld [smem:$0x3FA5]  }
0x30: {  	s3 =	sld [smem:$0x3FA8]  }
0x31: {  	[smem:$0x3FB1] =	sst s10  }
0x32: {  	s10 =	sld [smem:$0x3FAF];
	_ =	sdelay $0x3  }
0x33: {  	p0 =	seq.s32 s10, $0x1;
	s10 =	sld [smem:$0x3FB1];
	_ =	sdelay $0x3  }
0x34: {  	[smem:$0x3FB1] =	sst s10  }
0x35: {  	s10 =	sld [smem:$0x3FB0];
	_ =	sdelay $0x3  }
0x36: {  	p1 =	seq.s32 s10, $0x1;
	s10 =	sld [smem:$0x3FB1];
	_ =	sdelay $0x3  }
0x37: {  	[smem:$0x3FB1] =	sst s10  }
0x38: {  	s10 =	sld [smem:$0x3FB2]  }
0x39: {  	_ = 	snop;
	(pc) =	sbr.ind lr, $3  }
0x3a: {  	_ = 	snop  }
0x3b: {  	_ = 	snop  }
0x3c: {  	p2 =	seq.s32 s10, $0x1;
	s10 =	sld [smem:$0x3FB1]  }
0x3d: {  	_ =	shalt  }
0x3e: {  	_ =	shalt  }
0x3f: {  	_ =	shalt  }
0x40: {  	_ =	shalt  }
0x41: {  	_ =	shalt  }
0x42: {  	_ =	shalt  }
0x43: {  	_ =	shalt  }
0x44: {  	_ =	shalt  }
0x45: {  	_ =	shalt  }
0x46: {  	_ =	shalt  }
0x47: {  	_ =	shalt  }
0x48: {  	_ =	shalt  }
0x49: {  	_ =	shalt  }
0x4a: {  	_ =	shalt  }
0x4b: {  	_ =	shalt  }
0x4c: {  	_ =	shalt  }
0x4d: {  	_ =	shalt  }
0x4e: {  	_ =	shalt  }
0x4f: {  	_ =	shalt  }
0x50: {  	_ =	shalt  }
0x51: {  	_ =	shalt  }
0x52: {  	_ =	shalt  }
0x53: {  	_ =	shalt  }
0x54: {  	_ =	shalt  }
0x55: {  	_ =	shalt  }
0x56: {  	_ =	shalt  }
0x57: {  	_ =	shalt  }
0x58: {  	_ =	shalt  }
0x59: {  	_ =	shalt  }
0x5a: {  	_ =	shalt  }
0x5b: {  	_ =	shalt  }
0x5c: {  	_ =	shalt  }
0x5d: {  	_ =	shalt  }
0x5e: {  	_ =	shalt  }
0x5f: {  	_ =	shalt  }
0x60: {  	_ =	shalt  }
0x61: {  	_ =	shalt  }
0x62: {  	_ =	shalt  }
0x63: {  	_ =	shalt  }
0x64: {  	_ =	shalt  }
0x65: {  	_ =	shalt  }
0x66: {  	_ =	shalt  }
0x67: {  	_ =	shalt  }
0x68: {  	_ =	shalt  }
0x69: {  	_ =	shalt  }
0x6a: {  	_ =	shalt  }
0x6b: {  	_ =	shalt  }
0x6c: {  	_ =	shalt  }
0x6d: {  	_ =	shalt  }
0x6e: {  	_ =	shalt  }
0x6f: {  	_ =	shalt  }
0x70: {  	_ =	shalt  }
0x71: {  	_ =	shalt  }
0x72: {  	_ =	shalt  }
0x73: {  	_ =	shalt  }
0x74: {  	_ =	shalt  }
0x75: {  	_ =	shalt  }
0x76: {  	_ =	shalt  }
0x77: {  	_ =	shalt  }
0x78: {  	_ =	shalt  }
0x79: {  	_ =	shalt  }
0x7a: {  	_ =	shalt  }
0x7b: {  	_ =	shalt  }
0x7c: {  	_ =	shalt  }
0x7d: {  	_ =	shalt  }
0x7e: {  	_ =	shalt  }
0x7f: {  	_ =	shalt  }
0x80: {  	_ =	shalt  }
0x81: {  	_ =	shalt  }
0x82: {  	_ =	shalt  }
0x83: {  	_ =	shalt  }
0x84: {  	_ =	shalt  }
0x85: {  	_ =	shalt  }
0x86: {  	_ =	shalt  }
0x87: {  	_ =	shalt  }
.Lfunc_end0:
.L_simem_size_0:
called_computation.3_lowered:
.L_overlay_start_0:
0x88: {  	s2 =	sld [smem:$0x3FD9]  }
0x89: {  	s3 =	sld [smem:$0x3FFE];
	_ =	sdelay $0x1  }
0x8a: {  	s1 =	srdreg.scid  }
0x8b: {  	s0 =	sand.u32 $0x1, s1  }
0x8c: {  	s16 =	sshll.u32 s0, $0xA;
	s2 =	sadd.s32 s3, s2  }
0x8d: {  	s2 =	sadd.s32 s2, s16  }
0x8e: {  	[smem:$0x3FBD] =	sst s2  }
0x8f: {  	_ = 	snop  }
0x90: {  	(tm) =	ssettm $0x1  }
0x91: {  	s17 =	sld [smem:$0x3FFB];
	_ =	sdelay $0x3  }
0x92: {  	_ =	strace s17  }
0x93: {  	s2 =	sld [smem:$0x3FFC];
	_ =	sdelay $0x3  }
0x94: {  	_ =	strace s2  }
0x95: {  	s2 =	sld [smem:$0x3FFD];
	_ =	sdelay $0x3  }
0x96: {  	_ =	strace s2  }
0x97: {  	_ =	strace $0x8FFFFFFF  }
0x98: {  	s18 =	sld [smem:$0x3FDB];
	_ =	sdelay $0x1  }
0x99: {  	s19 =	simm.s32 $_scs_section_size  }
0x9a: {  	s4 =	simm.s32 $_size__tile_overlayer_lowered;
	s5 =	simm.s32 $_tile_overlayer_lowered  }
0x9b: {  	s22 =	simm.s32 $0x1BFF;
	s21 =	sshll.u32 s5, $0x1;
	s2 =	sadd.s32 s19, s18  }
0x9c: {  	s6 =	simm.s32 $0x0;
	s20 =	sshll.u32 s4, $0x1;
	s4 =	sadd.s32 s21, s2  }
0x9d: {  	[timem:s6], [sflag:s22] =	dma.local [hbm:s4], s20  }
0x9e: {  	_ =	swait.ge [sflag:s22], s20  }
0x9f: {  	s3 =	ssub.s32 $0x0, s20;
	[sflag:s22] =	ssyncset.done $0x0  }
0xa0: {  	[sflag:s22] =	ssyncadd.s32 s3;
	_ =	sdelay $0x1  }
0xa1: {  	s23 =	simm.s32 $0x1B8B  }
0xa2: {  	_ =	swait.ge [sflag:s23], $0x1  }
0xa3: {  	[sflag:s23] =	ssyncset.done $0x0  }
0xa4: {  	s25 =	simm.s32 $0x1B8E;
	s24 =	sld [smem:$0x3FFE];
	[sflag:s23] =	ssyncadd.s32 $0xFFFFFFFF  }
0xa5: {  	s26 =	simm.s32 $execute0_lowered;
	[smem:$0x3FD2] =	sst s25  }
0xa6: {  	s4 =	sshll.u32 s26, $0x1;
	_ =	strace $0x8000004F;
	[dreg:$0x1] =	wrdreg $0xFFFFFFFF  }
0xa7: {  	s28 =	simm.s32 $_size_execute0_lowered;
	s2 =	sadd.s32 s2, s4;
	[dreg:$0x0] =	wrdreg $0x0  }
0xa8: {  	s4 =	sshll.u32 s28, $0x1;
	[dreg:$0x2] =	wrdreg s2  }
0xa9: {  	[dreg:$0x3] =	wrdreg s4  }
0xaa: {  	[dreg:$0x4] =	wrdreg $0xC0  }
0xab: {  	_ =	task [dreg:s6], $0x5FFFF  }
0xac: {  	[dreg:$0x1] =	wrdreg $0xFFFFFFFF  }
0xad: {  	[dreg:$0x0] =	wrdreg $0x60  }
0xae: {  	[dreg:$0x2] =	wrdreg s24  }
0xaf: {  	[dreg:$0x3] =	wrdreg $0x114000  }
0xb0: {  	[dreg:$0x4] =	wrdreg $0x9  }
0xb1: {  	_ =	task.clear_ibuf [dreg:s6], $0x5FFFF;
	_ =	strace $0x9000004F  }
0xb2: {  	s29 =	simm.s32 $0x9;
	_ =	strace $0x80000051  }
0xb3: {  	_ =	swait.ge [sflag:s29], $0x1  }
0xb4: {  	[sflag:s29] =	ssyncadd.s32 $0xFFFFFFFF  }
0xb5: {  	_ =	strace $0x90000051  }
0xb6: {  	_ =	sfence  }
0xb7: {  	s30 =	sld [smem:$0x0];
	_ =	sdelay $0x2  }
0xb8: {  	s31 =	sshll.u32 s1, $0xD;
	s1 =	sshrl.u32 s1, $0x2  }
0xb9: {  	s3 =	sand.u32 $0x4000, s31;
	s1 =	sadd.s32 s1, s30  }
0xba: {  	s0 =	sor.u32 s3, s0;
	s1 =	sshll.u32 s1, $0x11  }
0xbb: {  	s0 =	sor.u32 s1, s0  }
0xbc: {  	s0 =	sadd.s32 $0x8F2B, s0  }
0xbd: {  	[sflag:s0] =	ssyncadd.remote.s32 $0x1  }
0xbe: {  	_ =	sfence.sel $0xFFFF  }
0xbf: {  	[dreg:$0x0] =	wrdreg $0xFFFFFFFF;
	(pc) =	sbr.abs _section_cstart, $3  }
0xc0: {  	[dreg:$0x1] =	wrdreg $0xFFFFFFFF  }
0xc1: {  	_ =	task.clear_ibuf [dreg:s6], $0x2FFFF;
	_ =	strace $0x9FFFFFFF  }
0xc2: {  	(tm) =	ssettm $0x7FFFFFFF  }
0xc3: {  	_ =	shalt  }
tec
execute0_lowered:
.L_overlay_start_1:
0x0: {  	(tag) =	ssettag $0x1  }
0x1: {  	s0 =	srdreg.scid;
	s1 =	rddreg [dreg:$0x0]  }
0x2: {  	s8 =	stileid.u32;
	s2 =	rddreg [dreg:$0x1];
	s4 =	simm.s32 $0x0  }
0x3: {  	s15 =	simm.s32 $0x1A;
	s14 =	simm.s32 $0x80;
	s22 =	simm.s32 $0x9400  }
0x4: {  	s28 =	simm.s32 $0x1;
	s29 =	simm.s32 $0xB400;
	s30 =	simm.s32 $0x2  }
0x5: {  	s17 =	simm.s32 $0x4;
	s21 =	simm.s32 $0x5;
	s9 =	simm.s32 $0xF  }
0x6: {  	s12 =	simm.s32 $0xB;
	s11 =	simm.s32 $0x11;
	s5 =	smul.u32 $0x2A00, s8  }
0x7: {  	s13 =	simm.s32 $0x0;
	s0 =	sand.u32 $0x1, s0;
	s6 =	smul.u32 $0xA000, s8  }
0x8: {  	[smem:$0x7FF] =	sst s4;
	s4 =	sadd.s32 $0x18600, s1;
	s3 =	smul.u32 $0x2A000, s0  }
0x9: {  	s31 =	sshll.u32 s8, $0x6;
	s8 =	simm.s32 $0x9;
	s7 =	smul.u32 $0xA0000, s0  }
0xa: {  	_ =	strace $0x80000050;
	s0 =	ssub.s32 $0x2, s0;
	[dreg:$0x8] =	wrdreg s31  }
0xb: {  	s24 =	sshrl.u32 s0, $0x1;
	s25 =	sshrl.u32 s6, $0x1;
	s3 =	sadd.s32 s5, s3  }
0xc: {  	s23 =	sadd.s32 s6, s7;
	s0 =	ssub.s32 s0, s24;
	s6 =	sshrl.u32 s6, $0x4  }
0xd: {  	s24 =	simm.s32 $0xA400;
	s7 =	simm.s32 $0xD;
	s3 =	sshrl.u32 s3, $0x3  }
0xe: {  	s5 =	sshrl.u32 s23, $0x4;
	s6 =	sadd.s32 s4, s6;
	s0 =	smax.u32 s0, $0x1  }
0xf: {  	s23 =	simm.s32 $0xF400;
	s3 =	sadd.s32 s3, s1;
	[dreg:$0x4] =	wrdreg s6  }
0x10: {  	s1 =	sadd.s32 s5, s1;
	s5 =	sadd.s32 s25, s2;
	[dreg:$0x7] =	wrdreg s0  }
0x11: {  	s0 =	sor.u32 $0x1C19, s31;
	s25 =	simm.s32 $0x6;
	s6 =	simm.s32 $0x7  }
.Ltmp0:
0x12: {  	s26 =	sadd.s32 $0xDE00, s3;
	[dreg:$0x9] =	wrdreg s0;
	(pc) =	sbr.rel .LBB2_1-.Ltmp0, $4  }
0x13: {  	s3 =	sadd.s32 $0x2C00, s3;
	s1 =	sadd.s32 $0x22600, s1;
	[dreg:$0x3] =	wrdreg s26  }
0x14: {  	s18 =	sshrl.u32 s5, $0x3;
	s0 =	simm.s32 $0xD400;
	[dreg:$0x5] =	wrdreg s3  }
0x15: {  	s5 =	simm.s32 $0x10400;
	[dreg:$0x6] =	wrdreg s1;
	s1 =	simm.s32 $0x3  }
0x16: {  	s3 =	simm.s32 $0xC;
	s26 =	simm.s32 $0x12;
	[dreg:$0xa] =	wrdreg s18  }
.LBB2_4:
0x17: {  	_ =	swait.ge [sflag:s3], $0x1000  }
0x18: {  	[sflag:s3] =	ssyncset.done $0x0  }
0x19: {  	[sflag:s3] =	ssyncadd.s32 $0xFFFFF000  }
0x1a: {  	[spmem:s2] =	stream.indirect.scatter.add.bf16 [tilespmem:s5], [sflag:$0x18], $0x20, s15, s14, $0xb8;
	[tilespmem:$0x16400] =	vst v63  }
0x1b: {  	_ =	swait.ge [sflag:s26], $0x1000  }
0x1c: {  	[sflag:s26] =	ssyncset.done $0x0  }
0x1d: {  	s10 =	simm.s32 $0x13;
	[sflag:s26] =	ssyncadd.s32 $0xFFFFF000  }
0x1e: {  	_ =	swait.ge [sflag:s10], $0x1000  }
0x1f: {  	[sflag:s10] =	ssyncset.done $0x0  }
0x20: {  	s31 =	simm.s32 $0x14;
	[sflag:s10] =	ssyncadd.s32 $0xFFFFF000  }
0x21: {  	_ =	swait.ge [sflag:s31], $0x1000  }
0x22: {  	[sflag:s31] =	ssyncset.done $0x0  }
0x23: {  	s13 =	simm.s32 $0x15;
	[sflag:s31] =	ssyncadd.s32 $0xFFFFF000  }
0x24: {  	_ =	swait.ge [sflag:s13], $0x1000  }
0x25: {  	[sflag:s13] =	ssyncset.done $0x0  }
0x26: {  	s15 =	simm.s32 $0x16;
	[sflag:s13] =	ssyncadd.s32 $0xFFFFF000  }
0x27: {  	_ =	swait.ge [sflag:s15], $0x1000  }
0x28: {  	[sflag:s15] =	ssyncset.done $0x0  }
0x29: {  	s16 =	simm.s32 $0x17;
	[sflag:s15] =	ssyncadd.s32 $0xFFFFF000  }
0x2a: {  	_ =	swait.ge [sflag:s16], $0x1000  }
0x2b: {  	[sflag:s16] =	ssyncset.done $0x0  }
0x2c: {  	s18 =	simm.s32 $0x18;
	[sflag:s16] =	ssyncadd.s32 $0xFFFFF000  }
0x2d: {  	_ =	swait.ge [sflag:s18], $0x1000  }
0x2e: {  	[sflag:s18] =	ssyncset.done $0x0  }
0x2f: {  	[sflag:s18] =	ssyncadd.s32 $0xFFFFF000  }
0x30: {  	[bflag:$0x0] =	sbarrier.arrive $0xFFFF  }
0x31: {  	s19 =	rddreg [dreg:$0x8]  }
0x32: {  	s13 =	rddreg [dreg:$0x6]  }
0x33: {  	s15 =	simm.s32 $0x1A;
	s18 =	rddreg [dreg:$0xa];
	s10 =	sor.u32 $0x1C1A, s19  }
0x34: {  	[hbm:s13], [sflag:s10] =	dma.local [spmem:s18], $0xA00  }
0x35: {  	_ =	swait.ge [sflag:s15], $0xA00  }
0x36: {  	s20 =	rddreg [dreg:$0xb]  }
0x37: {  	s31 =	rddreg [dreg:$0x7];
	s13 =	sadd.s32 $0x1, s20  }
0x38: {  	p0 =	sne.s32 s13, s31  }
.Ltmp1:
0x39: {  	_ = 	snop;
	(pc) =	sbr.rel @!p0 .LBB2_5-.Ltmp1, $3  }
0x3a: {  	_ =	sdelay $0x1  }
0x3b: {  	[sflag:s15] =	ssyncset.done $0x0  }
0x3c: {  	[sflag:s15] =	ssyncadd.s32 $0xFFFFF600  }
.LBB2_1:
0x3d: {  	[dreg:$0xb] =	wrdreg s13  }
0x3e: {  	s10 =	simm.s32 $0x0;
	s19 =	rddreg [dreg:$0x3]  }
0x3f: {  	[tilespmem:s10], [sflag:$0x1A] =	stream.linear.gather [hbm4b:s19+s10], $0x2A00, $0x38;
	[tilespmem:$0x16400] =	vst v63  }
0x40: {  	_ =	swait.ge [sflag:s15], $0x2A00  }
0x41: {  	[sflag:s15] =	ssyncset.done $0x0;
	s20 =	rddreg [dreg:$0x4]  }
0x42: {  	s31 =	simm.s32 $0x5400;
	s16 =	rddreg [dreg:$0x9];
	[sflag:s15] =	ssyncadd.s32 $0xFFFFD600  }
0x43: {  	[spmem:s18], [sflag:s16] =	dma.local [hbm:s20], $0xA00  }
0x44: {  	[tilespmem:s31], [sflag:$0x1] =	stream.indirect.gather [hbm4b:s4+s14], $0x20, s10, s14, $0xb8;
	[tilespmem:$0x16400] =	vst v63  }
0x45: {  	s16 =	simm.s32 $0x6400  }
0x46: {  	[tilespmem:s16], [sflag:$0x2] =	stream.indirect.gather [hbm4b:s4+s14], $0x20, s14, s14, $0xb8;
	[tilespmem:$0x16400] =	vst v63  }
0x47: {  	s19 =	simm.s32 $0x7400;
	s18 =	simm.s32 $0x100  }
0x48: {  	[tilespmem:s19], [sflag:$0x3] =	stream.indirect.gather [hbm4b:s4+s14], $0x20, s18, s14, $0xb8;
	[tilespmem:$0x16400] =	vst v63  }
0x49: {  	s20 =	simm.s32 $0x180;
	s31 =	simm.s32 $0x8400  }
0x4a: {  	[tilespmem:s31], [sflag:$0x4] =	stream.indirect.gather [hbm4b:s4+s14], $0x20, s20, s14, $0xb8;
	[tilespmem:$0x16400] =	vst v63  }
0x4b: {  	s16 =	simm.s32 $0x200  }
0x4c: {  	[tilespmem:s22], [sflag:$0x5] =	stream.indirect.gather [hbm4b:s4+s14], $0x20, s16, s14, $0xb8;
	[tilespmem:$0x16400] =	vst v63  }
0x4d: {  	s18 =	simm.s32 $0x280  }
0x4e: {  	[tilespmem:s24], [sflag:$0x6] =	stream.indirect.gather [hbm4b:s4+s14], $0x20, s18, s14, $0xb8;
	[tilespmem:$0x16400] =	vst v63  }
0x4f: {  	s19 =	rddreg [dreg:$0x5];
	s20 =	simm.s32 $0x2A00  }
0x50: {  	[tilespmem:s20], [sflag:$0x1A] =	stream.linear.gather [hbm4b:s19+s10], $0x2A00, $0x38;
	[tilespmem:$0x16400] =	vst v63  }
0x51: {  	_ =	swait.ge [sflag:s15], $0x2A00  }
0x52: {  	[sflag:s15] =	ssyncset.done $0x0  }
0x53: {  	s31 =	simm.s32 $0x19;
	[sflag:s15] =	ssyncadd.s32 $0xFFFFD600  }
0x54: {  	_ =	swait.ge [sflag:s31], $0xA00  }
0x55: {  	[sflag:s31] =	ssyncset.done $0x0  }
0x56: {  	[sflag:s31] =	ssyncadd.s32 $0xFFFFF600  }
0x57: {  	s10 =	simm.s32 $0x0;
	[bflag:$0x0] =	sbarrier.arrive $0xFFFF  }
.LBB2_2:
0x58: {  	_ =	swait.ge [sflag:s28], $0x1000  }
0x59: {  	s13 =	sshra.s32 s10, $0x2;
	s16 =	simm.s32 $0x5400;
	[sflag:s28] =	ssyncset.done $0x0  }
0x5a: {  	p0 =	seq.s32 s10, $0x0;
	s15 =	sadd.s32 $0x2A00, s13;
	[sflag:s28] =	ssyncadd.s32 $0xFFFFF000  }
0x5b: {  	[spmem:s2] =	stream.indirect.scatter.add.bf16 [tilespmem:s16], [sflag:$0xD], $0x20, s15, s14, $0xb8;
	[tilespmem:$0x16400] =	vst v63  }
0x5c: {  	s15 =	simm.s32 @!p0 $0x13  }
0x5d: {  	_ =	swait.ge @!p0 [sflag:s15], $0x1000  }
0x5e: {  	[sflag:s15] =	ssyncset.done @!p0 $0x0  }
0x5f: {  	s16 =	sadd.s32 $0x300, s13;
	[sflag:s15] =	ssyncadd.s32 @!p0 $0xFFFFF000  }
0x60: {  	[tilespmem:s29], [sflag:$0x7] =	stream.indirect.gather [hbm4b:s4+s14], $0x20, s16, s14, $0xb8;
	[tilespmem:$0x16400] =	vst v63  }
0x61: {  	_ =	swait.ge [sflag:s30], $0x1000  }
0x62: {  	s19 =	simm.s32 $0x6400;
	[sflag:s30] =	ssyncset.done $0x0  }
0x63: {  	s18 =	sadd.s32 $0x2A80, s13;
	s15 =	simm.s32 @!p0 $0x14;
	[sflag:s30] =	ssyncadd.s32 $0xFFFFF000  }
0x64: {  	[spmem:s2] =	stream.indirect.scatter.add.bf16 [tilespmem:s19], [sflag:$0xE], $0x20, s18, s14, $0xb8;
	[tilespmem:$0x16400] =	vst v63  }
0x65: {  	_ =	swait.ge @!p0 [sflag:s15], $0x1000  }
0x66: {  	[sflag:s15] =	ssyncset.done @!p0 $0x0  }
0x67: {  	s31 =	simm.s32 $0xC400;
	s20 =	sadd.s32 $0x380, s13;
	[sflag:s15] =	ssyncadd.s32 @!p0 $0xFFFFF000  }
0x68: {  	[tilespmem:s31], [sflag:$0x8] =	stream.indirect.gather [hbm4b:s4+s14], $0x20, s20, s14, $0xb8;
	[tilespmem:$0x16400] =	vst v63  }
0x69: {  	_ =	swait.ge [sflag:s1], $0x1000  }
0x6a: {  	s16 =	sadd.s32 $0x2B00, s13;
	[sflag:s1] =	ssyncset.done $0x0  }
0x6b: {  	s18 =	simm.s32 $0x7400;
	s15 =	simm.s32 @!p0 $0x15;
	[sflag:s1] =	ssyncadd.s32 $0xFFFFF000  }
0x6c: {  	[spmem:s2] =	stream.indirect.scatter.add.bf16 [tilespmem:s18], [sflag:$0xF], $0x20, s16, s14, $0xb8;
	[tilespmem:$0x16400] =	vst v63  }
0x6d: {  	_ =	swait.ge @!p0 [sflag:s15], $0x1000  }
0x6e: {  	[sflag:s15] =	ssyncset.done @!p0 $0x0  }
0x6f: {  	s19 =	sadd.s32 $0x400, s13;
	[sflag:s15] =	ssyncadd.s32 @!p0 $0xFFFFF000  }
0x70: {  	[tilespmem:s0], [sflag:$0x9] =	stream.indirect.gather [hbm4b:s4+s14], $0x20, s19, s14, $0xb8;
	[tilespmem:$0x16400] =	vst v63  }
0x71: {  	_ =	swait.ge [sflag:s17], $0x1000  }
0x72: {  	s20 =	sadd.s32 $0x2B80, s13;
	[sflag:s17] =	ssyncset.done $0x0  }
0x73: {  	s31 =	simm.s32 $0x8400;
	s15 =	simm.s32 @!p0 $0x16;
	[sflag:s17] =	ssyncadd.s32 $0xFFFFF000  }
0x74: {  	[spmem:s2] =	stream.indirect.scatter.add.bf16 [tilespmem:s31], [sflag:$0x10], $0x20, s20, s14, $0xb8;
	[tilespmem:$0x16400] =	vst v63  }
0x75: {  	_ =	swait.ge @!p0 [sflag:s15], $0x1000  }
0x76: {  	[sflag:s15] =	ssyncset.done @!p0 $0x0  }
0x77: {  	s18 =	sadd.s32 $0x480, s13;
	s19 =	simm.s32 $0xE400;
	[sflag:s15] =	ssyncadd.s32 @!p0 $0xFFFFF000  }
0x78: {  	[tilespmem:s19], [sflag:$0xA] =	stream.indirect.gather [hbm4b:s4+s14], $0x20, s18, s14, $0xb8;
	[tilespmem:$0x16400] =	vst v63  }
0x79: {  	_ =	swait.ge [sflag:s21], $0x1000  }
0x7a: {  	[sflag:s21] =	ssyncset.done $0x0  }
0x7b: {  	s20 =	sadd.s32 $0x2C00, s13;
	s15 =	simm.s32 @!p0 $0x17;
	[sflag:s21] =	ssyncadd.s32 $0xFFFFF000  }
0x7c: {  	[spmem:s2] =	stream.indirect.scatter.add.bf16 [tilespmem:s22], [sflag:$0x11], $0x20, s20, s14, $0xb8;
	[tilespmem:$0x16400] =	vst v63  }
0x7d: {  	_ =	swait.ge @!p0 [sflag:s15], $0x1000  }
0x7e: {  	[sflag:s15] =	ssyncset.done @!p0 $0x0  }
0x7f: {  	s31 =	sadd.s32 $0x500, s13;
	[sflag:s15] =	ssyncadd.s32 @!p0 $0xFFFFF000  }
0x80: {  	[tilespmem:s23], [sflag:$0xB] =	stream.indirect.gather [hbm4b:s4+s14], $0x20, s31, s14, $0xb8;
	[tilespmem:$0x16400] =	vst v63  }
0x81: {  	_ =	swait.ge [sflag:s25], $0x1000  }
0x82: {  	[sflag:s25] =	ssyncset.done $0x0  }
0x83: {  	s16 =	sadd.s32 $0x2C80, s13;
	s15 =	simm.s32 @!p0 $0x18;
	[sflag:s25] =	ssyncadd.s32 $0xFFFFF000  }
0x84: {  	[spmem:s2] =	stream.indirect.scatter.add.bf16 [tilespmem:s24], [sflag:$0x12], $0x20, s16, s14, $0xb8;
	[tilespmem:$0x16400] =	vst v63  }
0x85: {  	_ =	swait.ge @!p0 [sflag:s15], $0x1000  }
0x86: {  	[sflag:s15] =	ssyncset.done @!p0 $0x0  }
0x87: {  	s18 =	sadd.s32 $0x580, s13;
	[sflag:s15] =	ssyncadd.s32 @!p0 $0xFFFFF000  }
0x88: {  	[tilespmem:s5], [sflag:$0xC] =	stream.indirect.gather [hbm4b:s4+s14], $0x20, s18, s14, $0xb8;
	[tilespmem:$0x16400] =	vst v63  }
0x89: {  	_ =	swait.ge [sflag:s6], $0x1000  }
0x8a: {  	[sflag:s6] =	ssyncset.done $0x0  }
0x8b: {  	s19 =	sadd.s32 $0x2D00, s13;
	[sflag:s6] =	ssyncadd.s32 $0xFFFFF000  }
0x8c: {  	[spmem:s2] =	stream.indirect.scatter.add.bf16 [tilespmem:s29], [sflag:$0x13], $0x20, s19, s14, $0xb8;
	[tilespmem:$0x16400] =	vst v63  }
0x8d: {  	_ =	swait.ge [sflag:s7], $0x1000  }
0x8e: {  	p0 =	seq.s32 s10, $0x9000;
	[sflag:s7] =	ssyncset.done $0x0  }
0x8f: {  	s15 =	simm.s32 @p0 $0x8;
	[sflag:s7] =	ssyncadd.s32 $0xFFFFF000  }
0x90: {  	_ =	swait.ge @p0 [sflag:s15], $0x1000  }
0x91: {  	[sflag:s15] =	ssyncset.done @p0 $0x0  }
0x92: {  	[sflag:s15] =	ssyncadd.s32 @p0 $0xFFFFF000;
	s15 =	sshra.s32 @p0 s10, $0x2  }
0x93: {  	s18 =	simm.s32 @p0 $0x80;
	s20 =	simm.s32 @p0 $0xC400;
	s16 =	sadd.s32 @p0 $0x2D80, s15  }
0x94: {  	[spmem:s2] =	stream.indirect.scatter.add.bf16 @p0 [tilespmem:s20], [sflag:$0x14], $0x20, s16, s18, $0xb8;
	[tilespmem:$0x16400] =	vst v63  }
0x95: {  	s16 =	simm.s32 @p0 $0xE  }
0x96: {  	_ =	swait.ge @p0 [sflag:s16], $0x1000  }
0x97: {  	[sflag:s16] =	ssyncset.done @p0 $0x0  }
0x98: {  	[sflag:s16] =	ssyncadd.s32 @p0 $0xFFFFF000;
	s16 =	sshra.s32 @!p0 s10, $0x2  }
0x99: {  	s31 =	simm.s32 @!p0 $0x80;
	s19 =	simm.s32 @!p0 $0x5400;
	s20 =	sadd.s32 @!p0 $0x600, s16  }
0x9a: {  	[tilespmem:s19], [sflag:$0x1] =	stream.indirect.gather @!p0 [hbm4b:s4+s31], $0x20, s20, s31, $0xb8;
	[tilespmem:$0x16400] =	vst v63  }
0x9b: {  	s19 =	simm.s32 @!p0 $0x8  }
0x9c: {  	_ =	swait.ge @!p0 [sflag:s19], $0x1000  }
0x9d: {  	[sflag:s19] =	ssyncset.done @!p0 $0x0  }
0x9e: {  	s20 =	simm.s32 @!p0 $0xC400;
	[sflag:s19] =	ssyncadd.s32 @!p0 $0xFFFFF000;
	s19 =	sadd.s32 @!p0 $0x2D80, s16  }
0x9f: {  	[spmem:s2] =	stream.indirect.scatter.add.bf16 @!p0 [tilespmem:s20], [sflag:$0x14], $0x20, s19, s31, $0xb8;
	[tilespmem:$0x16400] =	vst v63  }
0xa0: {  	s19 =	simm.s32 @!p0 $0xE  }
0xa1: {  	_ =	swait.ge @!p0 [sflag:s19], $0x1000  }
0xa2: {  	[sflag:s19] =	ssyncset.done @!p0 $0x0  }
0xa3: {  	s20 =	simm.s32 @!p0 $0x6400;
	[sflag:s19] =	ssyncadd.s32 @!p0 $0xFFFFF000;
	s19 =	sadd.s32 @!p0 $0x680, s16  }
0xa4: {  	[tilespmem:s20], [sflag:$0x2] =	stream.indirect.gather @!p0 [hbm4b:s4+s31], $0x20, s19, s31, $0xb8;
	[tilespmem:$0x16400] =	vst v63  }
0xa5: {  	_ =	swait.ge [sflag:s8], $0x1000  }
0xa6: {  	[sflag:s8] =	ssyncset.done $0x0  }
0xa7: {  	s20 =	sadd.s32 $0x2E00, s13;
	[sflag:s8] =	ssyncadd.s32 $0xFFFFF000  }
0xa8: {  	[spmem:s2] =	stream.indirect.scatter.add.bf16 [tilespmem:s0], [sflag:$0x15], $0x20, s20, s14, $0xb8;
	[tilespmem:$0x16400] =	vst v63  }
0xa9: {  	_ =	swait.ge [sflag:s9], $0x1000  }
0xaa: {  	[sflag:s9] =	ssyncset.done $0x0  }
0xab: {  	s19 =	simm.s32 @p0 $0xA;
	[sflag:s9] =	ssyncadd.s32 $0xFFFFF000  }
0xac: {  	_ =	swait.ge @p0 [sflag:s19], $0x1000  }
0xad: {  	[sflag:s19] =	ssyncset.done @p0 $0x0  }
0xae: {  	s15 =	sadd.s32 @p0 $0x2E80, s15;
	[sflag:s19] =	ssyncadd.s32 @p0 $0xFFFFF000;
	s19 =	simm.s32 @p0 $0xE400  }
0xaf: {  	[spmem:s2] =	stream.indirect.scatter.add.bf16 @p0 [tilespmem:s19], [sflag:$0x16], $0x20, s15, s18, $0xb8;
	[tilespmem:$0x16400] =	vst v63  }
0xb0: {  	s15 =	simm.s32 @p0 $0x10  }
0xb1: {  	_ =	swait.ge @p0 [sflag:s15], $0x1000  }
0xb2: {  	[sflag:s15] =	ssyncset.done @p0 $0x0  }
0xb3: {  	s18 =	simm.s32 @!p0 $0x7400;
	[sflag:s15] =	ssyncadd.s32 @p0 $0xFFFFF000;
	s15 =	sadd.s32 @!p0 $0x700, s16  }
0xb4: {  	[tilespmem:s18], [sflag:$0x3] =	stream.indirect.gather @!p0 [hbm4b:s4+s31], $0x20, s15, s31, $0xb8;
	[tilespmem:$0x16400] =	vst v63  }
0xb5: {  	s15 =	simm.s32 @!p0 $0xA  }
0xb6: {  	_ =	swait.ge @!p0 [sflag:s15], $0x1000  }
0xb7: {  	[sflag:s15] =	ssyncset.done @!p0 $0x0  }
0xb8: {  	s18 =	simm.s32 @!p0 $0xE400;
	[sflag:s15] =	ssyncadd.s32 @!p0 $0xFFFFF000;
	s15 =	sadd.s32 @!p0 $0x2E80, s16  }
0xb9: {  	[spmem:s2] =	stream.indirect.scatter.add.bf16 @!p0 [tilespmem:s18], [sflag:$0x16], $0x20, s15, s31, $0xb8;
	[tilespmem:$0x16400] =	vst v63  }
0xba: {  	s15 =	simm.s32 @!p0 $0x10  }
0xbb: {  	_ =	swait.ge @!p0 [sflag:s15], $0x1000  }
0xbc: {  	[sflag:s15] =	ssyncset.done @!p0 $0x0  }
0xbd: {  	[sflag:s15] =	ssyncadd.s32 @!p0 $0xFFFFF000;
	s15 =	sadd.s32 @!p0 $0x780, s16;
	s16 =	simm.s32 @!p0 $0x8400  }
0xbe: {  	[tilespmem:s16], [sflag:$0x4] =	stream.indirect.gather @!p0 [hbm4b:s4+s31], $0x20, s15, s31, $0xb8;
	[tilespmem:$0x16400] =	vst v63  }
0xbf: {  	_ =	swait.ge [sflag:s12], $0x1000  }
0xc0: {  	[sflag:s12] =	ssyncset.done $0x0  }
.Ltmp2:
0xc1: {  	s31 =	sadd.s32 $0x2F00, s13;
	[sflag:s12] =	ssyncadd.s32 $0xFFFFF000;
	(pc) =	sbr.rel @p0 .LBB2_4-.Ltmp2, $4  }
0xc2: {  	[spmem:s2] =	stream.indirect.scatter.add.bf16 [tilespmem:s23], [sflag:$0x17], $0x20, s31, s14, $0xb8;
	[tilespmem:$0x16400] =	vst v63  }
0xc3: {  	_ =	swait.ge [sflag:s11], $0x1000  }
0xc4: {  	[sflag:s11] =	ssyncset.done $0x0  }
0xc5: {  	s15 =	sadd.s32 $0x2F80, s13;
	[sflag:s11] =	ssyncadd.s32 $0xFFFFF000  }
0xc6: {  	s16 =	sadd.s32 $0x800, s13  }
0xc7: {  	[tilespmem:s22], [sflag:$0x5] =	stream.indirect.gather [hbm4b:s4+s14], $0x20, s16, s14, $0xb8;
	[tilespmem:$0x16400] =	vst v63  }
0xc8: {  	_ =	swait.ge [sflag:s3], $0x1000  }
0xc9: {  	[sflag:s3] =	ssyncset.done $0x0  }
0xca: {  	[sflag:s3] =	ssyncadd.s32 $0xFFFFF000  }
0xcb: {  	[spmem:s2] =	stream.indirect.scatter.add.bf16 [tilespmem:s5], [sflag:$0x18], $0x20, s15, s14, $0xb8;
	[tilespmem:$0x16400] =	vst v63  }
.Ltmp3:
0xcc: {  	_ = 	snop;
	(pc) =	sbr.rel .LBB2_2-.Ltmp3, $4  }
0xcd: {  	_ =	swait.ge [sflag:s26], $0x1000  }
0xce: {  	[sflag:s26] =	ssyncset.done $0x0  }
0xcf: {  	s31 =	sadd.s32 $0x880, s13;
	s10 =	sadd.s32 $0x1800, s10;
	[sflag:s26] =	ssyncadd.s32 $0xFFFFF000  }
0xd0: {  	[tilespmem:s24], [sflag:$0x6] =	stream.indirect.gather [hbm4b:s4+s14], $0x20, s31, s14, $0xb8;
	[tilespmem:$0x16400] =	vst v63  }
.LBB2_5:
0xd1: {  	_ =	sfence.sel $0x180000  }
0xd2: {  	[bflag:$0x0] =	sbarrier.arrive $0xFFFF  }
0xd3: {  	_ =	strace $0x90000050  }
0xd4: {  	s0 =	stileid.u32;
	[bflag:$0x2] =	sbarrier.arrive $0xFFFF  }
0xd5: {  	p0 =	sne.s32 s0, $0x0;
	s0 =	rddreg [dreg:$0x2]  }
0xd6: {  	s0 =	sadd.s32 @!p0 $0x100000, s0  }
0xd7: {  	[sflag:s0] =	ssyncadd.tile.s32 @!p0 $0x1;
	_ =	shalt  }
.Lfunc_end2:
_tile_overlayer_lowered:
.L_overlay_start_2:
0xd8: {  	(tag) =	ssettag $0x2  }
0xd9: {  	s0 =	rddreg [dreg:$0x0];
	s2 =	stileid.u32  }
0xda: {  	s1 =	rddreg [dreg:$0x1];
	p0 =	sne.s32 s2, $0x0  }
0xdb: {  	s3 =	rddreg [dreg:$0x2];
	[bflag:$0x3] =	sbarrier.arrive $0xFFFF;
	s2 =	simm.s32 @!p0 $0x1C1A  }
0xdc: {  	[timem:s3], [sflag:s2] =	dma.local @!p0 [hbm:s0], s1  }
0xdd: {  	s0 =	simm.s32 @!p0 $0x1A  }
0xde: {  	_ =	swait.ge @!p0 [sflag:s0], s1  }
0xdf: {  	s1 =	ssub.s32 @!p0 $0x0, s1;
	[sflag:s0] =	ssyncset.done @!p0 $0x0  }
0xe0: {  	[sflag:s0] =	ssyncadd.s32 @!p0 s1  }
0xe1: {  	[bflag:$0x3] =	sbarrier.arrive $0xFFFF  }
0xe2: {  	_ =	shalt  }

</sc_bundles>
